<compile_context>
chip_gen: v7x
topology: tpu7x:2x2x1
jax: 0.10.2.dev20260603
libtpu: 0.0.44.dev20260713+nightly
codegen_flags: <defaults>
</compile_context>

<pallas_src>
import functools
import math

import jax
import jax.numpy as jnp
from jax import lax
from jax.experimental import pallas as pl
from jax.experimental.pallas import tpu as pltpu
from jax.experimental.pallas import tpu_sc as plsc

D = 64
LANES = 16
NW = 32
NBUF = 10
AHEAD = 5


def _pe_table(n_rows: int, dim: int) -> jax.Array:
    position = jnp.arange(n_rows, dtype=jnp.float32)[:, None]
    div_term = jnp.exp(
        jnp.arange(0.0, dim, 2, dtype=jnp.float32) * -(math.log(10000.0) / dim)
    )
    tmp = position * div_term
    pe = jnp.zeros((n_rows, dim), dtype=jnp.float32)
    pe = pe.at[:, 0::2].set(jnp.sin(tmp))
    pe = pe.at[:, 1::2].set(jnp.cos(tmp))
    return pe


@functools.partial(jax.jit, static_argnums=(2, 3))
def _embed_sc(inputs_t, table, batch, seq_len):
    seqs_per_w = batch // NW
    n_chunks = seq_len
    assert batch % NW == 0 and seqs_per_w % 8 == 0
    assert n_chunks % NBUF == 0 and seqs_per_w <= 128
    n_rounds = n_chunks // NBUF

    nbuf = NBUF
    ahead = AHEAD
    scale = math.sqrt(D)
    pe = _pe_table(seq_len, D)

    mesh = plsc.VectorSubcoreMesh(
        core_axis_name="c", subcore_axis_name="s", num_cores=2, num_subcores=16
    )

    @functools.partial(
        pl.kernel,
        out_type=jax.ShapeDtypeStruct((batch, seq_len, D), jnp.float32),
        mesh=mesh,
        scratch_types=[
            pltpu.VMEM((seq_len, seqs_per_w), jnp.int32),
            pltpu.VMEM((seq_len, D), jnp.float32),
            pltpu.VMEM((nbuf, seqs_per_w, D), jnp.float32),
            [pltpu.SemaphoreType.DMA] * nbuf,
            [pltpu.SemaphoreType.DMA] * nbuf,
        ],
        compiler_params=pltpu.CompilerParams(use_tc_tiling_on_sc=False),
    )
    def k(idx_hbm, table_hbm, pe_hbm, out_hbm, idx_v, pe_v, rows_v, sem_g, sem_o):
        wid = lax.axis_index("s") * 2 + lax.axis_index("c")
        seq0 = wid * seqs_per_w
        pltpu.sync_copy(idx_hbm.at[:, pl.ds(seq0, seqs_per_w)], idx_v)
        pltpu.sync_copy(pe_hbm, pe_v)

        def g_start(g, b):
            pltpu.async_copy(table_hbm.at[idx_v.at[g]], rows_v.at[b], sem_g[b])

        def g_wait(g, b):
            pltpu.make_async_copy(
                table_hbm.at[idx_v.at[g]], rows_v.at[b], sem_g[b]
            ).wait()

        def o_start(g, b):
            pltpu.async_copy(
                rows_v.at[b], out_hbm.at[pl.ds(seq0, seqs_per_w), g], sem_o[b]
            )

        def o_wait(g, b):
            pltpu.make_async_copy(
                rows_v.at[b], out_hbm.at[pl.ds(seq0, seqs_per_w), g], sem_o[b]
            ).wait()

        for g0 in range(ahead):
            g_start(g0, g0)

        def round_body(r, carry):
            for b in range(nbuf):
                g = r * nbuf + b
                bt = (b + ahead) % nbuf
                gp = g + ahead
                gv = gp - nbuf

                @pl.when(gp < n_chunks)
                def _():
                    @pl.when(gv >= 0)
                    def _():
                        o_wait(gv, bt)

                    g_start(gp, bt)

                g_wait(g, b)
                p_row = [pe_v[g, pl.ds(j * LANES, LANES)] for j in range(D // LANES)]

                def t_body(t, c):
                    for j in range(D // LANES):
                        s = pl.ds(j * LANES, LANES)
                        rows_v[b, t, s] = rows_v[b, t, s] * scale + p_row[j]
                    return c

                lax.fori_loop(0, seqs_per_w, t_body, 0, unroll=4)
                o_start(g, b)
            return carry

        lax.fori_loop(0, n_rounds, round_body, 0, unroll=False)

        for b in range(nbuf):
            o_wait(n_chunks - nbuf + b, b)

    return k(inputs_t, table, pe)


def kernel(inputs, embed_weight):
    batch, seq_len = inputs.shape
    return _embed_sc(inputs.T, embed_weight, batch, seq_len)

# --- scband reference (transcript-rebuilt; emitter-appended) ---
"""Pipeline reference for scband-embedding-46213848105185 (READ-ONLY COPY).

The authoritative reference and input builder live on the scoring server;
editing this copy changes nothing except your own understanding.
"""

import jax, jax.numpy as jnp
import numpy as np
import math

VOCAB = 1000000
D = 64
MAX_LEN = 512
PAD_IDX = 0

def positional_encoding(st, ed, embedding_dim):
    position = jnp.arange(st, ed, dtype=jnp.float32)[:, None]
    div_term = jnp.exp(jnp.arange(0.0, embedding_dim, 2, dtype=jnp.float32) * -(math.log(10000.0) / embedding_dim))
    tmp = position * div_term
    pe = jnp.zeros((ed - st, embedding_dim), dtype=jnp.float32)
    pe = pe.at[:, 0::2].set(jnp.sin(tmp))
    pe = pe.at[:, 1::2].set(jnp.cos(tmp))
    return pe

def setup_inputs(seed: int = 0) -> dict:
    key = jax.random.key(seed)
    k1, k2 = jax.random.split(key)
    inputs = jax.random.randint(k1, (4096, 200), 0, VOCAB, dtype=jnp.int64 if jax.config.jax_enable_x64 else jnp.int32).astype(jnp.int32)
    embed_weight = jax.random.normal(k2, (VOCAB, D), dtype=jnp.float32) * (D ** -0.5)
    embed_weight = embed_weight.at[PAD_IDX].set(0.0)
    return {"inputs": inputs, "embed_weight": embed_weight}

def reference(inputs, embed_weight):
    seq_length = inputs.shape[1]
    embed_scale = math.sqrt(D)
    pe_full = positional_encoding(0, MAX_LEN, D)
    if seq_length < MAX_LEN:
        out = jnp.take(embed_weight, inputs, axis=0) * embed_scale + pe_full[:seq_length]
    else:
        pe_extra = positional_encoding(MAX_LEN, seq_length, D)
        pe = jnp.concatenate((pe_full, pe_extra), axis=0)
        out = jnp.take(embed_weight, inputs, axis=0) * embed_scale + pe
    # dropout p=0.0 -> identity
    return out

if __name__ == "__main__":
    import jax
    _d = setup_inputs()
    print(jax.jit(kernel)(*tuple(_d.values())))

</pallas_src>

<mosaic_0001>
#map = affine_map<(d0, d1) -> (0, 0)>
#map1 = affine_map<(d0, d1) -> (0, 0, 0)>
module attributes {stable_mosaic.version = 14 : i64} {
  func.func @k(%arg0: i32, %arg1: i32, %arg2: memref<200x4096xi32, #tpu.memory_space<hbm>>, %arg3: memref<1000000x64xf32, #tpu.memory_space<hbm>>, %arg4: memref<200x64xf32, #tpu.memory_space<hbm>>, %arg5: memref<4096x200x64xf32, #tpu.memory_space<hbm>>, %arg6: memref<200x128xi32, #tpu.memory_space<vmem>>, %arg7: memref<200x64xf32, #tpu.memory_space<vmem>>, %arg8: memref<10x128x64xf32, #tpu.memory_space<vmem>>, %arg9: memref<!tpu.dma_semaphore, #tpu.memory_space<semaphore_mem>>, %arg10: memref<!tpu.dma_semaphore, #tpu.memory_space<semaphore_mem>>, %arg11: memref<!tpu.dma_semaphore, #tpu.memory_space<semaphore_mem>>, %arg12: memref<!tpu.dma_semaphore, #tpu.memory_space<semaphore_mem>>, %arg13: memref<!tpu.dma_semaphore, #tpu.memory_space<semaphore_mem>>, %arg14: memref<!tpu.dma_semaphore, #tpu.memory_space<semaphore_mem>>, %arg15: memref<!tpu.dma_semaphore, #tpu.memory_space<semaphore_mem>>, %arg16: memref<!tpu.dma_semaphore, #tpu.memory_space<semaphore_mem>>, %arg17: memref<!tpu.dma_semaphore, #tpu.memory_space<semaphore_mem>>, %arg18: memref<!tpu.dma_semaphore, #tpu.memory_space<semaphore_mem>>, %arg19: memref<!tpu.dma_semaphore, #tpu.memory_space<semaphore_mem>>, %arg20: memref<!tpu.dma_semaphore, #tpu.memory_space<semaphore_mem>>, %arg21: memref<!tpu.dma_semaphore, #tpu.memory_space<semaphore_mem>>, %arg22: memref<!tpu.dma_semaphore, #tpu.memory_space<semaphore_mem>>, %arg23: memref<!tpu.dma_semaphore, #tpu.memory_space<semaphore_mem>>, %arg24: memref<!tpu.dma_semaphore, #tpu.memory_space<semaphore_mem>>, %arg25: memref<!tpu.dma_semaphore, #tpu.memory_space<semaphore_mem>>, %arg26: memref<!tpu.dma_semaphore, #tpu.memory_space<semaphore_mem>>, %arg27: memref<!tpu.dma_semaphore, #tpu.memory_space<semaphore_mem>>, %arg28: memref<!tpu.dma_semaphore, #tpu.memory_space<semaphore_mem>>) attributes {dimension_semantics = [#tpu.dimension_semantics<core_parallel>, #tpu.dimension_semantics<subcore_parallel>], iteration_bounds = array<i64: 2, 16>, scalar_prefetch = 0 : i64, scratch_operands = 23 : i64, tpu.core_type = #tpu.core_type<sc_vector_subcore>, window_params = [{transform_indices = #map}, {transform_indices = #map}, {transform_indices = #map}, {transform_indices = #map1}]} {
    %mul3A = arith.constant 2 : i32
    %mul3A_0 = arith.muli %arg1, %mul3A : i32
    %add3A = arith.addi %mul3A_0, %arg0 : i32
    %mul3A_1 = arith.constant 128 : i32
    %mul3A_2 = arith.muli %add3A, %mul3A_1 : i32
    "tpu.region"() ({
      %run_scoped3A = tpu.sem_alloc : memref<!tpu.dma_semaphore, #tpu.memory_space<semaphore_mem>>
      %dma_start3A_226 = arith.constant 0 : i32
      %dma_start3A_227 = tpu.memref_slice %arg2[%dma_start3A_226, %mul3A_2] : memref<200x4096xi32, #tpu.memory_space<hbm>> -> memref<200x128xi32, #tpu.memory_space<hbm>>
      %dma_start3A_228 = arith.constant 0 : i32
      %dma_start3A_229 = tpu.memref_slice %arg2[%dma_start3A_228, %mul3A_2] : memref<200x4096xi32, #tpu.memory_space<hbm>> -> memref<200x128xi32, #tpu.memory_space<hbm>>
      tpu.enqueue_dma source(%dma_start3A_229 : memref<200x128xi32, #tpu.memory_space<hbm>>) target(%arg6 : memref<200x128xi32, #tpu.memory_space<vmem>>) target_semaphore(%run_scoped3A : memref<!tpu.dma_semaphore, #tpu.memory_space<semaphore_mem>>)
      %dma_wait3A_230 = arith.constant 0 : i32
      %dma_wait3A_231 = tpu.memref_slice %arg2[%dma_wait3A_230, %mul3A_2] : memref<200x4096xi32, #tpu.memory_space<hbm>> -> memref<200x128xi32, #tpu.memory_space<hbm>>
      %dma_wait3A_232 = arith.constant 0 : i32
      %dma_wait3A_233 = tpu.memref_slice %arg2[%dma_wait3A_232, %mul3A_2] : memref<200x4096xi32, #tpu.memory_space<hbm>> -> memref<200x128xi32, #tpu.memory_space<hbm>>
      tpu.wait_dma2 semaphore(%run_scoped3A : memref<!tpu.dma_semaphore, #tpu.memory_space<semaphore_mem>>) src(%dma_wait3A_233 : memref<200x128xi32, #tpu.memory_space<hbm>>) dst(%arg6 : memref<200x128xi32, #tpu.memory_space<vmem>>)
      tpu.yield
    }) : () -> ()
    "tpu.region"() ({
      %run_scoped3A = tpu.sem_alloc : memref<!tpu.dma_semaphore, #tpu.memory_space<semaphore_mem>>
      tpu.enqueue_dma source(%arg4 : memref<200x64xf32, #tpu.memory_space<hbm>>) target(%arg7 : memref<200x64xf32, #tpu.memory_space<vmem>>) target_semaphore(%run_scoped3A : memref<!tpu.dma_semaphore, #tpu.memory_space<semaphore_mem>>)
      tpu.wait_dma2 semaphore(%run_scoped3A : memref<!tpu.dma_semaphore, #tpu.memory_space<semaphore_mem>>) src(%arg4 : memref<200x64xf32, #tpu.memory_space<hbm>>) dst(%arg7 : memref<200x64xf32, #tpu.memory_space<vmem>>)
      tpu.yield
    }) : () -> ()
    %dma_start3A = arith.constant 0 : i32
    %dma_start3A_3 = arith.constant 0 : i32
    %dma_start3A_4 = arith.constant 0 : i32
    %dma_start3A_5 = arith.constant 0 : i32
    %dma_start3A_6 = tpu.memref_slice %arg8[%dma_start3A_3, %dma_start3A_4, %dma_start3A_5] : memref<10x128x64xf32, #tpu.memory_space<vmem>> -> memref<1x128x64xf32, #tpu.memory_space<vmem>>
    %dma_start3A_7 = tpu.memref_squeeze %dma_start3A_6 : memref<1x128x64xf32, #tpu.memory_space<vmem>> -> memref<128x64xf32, #tpu.memory_space<vmem>>
    %dma_start3A_8 = arith.constant 0 : i32
    %dma_start3A_9 = tpu.memref_slice %arg6[%dma_start3A, %dma_start3A_8] : memref<200x128xi32, #tpu.memory_space<vmem>> -> memref<1x128xi32, #tpu.memory_space<vmem>>
    %dma_start3A_10 = tpu.memref_squeeze %dma_start3A_9 : memref<1x128xi32, #tpu.memory_space<vmem>> -> memref<128xi32, #tpu.memory_space<vmem>>
    %dma_start3A_11 = arith.constant 0 : i32
    %dma_start3A_12 = arith.constant 0 : i32
    %dma_start3A_13 = tpu.memref_slice %arg3[%dma_start3A_11, %dma_start3A_12] : memref<1000000x64xf32, #tpu.memory_space<hbm>> -> memref<1000000x64xf32, #tpu.memory_space<hbm>>
    tpu.enqueue_indirect_dma source(%dma_start3A_13 : memref<1000000x64xf32, #tpu.memory_space<hbm>>) target(%dma_start3A_7 : memref<128x64xf32, #tpu.memory_space<vmem>>) offsets(%dma_start3A_10 : memref<128xi32, #tpu.memory_space<vmem>>) semaphore(%arg9 : memref<!tpu.dma_semaphore, #tpu.memory_space<semaphore_mem>>)
    %dma_start3A_14 = arith.constant 1 : i32
    %dma_start3A_15 = arith.constant 1 : i32
    %dma_start3A_16 = arith.constant 0 : i32
    %dma_start3A_17 = arith.constant 0 : i32
    %dma_start3A_18 = tpu.memref_slice %arg8[%dma_start3A_15, %dma_start3A_16, %dma_start3A_17] : memref<10x128x64xf32, #tpu.memory_space<vmem>> -> memref<1x128x64xf32, #tpu.memory_space<vmem>>
    %dma_start3A_19 = tpu.memref_squeeze %dma_start3A_18 : memref<1x128x64xf32, #tpu.memory_space<vmem>> -> memref<128x64xf32, #tpu.memory_space<vmem>>
    %dma_start3A_20 = arith.constant 0 : i32
    %dma_start3A_21 = tpu.memref_slice %arg6[%dma_start3A_14, %dma_start3A_20] : memref<200x128xi32, #tpu.memory_space<vmem>> -> memref<1x128xi32, #tpu.memory_space<vmem>>
    %dma_start3A_22 = tpu.memref_squeeze %dma_start3A_21 : memref<1x128xi32, #tpu.memory_space<vmem>> -> memref<128xi32, #tpu.memory_space<vmem>>
    %dma_start3A_23 = arith.constant 0 : i32
    %dma_start3A_24 = arith.constant 0 : i32
    %dma_start3A_25 = tpu.memref_slice %arg3[%dma_start3A_23, %dma_start3A_24] : memref<1000000x64xf32, #tpu.memory_space<hbm>> -> memref<1000000x64xf32, #tpu.memory_space<hbm>>
    tpu.enqueue_indirect_dma source(%dma_start3A_25 : memref<1000000x64xf32, #tpu.memory_space<hbm>>) target(%dma_start3A_19 : memref<128x64xf32, #tpu.memory_space<vmem>>) offsets(%dma_start3A_22 : memref<128xi32, #tpu.memory_space<vmem>>) semaphore(%arg10 : memref<!tpu.dma_semaphore, #tpu.memory_space<semaphore_mem>>)
    %dma_start3A_26 = arith.constant 2 : i32
    %dma_start3A_27 = arith.constant 2 : i32
    %dma_start3A_28 = arith.constant 0 : i32
    %dma_start3A_29 = arith.constant 0 : i32
    %dma_start3A_30 = tpu.memref_slice %arg8[%dma_start3A_27, %dma_start3A_28, %dma_start3A_29] : memref<10x128x64xf32, #tpu.memory_space<vmem>> -> memref<1x128x64xf32, #tpu.memory_space<vmem>>
    %dma_start3A_31 = tpu.memref_squeeze %dma_start3A_30 : memref<1x128x64xf32, #tpu.memory_space<vmem>> -> memref<128x64xf32, #tpu.memory_space<vmem>>
    %dma_start3A_32 = arith.constant 0 : i32
    %dma_start3A_33 = tpu.memref_slice %arg6[%dma_start3A_26, %dma_start3A_32] : memref<200x128xi32, #tpu.memory_space<vmem>> -> memref<1x128xi32, #tpu.memory_space<vmem>>
    %dma_start3A_34 = tpu.memref_squeeze %dma_start3A_33 : memref<1x128xi32, #tpu.memory_space<vmem>> -> memref<128xi32, #tpu.memory_space<vmem>>
    %dma_start3A_35 = arith.constant 0 : i32
    %dma_start3A_36 = arith.constant 0 : i32
    %dma_start3A_37 = tpu.memref_slice %arg3[%dma_start3A_35, %dma_start3A_36] : memref<1000000x64xf32, #tpu.memory_space<hbm>> -> memref<1000000x64xf32, #tpu.memory_space<hbm>>
    tpu.enqueue_indirect_dma source(%dma_start3A_37 : memref<1000000x64xf32, #tpu.memory_space<hbm>>) target(%dma_start3A_31 : memref<128x64xf32, #tpu.memory_space<vmem>>) offsets(%dma_start3A_34 : memref<128xi32, #tpu.memory_space<vmem>>) semaphore(%arg11 : memref<!tpu.dma_semaphore, #tpu.memory_space<semaphore_mem>>)
    %dma_start3A_38 = arith.constant 3 : i32
    %dma_start3A_39 = arith.constant 3 : i32
    %dma_start3A_40 = arith.constant 0 : i32
    %dma_start3A_41 = arith.constant 0 : i32
    %dma_start3A_42 = tpu.memref_slice %arg8[%dma_start3A_39, %dma_start3A_40, %dma_start3A_41] : memref<10x128x64xf32, #tpu.memory_space<vmem>> -> memref<1x128x64xf32, #tpu.memory_space<vmem>>
    %dma_start3A_43 = tpu.memref_squeeze %dma_start3A_42 : memref<1x128x64xf32, #tpu.memory_space<vmem>> -> memref<128x64xf32, #tpu.memory_space<vmem>>
    %dma_start3A_44 = arith.constant 0 : i32
    %dma_start3A_45 = tpu.memref_slice %arg6[%dma_start3A_38, %dma_start3A_44] : memref<200x128xi32, #tpu.memory_space<vmem>> -> memref<1x128xi32, #tpu.memory_space<vmem>>
    %dma_start3A_46 = tpu.memref_squeeze %dma_start3A_45 : memref<1x128xi32, #tpu.memory_space<vmem>> -> memref<128xi32, #tpu.memory_space<vmem>>
    %dma_start3A_47 = arith.constant 0 : i32
    %dma_start3A_48 = arith.constant 0 : i32
    %dma_start3A_49 = tpu.memref_slice %arg3[%dma_start3A_47, %dma_start3A_48] : memref<1000000x64xf32, #tpu.memory_space<hbm>> -> memref<1000000x64xf32, #tpu.memory_space<hbm>>
    tpu.enqueue_indirect_dma source(%dma_start3A_49 : memref<1000000x64xf32, #tpu.memory_space<hbm>>) target(%dma_start3A_43 : memref<128x64xf32, #tpu.memory_space<vmem>>) offsets(%dma_start3A_46 : memref<128xi32, #tpu.memory_space<vmem>>) semaphore(%arg12 : memref<!tpu.dma_semaphore, #tpu.memory_space<semaphore_mem>>)
    %dma_start3A_50 = arith.constant 4 : i32
    %dma_start3A_51 = arith.constant 4 : i32
    %dma_start3A_52 = arith.constant 0 : i32
    %dma_start3A_53 = arith.constant 0 : i32
    %dma_start3A_54 = tpu.memref_slice %arg8[%dma_start3A_51, %dma_start3A_52, %dma_start3A_53] : memref<10x128x64xf32, #tpu.memory_space<vmem>> -> memref<1x128x64xf32, #tpu.memory_space<vmem>>
    %dma_start3A_55 = tpu.memref_squeeze %dma_start3A_54 : memref<1x128x64xf32, #tpu.memory_space<vmem>> -> memref<128x64xf32, #tpu.memory_space<vmem>>
    %dma_start3A_56 = arith.constant 0 : i32
    %dma_start3A_57 = tpu.memref_slice %arg6[%dma_start3A_50, %dma_start3A_56] : memref<200x128xi32, #tpu.memory_space<vmem>> -> memref<1x128xi32, #tpu.memory_space<vmem>>
    %dma_start3A_58 = tpu.memref_squeeze %dma_start3A_57 : memref<1x128xi32, #tpu.memory_space<vmem>> -> memref<128xi32, #tpu.memory_space<vmem>>
    %dma_start3A_59 = arith.constant 0 : i32
    %dma_start3A_60 = arith.constant 0 : i32
    %dma_start3A_61 = tpu.memref_slice %arg3[%dma_start3A_59, %dma_start3A_60] : memref<1000000x64xf32, #tpu.memory_space<hbm>> -> memref<1000000x64xf32, #tpu.memory_space<hbm>>
    tpu.enqueue_indirect_dma source(%dma_start3A_61 : memref<1000000x64xf32, #tpu.memory_space<hbm>>) target(%dma_start3A_55 : memref<128x64xf32, #tpu.memory_space<vmem>>) offsets(%dma_start3A_58 : memref<128xi32, #tpu.memory_space<vmem>>) semaphore(%arg13 : memref<!tpu.dma_semaphore, #tpu.memory_space<semaphore_mem>>)
    %scan3A = arith.constant 0 : i32
    %scan3A_62 = arith.constant 0 : i32
    %scan3A_63 = arith.constant 20 : i32
    %scan3A_64 = arith.addi %scan3A_62, %scan3A_63 : i32
    %scan3A_65 = arith.constant 1 : i32
    scf.for %scan3A_226 = %scan3A_62 to %scan3A_64 step %scan3A_65  : i32 {
      %mul3A_227 = arith.constant 10 : i32
      %mul3A_228 = arith.muli %scan3A_226, %mul3A_227 : i32
      %add3A_229 = arith.constant 0 : i32
      %add3A_230 = arith.addi %mul3A_228, %add3A_229 : i32
      %add3A_231 = arith.constant 5 : i32
      %add3A_232 = arith.addi %add3A_230, %add3A_231 : i32
      %sub3A = arith.constant 10 : i32
      %sub3A_233 = arith.subi %add3A_232, %sub3A : i32
      %lt3A = arith.constant 200 : i32
      %lt3A_234 = arith.cmpi slt, %add3A_232, %lt3A : i32
      %convert_element_type3A = arith.extui %lt3A_234 : i1 to i32
      %cond3A = arith.constant 0 : i32
      %cond3A_235 = arith.cmpi ne, %convert_element_type3A, %cond3A : i32
      scf.if %cond3A_235 {
        %ge3A = arith.constant 0 : i32
        %ge3A_832 = arith.cmpi sge, %sub3A_233, %ge3A : i32
        %convert_element_type3A_833 = arith.extui %ge3A_832 : i1 to i32
        %cond3A_834 = arith.constant 0 : i32
        %cond3A_835 = arith.cmpi ne, %convert_element_type3A_833, %cond3A_834 : i32
        scf.if %cond3A_835 {
          %dma_wait3A_847 = arith.constant 5 : i32
          %dma_wait3A_848 = arith.constant 0 : i32
          %dma_wait3A_849 = arith.constant 0 : i32
          %dma_wait3A_850 = tpu.memref_slice %arg8[%dma_wait3A_847, %dma_wait3A_848, %dma_wait3A_849] : memref<10x128x64xf32, #tpu.memory_space<vmem>> -> memref<1x128x64xf32, #tpu.memory_space<vmem>>
          %dma_wait3A_851 = tpu.memref_squeeze %dma_wait3A_850 : memref<1x128x64xf32, #tpu.memory_space<vmem>> -> memref<128x64xf32, #tpu.memory_space<vmem>>
          %dma_wait3A_852 = arith.constant 0 : i32
          %dma_wait3A_853 = tpu.memref_slice %arg5[%mul3A_2, %sub3A_233, %dma_wait3A_852] : memref<4096x200x64xf32, #tpu.memory_space<hbm>> -> memref<128x1x64xf32, #tpu.memory_space<hbm>>
          %dma_wait3A_854 = tpu.memref_squeeze %dma_wait3A_853 : memref<128x1x64xf32, #tpu.memory_space<hbm>> -> memref<128x64xf32, #tpu.memory_space<hbm>>
          %dma_wait3A_855 = arith.constant 0 : i32
          %dma_wait3A_856 = tpu.memref_slice %arg5[%mul3A_2, %sub3A_233, %dma_wait3A_855] : memref<4096x200x64xf32, #tpu.memory_space<hbm>> -> memref<128x1x64xf32, #tpu.memory_space<hbm>>
          %dma_wait3A_857 = tpu.memref_squeeze %dma_wait3A_856 : memref<128x1x64xf32, #tpu.memory_space<hbm>> -> memref<128x64xf32, #tpu.memory_space<hbm>>
          %dma_wait3A_858 = arith.constant 0 : i32
          %dma_wait3A_859 = arith.constant 0 : i32
          %dma_wait3A_860 = tpu.memref_slice %arg8[%dma_wait3A_847, %dma_wait3A_858, %dma_wait3A_859] : memref<10x128x64xf32, #tpu.memory_space<vmem>> -> memref<1x128x64xf32, #tpu.memory_space<vmem>>
          %dma_wait3A_861 = tpu.memref_squeeze %dma_wait3A_860 : memref<1x128x64xf32, #tpu.memory_space<vmem>> -> memref<128x64xf32, #tpu.memory_space<vmem>>
          tpu.wait_dma2 semaphore(%arg24 : memref<!tpu.dma_semaphore, #tpu.memory_space<semaphore_mem>>) src(%dma_wait3A_861 : memref<128x64xf32, #tpu.memory_space<vmem>>) dst(%dma_wait3A_857 : memref<128x64xf32, #tpu.memory_space<hbm>>)
        } else {
        }
        %dma_start3A_836 = arith.constant 5 : i32
        %dma_start3A_837 = arith.constant 0 : i32
        %dma_start3A_838 = arith.constant 0 : i32
        %dma_start3A_839 = tpu.memref_slice %arg8[%dma_start3A_836, %dma_start3A_837, %dma_start3A_838] : memref<10x128x64xf32, #tpu.memory_space<vmem>> -> memref<1x128x64xf32, #tpu.memory_space<vmem>>
        %dma_start3A_840 = tpu.memref_squeeze %dma_start3A_839 : memref<1x128x64xf32, #tpu.memory_space<vmem>> -> memref<128x64xf32, #tpu.memory_space<vmem>>
        %dma_start3A_841 = arith.constant 0 : i32
        %dma_start3A_842 = tpu.memref_slice %arg6[%add3A_232, %dma_start3A_841] : memref<200x128xi32, #tpu.memory_space<vmem>> -> memref<1x128xi32, #tpu.memory_space<vmem>>
        %dma_start3A_843 = tpu.memref_squeeze %dma_start3A_842 : memref<1x128xi32, #tpu.memory_space<vmem>> -> memref<128xi32, #tpu.memory_space<vmem>>
        %dma_start3A_844 = arith.constant 0 : i32
        %dma_start3A_845 = arith.constant 0 : i32
        %dma_start3A_846 = tpu.memref_slice %arg3[%dma_start3A_844, %dma_start3A_845] : memref<1000000x64xf32, #tpu.memory_space<hbm>> -> memref<1000000x64xf32, #tpu.memory_space<hbm>>
        tpu.enqueue_indirect_dma source(%dma_start3A_846 : memref<1000000x64xf32, #tpu.memory_space<hbm>>) target(%dma_start3A_840 : memref<128x64xf32, #tpu.memory_space<vmem>>) offsets(%dma_start3A_843 : memref<128xi32, #tpu.memory_space<vmem>>) semaphore(%arg14 : memref<!tpu.dma_semaphore, #tpu.memory_space<semaphore_mem>>)
      } else {
      }
      %dma_wait3A_236 = arith.constant 0 : i32
      %dma_wait3A_237 = arith.constant 0 : i32
      %dma_wait3A_238 = arith.constant 0 : i32
      %dma_wait3A_239 = tpu.memref_slice %arg8[%dma_wait3A_236, %dma_wait3A_237, %dma_wait3A_238] : memref<10x128x64xf32, #tpu.memory_space<vmem>> -> memref<1x128x64xf32, #tpu.memory_space<vmem>>
      %dma_wait3A_240 = tpu.memref_squeeze %dma_wait3A_239 : memref<1x128x64xf32, #tpu.memory_space<vmem>> -> memref<128x64xf32, #tpu.memory_space<vmem>>
      %dma_wait3A_241 = arith.constant 0 : i32
      %dma_wait3A_242 = tpu.memref_slice %arg6[%add3A_230, %dma_wait3A_241] : memref<200x128xi32, #tpu.memory_space<vmem>> -> memref<1x128xi32, #tpu.memory_space<vmem>>
      %dma_wait3A_243 = tpu.memref_squeeze %dma_wait3A_242 : memref<1x128xi32, #tpu.memory_space<vmem>> -> memref<128xi32, #tpu.memory_space<vmem>>
      %dma_wait3A_244 = arith.constant 0 : i32
      %dma_wait3A_245 = arith.constant 0 : i32
      %dma_wait3A_246 = tpu.memref_slice %arg3[%dma_wait3A_244, %dma_wait3A_245] : memref<1000000x64xf32, #tpu.memory_space<hbm>> -> memref<1000000x64xf32, #tpu.memory_space<hbm>>
      tpu.wait_indirect_dma semaphore(%arg9 : memref<!tpu.dma_semaphore, #tpu.memory_space<semaphore_mem>>) src(%dma_wait3A_246 : memref<1000000x64xf32, #tpu.memory_space<hbm>>) dst(%dma_wait3A_240 : memref<128x64xf32, #tpu.memory_space<vmem>>)
      %get3A = arith.index_cast %add3A_230 : i32 to index
      %get3A_247 = arith.constant 0 : index
      %get3A_248 = tpu.vector_load %arg7[%get3A, %get3A_247] {strides = array<i32>} : memref<200x64xf32, #tpu.memory_space<vmem>>, vector<1x16xf32>,
      %get3A_249 = vector.shape_cast %get3A_248 : vector<1x16xf32> to vector<16xf32>
      %get3A_250 = arith.index_cast %add3A_230 : i32 to index
      %get3A_251 = arith.constant 16 : index
      %get3A_252 = tpu.vector_load %arg7[%get3A_250, %get3A_251] {strides = array<i32>} : memref<200x64xf32, #tpu.memory_space<vmem>>, vector<1x16xf32>,
      %get3A_253 = vector.shape_cast %get3A_252 : vector<1x16xf32> to vector<16xf32>
      %get3A_254 = arith.index_cast %add3A_230 : i32 to index
      %get3A_255 = arith.constant 32 : index
      %get3A_256 = tpu.vector_load %arg7[%get3A_254, %get3A_255] {strides = array<i32>} : memref<200x64xf32, #tpu.memory_space<vmem>>, vector<1x16xf32>,
      %get3A_257 = vector.shape_cast %get3A_256 : vector<1x16xf32> to vector<16xf32>
      %get3A_258 = arith.index_cast %add3A_230 : i32 to index
      %get3A_259 = arith.constant 48 : index
      %get3A_260 = tpu.vector_load %arg7[%get3A_258, %get3A_259] {strides = array<i32>} : memref<200x64xf32, #tpu.memory_space<vmem>>, vector<1x16xf32>,
      %get3A_261 = vector.shape_cast %get3A_260 : vector<1x16xf32> to vector<16xf32>
      %scan3A_262 = arith.constant 0 : i32
      %scan3A_263 = arith.constant 0 : i32
      %scan3A_264 = arith.constant 128 : i32
      %scan3A_265 = arith.addi %scan3A_263, %scan3A_264 : i32
      %scan3A_266 = arith.constant 4 : i32
      scf.for %scan3A_832 = %scan3A_263 to %scan3A_265 step %scan3A_266  : i32 {
        %get3A_833 = arith.constant 0 : i32
        %get3A_834 = arith.index_cast %get3A_833 : i32 to index
        %get3A_835 = arith.index_cast %scan3A_832 : i32 to index
        %get3A_836 = arith.constant 0 : index
        %get3A_837 = tpu.vector_load %arg8[%get3A_834, %get3A_835, %get3A_836] {strides = array<i32>} : memref<10x128x64xf32, #tpu.memory_space<vmem>>, vector<1x1x16xf32>,
        %get3A_838 = vector.shape_cast %get3A_837 : vector<1x1x16xf32> to vector<16xf32>
        %mul3A_839 = arith.constant 8.000000e+00 : f32
        %mul3A_840 = vector.broadcast %mul3A_839 : f32 to vector<16xf32>
        %mul3A_841 = arith.mulf %get3A_838, %mul3A_840 : vector<16xf32>
        %add3A_842 = arith.addf %mul3A_841, %get3A_249 : vector<16xf32>
        %swap3A = arith.constant 0 : i32
        %swap3A_843 = arith.index_cast %swap3A : i32 to index
        %swap3A_844 = arith.index_cast %scan3A_832 : i32 to index
        %swap3A_845 = arith.constant 0 : index
        %swap3A_846 = tpu.vector_load %arg8[%swap3A_843, %swap3A_844, %swap3A_845] {strides = array<i32>} : memref<10x128x64xf32, #tpu.memory_space<vmem>>, vector<1x1x16xf32>,
        %swap3A_847 = vector.shape_cast %swap3A_846 : vector<1x1x16xf32> to vector<16xf32>
        %swap3A_848 = vector.shape_cast %add3A_842 : vector<16xf32> to vector<1x1x16xf32>
        tpu.vector_store %arg8[%swap3A_843, %swap3A_844, %swap3A_845], %swap3A_848 {strides = array<i32>} : memref<10x128x64xf32, #tpu.memory_space<vmem>>, vector<1x1x16xf32>,
        %get3A_849 = arith.constant 0 : i32
        %get3A_850 = arith.index_cast %get3A_849 : i32 to index
        %get3A_851 = arith.index_cast %scan3A_832 : i32 to index
        %get3A_852 = arith.constant 16 : index
        %get3A_853 = tpu.vector_load %arg8[%get3A_850, %get3A_851, %get3A_852] {strides = array<i32>} : memref<10x128x64xf32, #tpu.memory_space<vmem>>, vector<1x1x16xf32>,
        %get3A_854 = vector.shape_cast %get3A_853 : vector<1x1x16xf32> to vector<16xf32>
        %mul3A_855 = arith.constant 8.000000e+00 : f32
        %mul3A_856 = vector.broadcast %mul3A_855 : f32 to vector<16xf32>
        %mul3A_857 = arith.mulf %get3A_854, %mul3A_856 : vector<16xf32>
        %add3A_858 = arith.addf %mul3A_857, %get3A_253 : vector<16xf32>
        %swap3A_859 = arith.constant 0 : i32
        %swap3A_860 = arith.index_cast %swap3A_859 : i32 to index
        %swap3A_861 = arith.index_cast %scan3A_832 : i32 to index
        %swap3A_862 = arith.constant 16 : index
        %swap3A_863 = tpu.vector_load %arg8[%swap3A_860, %swap3A_861, %swap3A_862] {strides = array<i32>} : memref<10x128x64xf32, #tpu.memory_space<vmem>>, vector<1x1x16xf32>,
        %swap3A_864 = vector.shape_cast %swap3A_863 : vector<1x1x16xf32> to vector<16xf32>
        %swap3A_865 = vector.shape_cast %add3A_858 : vector<16xf32> to vector<1x1x16xf32>
        tpu.vector_store %arg8[%swap3A_860, %swap3A_861, %swap3A_862], %swap3A_865 {strides = array<i32>} : memref<10x128x64xf32, #tpu.memory_space<vmem>>, vector<1x1x16xf32>,
        %get3A_866 = arith.constant 0 : i32
        %get3A_867 = arith.index_cast %get3A_866 : i32 to index
        %get3A_868 = arith.index_cast %scan3A_832 : i32 to index
        %get3A_869 = arith.constant 32 : index
        %get3A_870 = tpu.vector_load %arg8[%get3A_867, %get3A_868, %get3A_869] {strides = array<i32>} : memref<10x128x64xf32, #tpu.memory_space<vmem>>, vector<1x1x16xf32>,
        %get3A_871 = vector.shape_cast %get3A_870 : vector<1x1x16xf32> to vector<16xf32>
        %mul3A_872 = arith.constant 8.000000e+00 : f32
        %mul3A_873 = vector.broadcast %mul3A_872 : f32 to vector<16xf32>
        %mul3A_874 = arith.mulf %get3A_871, %mul3A_873 : vector<16xf32>
        %add3A_875 = arith.addf %mul3A_874, %get3A_257 : vector<16xf32>
        %swap3A_876 = arith.constant 0 : i32
        %swap3A_877 = arith.index_cast %swap3A_876 : i32 to index
        %swap3A_878 = arith.index_cast %scan3A_832 : i32 to index
        %swap3A_879 = arith.constant 32 : index
        %swap3A_880 = tpu.vector_load %arg8[%swap3A_877, %swap3A_878, %swap3A_879] {strides = array<i32>} : memref<10x128x64xf32, #tpu.memory_space<vmem>>, vector<1x1x16xf32>,
        %swap3A_881 = vector.shape_cast %swap3A_880 : vector<1x1x16xf32> to vector<16xf32>
        %swap3A_882 = vector.shape_cast %add3A_875 : vector<16xf32> to vector<1x1x16xf32>
        tpu.vector_store %arg8[%swap3A_877, %swap3A_878, %swap3A_879], %swap3A_882 {strides = array<i32>} : memref<10x128x64xf32, #tpu.memory_space<vmem>>, vector<1x1x16xf32>,
        %get3A_883 = arith.constant 0 : i32
        %get3A_884 = arith.index_cast %get3A_883 : i32 to index
        %get3A_885 = arith.index_cast %scan3A_832 : i32 to index
        %get3A_886 = arith.constant 48 : index
        %get3A_887 = tpu.vector_load %arg8[%get3A_884, %get3A_885, %get3A_886] {strides = array<i32>} : memref<10x128x64xf32, #tpu.memory_space<vmem>>, vector<1x1x16xf32>,
        %get3A_888 = vector.shape_cast %get3A_887 : vector<1x1x16xf32> to vector<16xf32>
        %mul3A_889 = arith.constant 8.000000e+00 : f32
        %mul3A_890 = vector.broadcast %mul3A_889 : f32 to vector<16xf32>
        %mul3A_891 = arith.mulf %get3A_888, %mul3A_890 : vector<16xf32>
        %add3A_892 = arith.addf %mul3A_891, %get3A_261 : vector<16xf32>
        %swap3A_893 = arith.constant 0 : i32
        %swap3A_894 = arith.index_cast %swap3A_893 : i32 to index
        %swap3A_895 = arith.index_cast %scan3A_832 : i32 to index
        %swap3A_896 = arith.constant 48 : index
        %swap3A_897 = tpu.vector_load %arg8[%swap3A_894, %swap3A_895, %swap3A_896] {strides = array<i32>} : memref<10x128x64xf32, #tpu.memory_space<vmem>>, vector<1x1x16xf32>,
        %swap3A_898 = vector.shape_cast %swap3A_897 : vector<1x1x16xf32> to vector<16xf32>
        %swap3A_899 = vector.shape_cast %add3A_892 : vector<16xf32> to vector<1x1x16xf32>
        tpu.vector_store %arg8[%swap3A_894, %swap3A_895, %swap3A_896], %swap3A_899 {strides = array<i32>} : memref<10x128x64xf32, #tpu.memory_space<vmem>>, vector<1x1x16xf32>,
        %scan3A_900 = arith.constant 1 : i32
        %scan3A_901 = arith.addi %scan3A_832, %scan3A_900 : i32
        %get3A_902 = arith.constant 0 : i32
        %get3A_903 = arith.index_cast %get3A_902 : i32 to index
        %get3A_904 = arith.index_cast %scan3A_901 : i32 to index
        %get3A_905 = arith.constant 0 : index
        %get3A_906 = tpu.vector_load %arg8[%get3A_903, %get3A_904, %get3A_905] {strides = array<i32>} : memref<10x128x64xf32, #tpu.memory_space<vmem>>, vector<1x1x16xf32>,
        %get3A_907 = vector.shape_cast %get3A_906 : vector<1x1x16xf32> to vector<16xf32>
        %mul3A_908 = arith.constant 8.000000e+00 : f32
        %mul3A_909 = vector.broadcast %mul3A_908 : f32 to vector<16xf32>
        %mul3A_910 = arith.mulf %get3A_907, %mul3A_909 : vector<16xf32>
        %add3A_911 = arith.addf %mul3A_910, %get3A_249 : vector<16xf32>
        %swap3A_912 = arith.constant 0 : i32
        %swap3A_913 = arith.index_cast %swap3A_912 : i32 to index
        %swap3A_914 = arith.index_cast %scan3A_901 : i32 to index
        %swap3A_915 = arith.constant 0 : index
        %swap3A_916 = tpu.vector_load %arg8[%swap3A_913, %swap3A_914, %swap3A_915] {strides = array<i32>} : memref<10x128x64xf32, #tpu.memory_space<vmem>>, vector<1x1x16xf32>,
        %swap3A_917 = vector.shape_cast %swap3A_916 : vector<1x1x16xf32> to vector<16xf32>
        %swap3A_918 = vector.shape_cast %add3A_911 : vector<16xf32> to vector<1x1x16xf32>
        tpu.vector_store %arg8[%swap3A_913, %swap3A_914, %swap3A_915], %swap3A_918 {strides = array<i32>} : memref<10x128x64xf32, #tpu.memory_space<vmem>>, vector<1x1x16xf32>,
        %get3A_919 = arith.constant 0 : i32
        %get3A_920 = arith.index_cast %get3A_919 : i32 to index
        %get3A_921 = arith.index_cast %scan3A_901 : i32 to index
        %get3A_922 = arith.constant 16 : index
        %get3A_923 = tpu.vector_load %arg8[%get3A_920, %get3A_921, %get3A_922] {strides = array<i32>} : memref<10x128x64xf32, #tpu.memory_space<vmem>>, vector<1x1x16xf32>,
        %get3A_924 = vector.shape_cast %get3A_923 : vector<1x1x16xf32> to vector<16xf32>
        %mul3A_925 = arith.constant 8.000000e+00 : f32
        %mul3A_926 = vector.broadcast %mul3A_925 : f32 to vector<16xf32>
        %mul3A_927 = arith.mulf %get3A_924, %mul3A_926 : vector<16xf32>
        %add3A_928 = arith.addf %mul3A_927, %get3A_253 : vector<16xf32>
        %swap3A_929 = arith.constant 0 : i32
        %swap3A_930 = arith.index_cast %swap3A_929 : i32 to index
        %swap3A_931 = arith.index_cast %scan3A_901 : i32 to index
        %swap3A_932 = arith.constant 16 : index
        %swap3A_933 = tpu.vector_load %arg8[%swap3A_930, %swap3A_931, %swap3A_932] {strides = array<i32>} : memref<10x128x64xf32, #tpu.memory_space<vmem>>, vector<1x1x16xf32>,
        %swap3A_934 = vector.shape_cast %swap3A_933 : vector<1x1x16xf32> to vector<16xf32>
        %swap3A_935 = vector.shape_cast %add3A_928 : vector<16xf32> to vector<1x1x16xf32>
        tpu.vector_store %arg8[%swap3A_930, %swap3A_931, %swap3A_932], %swap3A_935 {strides = array<i32>} : memref<10x128x64xf32, #tpu.memory_space<vmem>>, vector<1x1x16xf32>,
        %get3A_936 = arith.constant 0 : i32
        %get3A_937 = arith.index_cast %get3A_936 : i32 to index
        %get3A_938 = arith.index_cast %scan3A_901 : i32 to index
        %get3A_939 = arith.constant 32 : index
        %get3A_940 = tpu.vector_load %arg8[%get3A_937, %get3A_938, %get3A_939] {strides = array<i32>} : memref<10x128x64xf32, #tpu.memory_space<vmem>>, vector<1x1x16xf32>,
        %get3A_941 = vector.shape_cast %get3A_940 : vector<1x1x16xf32> to vector<16xf32>
        %mul3A_942 = arith.constant 8.000000e+00 : f32
        %mul3A_943 = vector.broadcast %mul3A_942 : f32 to vector<16xf32>
        %mul3A_944 = arith.mulf %get3A_941, %mul3A_943 : vector<16xf32>
        %add3A_945 = arith.addf %mul3A_944, %get3A_257 : vector<16xf32>
        %swap3A_946 = arith.constant 0 : i32
        %swap3A_947 = arith.index_cast %swap3A_946 : i32 to index
        %swap3A_948 = arith.index_cast %scan3A_901 : i32 to index
        %swap3A_949 = arith.constant 32 : index
        %swap3A_950 = tpu.vector_load %arg8[%swap3A_947, %swap3A_948, %swap3A_949] {strides = array<i32>} : memref<10x128x64xf32, #tpu.memory_space<vmem>>, vector<1x1x16xf32>,
        %swap3A_951 = vector.shape_cast %swap3A_950 : vector<1x1x16xf32> to vector<16xf32>
        %swap3A_952 = vector.shape_cast %add3A_945 : vector<16xf32> to vector<1x1x16xf32>
        tpu.vector_store %arg8[%swap3A_947, %swap3A_948, %swap3A_949], %swap3A_952 {strides = array<i32>} : memref<10x128x64xf32, #tpu.memory_space<vmem>>, vector<1x1x16xf32>,
        %get3A_953 = arith.constant 0 : i32
        %get3A_954 = arith.index_cast %get3A_953 : i32 to index
        %get3A_955 = arith.index_cast %scan3A_901 : i32 to index
        %get3A_956 = arith.constant 48 : index
        %get3A_957 = tpu.vector_load %arg8[%get3A_954, %get3A_955, %get3A_956] {strides = array<i32>} : memref<10x128x64xf32, #tpu.memory_space<vmem>>, vector<1x1x16xf32>,
        %get3A_958 = vector.shape_cast %get3A_957 : vector<1x1x16xf32> to vector<16xf32>
        %mul3A_959 = arith.constant 8.000000e+00 : f32
        %mul3A_960 = vector.broadcast %mul3A_959 : f32 to vector<16xf32>
        %mul3A_961 = arith.mulf %get3A_958, %mul3A_960 : vector<16xf32>
        %add3A_962 = arith.addf %mul3A_961, %get3A_261 : vector<16xf32>
        %swap3A_963 = arith.constant 0 : i32
        %swap3A_964 = arith.index_cast %swap3A_963 : i32 to index
        %swap3A_965 = arith.index_cast %scan3A_901 : i32 to index
        %swap3A_966 = arith.constant 48 : index
        %swap3A_967 = tpu.vector_load %arg8[%swap3A_964, %swap3A_965, %swap3A_966] {strides = array<i32>} : memref<10x128x64xf32, #tpu.memory_space<vmem>>, vector<1x1x16xf32>,
        %swap3A_968 = vector.shape_cast %swap3A_967 : vector<1x1x16xf32> to vector<16xf32>
        %swap3A_969 = vector.shape_cast %add3A_962 : vector<16xf32> to vector<1x1x16xf32>
        tpu.vector_store %arg8[%swap3A_964, %swap3A_965, %swap3A_966], %swap3A_969 {strides = array<i32>} : memref<10x128x64xf32, #tpu.memory_space<vmem>>, vector<1x1x16xf32>,
        %scan3A_970 = arith.constant 2 : i32
        %scan3A_971 = arith.addi %scan3A_832, %scan3A_970 : i32
        %get3A_972 = arith.constant 0 : i32
        %get3A_973 = arith.index_cast %get3A_972 : i32 to index
        %get3A_974 = arith.index_cast %scan3A_971 : i32 to index
        %get3A_975 = arith.constant 0 : index
        %get3A_976 = tpu.vector_load %arg8[%get3A_973, %get3A_974, %get3A_975] {strides = array<i32>} : memref<10x128x64xf32, #tpu.memory_space<vmem>>, vector<1x1x16xf32>,
        %get3A_977 = vector.shape_cast %get3A_976 : vector<1x1x16xf32> to vector<16xf32>
        %mul3A_978 = arith.constant 8.000000e+00 : f32
        %mul3A_979 = vector.broadcast %mul3A_978 : f32 to vector<16xf32>
        %mul3A_980 = arith.mulf %get3A_977, %mul3A_979 : vector<16xf32>
        %add3A_981 = arith.addf %mul3A_980, %get3A_249 : vector<16xf32>
        %swap3A_982 = arith.constant 0 : i32
        %swap3A_983 = arith.index_cast %swap3A_982 : i32 to index
        %swap3A_984 = arith.index_cast %scan3A_971 : i32 to index
        %swap3A_985 = arith.constant 0 : index
        %swap3A_986 = tpu.vector_load %arg8[%swap3A_983, %swap3A_984, %swap3A_985] {strides = array<i32>} : memref<10x128x64xf32, #tpu.memory_space<vmem>>, vector<1x1x16xf32>,
        %swap3A_987 = vector.shape_cast %swap3A_986 : vector<1x1x16xf32> to vector<16xf32>
        %swap3A_988 = vector.shape_cast %add3A_981 : vector<16xf32> to vector<1x1x16xf32>
        tpu.vector_store %arg8[%swap3A_983, %swap3A_984, %swap3A_985], %swap3A_988 {strides = array<i32>} : memref<10x128x64xf32, #tpu.memory_space<vmem>>, vector<1x1x16xf32>,
        %get3A_989 = arith.constant 0 : i32
        %get3A_990 = arith.index_cast %get3A_989 : i32 to index
        %get3A_991 = arith.index_cast %scan3A_971 : i32 to index
        %get3A_992 = arith.constant 16 : index
        %get3A_993 = tpu.vector_load %arg8[%get3A_990, %get3A_991, %get3A_992] {strides = array<i32>} : memref<10x128x64xf32, #tpu.memory_space<vmem>>, vector<1x1x16xf32>,
        %get3A_994 = vector.shape_cast %get3A_993 : vector<1x1x16xf32> to vector<16xf32>
        %mul3A_995 = arith.constant 8.000000e+00 : f32
        %mul3A_996 = vector.broadcast %mul3A_995 : f32 to vector<16xf32>
        %mul3A_997 = arith.mulf %get3A_994, %mul3A_996 : vector<16xf32>
        %add3A_998 = arith.addf %mul3A_997, %get3A_253 : vector<16xf32>
        %swap3A_999 = arith.constant 0 : i32
        %swap3A_1000 = arith.index_cast %swap3A_999 : i32 to index
        %swap3A_1001 = arith.index_cast %scan3A_971 : i32 to index
        %swap3A_1002 = arith.constant 16 : index
        %swap3A_1003 = tpu.vector_load %arg8[%swap3A_1000, %swap3A_1001, %swap3A_1002] {strides = array<i32>} : memref<10x128x64xf32, #tpu.memory_space<vmem>>, vector<1x1x16xf32>,
        %swap3A_1004 = vector.shape_cast %swap3A_1003 : vector<1x1x16xf32> to vector<16xf32>
        %swap3A_1005 = vector.shape_cast %add3A_998 : vector<16xf32> to vector<1x1x16xf32>
        tpu.vector_store %arg8[%swap3A_1000, %swap3A_1001, %swap3A_1002], %swap3A_1005 {strides = array<i32>} : memref<10x128x64xf32, #tpu.memory_space<vmem>>, vector<1x1x16xf32>,
        %get3A_1006 = arith.constant 0 : i32
        %get3A_1007 = arith.index_cast %get3A_1006 : i32 to index
        %get3A_1008 = arith.index_cast %scan3A_971 : i32 to index
        %get3A_1009 = arith.constant 32 : index
        %get3A_1010 = tpu.vector_load %arg8[%get3A_1007, %get3A_1008, %get3A_1009] {strides = array<i32>} : memref<10x128x64xf32, #tpu.memory_space<vmem>>, vector<1x1x16xf32>,
        %get3A_1011 = vector.shape_cast %get3A_1010 : vector<1x1x16xf32> to vector<16xf32>
        %mul3A_1012 = arith.constant 8.000000e+00 : f32
        %mul3A_1013 = vector.broadcast %mul3A_1012 : f32 to vector<16xf32>
        %mul3A_1014 = arith.mulf %get3A_1011, %mul3A_1013 : vector<16xf32>
        %add3A_1015 = arith.addf %mul3A_1014, %get3A_257 : vector<16xf32>
        %swap3A_1016 = arith.constant 0 : i32
        %swap3A_1017 = arith.index_cast %swap3A_1016 : i32 to index
        %swap3A_1018 = arith.index_cast %scan3A_971 : i32 to index
        %swap3A_1019 = arith.constant 32 : index
        %swap3A_1020 = tpu.vector_load %arg8[%swap3A_1017, %swap3A_1018, %swap3A_1019] {strides = array<i32>} : memref<10x128x64xf32, #tpu.memory_space<vmem>>, vector<1x1x16xf32>,
        %swap3A_1021 = vector.shape_cast %swap3A_1020 : vector<1x1x16xf32> to vector<16xf32>
        %swap3A_1022 = vector.shape_cast %add3A_1015 : vector<16xf32> to vector<1x1x16xf32>
        tpu.vector_store %arg8[%swap3A_1017, %swap3A_1018, %swap3A_1019], %swap3A_1022 {strides = array<i32>} : memref<10x128x64xf32, #tpu.memory_space<vmem>>, vector<1x1x16xf32>,
        %get3A_1023 = arith.constant 0 : i32
        %get3A_1024 = arith.index_cast %get3A_1023 : i32 to index
        %get3A_1025 = arith.index_cast %scan3A_971 : i32 to index
        %get3A_1026 = arith.constant 48 : index
        %get3A_1027 = tpu.vector_load %arg8[%get3A_1024, %get3A_1025, %get3A_1026] {strides = array<i32>} : memref<10x128x64xf32, #tpu.memory_space<vmem>>, vector<1x1x16xf32>,
        %get3A_1028 = vector.shape_cast %get3A_1027 : vector<1x1x16xf32> to vector<16xf32>
        %mul3A_1029 = arith.constant 8.000000e+00 : f32
        %mul3A_1030 = vector.broadcast %mul3A_1029 : f32 to vector<16xf32>
        %mul3A_1031 = arith.mulf %get3A_1028, %mul3A_1030 : vector<16xf32>
        %add3A_1032 = arith.addf %mul3A_1031, %get3A_261 : vector<16xf32>
        %swap3A_1033 = arith.constant 0 : i32
        %swap3A_1034 = arith.index_cast %swap3A_1033 : i32 to index
        %swap3A_1035 = arith.index_cast %scan3A_971 : i32 to index
        %swap3A_1036 = arith.constant 48 : index
        %swap3A_1037 = tpu.vector_load %arg8[%swap3A_1034, %swap3A_1035, %swap3A_1036] {strides = array<i32>} : memref<10x128x64xf32, #tpu.memory_space<vmem>>, vector<1x1x16xf32>,
        %swap3A_1038 = vector.shape_cast %swap3A_1037 : vector<1x1x16xf32> to vector<16xf32>
        %swap3A_1039 = vector.shape_cast %add3A_1032 : vector<16xf32> to vector<1x1x16xf32>
        tpu.vector_store %arg8[%swap3A_1034, %swap3A_1035, %swap3A_1036], %swap3A_1039 {strides = array<i32>} : memref<10x128x64xf32, #tpu.memory_space<vmem>>, vector<1x1x16xf32>,
        %scan3A_1040 = arith.constant 3 : i32
        %scan3A_1041 = arith.addi %scan3A_832, %scan3A_1040 : i32
        %get3A_1042 = arith.constant 0 : i32
        %get3A_1043 = arith.index_cast %get3A_1042 : i32 to index
        %get3A_1044 = arith.index_cast %scan3A_1041 : i32 to index
        %get3A_1045 = arith.constant 0 : index
        %get3A_1046 = tpu.vector_load %arg8[%get3A_1043, %get3A_1044, %get3A_1045] {strides = array<i32>} : memref<10x128x64xf32, #tpu.memory_space<vmem>>, vector<1x1x16xf32>,
        %get3A_1047 = vector.shape_cast %get3A_1046 : vector<1x1x16xf32> to vector<16xf32>
        %mul3A_1048 = arith.constant 8.000000e+00 : f32
        %mul3A_1049 = vector.broadcast %mul3A_1048 : f32 to vector<16xf32>
        %mul3A_1050 = arith.mulf %get3A_1047, %mul3A_1049 : vector<16xf32>
        %add3A_1051 = arith.addf %mul3A_1050, %get3A_249 : vector<16xf32>
        %swap3A_1052 = arith.constant 0 : i32
        %swap3A_1053 = arith.index_cast %swap3A_1052 : i32 to index
        %swap3A_1054 = arith.index_cast %scan3A_1041 : i32 to index
        %swap3A_1055 = arith.constant 0 : index
        %swap3A_1056 = tpu.vector_load %arg8[%swap3A_1053, %swap3A_1054, %swap3A_1055] {strides = array<i32>} : memref<10x128x64xf32, #tpu.memory_space<vmem>>, vector<1x1x16xf32>,
        %swap3A_1057 = vector.shape_cast %swap3A_1056 : vector<1x1x16xf32> to vector<16xf32>
        %swap3A_1058 = vector.shape_cast %add3A_1051 : vector<16xf32> to vector<1x1x16xf32>
        tpu.vector_store %arg8[%swap3A_1053, %swap3A_1054, %swap3A_1055], %swap3A_1058 {strides = array<i32>} : memref<10x128x64xf32, #tpu.memory_space<vmem>>, vector<1x1x16xf32>,
        %get3A_1059 = arith.constant 0 : i32
        %get3A_1060 = arith.index_cast %get3A_1059 : i32 to index
        %get3A_1061 = arith.index_cast %scan3A_1041 : i32 to index
        %get3A_1062 = arith.constant 16 : index
        %get3A_1063 = tpu.vector_load %arg8[%get3A_1060, %get3A_1061, %get3A_1062] {strides = array<i32>} : memref<10x128x64xf32, #tpu.memory_space<vmem>>, vector<1x1x16xf32>,
        %get3A_1064 = vector.shape_cast %get3A_1063 : vector<1x1x16xf32> to vector<16xf32>
        %mul3A_1065 = arith.constant 8.000000e+00 : f32
        %mul3A_1066 = vector.broadcast %mul3A_1065 : f32 to vector<16xf32>
        %mul3A_1067 = arith.mulf %get3A_1064, %mul3A_1066 : vector<16xf32>
        %add3A_1068 = arith.addf %mul3A_1067, %get3A_253 : vector<16xf32>
        %swap3A_1069 = arith.constant 0 : i32
        %swap3A_1070 = arith.index_cast %swap3A_1069 : i32 to index
        %swap3A_1071 = arith.index_cast %scan3A_1041 : i32 to index
        %swap3A_1072 = arith.constant 16 : index
        %swap3A_1073 = tpu.vector_load %arg8[%swap3A_1070, %swap3A_1071, %swap3A_1072] {strides = array<i32>} : memref<10x128x64xf32, #tpu.memory_space<vmem>>, vector<1x1x16xf32>,
        %swap3A_1074 = vector.shape_cast %swap3A_1073 : vector<1x1x16xf32> to vector<16xf32>
        %swap3A_1075 = vector.shape_cast %add3A_1068 : vector<16xf32> to vector<1x1x16xf32>
        tpu.vector_store %arg8[%swap3A_1070, %swap3A_1071, %swap3A_1072], %swap3A_1075 {strides = array<i32>} : memref<10x128x64xf32, #tpu.memory_space<vmem>>, vector<1x1x16xf32>,
        %get3A_1076 = arith.constant 0 : i32
        %get3A_1077 = arith.index_cast %get3A_1076 : i32 to index
        %get3A_1078 = arith.index_cast %scan3A_1041 : i32 to index
        %get3A_1079 = arith.constant 32 : index
        %get3A_1080 = tpu.vector_load %arg8[%get3A_1077, %get3A_1078, %get3A_1079] {strides = array<i32>} : memref<10x128x64xf32, #tpu.memory_space<vmem>>, vector<1x1x16xf32>,
        %get3A_1081 = vector.shape_cast %get3A_1080 : vector<1x1x16xf32> to vector<16xf32>
        %mul3A_1082 = arith.constant 8.000000e+00 : f32
        %mul3A_1083 = vector.broadcast %mul3A_1082 : f32 to vector<16xf32>
        %mul3A_1084 = arith.mulf %get3A_1081, %mul3A_1083 : vector<16xf32>
        %add3A_1085 = arith.addf %mul3A_1084, %get3A_257 : vector<16xf32>
        %swap3A_1086 = arith.constant 0 : i32
        %swap3A_1087 = arith.index_cast %swap3A_1086 : i32 to index
        %swap3A_1088 = arith.index_cast %scan3A_1041 : i32 to index
        %swap3A_1089 = arith.constant 32 : index
        %swap3A_1090 = tpu.vector_load %arg8[%swap3A_1087, %swap3A_1088, %swap3A_1089] {strides = array<i32>} : memref<10x128x64xf32, #tpu.memory_space<vmem>>, vector<1x1x16xf32>,
        %swap3A_1091 = vector.shape_cast %swap3A_1090 : vector<1x1x16xf32> to vector<16xf32>
        %swap3A_1092 = vector.shape_cast %add3A_1085 : vector<16xf32> to vector<1x1x16xf32>
        tpu.vector_store %arg8[%swap3A_1087, %swap3A_1088, %swap3A_1089], %swap3A_1092 {strides = array<i32>} : memref<10x128x64xf32, #tpu.memory_space<vmem>>, vector<1x1x16xf32>,
        %get3A_1093 = arith.constant 0 : i32
        %get3A_1094 = arith.index_cast %get3A_1093 : i32 to index
        %get3A_1095 = arith.index_cast %scan3A_1041 : i32 to index
        %get3A_1096 = arith.constant 48 : index
        %get3A_1097 = tpu.vector_load %arg8[%get3A_1094, %get3A_1095, %get3A_1096] {strides = array<i32>} : memref<10x128x64xf32, #tpu.memory_space<vmem>>, vector<1x1x16xf32>,
        %get3A_1098 = vector.shape_cast %get3A_1097 : vector<1x1x16xf32> to vector<16xf32>
        %mul3A_1099 = arith.constant 8.000000e+00 : f32
        %mul3A_1100 = vector.broadcast %mul3A_1099 : f32 to vector<16xf32>
        %mul3A_1101 = arith.mulf %get3A_1098, %mul3A_1100 : vector<16xf32>
        %add3A_1102 = arith.addf %mul3A_1101, %get3A_261 : vector<16xf32>
        %swap3A_1103 = arith.constant 0 : i32
        %swap3A_1104 = arith.index_cast %swap3A_1103 : i32 to index
        %swap3A_1105 = arith.index_cast %scan3A_1041 : i32 to index
        %swap3A_1106 = arith.constant 48 : index
        %swap3A_1107 = tpu.vector_load %arg8[%swap3A_1104, %swap3A_1105, %swap3A_1106] {strides = array<i32>} : memref<10x128x64xf32, #tpu.memory_space<vmem>>, vector<1x1x16xf32>,
        %swap3A_1108 = vector.shape_cast %swap3A_1107 : vector<1x1x16xf32> to vector<16xf32>
        %swap3A_1109 = vector.shape_cast %add3A_1102 : vector<16xf32> to vector<1x1x16xf32>
        tpu.vector_store %arg8[%swap3A_1104, %swap3A_1105, %swap3A_1106], %swap3A_1109 {strides = array<i32>} : memref<10x128x64xf32, #tpu.memory_space<vmem>>, vector<1x1x16xf32>,
      }
      %scan3A_267 = arith.constant 128 : i32
      %dma_start3A_268 = arith.constant 0 : i32
      %dma_start3A_269 = arith.constant 0 : i32
      %dma_start3A_270 = arith.constant 0 : i32
      %dma_start3A_271 = tpu.memref_slice %arg8[%dma_start3A_268, %dma_start3A_269, %dma_start3A_270] : memref<10x128x64xf32, #tpu.memory_space<vmem>> -> memref<1x128x64xf32, #tpu.memory_space<vmem>>
      %dma_start3A_272 = tpu.memref_squeeze %dma_start3A_271 : memref<1x128x64xf32, #tpu.memory_space<vmem>> -> memref<128x64xf32, #tpu.memory_space<vmem>>
      %dma_start3A_273 = arith.constant 0 : i32
      %dma_start3A_274 = tpu.memref_slice %arg5[%mul3A_2, %add3A_230, %dma_start3A_273] : memref<4096x200x64xf32, #tpu.memory_space<hbm>> -> memref<128x1x64xf32, #tpu.memory_space<hbm>>
      %dma_start3A_275 = tpu.memref_squeeze %dma_start3A_274 : memref<128x1x64xf32, #tpu.memory_space<hbm>> -> memref<128x64xf32, #tpu.memory_space<hbm>>
      %dma_start3A_276 = arith.constant 0 : i32
      %dma_start3A_277 = tpu.memref_slice %arg5[%mul3A_2, %add3A_230, %dma_start3A_276] : memref<4096x200x64xf32, #tpu.memory_space<hbm>> -> memref<128x1x64xf32, #tpu.memory_space<hbm>>
      %dma_start3A_278 = tpu.memref_squeeze %dma_start3A_277 : memref<128x1x64xf32, #tpu.memory_space<hbm>> -> memref<128x64xf32, #tpu.memory_space<hbm>>
      %dma_start3A_279 = arith.constant 0 : i32
      %dma_start3A_280 = arith.constant 0 : i32
      %dma_start3A_281 = tpu.memref_slice %arg8[%dma_start3A_268, %dma_start3A_279, %dma_start3A_280] : memref<10x128x64xf32, #tpu.memory_space<vmem>> -> memref<1x128x64xf32, #tpu.memory_space<vmem>>
      %dma_start3A_282 = tpu.memref_squeeze %dma_start3A_281 : memref<1x128x64xf32, #tpu.memory_space<vmem>> -> memref<128x64xf32, #tpu.memory_space<vmem>>
      tpu.enqueue_dma source(%dma_start3A_282 : memref<128x64xf32, #tpu.memory_space<vmem>>) target(%dma_start3A_278 : memref<128x64xf32, #tpu.memory_space<hbm>>) target_semaphore(%arg19 : memref<!tpu.dma_semaphore, #tpu.memory_space<semaphore_mem>>)
      %mul3A_283 = arith.constant 10 : i32
      %mul3A_284 = arith.muli %scan3A_226, %mul3A_283 : i32
      %add3A_285 = arith.constant 1 : i32
      %add3A_286 = arith.addi %mul3A_284, %add3A_285 : i32
      %add3A_287 = arith.constant 5 : i32
      %add3A_288 = arith.addi %add3A_286, %add3A_287 : i32
      %sub3A_289 = arith.constant 10 : i32
      %sub3A_290 = arith.subi %add3A_288, %sub3A_289 : i32
      %lt3A_291 = arith.constant 200 : i32
      %lt3A_292 = arith.cmpi slt, %add3A_288, %lt3A_291 : i32
      %convert_element_type3A_293 = arith.extui %lt3A_292 : i1 to i32
      %cond3A_294 = arith.constant 0 : i32
      %cond3A_295 = arith.cmpi ne, %convert_element_type3A_293, %cond3A_294 : i32
      scf.if %cond3A_295 {
        %ge3A = arith.constant 0 : i32
        %ge3A_832 = arith.cmpi sge, %sub3A_290, %ge3A : i32
        %convert_element_type3A_833 = arith.extui %ge3A_832 : i1 to i32
        %cond3A_834 = arith.constant 0 : i32
        %cond3A_835 = arith.cmpi ne, %convert_element_type3A_833, %cond3A_834 : i32
        scf.if %cond3A_835 {
          %dma_wait3A_847 = arith.constant 6 : i32
          %dma_wait3A_848 = arith.constant 0 : i32
          %dma_wait3A_849 = arith.constant 0 : i32
          %dma_wait3A_850 = tpu.memref_slice %arg8[%dma_wait3A_847, %dma_wait3A_848, %dma_wait3A_849] : memref<10x128x64xf32, #tpu.memory_space<vmem>> -> memref<1x128x64xf32, #tpu.memory_space<vmem>>
          %dma_wait3A_851 = tpu.memref_squeeze %dma_wait3A_850 : memref<1x128x64xf32, #tpu.memory_space<vmem>> -> memref<128x64xf32, #tpu.memory_space<vmem>>
          %dma_wait3A_852 = arith.constant 0 : i32
          %dma_wait3A_853 = tpu.memref_slice %arg5[%mul3A_2, %sub3A_290, %dma_wait3A_852] : memref<4096x200x64xf32, #tpu.memory_space<hbm>> -> memref<128x1x64xf32, #tpu.memory_space<hbm>>
          %dma_wait3A_854 = tpu.memref_squeeze %dma_wait3A_853 : memref<128x1x64xf32, #tpu.memory_space<hbm>> -> memref<128x64xf32, #tpu.memory_space<hbm>>
          %dma_wait3A_855 = arith.constant 0 : i32
          %dma_wait3A_856 = tpu.memref_slice %arg5[%mul3A_2, %sub3A_290, %dma_wait3A_855] : memref<4096x200x64xf32, #tpu.memory_space<hbm>> -> memref<128x1x64xf32, #tpu.memory_space<hbm>>
          %dma_wait3A_857 = tpu.memref_squeeze %dma_wait3A_856 : memref<128x1x64xf32, #tpu.memory_space<hbm>> -> memref<128x64xf32, #tpu.memory_space<hbm>>
          %dma_wait3A_858 = arith.constant 0 : i32
          %dma_wait3A_859 = arith.constant 0 : i32
          %dma_wait3A_860 = tpu.memref_slice %arg8[%dma_wait3A_847, %dma_wait3A_858, %dma_wait3A_859] : memref<10x128x64xf32, #tpu.memory_space<vmem>> -> memref<1x128x64xf32, #tpu.memory_space<vmem>>
          %dma_wait3A_861 = tpu.memref_squeeze %dma_wait3A_860 : memref<1x128x64xf32, #tpu.memory_space<vmem>> -> memref<128x64xf32, #tpu.memory_space<vmem>>
          tpu.wait_dma2 semaphore(%arg25 : memref<!tpu.dma_semaphore, #tpu.memory_space<semaphore_mem>>) src(%dma_wait3A_861 : memref<128x64xf32, #tpu.memory_space<vmem>>) dst(%dma_wait3A_857 : memref<128x64xf32, #tpu.memory_space<hbm>>)
        } else {
        }
        %dma_start3A_836 = arith.constant 6 : i32
        %dma_start3A_837 = arith.constant 0 : i32
        %dma_start3A_838 = arith.constant 0 : i32
        %dma_start3A_839 = tpu.memref_slice %arg8[%dma_start3A_836, %dma_start3A_837, %dma_start3A_838] : memref<10x128x64xf32, #tpu.memory_space<vmem>> -> memref<1x128x64xf32, #tpu.memory_space<vmem>>
        %dma_start3A_840 = tpu.memref_squeeze %dma_start3A_839 : memref<1x128x64xf32, #tpu.memory_space<vmem>> -> memref<128x64xf32, #tpu.memory_space<vmem>>
        %dma_start3A_841 = arith.constant 0 : i32
        %dma_start3A_842 = tpu.memref_slice %arg6[%add3A_288, %dma_start3A_841] : memref<200x128xi32, #tpu.memory_space<vmem>> -> memref<1x128xi32, #tpu.memory_space<vmem>>
        %dma_start3A_843 = tpu.memref_squeeze %dma_start3A_842 : memref<1x128xi32, #tpu.memory_space<vmem>> -> memref<128xi32, #tpu.memory_space<vmem>>
        %dma_start3A_844 = arith.constant 0 : i32
        %dma_start3A_845 = arith.constant 0 : i32
        %dma_start3A_846 = tpu.memref_slice %arg3[%dma_start3A_844, %dma_start3A_845] : memref<1000000x64xf32, #tpu.memory_space<hbm>> -> memref<1000000x64xf32, #tpu.memory_space<hbm>>
        tpu.enqueue_indirect_dma source(%dma_start3A_846 : memref<1000000x64xf32, #tpu.memory_space<hbm>>) target(%dma_start3A_840 : memref<128x64xf32, #tpu.memory_space<vmem>>) offsets(%dma_start3A_843 : memref<128xi32, #tpu.memory_space<vmem>>) semaphore(%arg15 : memref<!tpu.dma_semaphore, #tpu.memory_space<semaphore_mem>>)
      } else {
      }
      %dma_wait3A_296 = arith.constant 1 : i32
      %dma_wait3A_297 = arith.constant 0 : i32
      %dma_wait3A_298 = arith.constant 0 : i32
      %dma_wait3A_299 = tpu.memref_slice %arg8[%dma_wait3A_296, %dma_wait3A_297, %dma_wait3A_298] : memref<10x128x64xf32, #tpu.memory_space<vmem>> -> memref<1x128x64xf32, #tpu.memory_space<vmem>>
      %dma_wait3A_300 = tpu.memref_squeeze %dma_wait3A_299 : memref<1x128x64xf32, #tpu.memory_space<vmem>> -> memref<128x64xf32, #tpu.memory_space<vmem>>
      %dma_wait3A_301 = arith.constant 0 : i32
      %dma_wait3A_302 = tpu.memref_slice %arg6[%add3A_286, %dma_wait3A_301] : memref<200x128xi32, #tpu.memory_space<vmem>> -> memref<1x128xi32, #tpu.memory_space<vmem>>
      %dma_wait3A_303 = tpu.memref_squeeze %dma_wait3A_302 : memref<1x128xi32, #tpu.memory_space<vmem>> -> memref<128xi32, #tpu.memory_space<vmem>>
      %dma_wait3A_304 = arith.constant 0 : i32
      %dma_wait3A_305 = arith.constant 0 : i32
      %dma_wait3A_306 = tpu.memref_slice %arg3[%dma_wait3A_304, %dma_wait3A_305] : memref<1000000x64xf32, #tpu.memory_space<hbm>> -> memref<1000000x64xf32, #tpu.memory_space<hbm>>
      tpu.wait_indirect_dma semaphore(%arg10 : memref<!tpu.dma_semaphore, #tpu.memory_space<semaphore_mem>>) src(%dma_wait3A_306 : memref<1000000x64xf32, #tpu.memory_space<hbm>>) dst(%dma_wait3A_300 : memref<128x64xf32, #tpu.memory_space<vmem>>)
      %get3A_307 = arith.index_cast %add3A_286 : i32 to index
      %get3A_308 = arith.constant 0 : index
      %get3A_309 = tpu.vector_load %arg7[%get3A_307, %get3A_308] {strides = array<i32>} : memref<200x64xf32, #tpu.memory_space<vmem>>, vector<1x16xf32>,
      %get3A_310 = vector.shape_cast %get3A_309 : vector<1x16xf32> to vector<16xf32>
      %get3A_311 = arith.index_cast %add3A_286 : i32 to index
      %get3A_312 = arith.constant 16 : index
      %get3A_313 = tpu.vector_load %arg7[%get3A_311, %get3A_312] {strides = array<i32>} : memref<200x64xf32, #tpu.memory_space<vmem>>, vector<1x16xf32>,
      %get3A_314 = vector.shape_cast %get3A_313 : vector<1x16xf32> to vector<16xf32>
      %get3A_315 = arith.index_cast %add3A_286 : i32 to index
      %get3A_316 = arith.constant 32 : index
      %get3A_317 = tpu.vector_load %arg7[%get3A_315, %get3A_316] {strides = array<i32>} : memref<200x64xf32, #tpu.memory_space<vmem>>, vector<1x16xf32>,
      %get3A_318 = vector.shape_cast %get3A_317 : vector<1x16xf32> to vector<16xf32>
      %get3A_319 = arith.index_cast %add3A_286 : i32 to index
      %get3A_320 = arith.constant 48 : index
      %get3A_321 = tpu.vector_load %arg7[%get3A_319, %get3A_320] {strides = array<i32>} : memref<200x64xf32, #tpu.memory_space<vmem>>, vector<1x16xf32>,
      %get3A_322 = vector.shape_cast %get3A_321 : vector<1x16xf32> to vector<16xf32>
      %scan3A_323 = arith.constant 0 : i32
      %scan3A_324 = arith.constant 0 : i32
      %scan3A_325 = arith.constant 128 : i32
      %scan3A_326 = arith.addi %scan3A_324, %scan3A_325 : i32
      %scan3A_327 = arith.constant 4 : i32
      scf.for %scan3A_832 = %scan3A_324 to %scan3A_326 step %scan3A_327  : i32 {
        %get3A_833 = arith.constant 1 : i32
        %get3A_834 = arith.index_cast %get3A_833 : i32 to index
        %get3A_835 = arith.index_cast %scan3A_832 : i32 to index
        %get3A_836 = arith.constant 0 : index
        %get3A_837 = tpu.vector_load %arg8[%get3A_834, %get3A_835, %get3A_836] {strides = array<i32>} : memref<10x128x64xf32, #tpu.memory_space<vmem>>, vector<1x1x16xf32>,
        %get3A_838 = vector.shape_cast %get3A_837 : vector<1x1x16xf32> to vector<16xf32>
        %mul3A_839 = arith.constant 8.000000e+00 : f32
        %mul3A_840 = vector.broadcast %mul3A_839 : f32 to vector<16xf32>
        %mul3A_841 = arith.mulf %get3A_838, %mul3A_840 : vector<16xf32>
        %add3A_842 = arith.addf %mul3A_841, %get3A_310 : vector<16xf32>
        %swap3A = arith.constant 1 : i32
        %swap3A_843 = arith.index_cast %swap3A : i32 to index
        %swap3A_844 = arith.index_cast %scan3A_832 : i32 to index
        %swap3A_845 = arith.constant 0 : index
        %swap3A_846 = tpu.vector_load %arg8[%swap3A_843, %swap3A_844, %swap3A_845] {strides = array<i32>} : memref<10x128x64xf32, #tpu.memory_space<vmem>>, vector<1x1x16xf32>,
        %swap3A_847 = vector.shape_cast %swap3A_846 : vector<1x1x16xf32> to vector<16xf32>
        %swap3A_848 = vector.shape_cast %add3A_842 : vector<16xf32> to vector<1x1x16xf32>
        tpu.vector_store %arg8[%swap3A_843, %swap3A_844, %swap3A_845], %swap3A_848 {strides = array<i32>} : memref<10x128x64xf32, #tpu.memory_space<vmem>>, vector<1x1x16xf32>,
        %get3A_849 = arith.constant 1 : i32
        %get3A_850 = arith.index_cast %get3A_849 : i32 to index
        %get3A_851 = arith.index_cast %scan3A_832 : i32 to index
        %get3A_852 = arith.constant 16 : index
        %get3A_853 = tpu.vector_load %arg8[%get3A_850, %get3A_851, %get3A_852] {strides = array<i32>} : memref<10x128x64xf32, #tpu.memory_space<vmem>>, vector<1x1x16xf32>,
        %get3A_854 = vector.shape_cast %get3A_853 : vector<1x1x16xf32> to vector<16xf32>
        %mul3A_855 = arith.constant 8.000000e+00 : f32
        %mul3A_856 = vector.broadcast %mul3A_855 : f32 to vector<16xf32>
        %mul3A_857 = arith.mulf %get3A_854, %mul3A_856 : vector<16xf32>
        %add3A_858 = arith.addf %mul3A_857, %get3A_314 : vector<16xf32>
        %swap3A_859 = arith.constant 1 : i32
        %swap3A_860 = arith.index_cast %swap3A_859 : i32 to index
        %swap3A_861 = arith.index_cast %scan3A_832 : i32 to index
        %swap3A_862 = arith.constant 16 : index
        %swap3A_863 = tpu.vector_load %arg8[%swap3A_860, %swap3A_861, %swap3A_862] {strides = array<i32>} : memref<10x128x64xf32, #tpu.memory_space<vmem>>, vector<1x1x16xf32>,
        %swap3A_864 = vector.shape_cast %swap3A_863 : vector<1x1x16xf32> to vector<16xf32>
        %swap3A_865 = vector.shape_cast %add3A_858 : vector<16xf32> to vector<1x1x16xf32>
        tpu.vector_store %arg8[%swap3A_860, %swap3A_861, %swap3A_862], %swap3A_865 {strides = array<i32>} : memref<10x128x64xf32, #tpu.memory_space<vmem>>, vector<1x1x16xf32>,
        %get3A_866 = arith.constant 1 : i32
        %get3A_867 = arith.index_cast %get3A_866 : i32 to index
        %get3A_868 = arith.index_cast %scan3A_832 : i32 to index
        %get3A_869 = arith.constant 32 : index
        %get3A_870 = tpu.vector_load %arg8[%get3A_867, %get3A_868, %get3A_869] {strides = array<i32>} : memref<10x128x64xf32, #tpu.memory_space<vmem>>, vector<1x1x16xf32>,
        %get3A_871 = vector.shape_cast %get3A_870 : vector<1x1x16xf32> to vector<16xf32>
        %mul3A_872 = arith.constant 8.000000e+00 : f32
        %mul3A_873 = vector.broadcast %mul3A_872 : f32 to vector<16xf32>
        %mul3A_874 = arith.mulf %get3A_871, %mul3A_873 : vector<16xf32>
        %add3A_875 = arith.addf %mul3A_874, %get3A_318 : vector<16xf32>
        %swap3A_876 = arith.constant 1 : i32
        %swap3A_877 = arith.index_cast %swap3A_876 : i32 to index
        %swap3A_878 = arith.index_cast %scan3A_832 : i32 to index
        %swap3A_879 = arith.constant 32 : index
        %swap3A_880 = tpu.vector_load %arg8[%swap3A_877, %swap3A_878, %swap3A_879] {strides = array<i32>} : memref<10x128x64xf32, #tpu.memory_space<vmem>>, vector<1x1x16xf32>,
        %swap3A_881 = vector.shape_cast %swap3A_880 : vector<1x1x16xf32> to vector<16xf32>
        %swap3A_882 = vector.shape_cast %add3A_875 : vector<16xf32> to vector<1x1x16xf32>
        tpu.vector_store %arg8[%swap3A_877, %swap3A_878, %swap3A_879], %swap3A_882 {strides = array<i32>} : memref<10x128x64xf32, #tpu.memory_space<vmem>>, vector<1x1x16xf32>,
        %get3A_883 = arith.constant 1 : i32
        %get3A_884 = arith.index_cast %get3A_883 : i32 to index
        %get3A_885 = arith.index_cast %scan3A_832 : i32 to index
        %get3A_886 = arith.constant 48 : index
        %get3A_887 = tpu.vector_load %arg8[%get3A_884, %get3A_885, %get3A_886] {strides = array<i32>} : memref<10x128x64xf32, #tpu.memory_space<vmem>>, vector<1x1x16xf32>,
        %get3A_888 = vector.shape_cast %get3A_887 : vector<1x1x16xf32> to vector<16xf32>
        %mul3A_889 = arith.constant 8.000000e+00 : f32
        %mul3A_890 = vector.broadcast %mul3A_889 : f32 to vector<16xf32>
        %mul3A_891 = arith.mulf %get3A_888, %mul3A_890 : vector<16xf32>
        %add3A_892 = arith.addf %mul3A_891, %get3A_322 : vector<16xf32>
        %swap3A_893 = arith.constant 1 : i32
        %swap3A_894 = arith.index_cast %swap3A_893 : i32 to index
        %swap3A_895 = arith.index_cast %scan3A_832 : i32 to index
        %swap3A_896 = arith.constant 48 : index
        %swap3A_897 = tpu.vector_load %arg8[%swap3A_894, %swap3A_895, %swap3A_896] {strides = array<i32>} : memref<10x128x64xf32, #tpu.memory_space<vmem>>, vector<1x1x16xf32>,
        %swap3A_898 = vector.shape_cast %swap3A_897 : vector<1x1x16xf32> to vector<16xf32>
        %swap3A_899 = vector.shape_cast %add3A_892 : vector<16xf32> to vector<1x1x16xf32>
        tpu.vector_store %arg8[%swap3A_894, %swap3A_895, %swap3A_896], %swap3A_899 {strides = array<i32>} : memref<10x128x64xf32, #tpu.memory_space<vmem>>, vector<1x1x16xf32>,
        %scan3A_900 = arith.constant 1 : i32
        %scan3A_901 = arith.addi %scan3A_832, %scan3A_900 : i32
        %get3A_902 = arith.constant 1 : i32
        %get3A_903 = arith.index_cast %get3A_902 : i32 to index
        %get3A_904 = arith.index_cast %scan3A_901 : i32 to index
        %get3A_905 = arith.constant 0 : index
        %get3A_906 = tpu.vector_load %arg8[%get3A_903, %get3A_904, %get3A_905] {strides = array<i32>} : memref<10x128x64xf32, #tpu.memory_space<vmem>>, vector<1x1x16xf32>,
        %get3A_907 = vector.shape_cast %get3A_906 : vector<1x1x16xf32> to vector<16xf32>
        %mul3A_908 = arith.constant 8.000000e+00 : f32
        %mul3A_909 = vector.broadcast %mul3A_908 : f32 to vector<16xf32>
        %mul3A_910 = arith.mulf %get3A_907, %mul3A_909 : vector<16xf32>
        %add3A_911 = arith.addf %mul3A_910, %get3A_310 : vector<16xf32>
        %swap3A_912 = arith.constant 1 : i32
        %swap3A_913 = arith.index_cast %swap3A_912 : i32 to index
        %swap3A_914 = arith.index_cast %scan3A_901 : i32 to index
        %swap3A_915 = arith.constant 0 : index
        %swap3A_916 = tpu.vector_load %arg8[%swap3A_913, %swap3A_914, %swap3A_915] {strides = array<i32>} : memref<10x128x64xf32, #tpu.memory_space<vmem>>, vector<1x1x16xf32>,
        %swap3A_917 = vector.shape_cast %swap3A_916 : vector<1x1x16xf32> to vector<16xf32>
        %swap3A_918 = vector.shape_cast %add3A_911 : vector<16xf32> to vector<1x1x16xf32>
        tpu.vector_store %arg8[%swap3A_913, %swap3A_914, %swap3A_915], %swap3A_918 {strides = array<i32>} : memref<10x128x64xf32, #tpu.memory_space<vmem>>, vector<1x1x16xf32>,
        %get3A_919 = arith.constant 1 : i32
        %get3A_920 = arith.index_cast %get3A_919 : i32 to index
        %get3A_921 = arith.index_cast %scan3A_901 : i32 to index
        %get3A_922 = arith.constant 16 : index
        %get3A_923 = tpu.vector_load %arg8[%get3A_920, %get3A_921, %get3A_922] {strides = array<i32>} : memref<10x128x64xf32, #tpu.memory_space<vmem>>, vector<1x1x16xf32>,
        %get3A_924 = vector.shape_cast %get3A_923 : vector<1x1x16xf32> to vector<16xf32>
        %mul3A_925 = arith.constant 8.000000e+00 : f32
        %mul3A_926 = vector.broadcast %mul3A_925 : f32 to vector<16xf32>
        %mul3A_927 = arith.mulf %get3A_924, %mul3A_926 : vector<16xf32>
        %add3A_928 = arith.addf %mul3A_927, %get3A_314 : vector<16xf32>
        %swap3A_929 = arith.constant 1 : i32
        %swap3A_930 = arith.index_cast %swap3A_929 : i32 to index
        %swap3A_931 = arith.index_cast %scan3A_901 : i32 to index
        %swap3A_932 = arith.constant 16 : index
        %swap3A_933 = tpu.vector_load %arg8[%swap3A_930, %swap3A_931, %swap3A_932] {strides = array<i32>} : memref<10x128x64xf32, #tpu.memory_space<vmem>>, vector<1x1x16xf32>,
        %swap3A_934 = vector.shape_cast %swap3A_933 : vector<1x1x16xf32> to vector<16xf32>
        %swap3A_935 = vector.shape_cast %add3A_928 : vector<16xf32> to vector<1x1x16xf32>
        tpu.vector_store %arg8[%swap3A_930, %swap3A_931, %swap3A_932], %swap3A_935 {strides = array<i32>} : memref<10x128x64xf32, #tpu.memory_space<vmem>>, vector<1x1x16xf32>,
        %get3A_936 = arith.constant 1 : i32
        %get3A_937 = arith.index_cast %get3A_936 : i32 to index
        %get3A_938 = arith.index_cast %scan3A_901 : i32 to index
        %get3A_939 = arith.constant 32 : index
        %get3A_940 = tpu.vector_load %arg8[%get3A_937, %get3A_938, %get3A_939] {strides = array<i32>} : memref<10x128x64xf32, #tpu.memory_space<vmem>>, vector<1x1x16xf32>,
        %get3A_941 = vector.shape_cast %get3A_940 : vector<1x1x16xf32> to vector<16xf32>
        %mul3A_942 = arith.constant 8.000000e+00 : f32
        %mul3A_943 = vector.broadcast %mul3A_942 : f32 to vector<16xf32>
        %mul3A_944 = arith.mulf %get3A_941, %mul3A_943 : vector<16xf32>
        %add3A_945 = arith.addf %mul3A_944, %get3A_318 : vector<16xf32>
        %swap3A_946 = arith.constant 1 : i32
        %swap3A_947 = arith.index_cast %swap3A_946 : i32 to index
        %swap3A_948 = arith.index_cast %scan3A_901 : i32 to index
        %swap3A_949 = arith.constant 32 : index
        %swap3A_950 = tpu.vector_load %arg8[%swap3A_947, %swap3A_948, %swap3A_949] {strides = array<i32>} : memref<10x128x64xf32, #tpu.memory_space<vmem>>, vector<1x1x16xf32>,
        %swap3A_951 = vector.shape_cast %swap3A_950 : vector<1x1x16xf32> to vector<16xf32>
        %swap3A_952 = vector.shape_cast %add3A_945 : vector<16xf32> to vector<1x1x16xf32>
        tpu.vector_store %arg8[%swap3A_947, %swap3A_948, %swap3A_949], %swap3A_952 {strides = array<i32>} : memref<10x128x64xf32, #tpu.memory_space<vmem>>, vector<1x1x16xf32>,
        %get3A_953 = arith.constant 1 : i32
        %get3A_954 = arith.index_cast %get3A_953 : i32 to index
        %get3A_955 = arith.index_cast %scan3A_901 : i32 to index
        %get3A_956 = arith.constant 48 : index
        %get3A_957 = tpu.vector_load %arg8[%get3A_954, %get3A_955, %get3A_956] {strides = array<i32>} : memref<10x128x64xf32, #tpu.memory_space<vmem>>, vector<1x1x16xf32>,
        %get3A_958 = vector.shape_cast %get3A_957 : vector<1x1x16xf32> to vector<16xf32>
        %mul3A_959 = arith.constant 8.000000e+00 : f32
        %mul3A_960 = vector.broadcast %mul3A_959 : f32 to vector<16xf32>
        %mul3A_961 = arith.mulf %get3A_958, %mul3A_960 : vector<16xf32>
        %add3A_962 = arith.addf %mul3A_961, %get3A_322 : vector<16xf32>
        %swap3A_963 = arith.constant 1 : i32
        %swap3A_964 = arith.index_cast %swap3A_963 : i32 to index
        %swap3A_965 = arith.index_cast %scan3A_901 : i32 to index
        %swap3A_966 = arith.constant 48 : index
        %swap3A_967 = tpu.vector_load %arg8[%swap3A_964, %swap3A_965, %swap3A_966] {strides = array<i32>} : memref<10x128x64xf32, #tpu.memory_space<vmem>>, vector<1x1x16xf32>,
        %swap3A_968 = vector.shape_cast %swap3A_967 : vector<1x1x16xf32> to vector<16xf32>
        %swap3A_969 = vector.shape_cast %add3A_962 : vector<16xf32> to vector<1x1x16xf32>
        tpu.vector_store %arg8[%swap3A_964, %swap3A_965, %swap3A_966], %swap3A_969 {strides = array<i32>} : memref<10x128x64xf32, #tpu.memory_space<vmem>>, vector<1x1x16xf32>,
        %scan3A_970 = arith.constant 2 : i32
        %scan3A_971 = arith.addi %scan3A_832, %scan3A_970 : i32
        %get3A_972 = arith.constant 1 : i32
        %get3A_973 = arith.index_cast %get3A_972 : i32 to index
        %get3A_974 = arith.index_cast %scan3A_971 : i32 to index
        %get3A_975 = arith.constant 0 : index
        %get3A_976 = tpu.vector_load %arg8[%get3A_973, %get3A_974, %get3A_975] {strides = array<i32>} : memref<10x128x64xf32, #tpu.memory_space<vmem>>, vector<1x1x16xf32>,
        %get3A_977 = vector.shape_cast %get3A_976 : vector<1x1x16xf32> to vector<16xf32>
        %mul3A_978 = arith.constant 8.000000e+00 : f32
        %mul3A_979 = vector.broadcast %mul3A_978 : f32 to vector<16xf32>
        %mul3A_980 = arith.mulf %get3A_977, %mul3A_979 : vector<16xf32>
        %add3A_981 = arith.addf %mul3A_980, %get3A_310 : vector<16xf32>
        %swap3A_982 = arith.constant 1 : i32
        %swap3A_983 = arith.index_cast %swap3A_982 : i32 to index
        %swap3A_984 = arith.index_cast %scan3A_971 : i32 to index
        %swap3A_985 = arith.constant 0 : index
        %swap3A_986 = tpu.vector_load %arg8[%swap3A_983, %swap3A_984, %swap3A_985] {strides = array<i32>} : memref<10x128x64xf32, #tpu.memory_space<vmem>>, vector<1x1x16xf32>,
        %swap3A_987 = vector.shape_cast %swap3A_986 : vector<1x1x16xf32> to vector<16xf32>
        %swap3A_988 = vector.shape_cast %add3A_981 : vector<16xf32> to vector<1x1x16xf32>
        tpu.vector_store %arg8[%swap3A_983, %swap3A_984, %swap3A_985], %swap3A_988 {strides = array<i32>} : memref<10x128x64xf32, #tpu.memory_space<vmem>>, vector<1x1x16xf32>,
        %get3A_989 = arith.constant 1 : i32
        %get3A_990 = arith.index_cast %get3A_989 : i32 to index
        %get3A_991 = arith.index_cast %scan3A_971 : i32 to index
        %get3A_992 = arith.constant 16 : index
        %get3A_993 = tpu.vector_load %arg8[%get3A_990, %get3A_991, %get3A_992] {strides = array<i32>} : memref<10x128x64xf32, #tpu.memory_space<vmem>>, vector<1x1x16xf32>,
        %get3A_994 = vector.shape_cast %get3A_993 : vector<1x1x16xf32> to vector<16xf32>
        %mul3A_995 = arith.constant 8.000000e+00 : f32
        %mul3A_996 = vector.broadcast %mul3A_995 : f32 to vector<16xf32>
        %mul3A_997 = arith.mulf %get3A_994, %mul3A_996 : vector<16xf32>
        %add3A_998 = arith.addf %mul3A_997, %get3A_314 : vector<16xf32>
        %swap3A_999 = arith.constant 1 : i32
        %swap3A_1000 = arith.index_cast %swap3A_999 : i32 to index
        %swap3A_1001 = arith.index_cast %scan3A_971 : i32 to index
        %swap3A_1002 = arith.constant 16 : index
        %swap3A_1003 = tpu.vector_load %arg8[%swap3A_1000, %swap3A_1001, %swap3A_1002] {strides = array<i32>} : memref<10x128x64xf32, #tpu.memory_space<vmem>>, vector<1x1x16xf32>,
        %swap3A_1004 = vector.shape_cast %swap3A_1003 : vector<1x1x16xf32> to vector<16xf32>
        %swap3A_1005 = vector.shape_cast %add3A_998 : vector<16xf32> to vector<1x1x16xf32>
        tpu.vector_store %arg8[%swap3A_1000, %swap3A_1001, %swap3A_1002], %swap3A_1005 {strides = array<i32>} : memref<10x128x64xf32, #tpu.memory_space<vmem>>, vector<1x1x16xf32>,
        %get3A_1006 = arith.constant 1 : i32
        %get3A_1007 = arith.index_cast %get3A_1006 : i32 to index
        %get3A_1008 = arith.index_cast %scan3A_971 : i32 to index
        %get3A_1009 = arith.constant 32 : index
        %get3A_1010 = tpu.vector_load %arg8[%get3A_1007, %get3A_1008, %get3A_1009] {strides = array<i32>} : memref<10x128x64xf32, #tpu.memory_space<vmem>>, vector<1x1x16xf32>,
        %get3A_1011 = vector.shape_cast %get3A_1010 : vector<1x1x16xf32> to vector<16xf32>
        %mul3A_1012 = arith.constant 8.000000e+00 : f32
        %mul3A_1013 = vector.broadcast %mul3A_1012 : f32 to vector<16xf32>
        %mul3A_1014 = arith.mulf %get3A_1011, %mul3A_1013 : vector<16xf32>
        %add3A_1015 = arith.addf %mul3A_1014, %get3A_318 : vector<16xf32>
        %swap3A_1016 = arith.constant 1 : i32
        %swap3A_1017 = arith.index_cast %swap3A_1016 : i32 to index
        %swap3A_1018 = arith.index_cast %scan3A_971 : i32 to index
        %swap3A_1019 = arith.constant 32 : index
        %swap3A_1020 = tpu.vector_load %arg8[%swap3A_1017, %swap3A_1018, %swap3A_1019] {strides = array<i32>} : memref<10x128x64xf32, #tpu.memory_space<vmem>>, vector<1x1x16xf32>,
        %swap3A_1021 = vector.shape_cast %swap3A_1020 : vector<1x1x16xf32> to vector<16xf32>
        %swap3A_1022 = vector.shape_cast %add3A_1015 : vector<16xf32> to vector<1x1x16xf32>
        tpu.vector_store %arg8[%swap3A_1017, %swap3A_1018, %swap3A_1019], %swap3A_1022 {strides = array<i32>} : memref<10x128x64xf32, #tpu.memory_space<vmem>>, vector<1x1x16xf32>,
        %get3A_1023 = arith.constant 1 : i32
        %get3A_1024 = arith.index_cast %get3A_1023 : i32 to index
        %get3A_1025 = arith.index_cast %scan3A_971 : i32 to index
        %get3A_1026 = arith.constant 48 : index
        %get3A_1027 = tpu.vector_load %arg8[%get3A_1024, %get3A_1025, %get3A_1026] {strides = array<i32>} : memref<10x128x64xf32, #tpu.memory_space<vmem>>, vector<1x1x16xf32>,
        %get3A_1028 = vector.shape_cast %get3A_1027 : vector<1x1x16xf32> to vector<16xf32>
        %mul3A_1029 = arith.constant 8.000000e+00 : f32
        %mul3A_1030 = vector.broadcast %mul3A_1029 : f32 to vector<16xf32>
        %mul3A_1031 = arith.mulf %get3A_1028, %mul3A_1030 : vector<16xf32>
        %add3A_1032 = arith.addf %mul3A_1031, %get3A_322 : vector<16xf32>
        %swap3A_1033 = arith.constant 1 : i32
        %swap3A_1034 = arith.index_cast %swap3A_1033 : i32 to index
        %swap3A_1035 = arith.index_cast %scan3A_971 : i32 to index
        %swap3A_1036 = arith.constant 48 : index
        %swap3A_1037 = tpu.vector_load %arg8[%swap3A_1034, %swap3A_1035, %swap3A_1036] {strides = array<i32>} : memref<10x128x64xf32, #tpu.memory_space<vmem>>, vector<1x1x16xf32>,
        %swap3A_1038 = vector.shape_cast %swap3A_1037 : vector<1x1x16xf32> to vector<16xf32>
        %swap3A_1039 = vector.shape_cast %add3A_1032 : vector<16xf32> to vector<1x1x16xf32>
        tpu.vector_store %arg8[%swap3A_1034, %swap3A_1035, %swap3A_1036], %swap3A_1039 {strides = array<i32>} : memref<10x128x64xf32, #tpu.memory_space<vmem>>, vector<1x1x16xf32>,
        %scan3A_1040 = arith.constant 3 : i32
        %scan3A_1041 = arith.addi %scan3A_832, %scan3A_1040 : i32
        %get3A_1042 = arith.constant 1 : i32
        %get3A_1043 = arith.index_cast %get3A_1042 : i32 to index
        %get3A_1044 = arith.index_cast %scan3A_1041 : i32 to index
        %get3A_1045 = arith.constant 0 : index
        %get3A_1046 = tpu.vector_load %arg8[%get3A_1043, %get3A_1044, %get3A_1045] {strides = array<i32>} : memref<10x128x64xf32, #tpu.memory_space<vmem>>, vector<1x1x16xf32>,
        %get3A_1047 = vector.shape_cast %get3A_1046 : vector<1x1x16xf32> to vector<16xf32>
        %mul3A_1048 = arith.constant 8.000000e+00 : f32
        %mul3A_1049 = vector.broadcast %mul3A_1048 : f32 to vector<16xf32>
        %mul3A_1050 = arith.mulf %get3A_1047, %mul3A_1049 : vector<16xf32>
        %add3A_1051 = arith.addf %mul3A_1050, %get3A_310 : vector<16xf32>
        %swap3A_1052 = arith.constant 1 : i32
        %swap3A_1053 = arith.index_cast %swap3A_1052 : i32 to index
        %swap3A_1054 = arith.index_cast %scan3A_1041 : i32 to index
        %swap3A_1055 = arith.constant 0 : index
        %swap3A_1056 = tpu.vector_load %arg8[%swap3A_1053, %swap3A_1054, %swap3A_1055] {strides = array<i32>} : memref<10x128x64xf32, #tpu.memory_space<vmem>>, vector<1x1x16xf32>,
        %swap3A_1057 = vector.shape_cast %swap3A_1056 : vector<1x1x16xf32> to vector<16xf32>
        %swap3A_1058 = vector.shape_cast %add3A_1051 : vector<16xf32> to vector<1x1x16xf32>
        tpu.vector_store %arg8[%swap3A_1053, %swap3A_1054, %swap3A_1055], %swap3A_1058 {strides = array<i32>} : memref<10x128x64xf32, #tpu.memory_space<vmem>>, vector<1x1x16xf32>,
        %get3A_1059 = arith.constant 1 : i32
        %get3A_1060 = arith.index_cast %get3A_1059 : i32 to index
        %get3A_1061 = arith.index_cast %scan3A_1041 : i32 to index
        %get3A_1062 = arith.constant 16 : index
        %get3A_1063 = tpu.vector_load %arg8[%get3A_1060, %get3A_1061, %get3A_1062] {strides = array<i32>} : memref<10x128x64xf32, #tpu.memory_space<vmem>>, vector<1x1x16xf32>,
        %get3A_1064 = vector.shape_cast %get3A_1063 : vector<1x1x16xf32> to vector<16xf32>
        %mul3A_1065 = arith.constant 8.000000e+00 : f32
        %mul3A_1066 = vector.broadcast %mul3A_1065 : f32 to vector<16xf32>
        %mul3A_1067 = arith.mulf %get3A_1064, %mul3A_1066 : vector<16xf32>
        %add3A_1068 = arith.addf %mul3A_1067, %get3A_314 : vector<16xf32>
        %swap3A_1069 = arith.constant 1 : i32
        %swap3A_1070 = arith.index_cast %swap3A_1069 : i32 to index
        %swap3A_1071 = arith.index_cast %scan3A_1041 : i32 to index
        %swap3A_1072 = arith.constant 16 : index
        %swap3A_1073 = tpu.vector_load %arg8[%swap3A_1070, %swap3A_1071, %swap3A_1072] {strides = array<i32>} : memref<10x128x64xf32, #tpu.memory_space<vmem>>, vector<1x1x16xf32>,
        %swap3A_1074 = vector.shape_cast %swap3A_1073 : vector<1x1x16xf32> to vector<16xf32>
        %swap3A_1075 = vector.shape_cast %add3A_1068 : vector<16xf32> to vector<1x1x16xf32>
        tpu.vector_store %arg8[%swap3A_1070, %swap3A_1071, %swap3A_1072], %swap3A_1075 {strides = array<i32>} : memref<10x128x64xf32, #tpu.memory_space<vmem>>, vector<1x1x16xf32>,
        %get3A_1076 = arith.constant 1 : i32
        %get3A_1077 = arith.index_cast %get3A_1076 : i32 to index
        %get3A_1078 = arith.index_cast %scan3A_1041 : i32 to index
        %get3A_1079 = arith.constant 32 : index
        %get3A_1080 = tpu.vector_load %arg8[%get3A_1077, %get3A_1078, %get3A_1079] {strides = array<i32>} : memref<10x128x64xf32, #tpu.memory_space<vmem>>, vector<1x1x16xf32>,
        %get3A_1081 = vector.shape_cast %get3A_1080 : vector<1x1x16xf32> to vector<16xf32>
        %mul3A_1082 = arith.constant 8.000000e+00 : f32
        %mul3A_1083 = vector.broadcast %mul3A_1082 : f32 to vector<16xf32>
        %mul3A_1084 = arith.mulf %get3A_1081, %mul3A_1083 : vector<16xf32>
        %add3A_1085 = arith.addf %mul3A_1084, %get3A_318 : vector<16xf32>
        %swap3A_1086 = arith.constant 1 : i32
        %swap3A_1087 = arith.index_cast %swap3A_1086 : i32 to index
        %swap3A_1088 = arith.index_cast %scan3A_1041 : i32 to index
        %swap3A_1089 = arith.constant 32 : index
        %swap3A_1090 = tpu.vector_load %arg8[%swap3A_1087, %swap3A_1088, %swap3A_1089] {strides = array<i32>} : memref<10x128x64xf32, #tpu.memory_space<vmem>>, vector<1x1x16xf32>,
        %swap3A_1091 = vector.shape_cast %swap3A_1090 : vector<1x1x16xf32> to vector<16xf32>
        %swap3A_1092 = vector.shape_cast %add3A_1085 : vector<16xf32> to vector<1x1x16xf32>
        tpu.vector_store %arg8[%swap3A_1087, %swap3A_1088, %swap3A_1089], %swap3A_1092 {strides = array<i32>} : memref<10x128x64xf32, #tpu.memory_space<vmem>>, vector<1x1x16xf32>,
        %get3A_1093 = arith.constant 1 : i32
        %get3A_1094 = arith.index_cast %get3A_1093 : i32 to index
        %get3A_1095 = arith.index_cast %scan3A_1041 : i32 to index
        %get3A_1096 = arith.constant 48 : index
        %get3A_1097 = tpu.vector_load %arg8[%get3A_1094, %get3A_1095, %get3A_1096] {strides = array<i32>} : memref<10x128x64xf32, #tpu.memory_space<vmem>>, vector<1x1x16xf32>,
        %get3A_1098 = vector.shape_cast %get3A_1097 : vector<1x1x16xf32> to vector<16xf32>
        %mul3A_1099 = arith.constant 8.000000e+00 : f32
        %mul3A_1100 = vector.broadcast %mul3A_1099 : f32 to vector<16xf32>
        %mul3A_1101 = arith.mulf %get3A_1098, %mul3A_1100 : vector<16xf32>
        %add3A_1102 = arith.addf %mul3A_1101, %get3A_322 : vector<16xf32>
        %swap3A_1103 = arith.constant 1 : i32
        %swap3A_1104 = arith.index_cast %swap3A_1103 : i32 to index
        %swap3A_1105 = arith.index_cast %scan3A_1041 : i32 to index
        %swap3A_1106 = arith.constant 48 : index
        %swap3A_1107 = tpu.vector_load %arg8[%swap3A_1104, %swap3A_1105, %swap3A_1106] {strides = array<i32>} : memref<10x128x64xf32, #tpu.memory_space<vmem>>, vector<1x1x16xf32>,
        %swap3A_1108 = vector.shape_cast %swap3A_1107 : vector<1x1x16xf32> to vector<16xf32>
        %swap3A_1109 = vector.shape_cast %add3A_1102 : vector<16xf32> to vector<1x1x16xf32>
        tpu.vector_store %arg8[%swap3A_1104, %swap3A_1105, %swap3A_1106], %swap3A_1109 {strides = array<i32>} : memref<10x128x64xf32, #tpu.memory_space<vmem>>, vector<1x1x16xf32>,
      }
      %scan3A_328 = arith.constant 128 : i32
      %dma_start3A_329 = arith.constant 1 : i32
      %dma_start3A_330 = arith.constant 0 : i32
      %dma_start3A_331 = arith.constant 0 : i32
      %dma_start3A_332 = tpu.memref_slice %arg8[%dma_start3A_329, %dma_start3A_330, %dma_start3A_331] : memref<10x128x64xf32, #tpu.memory_space<vmem>> -> memref<1x128x64xf32, #tpu.memory_space<vmem>>
      %dma_start3A_333 = tpu.memref_squeeze %dma_start3A_332 : memref<1x128x64xf32, #tpu.memory_space<vmem>> -> memref<128x64xf32, #tpu.memory_space<vmem>>
      %dma_start3A_334 = arith.constant 0 : i32
      %dma_start3A_335 = tpu.memref_slice %arg5[%mul3A_2, %add3A_286, %dma_start3A_334] : memref<4096x200x64xf32, #tpu.memory_space<hbm>> -> memref<128x1x64xf32, #tpu.memory_space<hbm>>
      %dma_start3A_336 = tpu.memref_squeeze %dma_start3A_335 : memref<128x1x64xf32, #tpu.memory_space<hbm>> -> memref<128x64xf32, #tpu.memory_space<hbm>>
      %dma_start3A_337 = arith.constant 0 : i32
      %dma_start3A_338 = tpu.memref_slice %arg5[%mul3A_2, %add3A_286, %dma_start3A_337] : memref<4096x200x64xf32, #tpu.memory_space<hbm>> -> memref<128x1x64xf32, #tpu.memory_space<hbm>>
      %dma_start3A_339 = tpu.memref_squeeze %dma_start3A_338 : memref<128x1x64xf32, #tpu.memory_space<hbm>> -> memref<128x64xf32, #tpu.memory_space<hbm>>
      %dma_start3A_340 = arith.constant 0 : i32
      %dma_start3A_341 = arith.constant 0 : i32
      %dma_start3A_342 = tpu.memref_slice %arg8[%dma_start3A_329, %dma_start3A_340, %dma_start3A_341] : memref<10x128x64xf32, #tpu.memory_space<vmem>> -> memref<1x128x64xf32, #tpu.memory_space<vmem>>
      %dma_start3A_343 = tpu.memref_squeeze %dma_start3A_342 : memref<1x128x64xf32, #tpu.memory_space<vmem>> -> memref<128x64xf32, #tpu.memory_space<vmem>>
      tpu.enqueue_dma source(%dma_start3A_343 : memref<128x64xf32, #tpu.memory_space<vmem>>) target(%dma_start3A_339 : memref<128x64xf32, #tpu.memory_space<hbm>>) target_semaphore(%arg20 : memref<!tpu.dma_semaphore, #tpu.memory_space<semaphore_mem>>)
      %mul3A_344 = arith.constant 10 : i32
      %mul3A_345 = arith.muli %scan3A_226, %mul3A_344 : i32
      %add3A_346 = arith.constant 2 : i32
      %add3A_347 = arith.addi %mul3A_345, %add3A_346 : i32
      %add3A_348 = arith.constant 5 : i32
      %add3A_349 = arith.addi %add3A_347, %add3A_348 : i32
      %sub3A_350 = arith.constant 10 : i32
      %sub3A_351 = arith.subi %add3A_349, %sub3A_350 : i32
      %lt3A_352 = arith.constant 200 : i32
      %lt3A_353 = arith.cmpi slt, %add3A_349, %lt3A_352 : i32
      %convert_element_type3A_354 = arith.extui %lt3A_353 : i1 to i32
      %cond3A_355 = arith.constant 0 : i32
      %cond3A_356 = arith.cmpi ne, %convert_element_type3A_354, %cond3A_355 : i32
      scf.if %cond3A_356 {
        %ge3A = arith.constant 0 : i32
        %ge3A_832 = arith.cmpi sge, %sub3A_351, %ge3A : i32
        %convert_element_type3A_833 = arith.extui %ge3A_832 : i1 to i32
        %cond3A_834 = arith.constant 0 : i32
        %cond3A_835 = arith.cmpi ne, %convert_element_type3A_833, %cond3A_834 : i32
        scf.if %cond3A_835 {
          %dma_wait3A_847 = arith.constant 7 : i32
          %dma_wait3A_848 = arith.constant 0 : i32
          %dma_wait3A_849 = arith.constant 0 : i32
          %dma_wait3A_850 = tpu.memref_slice %arg8[%dma_wait3A_847, %dma_wait3A_848, %dma_wait3A_849] : memref<10x128x64xf32, #tpu.memory_space<vmem>> -> memref<1x128x64xf32, #tpu.memory_space<vmem>>
          %dma_wait3A_851 = tpu.memref_squeeze %dma_wait3A_850 : memref<1x128x64xf32, #tpu.memory_space<vmem>> -> memref<128x64xf32, #tpu.memory_space<vmem>>
          %dma_wait3A_852 = arith.constant 0 : i32
          %dma_wait3A_853 = tpu.memref_slice %arg5[%mul3A_2, %sub3A_351, %dma_wait3A_852] : memref<4096x200x64xf32, #tpu.memory_space<hbm>> -> memref<128x1x64xf32, #tpu.memory_space<hbm>>
          %dma_wait3A_854 = tpu.memref_squeeze %dma_wait3A_853 : memref<128x1x64xf32, #tpu.memory_space<hbm>> -> memref<128x64xf32, #tpu.memory_space<hbm>>
          %dma_wait3A_855 = arith.constant 0 : i32
          %dma_wait3A_856 = tpu.memref_slice %arg5[%mul3A_2, %sub3A_351, %dma_wait3A_855] : memref<4096x200x64xf32, #tpu.memory_space<hbm>> -> memref<128x1x64xf32, #tpu.memory_space<hbm>>
          %dma_wait3A_857 = tpu.memref_squeeze %dma_wait3A_856 : memref<128x1x64xf32, #tpu.memory_space<hbm>> -> memref<128x64xf32, #tpu.memory_space<hbm>>
          %dma_wait3A_858 = arith.constant 0 : i32
          %dma_wait3A_859 = arith.constant 0 : i32
          %dma_wait3A_860 = tpu.memref_slice %arg8[%dma_wait3A_847, %dma_wait3A_858, %dma_wait3A_859] : memref<10x128x64xf32, #tpu.memory_space<vmem>> -> memref<1x128x64xf32, #tpu.memory_space<vmem>>
          %dma_wait3A_861 = tpu.memref_squeeze %dma_wait3A_860 : memref<1x128x64xf32, #tpu.memory_space<vmem>> -> memref<128x64xf32, #tpu.memory_space<vmem>>
          tpu.wait_dma2 semaphore(%arg26 : memref<!tpu.dma_semaphore, #tpu.memory_space<semaphore_mem>>) src(%dma_wait3A_861 : memref<128x64xf32, #tpu.memory_space<vmem>>) dst(%dma_wait3A_857 : memref<128x64xf32, #tpu.memory_space<hbm>>)
        } else {
        }
        %dma_start3A_836 = arith.constant 7 : i32
        %dma_start3A_837 = arith.constant 0 : i32
        %dma_start3A_838 = arith.constant 0 : i32
        %dma_start3A_839 = tpu.memref_slice %arg8[%dma_start3A_836, %dma_start3A_837, %dma_start3A_838] : memref<10x128x64xf32, #tpu.memory_space<vmem>> -> memref<1x128x64xf32, #tpu.memory_space<vmem>>
        %dma_start3A_840 = tpu.memref_squeeze %dma_start3A_839 : memref<1x128x64xf32, #tpu.memory_space<vmem>> -> memref<128x64xf32, #tpu.memory_space<vmem>>
        %dma_start3A_841 = arith.constant 0 : i32
        %dma_start3A_842 = tpu.memref_slice %arg6[%add3A_349, %dma_start3A_841] : memref<200x128xi32, #tpu.memory_space<vmem>> -> memref<1x128xi32, #tpu.memory_space<vmem>>
        %dma_start3A_843 = tpu.memref_squeeze %dma_start3A_842 : memref<1x128xi32, #tpu.memory_space<vmem>> -> memref<128xi32, #tpu.memory_space<vmem>>
        %dma_start3A_844 = arith.constant 0 : i32
        %dma_start3A_845 = arith.constant 0 : i32
        %dma_start3A_846 = tpu.memref_slice %arg3[%dma_start3A_844, %dma_start3A_845] : memref<1000000x64xf32, #tpu.memory_space<hbm>> -> memref<1000000x64xf32, #tpu.memory_space<hbm>>
        tpu.enqueue_indirect_dma source(%dma_start3A_846 : memref<1000000x64xf32, #tpu.memory_space<hbm>>) target(%dma_start3A_840 : memref<128x64xf32, #tpu.memory_space<vmem>>) offsets(%dma_start3A_843 : memref<128xi32, #tpu.memory_space<vmem>>) semaphore(%arg16 : memref<!tpu.dma_semaphore, #tpu.memory_space<semaphore_mem>>)
      } else {
      }
      %dma_wait3A_357 = arith.constant 2 : i32
      %dma_wait3A_358 = arith.constant 0 : i32
      %dma_wait3A_359 = arith.constant 0 : i32
      %dma_wait3A_360 = tpu.memref_slice %arg8[%dma_wait3A_357, %dma_wait3A_358, %dma_wait3A_359] : memref<10x128x64xf32, #tpu.memory_space<vmem>> -> memref<1x128x64xf32, #tpu.memory_space<vmem>>
      %dma_wait3A_361 = tpu.memref_squeeze %dma_wait3A_360 : memref<1x128x64xf32, #tpu.memory_space<vmem>> -> memref<128x64xf32, #tpu.memory_space<vmem>>
      %dma_wait3A_362 = arith.constant 0 : i32
      %dma_wait3A_363 = tpu.memref_slice %arg6[%add3A_347, %dma_wait3A_362] : memref<200x128xi32, #tpu.memory_space<vmem>> -> memref<1x128xi32, #tpu.memory_space<vmem>>
      %dma_wait3A_364 = tpu.memref_squeeze %dma_wait3A_363 : memref<1x128xi32, #tpu.memory_space<vmem>> -> memref<128xi32, #tpu.memory_space<vmem>>
      %dma_wait3A_365 = arith.constant 0 : i32
      %dma_wait3A_366 = arith.constant 0 : i32
      %dma_wait3A_367 = tpu.memref_slice %arg3[%dma_wait3A_365, %dma_wait3A_366] : memref<1000000x64xf32, #tpu.memory_space<hbm>> -> memref<1000000x64xf32, #tpu.memory_space<hbm>>
      tpu.wait_indirect_dma semaphore(%arg11 : memref<!tpu.dma_semaphore, #tpu.memory_space<semaphore_mem>>) src(%dma_wait3A_367 : memref<1000000x64xf32, #tpu.memory_space<hbm>>) dst(%dma_wait3A_361 : memref<128x64xf32, #tpu.memory_space<vmem>>)
      %get3A_368 = arith.index_cast %add3A_347 : i32 to index
      %get3A_369 = arith.constant 0 : index
      %get3A_370 = tpu.vector_load %arg7[%get3A_368, %get3A_369] {strides = array<i32>} : memref<200x64xf32, #tpu.memory_space<vmem>>, vector<1x16xf32>,
      %get3A_371 = vector.shape_cast %get3A_370 : vector<1x16xf32> to vector<16xf32>
      %get3A_372 = arith.index_cast %add3A_347 : i32 to index
      %get3A_373 = arith.constant 16 : index
      %get3A_374 = tpu.vector_load %arg7[%get3A_372, %get3A_373] {strides = array<i32>} : memref<200x64xf32, #tpu.memory_space<vmem>>, vector<1x16xf32>,
      %get3A_375 = vector.shape_cast %get3A_374 : vector<1x16xf32> to vector<16xf32>
      %get3A_376 = arith.index_cast %add3A_347 : i32 to index
      %get3A_377 = arith.constant 32 : index
      %get3A_378 = tpu.vector_load %arg7[%get3A_376, %get3A_377] {strides = array<i32>} : memref<200x64xf32, #tpu.memory_space<vmem>>, vector<1x16xf32>,
      %get3A_379 = vector.shape_cast %get3A_378 : vector<1x16xf32> to vector<16xf32>
      %get3A_380 = arith.index_cast %add3A_347 : i32 to index
      %get3A_381 = arith.constant 48 : index
      %get3A_382 = tpu.vector_load %arg7[%get3A_380, %get3A_381] {strides = array<i32>} : memref<200x64xf32, #tpu.memory_space<vmem>>, vector<1x16xf32>,
      %get3A_383 = vector.shape_cast %get3A_382 : vector<1x16xf32> to vector<16xf32>
      %scan3A_384 = arith.constant 0 : i32
      %scan3A_385 = arith.constant 0 : i32
      %scan3A_386 = arith.constant 128 : i32
      %scan3A_387 = arith.addi %scan3A_385, %scan3A_386 : i32
      %scan3A_388 = arith.constant 4 : i32
      scf.for %scan3A_832 = %scan3A_385 to %scan3A_387 step %scan3A_388  : i32 {
        %get3A_833 = arith.constant 2 : i32
        %get3A_834 = arith.index_cast %get3A_833 : i32 to index
        %get3A_835 = arith.index_cast %scan3A_832 : i32 to index
        %get3A_836 = arith.constant 0 : index
        %get3A_837 = tpu.vector_load %arg8[%get3A_834, %get3A_835, %get3A_836] {strides = array<i32>} : memref<10x128x64xf32, #tpu.memory_space<vmem>>, vector<1x1x16xf32>,
        %get3A_838 = vector.shape_cast %get3A_837 : vector<1x1x16xf32> to vector<16xf32>
        %mul3A_839 = arith.constant 8.000000e+00 : f32
        %mul3A_840 = vector.broadcast %mul3A_839 : f32 to vector<16xf32>
        %mul3A_841 = arith.mulf %get3A_838, %mul3A_840 : vector<16xf32>
        %add3A_842 = arith.addf %mul3A_841, %get3A_371 : vector<16xf32>
        %swap3A = arith.constant 2 : i32
        %swap3A_843 = arith.index_cast %swap3A : i32 to index
        %swap3A_844 = arith.index_cast %scan3A_832 : i32 to index
        %swap3A_845 = arith.constant 0 : index
        %swap3A_846 = tpu.vector_load %arg8[%swap3A_843, %swap3A_844, %swap3A_845] {strides = array<i32>} : memref<10x128x64xf32, #tpu.memory_space<vmem>>, vector<1x1x16xf32>,
        %swap3A_847 = vector.shape_cast %swap3A_846 : vector<1x1x16xf32> to vector<16xf32>
        %swap3A_848 = vector.shape_cast %add3A_842 : vector<16xf32> to vector<1x1x16xf32>
        tpu.vector_store %arg8[%swap3A_843, %swap3A_844, %swap3A_845], %swap3A_848 {strides = array<i32>} : memref<10x128x64xf32, #tpu.memory_space<vmem>>, vector<1x1x16xf32>,
        %get3A_849 = arith.constant 2 : i32
        %get3A_850 = arith.index_cast %get3A_849 : i32 to index
        %get3A_851 = arith.index_cast %scan3A_832 : i32 to index
        %get3A_852 = arith.constant 16 : index
        %get3A_853 = tpu.vector_load %arg8[%get3A_850, %get3A_851, %get3A_852] {strides = array<i32>} : memref<10x128x64xf32, #tpu.memory_space<vmem>>, vector<1x1x16xf32>,
        %get3A_854 = vector.shape_cast %get3A_853 : vector<1x1x16xf32> to vector<16xf32>
        %mul3A_855 = arith.constant 8.000000e+00 : f32
        %mul3A_856 = vector.broadcast %mul3A_855 : f32 to vector<16xf32>
        %mul3A_857 = arith.mulf %get3A_854, %mul3A_856 : vector<16xf32>
        %add3A_858 = arith.addf %mul3A_857, %get3A_375 : vector<16xf32>
        %swap3A_859 = arith.constant 2 : i32
        %swap3A_860 = arith.index_cast %swap3A_859 : i32 to index
        %swap3A_861 = arith.index_cast %scan3A_832 : i32 to index
        %swap3A_862 = arith.constant 16 : index
        %swap3A_863 = tpu.vector_load %arg8[%swap3A_860, %swap3A_861, %swap3A_862] {strides = array<i32>} : memref<10x128x64xf32, #tpu.memory_space<vmem>>, vector<1x1x16xf32>,
        %swap3A_864 = vector.shape_cast %swap3A_863 : vector<1x1x16xf32> to vector<16xf32>
        %swap3A_865 = vector.shape_cast %add3A_858 : vector<16xf32> to vector<1x1x16xf32>
        tpu.vector_store %arg8[%swap3A_860, %swap3A_861, %swap3A_862], %swap3A_865 {strides = array<i32>} : memref<10x128x64xf32, #tpu.memory_space<vmem>>, vector<1x1x16xf32>,
        %get3A_866 = arith.constant 2 : i32
        %get3A_867 = arith.index_cast %get3A_866 : i32 to index
        %get3A_868 = arith.index_cast %scan3A_832 : i32 to index
        %get3A_869 = arith.constant 32 : index
        %get3A_870 = tpu.vector_load %arg8[%get3A_867, %get3A_868, %get3A_869] {strides = array<i32>} : memref<10x128x64xf32, #tpu.memory_space<vmem>>, vector<1x1x16xf32>,
        %get3A_871 = vector.shape_cast %get3A_870 : vector<1x1x16xf32> to vector<16xf32>
        %mul3A_872 = arith.constant 8.000000e+00 : f32
        %mul3A_873 = vector.broadcast %mul3A_872 : f32 to vector<16xf32>
        %mul3A_874 = arith.mulf %get3A_871, %mul3A_873 : vector<16xf32>
        %add3A_875 = arith.addf %mul3A_874, %get3A_379 : vector<16xf32>
        %swap3A_876 = arith.constant 2 : i32
        %swap3A_877 = arith.index_cast %swap3A_876 : i32 to index
        %swap3A_878 = arith.index_cast %scan3A_832 : i32 to index
        %swap3A_879 = arith.constant 32 : index
        %swap3A_880 = tpu.vector_load %arg8[%swap3A_877, %swap3A_878, %swap3A_879] {strides = array<i32>} : memref<10x128x64xf32, #tpu.memory_space<vmem>>, vector<1x1x16xf32>,
        %swap3A_881 = vector.shape_cast %swap3A_880 : vector<1x1x16xf32> to vector<16xf32>
        %swap3A_882 = vector.shape_cast %add3A_875 : vector<16xf32> to vector<1x1x16xf32>
        tpu.vector_store %arg8[%swap3A_877, %swap3A_878, %swap3A_879], %swap3A_882 {strides = array<i32>} : memref<10x128x64xf32, #tpu.memory_space<vmem>>, vector<1x1x16xf32>,
        %get3A_883 = arith.constant 2 : i32
        %get3A_884 = arith.index_cast %get3A_883 : i32 to index
        %get3A_885 = arith.index_cast %scan3A_832 : i32 to index
        %get3A_886 = arith.constant 48 : index
        %get3A_887 = tpu.vector_load %arg8[%get3A_884, %get3A_885, %get3A_886] {strides = array<i32>} : memref<10x128x64xf32, #tpu.memory_space<vmem>>, vector<1x1x16xf32>,
        %get3A_888 = vector.shape_cast %get3A_887 : vector<1x1x16xf32> to vector<16xf32>
        %mul3A_889 = arith.constant 8.000000e+00 : f32
        %mul3A_890 = vector.broadcast %mul3A_889 : f32 to vector<16xf32>
        %mul3A_891 = arith.mulf %get3A_888, %mul3A_890 : vector<16xf32>
        %add3A_892 = arith.addf %mul3A_891, %get3A_383 : vector<16xf32>
        %swap3A_893 = arith.constant 2 : i32
        %swap3A_894 = arith.index_cast %swap3A_893 : i32 to index
        %swap3A_895 = arith.index_cast %scan3A_832 : i32 to index
        %swap3A_896 = arith.constant 48 : index
        %swap3A_897 = tpu.vector_load %arg8[%swap3A_894, %swap3A_895, %swap3A_896] {strides = array<i32>} : memref<10x128x64xf32, #tpu.memory_space<vmem>>, vector<1x1x16xf32>,
        %swap3A_898 = vector.shape_cast %swap3A_897 : vector<1x1x16xf32> to vector<16xf32>
        %swap3A_899 = vector.shape_cast %add3A_892 : vector<16xf32> to vector<1x1x16xf32>
        tpu.vector_store %arg8[%swap3A_894, %swap3A_895, %swap3A_896], %swap3A_899 {strides = array<i32>} : memref<10x128x64xf32, #tpu.memory_space<vmem>>, vector<1x1x16xf32>,
        %scan3A_900 = arith.constant 1 : i32
        %scan3A_901 = arith.addi %scan3A_832, %scan3A_900 : i32
        %get3A_902 = arith.constant 2 : i32
        %get3A_903 = arith.index_cast %get3A_902 : i32 to index
        %get3A_904 = arith.index_cast %scan3A_901 : i32 to index
        %get3A_905 = arith.constant 0 : index
        %get3A_906 = tpu.vector_load %arg8[%get3A_903, %get3A_904, %get3A_905] {strides = array<i32>} : memref<10x128x64xf32, #tpu.memory_space<vmem>>, vector<1x1x16xf32>,
        %get3A_907 = vector.shape_cast %get3A_906 : vector<1x1x16xf32> to vector<16xf32>
        %mul3A_908 = arith.constant 8.000000e+00 : f32
        %mul3A_909 = vector.broadcast %mul3A_908 : f32 to vector<16xf32>
        %mul3A_910 = arith.mulf %get3A_907, %mul3A_909 : vector<16xf32>
        %add3A_911 = arith.addf %mul3A_910, %get3A_371 : vector<16xf32>
        %swap3A_912 = arith.constant 2 : i32
        %swap3A_913 = arith.index_cast %swap3A_912 : i32 to index
        %swap3A_914 = arith.index_cast %scan3A_901 : i32 to index
        %swap3A_915 = arith.constant 0 : index
        %swap3A_916 = tpu.vector_load %arg8[%swap3A_913, %swap3A_914, %swap3A_915] {strides = array<i32>} : memref<10x128x64xf32, #tpu.memory_space<vmem>>, vector<1x1x16xf32>,
        %swap3A_917 = vector.shape_cast %swap3A_916 : vector<1x1x16xf32> to vector<16xf32>
        %swap3A_918 = vector.shape_cast %add3A_911 : vector<16xf32> to vector<1x1x16xf32>
        tpu.vector_store %arg8[%swap3A_913, %swap3A_914, %swap3A_915], %swap3A_918 {strides = array<i32>} : memref<10x128x64xf32, #tpu.memory_space<vmem>>, vector<1x1x16xf32>,
        %get3A_919 = arith.constant 2 : i32
        %get3A_920 = arith.index_cast %get3A_919 : i32 to index
        %get3A_921 = arith.index_cast %scan3A_901 : i32 to index
        %get3A_922 = arith.constant 16 : index
        %get3A_923 = tpu.vector_load %arg8[%get3A_920, %get3A_921, %get3A_922] {strides = array<i32>} : memref<10x128x64xf32, #tpu.memory_space<vmem>>, vector<1x1x16xf32>,
        %get3A_924 = vector.shape_cast %get3A_923 : vector<1x1x16xf32> to vector<16xf32>
        %mul3A_925 = arith.constant 8.000000e+00 : f32
        %mul3A_926 = vector.broadcast %mul3A_925 : f32 to vector<16xf32>
        %mul3A_927 = arith.mulf %get3A_924, %mul3A_926 : vector<16xf32>
        %add3A_928 = arith.addf %mul3A_927, %get3A_375 : vector<16xf32>
        %swap3A_929 = arith.constant 2 : i32
        %swap3A_930 = arith.index_cast %swap3A_929 : i32 to index
        %swap3A_931 = arith.index_cast %scan3A_901 : i32 to index
        %swap3A_932 = arith.constant 16 : index
        %swap3A_933 = tpu.vector_load %arg8[%swap3A_930, %swap3A_931, %swap3A_932] {strides = array<i32>} : memref<10x128x64xf32, #tpu.memory_space<vmem>>, vector<1x1x16xf32>,
        %swap3A_934 = vector.shape_cast %swap3A_933 : vector<1x1x16xf32> to vector<16xf32>
        %swap3A_935 = vector.shape_cast %add3A_928 : vector<16xf32> to vector<1x1x16xf32>
        tpu.vector_store %arg8[%swap3A_930, %swap3A_931, %swap3A_932], %swap3A_935 {strides = array<i32>} : memref<10x128x64xf32, #tpu.memory_space<vmem>>, vector<1x1x16xf32>,
        %get3A_936 = arith.constant 2 : i32
        %get3A_937 = arith.index_cast %get3A_936 : i32 to index
        %get3A_938 = arith.index_cast %scan3A_901 : i32 to index
        %get3A_939 = arith.constant 32 : index
        %get3A_940 = tpu.vector_load %arg8[%get3A_937, %get3A_938, %get3A_939] {strides = array<i32>} : memref<10x128x64xf32, #tpu.memory_space<vmem>>, vector<1x1x16xf32>,
        %get3A_941 = vector.shape_cast %get3A_940 : vector<1x1x16xf32> to vector<16xf32>
        %mul3A_942 = arith.constant 8.000000e+00 : f32
        %mul3A_943 = vector.broadcast %mul3A_942 : f32 to vector<16xf32>
        %mul3A_944 = arith.mulf %get3A_941, %mul3A_943 : vector<16xf32>
        %add3A_945 = arith.addf %mul3A_944, %get3A_379 : vector<16xf32>
        %swap3A_946 = arith.constant 2 : i32
        %swap3A_947 = arith.index_cast %swap3A_946 : i32 to index
        %swap3A_948 = arith.index_cast %scan3A_901 : i32 to index
        %swap3A_949 = arith.constant 32 : index
        %swap3A_950 = tpu.vector_load %arg8[%swap3A_947, %swap3A_948, %swap3A_949] {strides = array<i32>} : memref<10x128x64xf32, #tpu.memory_space<vmem>>, vector<1x1x16xf32>,
        %swap3A_951 = vector.shape_cast %swap3A_950 : vector<1x1x16xf32> to vector<16xf32>
        %swap3A_952 = vector.shape_cast %add3A_945 : vector<16xf32> to vector<1x1x16xf32>
        tpu.vector_store %arg8[%swap3A_947, %swap3A_948, %swap3A_949], %swap3A_952 {strides = array<i32>} : memref<10x128x64xf32, #tpu.memory_space<vmem>>, vector<1x1x16xf32>,
        %get3A_953 = arith.constant 2 : i32
        %get3A_954 = arith.index_cast %get3A_953 : i32 to index
        %get3A_955 = arith.index_cast %scan3A_901 : i32 to index
        %get3A_956 = arith.constant 48 : index
        %get3A_957 = tpu.vector_load %arg8[%get3A_954, %get3A_955, %get3A_956] {strides = array<i32>} : memref<10x128x64xf32, #tpu.memory_space<vmem>>, vector<1x1x16xf32>,
        %get3A_958 = vector.shape_cast %get3A_957 : vector<1x1x16xf32> to vector<16xf32>
        %mul3A_959 = arith.constant 8.000000e+00 : f32
        %mul3A_960 = vector.broadcast %mul3A_959 : f32 to vector<16xf32>
        %mul3A_961 = arith.mulf %get3A_958, %mul3A_960 : vector<16xf32>
        %add3A_962 = arith.addf %mul3A_961, %get3A_383 : vector<16xf32>
        %swap3A_963 = arith.constant 2 : i32
        %swap3A_964 = arith.index_cast %swap3A_963 : i32 to index
        %swap3A_965 = arith.index_cast %scan3A_901 : i32 to index
        %swap3A_966 = arith.constant 48 : index
        %swap3A_967 = tpu.vector_load %arg8[%swap3A_964, %swap3A_965, %swap3A_966] {strides = array<i32>} : memref<10x128x64xf32, #tpu.memory_space<vmem>>, vector<1x1x16xf32>,
        %swap3A_968 = vector.shape_cast %swap3A_967 : vector<1x1x16xf32> to vector<16xf32>
        %swap3A_969 = vector.shape_cast %add3A_962 : vector<16xf32> to vector<1x1x16xf32>
        tpu.vector_store %arg8[%swap3A_964, %swap3A_965, %swap3A_966], %swap3A_969 {strides = array<i32>} : memref<10x128x64xf32, #tpu.memory_space<vmem>>, vector<1x1x16xf32>,
        %scan3A_970 = arith.constant 2 : i32
        %scan3A_971 = arith.addi %scan3A_832, %scan3A_970 : i32
        %get3A_972 = arith.constant 2 : i32
        %get3A_973 = arith.index_cast %get3A_972 : i32 to index
        %get3A_974 = arith.index_cast %scan3A_971 : i32 to index
        %get3A_975 = arith.constant 0 : index
        %get3A_976 = tpu.vector_load %arg8[%get3A_973, %get3A_974, %get3A_975] {strides = array<i32>} : memref<10x128x64xf32, #tpu.memory_space<vmem>>, vector<1x1x16xf32>,
        %get3A_977 = vector.shape_cast %get3A_976 : vector<1x1x16xf32> to vector<16xf32>
        %mul3A_978 = arith.constant 8.000000e+00 : f32
        %mul3A_979 = vector.broadcast %mul3A_978 : f32 to vector<16xf32>
        %mul3A_980 = arith.mulf %get3A_977, %mul3A_979 : vector<16xf32>
        %add3A_981 = arith.addf %mul3A_980, %get3A_371 : vector<16xf32>
        %swap3A_982 = arith.constant 2 : i32
        %swap3A_983 = arith.index_cast %swap3A_982 : i32 to index
        %swap3A_984 = arith.index_cast %scan3A_971 : i32 to index
        %swap3A_985 = arith.constant 0 : index
        %swap3A_986 = tpu.vector_load %arg8[%swap3A_983, %swap3A_984, %swap3A_985] {strides = array<i32>} : memref<10x128x64xf32, #tpu.memory_space<vmem>>, vector<1x1x16xf32>,
        %swap3A_987 = vector.shape_cast %swap3A_986 : vector<1x1x16xf32> to vector<16xf32>
        %swap3A_988 = vector.shape_cast %add3A_981 : vector<16xf32> to vector<1x1x16xf32>
        tpu.vector_store %arg8[%swap3A_983, %swap3A_984, %swap3A_985], %swap3A_988 {strides = array<i32>} : memref<10x128x64xf32, #tpu.memory_space<vmem>>, vector<1x1x16xf32>,
        %get3A_989 = arith.constant 2 : i32
        %get3A_990 = arith.index_cast %get3A_989 : i32 to index
        %get3A_991 = arith.index_cast %scan3A_971 : i32 to index
        %get3A_992 = arith.constant 16 : index
        %get3A_993 = tpu.vector_load %arg8[%get3A_990, %get3A_991, %get3A_992] {strides = array<i32>} : memref<10x128x64xf32, #tpu.memory_space<vmem>>, vector<1x1x16xf32>,
        %get3A_994 = vector.shape_cast %get3A_993 : vector<1x1x16xf32> to vector<16xf32>
        %mul3A_995 = arith.constant 8.000000e+00 : f32
        %mul3A_996 = vector.broadcast %mul3A_995 : f32 to vector<16xf32>
        %mul3A_997 = arith.mulf %get3A_994, %mul3A_996 : vector<16xf32>
        %add3A_998 = arith.addf %mul3A_997, %get3A_375 : vector<16xf32>
        %swap3A_999 = arith.constant 2 : i32
        %swap3A_1000 = arith.index_cast %swap3A_999 : i32 to index
        %swap3A_1001 = arith.index_cast %scan3A_971 : i32 to index
        %swap3A_1002 = arith.constant 16 : index
        %swap3A_1003 = tpu.vector_load %arg8[%swap3A_1000, %swap3A_1001, %swap3A_1002] {strides = array<i32>} : memref<10x128x64xf32, #tpu.memory_space<vmem>>, vector<1x1x16xf32>,
        %swap3A_1004 = vector.shape_cast %swap3A_1003 : vector<1x1x16xf32> to vector<16xf32>
        %swap3A_1005 = vector.shape_cast %add3A_998 : vector<16xf32> to vector<1x1x16xf32>
        tpu.vector_store %arg8[%swap3A_1000, %swap3A_1001, %swap3A_1002], %swap3A_1005 {strides = array<i32>} : memref<10x128x64xf32, #tpu.memory_space<vmem>>, vector<1x1x16xf32>,
        %get3A_1006 = arith.constant 2 : i32
        %get3A_1007 = arith.index_cast %get3A_1006 : i32 to index
        %get3A_1008 = arith.index_cast %scan3A_971 : i32 to index
        %get3A_1009 = arith.constant 32 : index
        %get3A_1010 = tpu.vector_load %arg8[%get3A_1007, %get3A_1008, %get3A_1009] {strides = array<i32>} : memref<10x128x64xf32, #tpu.memory_space<vmem>>, vector<1x1x16xf32>,
        %get3A_1011 = vector.shape_cast %get3A_1010 : vector<1x1x16xf32> to vector<16xf32>
        %mul3A_1012 = arith.constant 8.000000e+00 : f32
        %mul3A_1013 = vector.broadcast %mul3A_1012 : f32 to vector<16xf32>
        %mul3A_1014 = arith.mulf %get3A_1011, %mul3A_1013 : vector<16xf32>
        %add3A_1015 = arith.addf %mul3A_1014, %get3A_379 : vector<16xf32>
        %swap3A_1016 = arith.constant 2 : i32
        %swap3A_1017 = arith.index_cast %swap3A_1016 : i32 to index
        %swap3A_1018 = arith.index_cast %scan3A_971 : i32 to index
        %swap3A_1019 = arith.constant 32 : index
        %swap3A_1020 = tpu.vector_load %arg8[%swap3A_1017, %swap3A_1018, %swap3A_1019] {strides = array<i32>} : memref<10x128x64xf32, #tpu.memory_space<vmem>>, vector<1x1x16xf32>,
        %swap3A_1021 = vector.shape_cast %swap3A_1020 : vector<1x1x16xf32> to vector<16xf32>
        %swap3A_1022 = vector.shape_cast %add3A_1015 : vector<16xf32> to vector<1x1x16xf32>
        tpu.vector_store %arg8[%swap3A_1017, %swap3A_1018, %swap3A_1019], %swap3A_1022 {strides = array<i32>} : memref<10x128x64xf32, #tpu.memory_space<vmem>>, vector<1x1x16xf32>,
        %get3A_1023 = arith.constant 2 : i32
        %get3A_1024 = arith.index_cast %get3A_1023 : i32 to index
        %get3A_1025 = arith.index_cast %scan3A_971 : i32 to index
        %get3A_1026 = arith.constant 48 : index
        %get3A_1027 = tpu.vector_load %arg8[%get3A_1024, %get3A_1025, %get3A_1026] {strides = array<i32>} : memref<10x128x64xf32, #tpu.memory_space<vmem>>, vector<1x1x16xf32>,
        %get3A_1028 = vector.shape_cast %get3A_1027 : vector<1x1x16xf32> to vector<16xf32>
        %mul3A_1029 = arith.constant 8.000000e+00 : f32
        %mul3A_1030 = vector.broadcast %mul3A_1029 : f32 to vector<16xf32>
        %mul3A_1031 = arith.mulf %get3A_1028, %mul3A_1030 : vector<16xf32>
        %add3A_1032 = arith.addf %mul3A_1031, %get3A_383 : vector<16xf32>
        %swap3A_1033 = arith.constant 2 : i32
        %swap3A_1034 = arith.index_cast %swap3A_1033 : i32 to index
        %swap3A_1035 = arith.index_cast %scan3A_971 : i32 to index
        %swap3A_1036 = arith.constant 48 : index
        %swap3A_1037 = tpu.vector_load %arg8[%swap3A_1034, %swap3A_1035, %swap3A_1036] {strides = array<i32>} : memref<10x128x64xf32, #tpu.memory_space<vmem>>, vector<1x1x16xf32>,
        %swap3A_1038 = vector.shape_cast %swap3A_1037 : vector<1x1x16xf32> to vector<16xf32>
        %swap3A_1039 = vector.shape_cast %add3A_1032 : vector<16xf32> to vector<1x1x16xf32>
        tpu.vector_store %arg8[%swap3A_1034, %swap3A_1035, %swap3A_1036], %swap3A_1039 {strides = array<i32>} : memref<10x128x64xf32, #tpu.memory_space<vmem>>, vector<1x1x16xf32>,
        %scan3A_1040 = arith.constant 3 : i32
        %scan3A_1041 = arith.addi %scan3A_832, %scan3A_1040 : i32
        %get3A_1042 = arith.constant 2 : i32
        %get3A_1043 = arith.index_cast %get3A_1042 : i32 to index
        %get3A_1044 = arith.index_cast %scan3A_1041 : i32 to index
        %get3A_1045 = arith.constant 0 : index
        %get3A_1046 = tpu.vector_load %arg8[%get3A_1043, %get3A_1044, %get3A_1045] {strides = array<i32>} : memref<10x128x64xf32, #tpu.memory_space<vmem>>, vector<1x1x16xf32>,
        %get3A_1047 = vector.shape_cast %get3A_1046 : vector<1x1x16xf32> to vector<16xf32>
        %mul3A_1048 = arith.constant 8.000000e+00 : f32
        %mul3A_1049 = vector.broadcast %mul3A_1048 : f32 to vector<16xf32>
        %mul3A_1050 = arith.mulf %get3A_1047, %mul3A_1049 : vector<16xf32>
        %add3A_1051 = arith.addf %mul3A_1050, %get3A_371 : vector<16xf32>
        %swap3A_1052 = arith.constant 2 : i32
        %swap3A_1053 = arith.index_cast %swap3A_1052 : i32 to index
        %swap3A_1054 = arith.index_cast %scan3A_1041 : i32 to index
        %swap3A_1055 = arith.constant 0 : index
        %swap3A_1056 = tpu.vector_load %arg8[%swap3A_1053, %swap3A_1054, %swap3A_1055] {strides = array<i32>} : memref<10x128x64xf32, #tpu.memory_space<vmem>>, vector<1x1x16xf32>,
        %swap3A_1057 = vector.shape_cast %swap3A_1056 : vector<1x1x16xf32> to vector<16xf32>
        %swap3A_1058 = vector.shape_cast %add3A_1051 : vector<16xf32> to vector<1x1x16xf32>
        tpu.vector_store %arg8[%swap3A_1053, %swap3A_1054, %swap3A_1055], %swap3A_1058 {strides = array<i32>} : memref<10x128x64xf32, #tpu.memory_space<vmem>>, vector<1x1x16xf32>,
        %get3A_1059 = arith.constant 2 : i32
        %get3A_1060 = arith.index_cast %get3A_1059 : i32 to index
        %get3A_1061 = arith.index_cast %scan3A_1041 : i32 to index
        %get3A_1062 = arith.constant 16 : index
        %get3A_1063 = tpu.vector_load %arg8[%get3A_1060, %get3A_1061, %get3A_1062] {strides = array<i32>} : memref<10x128x64xf32, #tpu.memory_space<vmem>>, vector<1x1x16xf32>,
        %get3A_1064 = vector.shape_cast %get3A_1063 : vector<1x1x16xf32> to vector<16xf32>
        %mul3A_1065 = arith.constant 8.000000e+00 : f32
        %mul3A_1066 = vector.broadcast %mul3A_1065 : f32 to vector<16xf32>
        %mul3A_1067 = arith.mulf %get3A_1064, %mul3A_1066 : vector<16xf32>
        %add3A_1068 = arith.addf %mul3A_1067, %get3A_375 : vector<16xf32>
        %swap3A_1069 = arith.constant 2 : i32
        %swap3A_1070 = arith.index_cast %swap3A_1069 : i32 to index
        %swap3A_1071 = arith.index_cast %scan3A_1041 : i32 to index
        %swap3A_1072 = arith.constant 16 : index
        %swap3A_1073 = tpu.vector_load %arg8[%swap3A_1070, %swap3A_1071, %swap3A_1072] {strides = array<i32>} : memref<10x128x64xf32, #tpu.memory_space<vmem>>, vector<1x1x16xf32>,
        %swap3A_1074 = vector.shape_cast %swap3A_1073 : vector<1x1x16xf32> to vector<16xf32>
        %swap3A_1075 = vector.shape_cast %add3A_1068 : vector<16xf32> to vector<1x1x16xf32>
        tpu.vector_store %arg8[%swap3A_1070, %swap3A_1071, %swap3A_1072], %swap3A_1075 {strides = array<i32>} : memref<10x128x64xf32, #tpu.memory_space<vmem>>, vector<1x1x16xf32>,
        %get3A_1076 = arith.constant 2 : i32
        %get3A_1077 = arith.index_cast %get3A_1076 : i32 to index
        %get3A_1078 = arith.index_cast %scan3A_1041 : i32 to index
        %get3A_1079 = arith.constant 32 : index
        %get3A_1080 = tpu.vector_load %arg8[%get3A_1077, %get3A_1078, %get3A_1079] {strides = array<i32>} : memref<10x128x64xf32, #tpu.memory_space<vmem>>, vector<1x1x16xf32>,
        %get3A_1081 = vector.shape_cast %get3A_1080 : vector<1x1x16xf32> to vector<16xf32>
        %mul3A_1082 = arith.constant 8.000000e+00 : f32
        %mul3A_1083 = vector.broadcast %mul3A_1082 : f32 to vector<16xf32>
        %mul3A_1084 = arith.mulf %get3A_1081, %mul3A_1083 : vector<16xf32>
        %add3A_1085 = arith.addf %mul3A_1084, %get3A_379 : vector<16xf32>
        %swap3A_1086 = arith.constant 2 : i32
        %swap3A_1087 = arith.index_cast %swap3A_1086 : i32 to index
        %swap3A_1088 = arith.index_cast %scan3A_1041 : i32 to index
        %swap3A_1089 = arith.constant 32 : index
        %swap3A_1090 = tpu.vector_load %arg8[%swap3A_1087, %swap3A_1088, %swap3A_1089] {strides = array<i32>} : memref<10x128x64xf32, #tpu.memory_space<vmem>>, vector<1x1x16xf32>,
        %swap3A_1091 = vector.shape_cast %swap3A_1090 : vector<1x1x16xf32> to vector<16xf32>
        %swap3A_1092 = vector.shape_cast %add3A_1085 : vector<16xf32> to vector<1x1x16xf32>
        tpu.vector_store %arg8[%swap3A_1087, %swap3A_1088, %swap3A_1089], %swap3A_1092 {strides = array<i32>} : memref<10x128x64xf32, #tpu.memory_space<vmem>>, vector<1x1x16xf32>,
        %get3A_1093 = arith.constant 2 : i32
        %get3A_1094 = arith.index_cast %get3A_1093 : i32 to index
        %get3A_1095 = arith.index_cast %scan3A_1041 : i32 to index
        %get3A_1096 = arith.constant 48 : index
        %get3A_1097 = tpu.vector_load %arg8[%get3A_1094, %get3A_1095, %get3A_1096] {strides = array<i32>} : memref<10x128x64xf32, #tpu.memory_space<vmem>>, vector<1x1x16xf32>,
        %get3A_1098 = vector.shape_cast %get3A_1097 : vector<1x1x16xf32> to vector<16xf32>
        %mul3A_1099 = arith.constant 8.000000e+00 : f32
        %mul3A_1100 = vector.broadcast %mul3A_1099 : f32 to vector<16xf32>
        %mul3A_1101 = arith.mulf %get3A_1098, %mul3A_1100 : vector<16xf32>
        %add3A_1102 = arith.addf %mul3A_1101, %get3A_383 : vector<16xf32>
        %swap3A_1103 = arith.constant 2 : i32
        %swap3A_1104 = arith.index_cast %swap3A_1103 : i32 to index
        %swap3A_1105 = arith.index_cast %scan3A_1041 : i32 to index
        %swap3A_1106 = arith.constant 48 : index
        %swap3A_1107 = tpu.vector_load %arg8[%swap3A_1104, %swap3A_1105, %swap3A_1106] {strides = array<i32>} : memref<10x128x64xf32, #tpu.memory_space<vmem>>, vector<1x1x16xf32>,
        %swap3A_1108 = vector.shape_cast %swap3A_1107 : vector<1x1x16xf32> to vector<16xf32>
        %swap3A_1109 = vector.shape_cast %add3A_1102 : vector<16xf32> to vector<1x1x16xf32>
        tpu.vector_store %arg8[%swap3A_1104, %swap3A_1105, %swap3A_1106], %swap3A_1109 {strides = array<i32>} : memref<10x128x64xf32, #tpu.memory_space<vmem>>, vector<1x1x16xf32>,
      }
      %scan3A_389 = arith.constant 128 : i32
      %dma_start3A_390 = arith.constant 2 : i32
      %dma_start3A_391 = arith.constant 0 : i32
      %dma_start3A_392 = arith.constant 0 : i32
      %dma_start3A_393 = tpu.memref_slice %arg8[%dma_start3A_390, %dma_start3A_391, %dma_start3A_392] : memref<10x128x64xf32, #tpu.memory_space<vmem>> -> memref<1x128x64xf32, #tpu.memory_space<vmem>>
      %dma_start3A_394 = tpu.memref_squeeze %dma_start3A_393 : memref<1x128x64xf32, #tpu.memory_space<vmem>> -> memref<128x64xf32, #tpu.memory_space<vmem>>
      %dma_start3A_395 = arith.constant 0 : i32
      %dma_start3A_396 = tpu.memref_slice %arg5[%mul3A_2, %add3A_347, %dma_start3A_395] : memref<4096x200x64xf32, #tpu.memory_space<hbm>> -> memref<128x1x64xf32, #tpu.memory_space<hbm>>
      %dma_start3A_397 = tpu.memref_squeeze %dma_start3A_396 : memref<128x1x64xf32, #tpu.memory_space<hbm>> -> memref<128x64xf32, #tpu.memory_space<hbm>>
      %dma_start3A_398 = arith.constant 0 : i32
      %dma_start3A_399 = tpu.memref_slice %arg5[%mul3A_2, %add3A_347, %dma_start3A_398] : memref<4096x200x64xf32, #tpu.memory_space<hbm>> -> memref<128x1x64xf32, #tpu.memory_space<hbm>>
      %dma_start3A_400 = tpu.memref_squeeze %dma_start3A_399 : memref<128x1x64xf32, #tpu.memory_space<hbm>> -> memref<128x64xf32, #tpu.memory_space<hbm>>
      %dma_start3A_401 = arith.constant 0 : i32
      %dma_start3A_402 = arith.constant 0 : i32
      %dma_start3A_403 = tpu.memref_slice %arg8[%dma_start3A_390, %dma_start3A_401, %dma_start3A_402] : memref<10x128x64xf32, #tpu.memory_space<vmem>> -> memref<1x128x64xf32, #tpu.memory_space<vmem>>
      %dma_start3A_404 = tpu.memref_squeeze %dma_start3A_403 : memref<1x128x64xf32, #tpu.memory_space<vmem>> -> memref<128x64xf32, #tpu.memory_space<vmem>>
      tpu.enqueue_dma source(%dma_start3A_404 : memref<128x64xf32, #tpu.memory_space<vmem>>) target(%dma_start3A_400 : memref<128x64xf32, #tpu.memory_space<hbm>>) target_semaphore(%arg21 : memref<!tpu.dma_semaphore, #tpu.memory_space<semaphore_mem>>)
      %mul3A_405 = arith.constant 10 : i32
      %mul3A_406 = arith.muli %scan3A_226, %mul3A_405 : i32
      %add3A_407 = arith.constant 3 : i32
      %add3A_408 = arith.addi %mul3A_406, %add3A_407 : i32
      %add3A_409 = arith.constant 5 : i32
      %add3A_410 = arith.addi %add3A_408, %add3A_409 : i32
      %sub3A_411 = arith.constant 10 : i32
      %sub3A_412 = arith.subi %add3A_410, %sub3A_411 : i32
      %lt3A_413 = arith.constant 200 : i32
      %lt3A_414 = arith.cmpi slt, %add3A_410, %lt3A_413 : i32
      %convert_element_type3A_415 = arith.extui %lt3A_414 : i1 to i32
      %cond3A_416 = arith.constant 0 : i32
      %cond3A_417 = arith.cmpi ne, %convert_element_type3A_415, %cond3A_416 : i32
      scf.if %cond3A_417 {
        %ge3A = arith.constant 0 : i32
        %ge3A_832 = arith.cmpi sge, %sub3A_412, %ge3A : i32
        %convert_element_type3A_833 = arith.extui %ge3A_832 : i1 to i32
        %cond3A_834 = arith.constant 0 : i32
        %cond3A_835 = arith.cmpi ne, %convert_element_type3A_833, %cond3A_834 : i32
        scf.if %cond3A_835 {
          %dma_wait3A_847 = arith.constant 8 : i32
          %dma_wait3A_848 = arith.constant 0 : i32
          %dma_wait3A_849 = arith.constant 0 : i32
          %dma_wait3A_850 = tpu.memref_slice %arg8[%dma_wait3A_847, %dma_wait3A_848, %dma_wait3A_849] : memref<10x128x64xf32, #tpu.memory_space<vmem>> -> memref<1x128x64xf32, #tpu.memory_space<vmem>>
          %dma_wait3A_851 = tpu.memref_squeeze %dma_wait3A_850 : memref<1x128x64xf32, #tpu.memory_space<vmem>> -> memref<128x64xf32, #tpu.memory_space<vmem>>
          %dma_wait3A_852 = arith.constant 0 : i32
          %dma_wait3A_853 = tpu.memref_slice %arg5[%mul3A_2, %sub3A_412, %dma_wait3A_852] : memref<4096x200x64xf32, #tpu.memory_space<hbm>> -> memref<128x1x64xf32, #tpu.memory_space<hbm>>
          %dma_wait3A_854 = tpu.memref_squeeze %dma_wait3A_853 : memref<128x1x64xf32, #tpu.memory_space<hbm>> -> memref<128x64xf32, #tpu.memory_space<hbm>>
          %dma_wait3A_855 = arith.constant 0 : i32
          %dma_wait3A_856 = tpu.memref_slice %arg5[%mul3A_2, %sub3A_412, %dma_wait3A_855] : memref<4096x200x64xf32, #tpu.memory_space<hbm>> -> memref<128x1x64xf32, #tpu.memory_space<hbm>>
          %dma_wait3A_857 = tpu.memref_squeeze %dma_wait3A_856 : memref<128x1x64xf32, #tpu.memory_space<hbm>> -> memref<128x64xf32, #tpu.memory_space<hbm>>
          %dma_wait3A_858 = arith.constant 0 : i32
          %dma_wait3A_859 = arith.constant 0 : i32
          %dma_wait3A_860 = tpu.memref_slice %arg8[%dma_wait3A_847, %dma_wait3A_858, %dma_wait3A_859] : memref<10x128x64xf32, #tpu.memory_space<vmem>> -> memref<1x128x64xf32, #tpu.memory_space<vmem>>
          %dma_wait3A_861 = tpu.memref_squeeze %dma_wait3A_860 : memref<1x128x64xf32, #tpu.memory_space<vmem>> -> memref<128x64xf32, #tpu.memory_space<vmem>>
          tpu.wait_dma2 semaphore(%arg27 : memref<!tpu.dma_semaphore, #tpu.memory_space<semaphore_mem>>) src(%dma_wait3A_861 : memref<128x64xf32, #tpu.memory_space<vmem>>) dst(%dma_wait3A_857 : memref<128x64xf32, #tpu.memory_space<hbm>>)
        } else {
        }
        %dma_start3A_836 = arith.constant 8 : i32
        %dma_start3A_837 = arith.constant 0 : i32
        %dma_start3A_838 = arith.constant 0 : i32
        %dma_start3A_839 = tpu.memref_slice %arg8[%dma_start3A_836, %dma_start3A_837, %dma_start3A_838] : memref<10x128x64xf32, #tpu.memory_space<vmem>> -> memref<1x128x64xf32, #tpu.memory_space<vmem>>
        %dma_start3A_840 = tpu.memref_squeeze %dma_start3A_839 : memref<1x128x64xf32, #tpu.memory_space<vmem>> -> memref<128x64xf32, #tpu.memory_space<vmem>>
        %dma_start3A_841 = arith.constant 0 : i32
        %dma_start3A_842 = tpu.memref_slice %arg6[%add3A_410, %dma_start3A_841] : memref<200x128xi32, #tpu.memory_space<vmem>> -> memref<1x128xi32, #tpu.memory_space<vmem>>
        %dma_start3A_843 = tpu.memref_squeeze %dma_start3A_842 : memref<1x128xi32, #tpu.memory_space<vmem>> -> memref<128xi32, #tpu.memory_space<vmem>>
        %dma_start3A_844 = arith.constant 0 : i32
        %dma_start3A_845 = arith.constant 0 : i32
        %dma_start3A_846 = tpu.memref_slice %arg3[%dma_start3A_844, %dma_start3A_845] : memref<1000000x64xf32, #tpu.memory_space<hbm>> -> memref<1000000x64xf32, #tpu.memory_space<hbm>>
        tpu.enqueue_indirect_dma source(%dma_start3A_846 : memref<1000000x64xf32, #tpu.memory_space<hbm>>) target(%dma_start3A_840 : memref<128x64xf32, #tpu.memory_space<vmem>>) offsets(%dma_start3A_843 : memref<128xi32, #tpu.memory_space<vmem>>) semaphore(%arg17 : memref<!tpu.dma_semaphore, #tpu.memory_space<semaphore_mem>>)
      } else {
      }
      %dma_wait3A_418 = arith.constant 3 : i32
      %dma_wait3A_419 = arith.constant 0 : i32
      %dma_wait3A_420 = arith.constant 0 : i32
      %dma_wait3A_421 = tpu.memref_slice %arg8[%dma_wait3A_418, %dma_wait3A_419, %dma_wait3A_420] : memref<10x128x64xf32, #tpu.memory_space<vmem>> -> memref<1x128x64xf32, #tpu.memory_space<vmem>>
      %dma_wait3A_422 = tpu.memref_squeeze %dma_wait3A_421 : memref<1x128x64xf32, #tpu.memory_space<vmem>> -> memref<128x64xf32, #tpu.memory_space<vmem>>
      %dma_wait3A_423 = arith.constant 0 : i32
      %dma_wait3A_424 = tpu.memref_slice %arg6[%add3A_408, %dma_wait3A_423] : memref<200x128xi32, #tpu.memory_space<vmem>> -> memref<1x128xi32, #tpu.memory_space<vmem>>
      %dma_wait3A_425 = tpu.memref_squeeze %dma_wait3A_424 : memref<1x128xi32, #tpu.memory_space<vmem>> -> memref<128xi32, #tpu.memory_space<vmem>>
      %dma_wait3A_426 = arith.constant 0 : i32
      %dma_wait3A_427 = arith.constant 0 : i32
      %dma_wait3A_428 = tpu.memref_slice %arg3[%dma_wait3A_426, %dma_wait3A_427] : memref<1000000x64xf32, #tpu.memory_space<hbm>> -> memref<1000000x64xf32, #tpu.memory_space<hbm>>
      tpu.wait_indirect_dma semaphore(%arg12 : memref<!tpu.dma_semaphore, #tpu.memory_space<semaphore_mem>>) src(%dma_wait3A_428 : memref<1000000x64xf32, #tpu.memory_space<hbm>>) dst(%dma_wait3A_422 : memref<128x64xf32, #tpu.memory_space<vmem>>)
      %get3A_429 = arith.index_cast %add3A_408 : i32 to index
      %get3A_430 = arith.constant 0 : index
      %get3A_431 = tpu.vector_load %arg7[%get3A_429, %get3A_430] {strides = array<i32>} : memref<200x64xf32, #tpu.memory_space<vmem>>, vector<1x16xf32>,
      %get3A_432 = vector.shape_cast %get3A_431 : vector<1x16xf32> to vector<16xf32>
      %get3A_433 = arith.index_cast %add3A_408 : i32 to index
      %get3A_434 = arith.constant 16 : index
      %get3A_435 = tpu.vector_load %arg7[%get3A_433, %get3A_434] {strides = array<i32>} : memref<200x64xf32, #tpu.memory_space<vmem>>, vector<1x16xf32>,
      %get3A_436 = vector.shape_cast %get3A_435 : vector<1x16xf32> to vector<16xf32>
      %get3A_437 = arith.index_cast %add3A_408 : i32 to index
      %get3A_438 = arith.constant 32 : index
      %get3A_439 = tpu.vector_load %arg7[%get3A_437, %get3A_438] {strides = array<i32>} : memref<200x64xf32, #tpu.memory_space<vmem>>, vector<1x16xf32>,
      %get3A_440 = vector.shape_cast %get3A_439 : vector<1x16xf32> to vector<16xf32>
      %get3A_441 = arith.index_cast %add3A_408 : i32 to index
      %get3A_442 = arith.constant 48 : index
      %get3A_443 = tpu.vector_load %arg7[%get3A_441, %get3A_442] {strides = array<i32>} : memref<200x64xf32, #tpu.memory_space<vmem>>, vector<1x16xf32>,
      %get3A_444 = vector.shape_cast %get3A_443 : vector<1x16xf32> to vector<16xf32>
      %scan3A_445 = arith.constant 0 : i32
      %scan3A_446 = arith.constant 0 : i32
      %scan3A_447 = arith.constant 128 : i32
      %scan3A_448 = arith.addi %scan3A_446, %scan3A_447 : i32
      %scan3A_449 = arith.constant 4 : i32
      scf.for %scan3A_832 = %scan3A_446 to %scan3A_448 step %scan3A_449  : i32 {
        %get3A_833 = arith.constant 3 : i32
        %get3A_834 = arith.index_cast %get3A_833 : i32 to index
        %get3A_835 = arith.index_cast %scan3A_832 : i32 to index
        %get3A_836 = arith.constant 0 : index
        %get3A_837 = tpu.vector_load %arg8[%get3A_834, %get3A_835, %get3A_836] {strides = array<i32>} : memref<10x128x64xf32, #tpu.memory_space<vmem>>, vector<1x1x16xf32>,
        %get3A_838 = vector.shape_cast %get3A_837 : vector<1x1x16xf32> to vector<16xf32>
        %mul3A_839 = arith.constant 8.000000e+00 : f32
        %mul3A_840 = vector.broadcast %mul3A_839 : f32 to vector<16xf32>
        %mul3A_841 = arith.mulf %get3A_838, %mul3A_840 : vector<16xf32>
        %add3A_842 = arith.addf %mul3A_841, %get3A_432 : vector<16xf32>
        %swap3A = arith.constant 3 : i32
        %swap3A_843 = arith.index_cast %swap3A : i32 to index
        %swap3A_844 = arith.index_cast %scan3A_832 : i32 to index
        %swap3A_845 = arith.constant 0 : index
        %swap3A_846 = tpu.vector_load %arg8[%swap3A_843, %swap3A_844, %swap3A_845] {strides = array<i32>} : memref<10x128x64xf32, #tpu.memory_space<vmem>>, vector<1x1x16xf32>,
        %swap3A_847 = vector.shape_cast %swap3A_846 : vector<1x1x16xf32> to vector<16xf32>
        %swap3A_848 = vector.shape_cast %add3A_842 : vector<16xf32> to vector<1x1x16xf32>
        tpu.vector_store %arg8[%swap3A_843, %swap3A_844, %swap3A_845], %swap3A_848 {strides = array<i32>} : memref<10x128x64xf32, #tpu.memory_space<vmem>>, vector<1x1x16xf32>,
        %get3A_849 = arith.constant 3 : i32
        %get3A_850 = arith.index_cast %get3A_849 : i32 to index
        %get3A_851 = arith.index_cast %scan3A_832 : i32 to index
        %get3A_852 = arith.constant 16 : index
        %get3A_853 = tpu.vector_load %arg8[%get3A_850, %get3A_851, %get3A_852] {strides = array<i32>} : memref<10x128x64xf32, #tpu.memory_space<vmem>>, vector<1x1x16xf32>,
        %get3A_854 = vector.shape_cast %get3A_853 : vector<1x1x16xf32> to vector<16xf32>
        %mul3A_855 = arith.constant 8.000000e+00 : f32
        %mul3A_856 = vector.broadcast %mul3A_855 : f32 to vector<16xf32>
        %mul3A_857 = arith.mulf %get3A_854, %mul3A_856 : vector<16xf32>
        %add3A_858 = arith.addf %mul3A_857, %get3A_436 : vector<16xf32>
        %swap3A_859 = arith.constant 3 : i32
        %swap3A_860 = arith.index_cast %swap3A_859 : i32 to index
        %swap3A_861 = arith.index_cast %scan3A_832 : i32 to index
        %swap3A_862 = arith.constant 16 : index
        %swap3A_863 = tpu.vector_load %arg8[%swap3A_860, %swap3A_861, %swap3A_862] {strides = array<i32>} : memref<10x128x64xf32, #tpu.memory_space<vmem>>, vector<1x1x16xf32>,
        %swap3A_864 = vector.shape_cast %swap3A_863 : vector<1x1x16xf32> to vector<16xf32>
        %swap3A_865 = vector.shape_cast %add3A_858 : vector<16xf32> to vector<1x1x16xf32>
        tpu.vector_store %arg8[%swap3A_860, %swap3A_861, %swap3A_862], %swap3A_865 {strides = array<i32>} : memref<10x128x64xf32, #tpu.memory_space<vmem>>, vector<1x1x16xf32>,
        %get3A_866 = arith.constant 3 : i32
        %get3A_867 = arith.index_cast %get3A_866 : i32 to index
        %get3A_868 = arith.index_cast %scan3A_832 : i32 to index
        %get3A_869 = arith.constant 32 : index
        %get3A_870 = tpu.vector_load %arg8[%get3A_867, %get3A_868, %get3A_869] {strides = array<i32>} : memref<10x128x64xf32, #tpu.memory_space<vmem>>, vector<1x1x16xf32>,
        %get3A_871 = vector.shape_cast %get3A_870 : vector<1x1x16xf32> to vector<16xf32>
        %mul3A_872 = arith.constant 8.000000e+00 : f32
        %mul3A_873 = vector.broadcast %mul3A_872 : f32 to vector<16xf32>
        %mul3A_874 = arith.mulf %get3A_871, %mul3A_873 : vector<16xf32>
        %add3A_875 = arith.addf %mul3A_874, %get3A_440 : vector<16xf32>
        %swap3A_876 = arith.constant 3 : i32
        %swap3A_877 = arith.index_cast %swap3A_876 : i32 to index
        %swap3A_878 = arith.index_cast %scan3A_832 : i32 to index
        %swap3A_879 = arith.constant 32 : index
        %swap3A_880 = tpu.vector_load %arg8[%swap3A_877, %swap3A_878, %swap3A_879] {strides = array<i32>} : memref<10x128x64xf32, #tpu.memory_space<vmem>>, vector<1x1x16xf32>,
        %swap3A_881 = vector.shape_cast %swap3A_880 : vector<1x1x16xf32> to vector<16xf32>
        %swap3A_882 = vector.shape_cast %add3A_875 : vector<16xf32> to vector<1x1x16xf32>
        tpu.vector_store %arg8[%swap3A_877, %swap3A_878, %swap3A_879], %swap3A_882 {strides = array<i32>} : memref<10x128x64xf32, #tpu.memory_space<vmem>>, vector<1x1x16xf32>,
        %get3A_883 = arith.constant 3 : i32
        %get3A_884 = arith.index_cast %get3A_883 : i32 to index
        %get3A_885 = arith.index_cast %scan3A_832 : i32 to index
        %get3A_886 = arith.constant 48 : index
        %get3A_887 = tpu.vector_load %arg8[%get3A_884, %get3A_885, %get3A_886] {strides = array<i32>} : memref<10x128x64xf32, #tpu.memory_space<vmem>>, vector<1x1x16xf32>,
        %get3A_888 = vector.shape_cast %get3A_887 : vector<1x1x16xf32> to vector<16xf32>
        %mul3A_889 = arith.constant 8.000000e+00 : f32
        %mul3A_890 = vector.broadcast %mul3A_889 : f32 to vector<16xf32>
        %mul3A_891 = arith.mulf %get3A_888, %mul3A_890 : vector<16xf32>
        %add3A_892 = arith.addf %mul3A_891, %get3A_444 : vector<16xf32>
        %swap3A_893 = arith.constant 3 : i32
        %swap3A_894 = arith.index_cast %swap3A_893 : i32 to index
        %swap3A_895 = arith.index_cast %scan3A_832 : i32 to index
        %swap3A_896 = arith.constant 48 : index
        %swap3A_897 = tpu.vector_load %arg8[%swap3A_894, %swap3A_895, %swap3A_896] {strides = array<i32>} : memref<10x128x64xf32, #tpu.memory_space<vmem>>, vector<1x1x16xf32>,
        %swap3A_898 = vector.shape_cast %swap3A_897 : vector<1x1x16xf32> to vector<16xf32>
        %swap3A_899 = vector.shape_cast %add3A_892 : vector<16xf32> to vector<1x1x16xf32>
        tpu.vector_store %arg8[%swap3A_894, %swap3A_895, %swap3A_896], %swap3A_899 {strides = array<i32>} : memref<10x128x64xf32, #tpu.memory_space<vmem>>, vector<1x1x16xf32>,
        %scan3A_900 = arith.constant 1 : i32
        %scan3A_901 = arith.addi %scan3A_832, %scan3A_900 : i32
        %get3A_902 = arith.constant 3 : i32
        %get3A_903 = arith.index_cast %get3A_902 : i32 to index
        %get3A_904 = arith.index_cast %scan3A_901 : i32 to index
        %get3A_905 = arith.constant 0 : index
        %get3A_906 = tpu.vector_load %arg8[%get3A_903, %get3A_904, %get3A_905] {strides = array<i32>} : memref<10x128x64xf32, #tpu.memory_space<vmem>>, vector<1x1x16xf32>,
        %get3A_907 = vector.shape_cast %get3A_906 : vector<1x1x16xf32> to vector<16xf32>
        %mul3A_908 = arith.constant 8.000000e+00 : f32
        %mul3A_909 = vector.broadcast %mul3A_908 : f32 to vector<16xf32>
        %mul3A_910 = arith.mulf %get3A_907, %mul3A_909 : vector<16xf32>
        %add3A_911 = arith.addf %mul3A_910, %get3A_432 : vector<16xf32>
        %swap3A_912 = arith.constant 3 : i32
        %swap3A_913 = arith.index_cast %swap3A_912 : i32 to index
        %swap3A_914 = arith.index_cast %scan3A_901 : i32 to index
        %swap3A_915 = arith.constant 0 : index
        %swap3A_916 = tpu.vector_load %arg8[%swap3A_913, %swap3A_914, %swap3A_915] {strides = array<i32>} : memref<10x128x64xf32, #tpu.memory_space<vmem>>, vector<1x1x16xf32>,
        %swap3A_917 = vector.shape_cast %swap3A_916 : vector<1x1x16xf32> to vector<16xf32>
        %swap3A_918 = vector.shape_cast %add3A_911 : vector<16xf32> to vector<1x1x16xf32>
        tpu.vector_store %arg8[%swap3A_913, %swap3A_914, %swap3A_915], %swap3A_918 {strides = array<i32>} : memref<10x128x64xf32, #tpu.memory_space<vmem>>, vector<1x1x16xf32>,
        %get3A_919 = arith.constant 3 : i32
        %get3A_920 = arith.index_cast %get3A_919 : i32 to index
        %get3A_921 = arith.index_cast %scan3A_901 : i32 to index
        %get3A_922 = arith.constant 16 : index
        %get3A_923 = tpu.vector_load %arg8[%get3A_920, %get3A_921, %get3A_922] {strides = array<i32>} : memref<10x128x64xf32, #tpu.memory_space<vmem>>, vector<1x1x16xf32>,
        %get3A_924 = vector.shape_cast %get3A_923 : vector<1x1x16xf32> to vector<16xf32>
        %mul3A_925 = arith.constant 8.000000e+00 : f32
        %mul3A_926 = vector.broadcast %mul3A_925 : f32 to vector<16xf32>
        %mul3A_927 = arith.mulf %get3A_924, %mul3A_926 : vector<16xf32>
        %add3A_928 = arith.addf %mul3A_927, %get3A_436 : vector<16xf32>
        %swap3A_929 = arith.constant 3 : i32
        %swap3A_930 = arith.index_cast %swap3A_929 : i32 to index
        %swap3A_931 = arith.index_cast %scan3A_901 : i32 to index
        %swap3A_932 = arith.constant 16 : index
        %swap3A_933 = tpu.vector_load %arg8[%swap3A_930, %swap3A_931, %swap3A_932] {strides = array<i32>} : memref<10x128x64xf32, #tpu.memory_space<vmem>>, vector<1x1x16xf32>,
        %swap3A_934 = vector.shape_cast %swap3A_933 : vector<1x1x16xf32> to vector<16xf32>
        %swap3A_935 = vector.shape_cast %add3A_928 : vector<16xf32> to vector<1x1x16xf32>
        tpu.vector_store %arg8[%swap3A_930, %swap3A_931, %swap3A_932], %swap3A_935 {strides = array<i32>} : memref<10x128x64xf32, #tpu.memory_space<vmem>>, vector<1x1x16xf32>,
        %get3A_936 = arith.constant 3 : i32
        %get3A_937 = arith.index_cast %get3A_936 : i32 to index
        %get3A_938 = arith.index_cast %scan3A_901 : i32 to index
        %get3A_939 = arith.constant 32 : index
        %get3A_940 = tpu.vector_load %arg8[%get3A_937, %get3A_938, %get3A_939] {strides = array<i32>} : memref<10x128x64xf32, #tpu.memory_space<vmem>>, vector<1x1x16xf32>,
        %get3A_941 = vector.shape_cast %get3A_940 : vector<1x1x16xf32> to vector<16xf32>
        %mul3A_942 = arith.constant 8.000000e+00 : f32
        %mul3A_943 = vector.broadcast %mul3A_942 : f32 to vector<16xf32>
        %mul3A_944 = arith.mulf %get3A_941, %mul3A_943 : vector<16xf32>
        %add3A_945 = arith.addf %mul3A_944, %get3A_440 : vector<16xf32>
        %swap3A_946 = arith.constant 3 : i32
        %swap3A_947 = arith.index_cast %swap3A_946 : i32 to index
        %swap3A_948 = arith.index_cast %scan3A_901 : i32 to index
        %swap3A_949 = arith.constant 32 : index
        %swap3A_950 = tpu.vector_load %arg8[%swap3A_947, %swap3A_948, %swap3A_949] {strides = array<i32>} : memref<10x128x64xf32, #tpu.memory_space<vmem>>, vector<1x1x16xf32>,
        %swap3A_951 = vector.shape_cast %swap3A_950 : vector<1x1x16xf32> to vector<16xf32>
        %swap3A_952 = vector.shape_cast %add3A_945 : vector<16xf32> to vector<1x1x16xf32>
        tpu.vector_store %arg8[%swap3A_947, %swap3A_948, %swap3A_949], %swap3A_952 {strides = array<i32>} : memref<10x128x64xf32, #tpu.memory_space<vmem>>, vector<1x1x16xf32>,
        %get3A_953 = arith.constant 3 : i32
        %get3A_954 = arith.index_cast %get3A_953 : i32 to index
        %get3A_955 = arith.index_cast %scan3A_901 : i32 to index
        %get3A_956 = arith.constant 48 : index
        %get3A_957 = tpu.vector_load %arg8[%get3A_954, %get3A_955, %get3A_956] {strides = array<i32>} : memref<10x128x64xf32, #tpu.memory_space<vmem>>, vector<1x1x16xf32>,
        %get3A_958 = vector.shape_cast %get3A_957 : vector<1x1x16xf32> to vector<16xf32>
        %mul3A_959 = arith.constant 8.000000e+00 : f32
        %mul3A_960 = vector.broadcast %mul3A_959 : f32 to vector<16xf32>
        %mul3A_961 = arith.mulf %get3A_958, %mul3A_960 : vector<16xf32>
        %add3A_962 = arith.addf %mul3A_961, %get3A_444 : vector<16xf32>
        %swap3A_963 = arith.constant 3 : i32
        %swap3A_964 = arith.index_cast %swap3A_963 : i32 to index
        %swap3A_965 = arith.index_cast %scan3A_901 : i32 to index
        %swap3A_966 = arith.constant 48 : index
        %swap3A_967 = tpu.vector_load %arg8[%swap3A_964, %swap3A_965, %swap3A_966] {strides = array<i32>} : memref<10x128x64xf32, #tpu.memory_space<vmem>>, vector<1x1x16xf32>,
        %swap3A_968 = vector.shape_cast %swap3A_967 : vector<1x1x16xf32> to vector<16xf32>
        %swap3A_969 = vector.shape_cast %add3A_962 : vector<16xf32> to vector<1x1x16xf32>
        tpu.vector_store %arg8[%swap3A_964, %swap3A_965, %swap3A_966], %swap3A_969 {strides = array<i32>} : memref<10x128x64xf32, #tpu.memory_space<vmem>>, vector<1x1x16xf32>,
        %scan3A_970 = arith.constant 2 : i32
        %scan3A_971 = arith.addi %scan3A_832, %scan3A_970 : i32
        %get3A_972 = arith.constant 3 : i32
        %get3A_973 = arith.index_cast %get3A_972 : i32 to index
        %get3A_974 = arith.index_cast %scan3A_971 : i32 to index
        %get3A_975 = arith.constant 0 : index
        %get3A_976 = tpu.vector_load %arg8[%get3A_973, %get3A_974, %get3A_975] {strides = array<i32>} : memref<10x128x64xf32, #tpu.memory_space<vmem>>, vector<1x1x16xf32>,
        %get3A_977 = vector.shape_cast %get3A_976 : vector<1x1x16xf32> to vector<16xf32>
        %mul3A_978 = arith.constant 8.000000e+00 : f32
        %mul3A_979 = vector.broadcast %mul3A_978 : f32 to vector<16xf32>
        %mul3A_980 = arith.mulf %get3A_977, %mul3A_979 : vector<16xf32>
        %add3A_981 = arith.addf %mul3A_980, %get3A_432 : vector<16xf32>
        %swap3A_982 = arith.constant 3 : i32
        %swap3A_983 = arith.index_cast %swap3A_982 : i32 to index
        %swap3A_984 = arith.index_cast %scan3A_971 : i32 to index
        %swap3A_985 = arith.constant 0 : index
        %swap3A_986 = tpu.vector_load %arg8[%swap3A_983, %swap3A_984, %swap3A_985] {strides = array<i32>} : memref<10x128x64xf32, #tpu.memory_space<vmem>>, vector<1x1x16xf32>,
        %swap3A_987 = vector.shape_cast %swap3A_986 : vector<1x1x16xf32> to vector<16xf32>
        %swap3A_988 = vector.shape_cast %add3A_981 : vector<16xf32> to vector<1x1x16xf32>
        tpu.vector_store %arg8[%swap3A_983, %swap3A_984, %swap3A_985], %swap3A_988 {strides = array<i32>} : memref<10x128x64xf32, #tpu.memory_space<vmem>>, vector<1x1x16xf32>,
        %get3A_989 = arith.constant 3 : i32
        %get3A_990 = arith.index_cast %get3A_989 : i32 to index
        %get3A_991 = arith.index_cast %scan3A_971 : i32 to index
        %get3A_992 = arith.constant 16 : index
        %get3A_993 = tpu.vector_load %arg8[%get3A_990, %get3A_991, %get3A_992] {strides = array<i32>} : memref<10x128x64xf32, #tpu.memory_space<vmem>>, vector<1x1x16xf32>,
        %get3A_994 = vector.shape_cast %get3A_993 : vector<1x1x16xf32> to vector<16xf32>
        %mul3A_995 = arith.constant 8.000000e+00 : f32
        %mul3A_996 = vector.broadcast %mul3A_995 : f32 to vector<16xf32>
        %mul3A_997 = arith.mulf %get3A_994, %mul3A_996 : vector<16xf32>
        %add3A_998 = arith.addf %mul3A_997, %get3A_436 : vector<16xf32>
        %swap3A_999 = arith.constant 3 : i32
        %swap3A_1000 = arith.index_cast %swap3A_999 : i32 to index
        %swap3A_1001 = arith.index_cast %scan3A_971 : i32 to index
        %swap3A_1002 = arith.constant 16 : index
        %swap3A_1003 = tpu.vector_load %arg8[%swap3A_1000, %swap3A_1001, %swap3A_1002] {strides = array<i32>} : memref<10x128x64xf32, #tpu.memory_space<vmem>>, vector<1x1x16xf32>,
        %swap3A_1004 = vector.shape_cast %swap3A_1003 : vector<1x1x16xf32> to vector<16xf32>
        %swap3A_1005 = vector.shape_cast %add3A_998 : vector<16xf32> to vector<1x1x16xf32>
        tpu.vector_store %arg8[%swap3A_1000, %swap3A_1001, %swap3A_1002], %swap3A_1005 {strides = array<i32>} : memref<10x128x64xf32, #tpu.memory_space<vmem>>, vector<1x1x16xf32>,
        %get3A_1006 = arith.constant 3 : i32
        %get3A_1007 = arith.index_cast %get3A_1006 : i32 to index
        %get3A_1008 = arith.index_cast %scan3A_971 : i32 to index
        %get3A_1009 = arith.constant 32 : index
        %get3A_1010 = tpu.vector_load %arg8[%get3A_1007, %get3A_1008, %get3A_1009] {strides = array<i32>} : memref<10x128x64xf32, #tpu.memory_space<vmem>>, vector<1x1x16xf32>,
        %get3A_1011 = vector.shape_cast %get3A_1010 : vector<1x1x16xf32> to vector<16xf32>
        %mul3A_1012 = arith.constant 8.000000e+00 : f32
        %mul3A_1013 = vector.broadcast %mul3A_1012 : f32 to vector<16xf32>
        %mul3A_1014 = arith.mulf %get3A_1011, %mul3A_1013 : vector<16xf32>
        %add3A_1015 = arith.addf %mul3A_1014, %get3A_440 : vector<16xf32>
        %swap3A_1016 = arith.constant 3 : i32
        %swap3A_1017 = arith.index_cast %swap3A_1016 : i32 to index
        %swap3A_1018 = arith.index_cast %scan3A_971 : i32 to index
        %swap3A_1019 = arith.constant 32 : index
        %swap3A_1020 = tpu.vector_load %arg8[%swap3A_1017, %swap3A_1018, %swap3A_1019] {strides = array<i32>} : memref<10x128x64xf32, #tpu.memory_space<vmem>>, vector<1x1x16xf32>,
        %swap3A_1021 = vector.shape_cast %swap3A_1020 : vector<1x1x16xf32> to vector<16xf32>
        %swap3A_1022 = vector.shape_cast %add3A_1015 : vector<16xf32> to vector<1x1x16xf32>
        tpu.vector_store %arg8[%swap3A_1017, %swap3A_1018, %swap3A_1019], %swap3A_1022 {strides = array<i32>} : memref<10x128x64xf32, #tpu.memory_space<vmem>>, vector<1x1x16xf32>,
        %get3A_1023 = arith.constant 3 : i32
        %get3A_1024 = arith.index_cast %get3A_1023 : i32 to index
        %get3A_1025 = arith.index_cast %scan3A_971 : i32 to index
        %get3A_1026 = arith.constant 48 : index
        %get3A_1027 = tpu.vector_load %arg8[%get3A_1024, %get3A_1025, %get3A_1026] {strides = array<i32>} : memref<10x128x64xf32, #tpu.memory_space<vmem>>, vector<1x1x16xf32>,
        %get3A_1028 = vector.shape_cast %get3A_1027 : vector<1x1x16xf32> to vector<16xf32>
        %mul3A_1029 = arith.constant 8.000000e+00 : f32
        %mul3A_1030 = vector.broadcast %mul3A_1029 : f32 to vector<16xf32>
        %mul3A_1031 = arith.mulf %get3A_1028, %mul3A_1030 : vector<16xf32>
        %add3A_1032 = arith.addf %mul3A_1031, %get3A_444 : vector<16xf32>
        %swap3A_1033 = arith.constant 3 : i32
        %swap3A_1034 = arith.index_cast %swap3A_1033 : i32 to index
        %swap3A_1035 = arith.index_cast %scan3A_971 : i32 to index
        %swap3A_1036 = arith.constant 48 : index
        %swap3A_1037 = tpu.vector_load %arg8[%swap3A_1034, %swap3A_1035, %swap3A_1036] {strides = array<i32>} : memref<10x128x64xf32, #tpu.memory_space<vmem>>, vector<1x1x16xf32>,
        %swap3A_1038 = vector.shape_cast %swap3A_1037 : vector<1x1x16xf32> to vector<16xf32>
        %swap3A_1039 = vector.shape_cast %add3A_1032 : vector<16xf32> to vector<1x1x16xf32>
        tpu.vector_store %arg8[%swap3A_1034, %swap3A_1035, %swap3A_1036], %swap3A_1039 {strides = array<i32>} : memref<10x128x64xf32, #tpu.memory_space<vmem>>, vector<1x1x16xf32>,
        %scan3A_1040 = arith.constant 3 : i32
        %scan3A_1041 = arith.addi %scan3A_832, %scan3A_1040 : i32
        %get3A_1042 = arith.constant 3 : i32
        %get3A_1043 = arith.index_cast %get3A_1042 : i32 to index
        %get3A_1044 = arith.index_cast %scan3A_1041 : i32 to index
        %get3A_1045 = arith.constant 0 : index
        %get3A_1046 = tpu.vector_load %arg8[%get3A_1043, %get3A_1044, %get3A_1045] {strides = array<i32>} : memref<10x128x64xf32, #tpu.memory_space<vmem>>, vector<1x1x16xf32>,
        %get3A_1047 = vector.shape_cast %get3A_1046 : vector<1x1x16xf32> to vector<16xf32>
        %mul3A_1048 = arith.constant 8.000000e+00 : f32
        %mul3A_1049 = vector.broadcast %mul3A_1048 : f32 to vector<16xf32>
        %mul3A_1050 = arith.mulf %get3A_1047, %mul3A_1049 : vector<16xf32>
        %add3A_1051 = arith.addf %mul3A_1050, %get3A_432 : vector<16xf32>
        %swap3A_1052 = arith.constant 3 : i32
        %swap3A_1053 = arith.index_cast %swap3A_1052 : i32 to index
        %swap3A_1054 = arith.index_cast %scan3A_1041 : i32 to index
        %swap3A_1055 = arith.constant 0 : index
        %swap3A_1056 = tpu.vector_load %arg8[%swap3A_1053, %swap3A_1054, %swap3A_1055] {strides = array<i32>} : memref<10x128x64xf32, #tpu.memory_space<vmem>>, vector<1x1x16xf32>,
        %swap3A_1057 = vector.shape_cast %swap3A_1056 : vector<1x1x16xf32> to vector<16xf32>
        %swap3A_1058 = vector.shape_cast %add3A_1051 : vector<16xf32> to vector<1x1x16xf32>
        tpu.vector_store %arg8[%swap3A_1053, %swap3A_1054, %swap3A_1055], %swap3A_1058 {strides = array<i32>} : memref<10x128x64xf32, #tpu.memory_space<vmem>>, vector<1x1x16xf32>,
        %get3A_1059 = arith.constant 3 : i32
        %get3A_1060 = arith.index_cast %get3A_1059 : i32 to index
        %get3A_1061 = arith.index_cast %scan3A_1041 : i32 to index
        %get3A_1062 = arith.constant 16 : index
        %get3A_1063 = tpu.vector_load %arg8[%get3A_1060, %get3A_1061, %get3A_1062] {strides = array<i32>} : memref<10x128x64xf32, #tpu.memory_space<vmem>>, vector<1x1x16xf32>,
        %get3A_1064 = vector.shape_cast %get3A_1063 : vector<1x1x16xf32> to vector<16xf32>
        %mul3A_1065 = arith.constant 8.000000e+00 : f32
        %mul3A_1066 = vector.broadcast %mul3A_1065 : f32 to vector<16xf32>
        %mul3A_1067 = arith.mulf %get3A_1064, %mul3A_1066 : vector<16xf32>
        %add3A_1068 = arith.addf %mul3A_1067, %get3A_436 : vector<16xf32>
        %swap3A_1069 = arith.constant 3 : i32
        %swap3A_1070 = arith.index_cast %swap3A_1069 : i32 to index
        %swap3A_1071 = arith.index_cast %scan3A_1041 : i32 to index
        %swap3A_1072 = arith.constant 16 : index
        %swap3A_1073 = tpu.vector_load %arg8[%swap3A_1070, %swap3A_1071, %swap3A_1072] {strides = array<i32>} : memref<10x128x64xf32, #tpu.memory_space<vmem>>, vector<1x1x16xf32>,
        %swap3A_1074 = vector.shape_cast %swap3A_1073 : vector<1x1x16xf32> to vector<16xf32>
        %swap3A_1075 = vector.shape_cast %add3A_1068 : vector<16xf32> to vector<1x1x16xf32>
        tpu.vector_store %arg8[%swap3A_1070, %swap3A_1071, %swap3A_1072], %swap3A_1075 {strides = array<i32>} : memref<10x128x64xf32, #tpu.memory_space<vmem>>, vector<1x1x16xf32>,
        %get3A_1076 = arith.constant 3 : i32
        %get3A_1077 = arith.index_cast %get3A_1076 : i32 to index
        %get3A_1078 = arith.index_cast %scan3A_1041 : i32 to index
        %get3A_1079 = arith.constant 32 : index
        %get3A_1080 = tpu.vector_load %arg8[%get3A_1077, %get3A_1078, %get3A_1079] {strides = array<i32>} : memref<10x128x64xf32, #tpu.memory_space<vmem>>, vector<1x1x16xf32>,
        %get3A_1081 = vector.shape_cast %get3A_1080 : vector<1x1x16xf32> to vector<16xf32>
        %mul3A_1082 = arith.constant 8.000000e+00 : f32
        %mul3A_1083 = vector.broadcast %mul3A_1082 : f32 to vector<16xf32>
        %mul3A_1084 = arith.mulf %get3A_1081, %mul3A_1083 : vector<16xf32>
        %add3A_1085 = arith.addf %mul3A_1084, %get3A_440 : vector<16xf32>
        %swap3A_1086 = arith.constant 3 : i32
        %swap3A_1087 = arith.index_cast %swap3A_1086 : i32 to index
        %swap3A_1088 = arith.index_cast %scan3A_1041 : i32 to index
        %swap3A_1089 = arith.constant 32 : index
        %swap3A_1090 = tpu.vector_load %arg8[%swap3A_1087, %swap3A_1088, %swap3A_1089] {strides = array<i32>} : memref<10x128x64xf32, #tpu.memory_space<vmem>>, vector<1x1x16xf32>,
        %swap3A_1091 = vector.shape_cast %swap3A_1090 : vector<1x1x16xf32> to vector<16xf32>
        %swap3A_1092 = vector.shape_cast %add3A_1085 : vector<16xf32> to vector<1x1x16xf32>
        tpu.vector_store %arg8[%swap3A_1087, %swap3A_1088, %swap3A_1089], %swap3A_1092 {strides = array<i32>} : memref<10x128x64xf32, #tpu.memory_space<vmem>>, vector<1x1x16xf32>,
        %get3A_1093 = arith.constant 3 : i32
        %get3A_1094 = arith.index_cast %get3A_1093 : i32 to index
        %get3A_1095 = arith.index_cast %scan3A_1041 : i32 to index
        %get3A_1096 = arith.constant 48 : index
        %get3A_1097 = tpu.vector_load %arg8[%get3A_1094, %get3A_1095, %get3A_1096] {strides = array<i32>} : memref<10x128x64xf32, #tpu.memory_space<vmem>>, vector<1x1x16xf32>,
        %get3A_1098 = vector.shape_cast %get3A_1097 : vector<1x1x16xf32> to vector<16xf32>
        %mul3A_1099 = arith.constant 8.000000e+00 : f32
        %mul3A_1100 = vector.broadcast %mul3A_1099 : f32 to vector<16xf32>
        %mul3A_1101 = arith.mulf %get3A_1098, %mul3A_1100 : vector<16xf32>
        %add3A_1102 = arith.addf %mul3A_1101, %get3A_444 : vector<16xf32>
        %swap3A_1103 = arith.constant 3 : i32
        %swap3A_1104 = arith.index_cast %swap3A_1103 : i32 to index
        %swap3A_1105 = arith.index_cast %scan3A_1041 : i32 to index
        %swap3A_1106 = arith.constant 48 : index
        %swap3A_1107 = tpu.vector_load %arg8[%swap3A_1104, %swap3A_1105, %swap3A_1106] {strides = array<i32>} : memref<10x128x64xf32, #tpu.memory_space<vmem>>, vector<1x1x16xf32>,
        %swap3A_1108 = vector.shape_cast %swap3A_1107 : vector<1x1x16xf32> to vector<16xf32>
        %swap3A_1109 = vector.shape_cast %add3A_1102 : vector<16xf32> to vector<1x1x16xf32>
        tpu.vector_store %arg8[%swap3A_1104, %swap3A_1105, %swap3A_1106], %swap3A_1109 {strides = array<i32>} : memref<10x128x64xf32, #tpu.memory_space<vmem>>, vector<1x1x16xf32>,
      }
      %scan3A_450 = arith.constant 128 : i32
      %dma_start3A_451 = arith.constant 3 : i32
      %dma_start3A_452 = arith.constant 0 : i32
      %dma_start3A_453 = arith.constant 0 : i32
      %dma_start3A_454 = tpu.memref_slice %arg8[%dma_start3A_451, %dma_start3A_452, %dma_start3A_453] : memref<10x128x64xf32, #tpu.memory_space<vmem>> -> memref<1x128x64xf32, #tpu.memory_space<vmem>>
      %dma_start3A_455 = tpu.memref_squeeze %dma_start3A_454 : memref<1x128x64xf32, #tpu.memory_space<vmem>> -> memref<128x64xf32, #tpu.memory_space<vmem>>
      %dma_start3A_456 = arith.constant 0 : i32
      %dma_start3A_457 = tpu.memref_slice %arg5[%mul3A_2, %add3A_408, %dma_start3A_456] : memref<4096x200x64xf32, #tpu.memory_space<hbm>> -> memref<128x1x64xf32, #tpu.memory_space<hbm>>
      %dma_start3A_458 = tpu.memref_squeeze %dma_start3A_457 : memref<128x1x64xf32, #tpu.memory_space<hbm>> -> memref<128x64xf32, #tpu.memory_space<hbm>>
      %dma_start3A_459 = arith.constant 0 : i32
      %dma_start3A_460 = tpu.memref_slice %arg5[%mul3A_2, %add3A_408, %dma_start3A_459] : memref<4096x200x64xf32, #tpu.memory_space<hbm>> -> memref<128x1x64xf32, #tpu.memory_space<hbm>>
      %dma_start3A_461 = tpu.memref_squeeze %dma_start3A_460 : memref<128x1x64xf32, #tpu.memory_space<hbm>> -> memref<128x64xf32, #tpu.memory_space<hbm>>
      %dma_start3A_462 = arith.constant 0 : i32
      %dma_start3A_463 = arith.constant 0 : i32
      %dma_start3A_464 = tpu.memref_slice %arg8[%dma_start3A_451, %dma_start3A_462, %dma_start3A_463] : memref<10x128x64xf32, #tpu.memory_space<vmem>> -> memref<1x128x64xf32, #tpu.memory_space<vmem>>
      %dma_start3A_465 = tpu.memref_squeeze %dma_start3A_464 : memref<1x128x64xf32, #tpu.memory_space<vmem>> -> memref<128x64xf32, #tpu.memory_space<vmem>>
      tpu.enqueue_dma source(%dma_start3A_465 : memref<128x64xf32, #tpu.memory_space<vmem>>) target(%dma_start3A_461 : memref<128x64xf32, #tpu.memory_space<hbm>>) target_semaphore(%arg22 : memref<!tpu.dma_semaphore, #tpu.memory_space<semaphore_mem>>)
      %mul3A_466 = arith.constant 10 : i32
      %mul3A_467 = arith.muli %scan3A_226, %mul3A_466 : i32
      %add3A_468 = arith.constant 4 : i32
      %add3A_469 = arith.addi %mul3A_467, %add3A_468 : i32
      %add3A_470 = arith.constant 5 : i32
      %add3A_471 = arith.addi %add3A_469, %add3A_470 : i32
      %sub3A_472 = arith.constant 10 : i32
      %sub3A_473 = arith.subi %add3A_471, %sub3A_472 : i32
      %lt3A_474 = arith.constant 200 : i32
      %lt3A_475 = arith.cmpi slt, %add3A_471, %lt3A_474 : i32
      %convert_element_type3A_476 = arith.extui %lt3A_475 : i1 to i32
      %cond3A_477 = arith.constant 0 : i32
      %cond3A_478 = arith.cmpi ne, %convert_element_type3A_476, %cond3A_477 : i32
      scf.if %cond3A_478 {
        %ge3A = arith.constant 0 : i32
        %ge3A_832 = arith.cmpi sge, %sub3A_473, %ge3A : i32
        %convert_element_type3A_833 = arith.extui %ge3A_832 : i1 to i32
        %cond3A_834 = arith.constant 0 : i32
        %cond3A_835 = arith.cmpi ne, %convert_element_type3A_833, %cond3A_834 : i32
        scf.if %cond3A_835 {
          %dma_wait3A_847 = arith.constant 9 : i32
          %dma_wait3A_848 = arith.constant 0 : i32
          %dma_wait3A_849 = arith.constant 0 : i32
          %dma_wait3A_850 = tpu.memref_slice %arg8[%dma_wait3A_847, %dma_wait3A_848, %dma_wait3A_849] : memref<10x128x64xf32, #tpu.memory_space<vmem>> -> memref<1x128x64xf32, #tpu.memory_space<vmem>>
          %dma_wait3A_851 = tpu.memref_squeeze %dma_wait3A_850 : memref<1x128x64xf32, #tpu.memory_space<vmem>> -> memref<128x64xf32, #tpu.memory_space<vmem>>
          %dma_wait3A_852 = arith.constant 0 : i32
          %dma_wait3A_853 = tpu.memref_slice %arg5[%mul3A_2, %sub3A_473, %dma_wait3A_852] : memref<4096x200x64xf32, #tpu.memory_space<hbm>> -> memref<128x1x64xf32, #tpu.memory_space<hbm>>
          %dma_wait3A_854 = tpu.memref_squeeze %dma_wait3A_853 : memref<128x1x64xf32, #tpu.memory_space<hbm>> -> memref<128x64xf32, #tpu.memory_space<hbm>>
          %dma_wait3A_855 = arith.constant 0 : i32
          %dma_wait3A_856 = tpu.memref_slice %arg5[%mul3A_2, %sub3A_473, %dma_wait3A_855] : memref<4096x200x64xf32, #tpu.memory_space<hbm>> -> memref<128x1x64xf32, #tpu.memory_space<hbm>>
          %dma_wait3A_857 = tpu.memref_squeeze %dma_wait3A_856 : memref<128x1x64xf32, #tpu.memory_space<hbm>> -> memref<128x64xf32, #tpu.memory_space<hbm>>
          %dma_wait3A_858 = arith.constant 0 : i32
          %dma_wait3A_859 = arith.constant 0 : i32
          %dma_wait3A_860 = tpu.memref_slice %arg8[%dma_wait3A_847, %dma_wait3A_858, %dma_wait3A_859] : memref<10x128x64xf32, #tpu.memory_space<vmem>> -> memref<1x128x64xf32, #tpu.memory_space<vmem>>
          %dma_wait3A_861 = tpu.memref_squeeze %dma_wait3A_860 : memref<1x128x64xf32, #tpu.memory_space<vmem>> -> memref<128x64xf32, #tpu.memory_space<vmem>>
          tpu.wait_dma2 semaphore(%arg28 : memref<!tpu.dma_semaphore, #tpu.memory_space<semaphore_mem>>) src(%dma_wait3A_861 : memref<128x64xf32, #tpu.memory_space<vmem>>) dst(%dma_wait3A_857 : memref<128x64xf32, #tpu.memory_space<hbm>>)
        } else {
        }
        %dma_start3A_836 = arith.constant 9 : i32
        %dma_start3A_837 = arith.constant 0 : i32
        %dma_start3A_838 = arith.constant 0 : i32
        %dma_start3A_839 = tpu.memref_slice %arg8[%dma_start3A_836, %dma_start3A_837, %dma_start3A_838] : memref<10x128x64xf32, #tpu.memory_space<vmem>> -> memref<1x128x64xf32, #tpu.memory_space<vmem>>
        %dma_start3A_840 = tpu.memref_squeeze %dma_start3A_839 : memref<1x128x64xf32, #tpu.memory_space<vmem>> -> memref<128x64xf32, #tpu.memory_space<vmem>>
        %dma_start3A_841 = arith.constant 0 : i32
        %dma_start3A_842 = tpu.memref_slice %arg6[%add3A_471, %dma_start3A_841] : memref<200x128xi32, #tpu.memory_space<vmem>> -> memref<1x128xi32, #tpu.memory_space<vmem>>
        %dma_start3A_843 = tpu.memref_squeeze %dma_start3A_842 : memref<1x128xi32, #tpu.memory_space<vmem>> -> memref<128xi32, #tpu.memory_space<vmem>>
        %dma_start3A_844 = arith.constant 0 : i32
        %dma_start3A_845 = arith.constant 0 : i32
        %dma_start3A_846 = tpu.memref_slice %arg3[%dma_start3A_844, %dma_start3A_845] : memref<1000000x64xf32, #tpu.memory_space<hbm>> -> memref<1000000x64xf32, #tpu.memory_space<hbm>>
        tpu.enqueue_indirect_dma source(%dma_start3A_846 : memref<1000000x64xf32, #tpu.memory_space<hbm>>) target(%dma_start3A_840 : memref<128x64xf32, #tpu.memory_space<vmem>>) offsets(%dma_start3A_843 : memref<128xi32, #tpu.memory_space<vmem>>) semaphore(%arg18 : memref<!tpu.dma_semaphore, #tpu.memory_space<semaphore_mem>>)
      } else {
      }
      %dma_wait3A_479 = arith.constant 4 : i32
      %dma_wait3A_480 = arith.constant 0 : i32
      %dma_wait3A_481 = arith.constant 0 : i32
      %dma_wait3A_482 = tpu.memref_slice %arg8[%dma_wait3A_479, %dma_wait3A_480, %dma_wait3A_481] : memref<10x128x64xf32, #tpu.memory_space<vmem>> -> memref<1x128x64xf32, #tpu.memory_space<vmem>>
      %dma_wait3A_483 = tpu.memref_squeeze %dma_wait3A_482 : memref<1x128x64xf32, #tpu.memory_space<vmem>> -> memref<128x64xf32, #tpu.memory_space<vmem>>
      %dma_wait3A_484 = arith.constant 0 : i32
      %dma_wait3A_485 = tpu.memref_slice %arg6[%add3A_469, %dma_wait3A_484] : memref<200x128xi32, #tpu.memory_space<vmem>> -> memref<1x128xi32, #tpu.memory_space<vmem>>
      %dma_wait3A_486 = tpu.memref_squeeze %dma_wait3A_485 : memref<1x128xi32, #tpu.memory_space<vmem>> -> memref<128xi32, #tpu.memory_space<vmem>>
      %dma_wait3A_487 = arith.constant 0 : i32
      %dma_wait3A_488 = arith.constant 0 : i32
      %dma_wait3A_489 = tpu.memref_slice %arg3[%dma_wait3A_487, %dma_wait3A_488] : memref<1000000x64xf32, #tpu.memory_space<hbm>> -> memref<1000000x64xf32, #tpu.memory_space<hbm>>
      tpu.wait_indirect_dma semaphore(%arg13 : memref<!tpu.dma_semaphore, #tpu.memory_space<semaphore_mem>>) src(%dma_wait3A_489 : memref<1000000x64xf32, #tpu.memory_space<hbm>>) dst(%dma_wait3A_483 : memref<128x64xf32, #tpu.memory_space<vmem>>)
      %get3A_490 = arith.index_cast %add3A_469 : i32 to index
      %get3A_491 = arith.constant 0 : index
      %get3A_492 = tpu.vector_load %arg7[%get3A_490, %get3A_491] {strides = array<i32>} : memref<200x64xf32, #tpu.memory_space<vmem>>, vector<1x16xf32>,
      %get3A_493 = vector.shape_cast %get3A_492 : vector<1x16xf32> to vector<16xf32>
      %get3A_494 = arith.index_cast %add3A_469 : i32 to index
      %get3A_495 = arith.constant 16 : index
      %get3A_496 = tpu.vector_load %arg7[%get3A_494, %get3A_495] {strides = array<i32>} : memref<200x64xf32, #tpu.memory_space<vmem>>, vector<1x16xf32>,
      %get3A_497 = vector.shape_cast %get3A_496 : vector<1x16xf32> to vector<16xf32>
      %get3A_498 = arith.index_cast %add3A_469 : i32 to index
      %get3A_499 = arith.constant 32 : index
      %get3A_500 = tpu.vector_load %arg7[%get3A_498, %get3A_499] {strides = array<i32>} : memref<200x64xf32, #tpu.memory_space<vmem>>, vector<1x16xf32>,
      %get3A_501 = vector.shape_cast %get3A_500 : vector<1x16xf32> to vector<16xf32>
      %get3A_502 = arith.index_cast %add3A_469 : i32 to index
      %get3A_503 = arith.constant 48 : index
      %get3A_504 = tpu.vector_load %arg7[%get3A_502, %get3A_503] {strides = array<i32>} : memref<200x64xf32, #tpu.memory_space<vmem>>, vector<1x16xf32>,
      %get3A_505 = vector.shape_cast %get3A_504 : vector<1x16xf32> to vector<16xf32>
      %scan3A_506 = arith.constant 0 : i32
      %scan3A_507 = arith.constant 0 : i32
      %scan3A_508 = arith.constant 128 : i32
      %scan3A_509 = arith.addi %scan3A_507, %scan3A_508 : i32
      %scan3A_510 = arith.constant 4 : i32
      scf.for %scan3A_832 = %scan3A_507 to %scan3A_509 step %scan3A_510  : i32 {
        %get3A_833 = arith.constant 4 : i32
        %get3A_834 = arith.index_cast %get3A_833 : i32 to index
        %get3A_835 = arith.index_cast %scan3A_832 : i32 to index
        %get3A_836 = arith.constant 0 : index
        %get3A_837 = tpu.vector_load %arg8[%get3A_834, %get3A_835, %get3A_836] {strides = array<i32>} : memref<10x128x64xf32, #tpu.memory_space<vmem>>, vector<1x1x16xf32>,
        %get3A_838 = vector.shape_cast %get3A_837 : vector<1x1x16xf32> to vector<16xf32>
        %mul3A_839 = arith.constant 8.000000e+00 : f32
        %mul3A_840 = vector.broadcast %mul3A_839 : f32 to vector<16xf32>
        %mul3A_841 = arith.mulf %get3A_838, %mul3A_840 : vector<16xf32>
        %add3A_842 = arith.addf %mul3A_841, %get3A_493 : vector<16xf32>
        %swap3A = arith.constant 4 : i32
        %swap3A_843 = arith.index_cast %swap3A : i32 to index
        %swap3A_844 = arith.index_cast %scan3A_832 : i32 to index
        %swap3A_845 = arith.constant 0 : index
        %swap3A_846 = tpu.vector_load %arg8[%swap3A_843, %swap3A_844, %swap3A_845] {strides = array<i32>} : memref<10x128x64xf32, #tpu.memory_space<vmem>>, vector<1x1x16xf32>,
        %swap3A_847 = vector.shape_cast %swap3A_846 : vector<1x1x16xf32> to vector<16xf32>
        %swap3A_848 = vector.shape_cast %add3A_842 : vector<16xf32> to vector<1x1x16xf32>
        tpu.vector_store %arg8[%swap3A_843, %swap3A_844, %swap3A_845], %swap3A_848 {strides = array<i32>} : memref<10x128x64xf32, #tpu.memory_space<vmem>>, vector<1x1x16xf32>,
        %get3A_849 = arith.constant 4 : i32
        %get3A_850 = arith.index_cast %get3A_849 : i32 to index
        %get3A_851 = arith.index_cast %scan3A_832 : i32 to index
        %get3A_852 = arith.constant 16 : index
        %get3A_853 = tpu.vector_load %arg8[%get3A_850, %get3A_851, %get3A_852] {strides = array<i32>} : memref<10x128x64xf32, #tpu.memory_space<vmem>>, vector<1x1x16xf32>,
        %get3A_854 = vector.shape_cast %get3A_853 : vector<1x1x16xf32> to vector<16xf32>
        %mul3A_855 = arith.constant 8.000000e+00 : f32
        %mul3A_856 = vector.broadcast %mul3A_855 : f32 to vector<16xf32>
        %mul3A_857 = arith.mulf %get3A_854, %mul3A_856 : vector<16xf32>
        %add3A_858 = arith.addf %mul3A_857, %get3A_497 : vector<16xf32>
        %swap3A_859 = arith.constant 4 : i32
        %swap3A_860 = arith.index_cast %swap3A_859 : i32 to index
        %swap3A_861 = arith.index_cast %scan3A_832 : i32 to index
        %swap3A_862 = arith.constant 16 : index
        %swap3A_863 = tpu.vector_load %arg8[%swap3A_860, %swap3A_861, %swap3A_862] {strides = array<i32>} : memref<10x128x64xf32, #tpu.memory_space<vmem>>, vector<1x1x16xf32>,
        %swap3A_864 = vector.shape_cast %swap3A_863 : vector<1x1x16xf32> to vector<16xf32>
        %swap3A_865 = vector.shape_cast %add3A_858 : vector<16xf32> to vector<1x1x16xf32>
        tpu.vector_store %arg8[%swap3A_860, %swap3A_861, %swap3A_862], %swap3A_865 {strides = array<i32>} : memref<10x128x64xf32, #tpu.memory_space<vmem>>, vector<1x1x16xf32>,
        %get3A_866 = arith.constant 4 : i32
        %get3A_867 = arith.index_cast %get3A_866 : i32 to index
        %get3A_868 = arith.index_cast %scan3A_832 : i32 to index
        %get3A_869 = arith.constant 32 : index
        %get3A_870 = tpu.vector_load %arg8[%get3A_867, %get3A_868, %get3A_869] {strides = array<i32>} : memref<10x128x64xf32, #tpu.memory_space<vmem>>, vector<1x1x16xf32>,
        %get3A_871 = vector.shape_cast %get3A_870 : vector<1x1x16xf32> to vector<16xf32>
        %mul3A_872 = arith.constant 8.000000e+00 : f32
        %mul3A_873 = vector.broadcast %mul3A_872 : f32 to vector<16xf32>
        %mul3A_874 = arith.mulf %get3A_871, %mul3A_873 : vector<16xf32>
        %add3A_875 = arith.addf %mul3A_874, %get3A_501 : vector<16xf32>
        %swap3A_876 = arith.constant 4 : i32
        %swap3A_877 = arith.index_cast %swap3A_876 : i32 to index
        %swap3A_878 = arith.index_cast %scan3A_832 : i32 to index
        %swap3A_879 = arith.constant 32 : index
        %swap3A_880 = tpu.vector_load %arg8[%swap3A_877, %swap3A_878, %swap3A_879] {strides = array<i32>} : memref<10x128x64xf32, #tpu.memory_space<vmem>>, vector<1x1x16xf32>,
        %swap3A_881 = vector.shape_cast %swap3A_880 : vector<1x1x16xf32> to vector<16xf32>
        %swap3A_882 = vector.shape_cast %add3A_875 : vector<16xf32> to vector<1x1x16xf32>
        tpu.vector_store %arg8[%swap3A_877, %swap3A_878, %swap3A_879], %swap3A_882 {strides = array<i32>} : memref<10x128x64xf32, #tpu.memory_space<vmem>>, vector<1x1x16xf32>,
        %get3A_883 = arith.constant 4 : i32
        %get3A_884 = arith.index_cast %get3A_883 : i32 to index
        %get3A_885 = arith.index_cast %scan3A_832 : i32 to index
        %get3A_886 = arith.constant 48 : index
        %get3A_887 = tpu.vector_load %arg8[%get3A_884, %get3A_885, %get3A_886] {strides = array<i32>} : memref<10x128x64xf32, #tpu.memory_space<vmem>>, vector<1x1x16xf32>,
        %get3A_888 = vector.shape_cast %get3A_887 : vector<1x1x16xf32> to vector<16xf32>
        %mul3A_889 = arith.constant 8.000000e+00 : f32
        %mul3A_890 = vector.broadcast %mul3A_889 : f32 to vector<16xf32>
        %mul3A_891 = arith.mulf %get3A_888, %mul3A_890 : vector<16xf32>
        %add3A_892 = arith.addf %mul3A_891, %get3A_505 : vector<16xf32>
        %swap3A_893 = arith.constant 4 : i32
        %swap3A_894 = arith.index_cast %swap3A_893 : i32 to index
        %swap3A_895 = arith.index_cast %scan3A_832 : i32 to index
        %swap3A_896 = arith.constant 48 : index
        %swap3A_897 = tpu.vector_load %arg8[%swap3A_894, %swap3A_895, %swap3A_896] {strides = array<i32>} : memref<10x128x64xf32, #tpu.memory_space<vmem>>, vector<1x1x16xf32>,
        %swap3A_898 = vector.shape_cast %swap3A_897 : vector<1x1x16xf32> to vector<16xf32>
        %swap3A_899 = vector.shape_cast %add3A_892 : vector<16xf32> to vector<1x1x16xf32>
        tpu.vector_store %arg8[%swap3A_894, %swap3A_895, %swap3A_896], %swap3A_899 {strides = array<i32>} : memref<10x128x64xf32, #tpu.memory_space<vmem>>, vector<1x1x16xf32>,
        %scan3A_900 = arith.constant 1 : i32
        %scan3A_901 = arith.addi %scan3A_832, %scan3A_900 : i32
        %get3A_902 = arith.constant 4 : i32
        %get3A_903 = arith.index_cast %get3A_902 : i32 to index
        %get3A_904 = arith.index_cast %scan3A_901 : i32 to index
        %get3A_905 = arith.constant 0 : index
        %get3A_906 = tpu.vector_load %arg8[%get3A_903, %get3A_904, %get3A_905] {strides = array<i32>} : memref<10x128x64xf32, #tpu.memory_space<vmem>>, vector<1x1x16xf32>,
        %get3A_907 = vector.shape_cast %get3A_906 : vector<1x1x16xf32> to vector<16xf32>
        %mul3A_908 = arith.constant 8.000000e+00 : f32
        %mul3A_909 = vector.broadcast %mul3A_908 : f32 to vector<16xf32>
        %mul3A_910 = arith.mulf %get3A_907, %mul3A_909 : vector<16xf32>
        %add3A_911 = arith.addf %mul3A_910, %get3A_493 : vector<16xf32>
        %swap3A_912 = arith.constant 4 : i32
        %swap3A_913 = arith.index_cast %swap3A_912 : i32 to index
        %swap3A_914 = arith.index_cast %scan3A_901 : i32 to index
        %swap3A_915 = arith.constant 0 : index
        %swap3A_916 = tpu.vector_load %arg8[%swap3A_913, %swap3A_914, %swap3A_915] {strides = array<i32>} : memref<10x128x64xf32, #tpu.memory_space<vmem>>, vector<1x1x16xf32>,
        %swap3A_917 = vector.shape_cast %swap3A_916 : vector<1x1x16xf32> to vector<16xf32>
        %swap3A_918 = vector.shape_cast %add3A_911 : vector<16xf32> to vector<1x1x16xf32>
        tpu.vector_store %arg8[%swap3A_913, %swap3A_914, %swap3A_915], %swap3A_918 {strides = array<i32>} : memref<10x128x64xf32, #tpu.memory_space<vmem>>, vector<1x1x16xf32>,
        %get3A_919 = arith.constant 4 : i32
        %get3A_920 = arith.index_cast %get3A_919 : i32 to index
        %get3A_921 = arith.index_cast %scan3A_901 : i32 to index
        %get3A_922 = arith.constant 16 : index
        %get3A_923 = tpu.vector_load %arg8[%get3A_920, %get3A_921, %get3A_922] {strides = array<i32>} : memref<10x128x64xf32, #tpu.memory_space<vmem>>, vector<1x1x16xf32>,
        %get3A_924 = vector.shape_cast %get3A_923 : vector<1x1x16xf32> to vector<16xf32>
        %mul3A_925 = arith.constant 8.000000e+00 : f32
        %mul3A_926 = vector.broadcast %mul3A_925 : f32 to vector<16xf32>
        %mul3A_927 = arith.mulf %get3A_924, %mul3A_926 : vector<16xf32>
        %add3A_928 = arith.addf %mul3A_927, %get3A_497 : vector<16xf32>
        %swap3A_929 = arith.constant 4 : i32
        %swap3A_930 = arith.index_cast %swap3A_929 : i32 to index
        %swap3A_931 = arith.index_cast %scan3A_901 : i32 to index
        %swap3A_932 = arith.constant 16 : index
        %swap3A_933 = tpu.vector_load %arg8[%swap3A_930, %swap3A_931, %swap3A_932] {strides = array<i32>} : memref<10x128x64xf32, #tpu.memory_space<vmem>>, vector<1x1x16xf32>,
        %swap3A_934 = vector.shape_cast %swap3A_933 : vector<1x1x16xf32> to vector<16xf32>
        %swap3A_935 = vector.shape_cast %add3A_928 : vector<16xf32> to vector<1x1x16xf32>
        tpu.vector_store %arg8[%swap3A_930, %swap3A_931, %swap3A_932], %swap3A_935 {strides = array<i32>} : memref<10x128x64xf32, #tpu.memory_space<vmem>>, vector<1x1x16xf32>,
        %get3A_936 = arith.constant 4 : i32
        %get3A_937 = arith.index_cast %get3A_936 : i32 to index
        %get3A_938 = arith.index_cast %scan3A_901 : i32 to index
        %get3A_939 = arith.constant 32 : index
        %get3A_940 = tpu.vector_load %arg8[%get3A_937, %get3A_938, %get3A_939] {strides = array<i32>} : memref<10x128x64xf32, #tpu.memory_space<vmem>>, vector<1x1x16xf32>,
        %get3A_941 = vector.shape_cast %get3A_940 : vector<1x1x16xf32> to vector<16xf32>
        %mul3A_942 = arith.constant 8.000000e+00 : f32
        %mul3A_943 = vector.broadcast %mul3A_942 : f32 to vector<16xf32>
        %mul3A_944 = arith.mulf %get3A_941, %mul3A_943 : vector<16xf32>
        %add3A_945 = arith.addf %mul3A_944, %get3A_501 : vector<16xf32>
        %swap3A_946 = arith.constant 4 : i32
        %swap3A_947 = arith.index_cast %swap3A_946 : i32 to index
        %swap3A_948 = arith.index_cast %scan3A_901 : i32 to index
        %swap3A_949 = arith.constant 32 : index
        %swap3A_950 = tpu.vector_load %arg8[%swap3A_947, %swap3A_948, %swap3A_949] {strides = array<i32>} : memref<10x128x64xf32, #tpu.memory_space<vmem>>, vector<1x1x16xf32>,
        %swap3A_951 = vector.shape_cast %swap3A_950 : vector<1x1x16xf32> to vector<16xf32>
        %swap3A_952 = vector.shape_cast %add3A_945 : vector<16xf32> to vector<1x1x16xf32>
        tpu.vector_store %arg8[%swap3A_947, %swap3A_948, %swap3A_949], %swap3A_952 {strides = array<i32>} : memref<10x128x64xf32, #tpu.memory_space<vmem>>, vector<1x1x16xf32>,
        %get3A_953 = arith.constant 4 : i32
        %get3A_954 = arith.index_cast %get3A_953 : i32 to index
        %get3A_955 = arith.index_cast %scan3A_901 : i32 to index
        %get3A_956 = arith.constant 48 : index
        %get3A_957 = tpu.vector_load %arg8[%get3A_954, %get3A_955, %get3A_956] {strides = array<i32>} : memref<10x128x64xf32, #tpu.memory_space<vmem>>, vector<1x1x16xf32>,
        %get3A_958 = vector.shape_cast %get3A_957 : vector<1x1x16xf32> to vector<16xf32>
        %mul3A_959 = arith.constant 8.000000e+00 : f32
        %mul3A_960 = vector.broadcast %mul3A_959 : f32 to vector<16xf32>
        %mul3A_961 = arith.mulf %get3A_958, %mul3A_960 : vector<16xf32>
        %add3A_962 = arith.addf %mul3A_961, %get3A_505 : vector<16xf32>
        %swap3A_963 = arith.constant 4 : i32
        %swap3A_964 = arith.index_cast %swap3A_963 : i32 to index
        %swap3A_965 = arith.index_cast %scan3A_901 : i32 to index
        %swap3A_966 = arith.constant 48 : index
        %swap3A_967 = tpu.vector_load %arg8[%swap3A_964, %swap3A_965, %swap3A_966] {strides = array<i32>} : memref<10x128x64xf32, #tpu.memory_space<vmem>>, vector<1x1x16xf32>,
        %swap3A_968 = vector.shape_cast %swap3A_967 : vector<1x1x16xf32> to vector<16xf32>
        %swap3A_969 = vector.shape_cast %add3A_962 : vector<16xf32> to vector<1x1x16xf32>
        tpu.vector_store %arg8[%swap3A_964, %swap3A_965, %swap3A_966], %swap3A_969 {strides = array<i32>} : memref<10x128x64xf32, #tpu.memory_space<vmem>>, vector<1x1x16xf32>,
        %scan3A_970 = arith.constant 2 : i32
        %scan3A_971 = arith.addi %scan3A_832, %scan3A_970 : i32
        %get3A_972 = arith.constant 4 : i32
        %get3A_973 = arith.index_cast %get3A_972 : i32 to index
        %get3A_974 = arith.index_cast %scan3A_971 : i32 to index
        %get3A_975 = arith.constant 0 : index
        %get3A_976 = tpu.vector_load %arg8[%get3A_973, %get3A_974, %get3A_975] {strides = array<i32>} : memref<10x128x64xf32, #tpu.memory_space<vmem>>, vector<1x1x16xf32>,
        %get3A_977 = vector.shape_cast %get3A_976 : vector<1x1x16xf32> to vector<16xf32>
        %mul3A_978 = arith.constant 8.000000e+00 : f32
        %mul3A_979 = vector.broadcast %mul3A_978 : f32 to vector<16xf32>
        %mul3A_980 = arith.mulf %get3A_977, %mul3A_979 : vector<16xf32>
        %add3A_981 = arith.addf %mul3A_980, %get3A_493 : vector<16xf32>
        %swap3A_982 = arith.constant 4 : i32
        %swap3A_983 = arith.index_cast %swap3A_982 : i32 to index
        %swap3A_984 = arith.index_cast %scan3A_971 : i32 to index
        %swap3A_985 = arith.constant 0 : index
        %swap3A_986 = tpu.vector_load %arg8[%swap3A_983, %swap3A_984, %swap3A_985] {strides = array<i32>} : memref<10x128x64xf32, #tpu.memory_space<vmem>>, vector<1x1x16xf32>,
        %swap3A_987 = vector.shape_cast %swap3A_986 : vector<1x1x16xf32> to vector<16xf32>
        %swap3A_988 = vector.shape_cast %add3A_981 : vector<16xf32> to vector<1x1x16xf32>
        tpu.vector_store %arg8[%swap3A_983, %swap3A_984, %swap3A_985], %swap3A_988 {strides = array<i32>} : memref<10x128x64xf32, #tpu.memory_space<vmem>>, vector<1x1x16xf32>,
        %get3A_989 = arith.constant 4 : i32
        %get3A_990 = arith.index_cast %get3A_989 : i32 to index
        %get3A_991 = arith.index_cast %scan3A_971 : i32 to index
        %get3A_992 = arith.constant 16 : index
        %get3A_993 = tpu.vector_load %arg8[%get3A_990, %get3A_991, %get3A_992] {strides = array<i32>} : memref<10x128x64xf32, #tpu.memory_space<vmem>>, vector<1x1x16xf32>,
        %get3A_994 = vector.shape_cast %get3A_993 : vector<1x1x16xf32> to vector<16xf32>
        %mul3A_995 = arith.constant 8.000000e+00 : f32
        %mul3A_996 = vector.broadcast %mul3A_995 : f32 to vector<16xf32>
        %mul3A_997 = arith.mulf %get3A_994, %mul3A_996 : vector<16xf32>
        %add3A_998 = arith.addf %mul3A_997, %get3A_497 : vector<16xf32>
        %swap3A_999 = arith.constant 4 : i32
        %swap3A_1000 = arith.index_cast %swap3A_999 : i32 to index
        %swap3A_1001 = arith.index_cast %scan3A_971 : i32 to index
        %swap3A_1002 = arith.constant 16 : index
        %swap3A_1003 = tpu.vector_load %arg8[%swap3A_1000, %swap3A_1001, %swap3A_1002] {strides = array<i32>} : memref<10x128x64xf32, #tpu.memory_space<vmem>>, vector<1x1x16xf32>,
        %swap3A_1004 = vector.shape_cast %swap3A_1003 : vector<1x1x16xf32> to vector<16xf32>
        %swap3A_1005 = vector.shape_cast %add3A_998 : vector<16xf32> to vector<1x1x16xf32>
        tpu.vector_store %arg8[%swap3A_1000, %swap3A_1001, %swap3A_1002], %swap3A_1005 {strides = array<i32>} : memref<10x128x64xf32, #tpu.memory_space<vmem>>, vector<1x1x16xf32>,
        %get3A_1006 = arith.constant 4 : i32
        %get3A_1007 = arith.index_cast %get3A_1006 : i32 to index
        %get3A_1008 = arith.index_cast %scan3A_971 : i32 to index
        %get3A_1009 = arith.constant 32 : index
        %get3A_1010 = tpu.vector_load %arg8[%get3A_1007, %get3A_1008, %get3A_1009] {strides = array<i32>} : memref<10x128x64xf32, #tpu.memory_space<vmem>>, vector<1x1x16xf32>,
        %get3A_1011 = vector.shape_cast %get3A_1010 : vector<1x1x16xf32> to vector<16xf32>
        %mul3A_1012 = arith.constant 8.000000e+00 : f32
        %mul3A_1013 = vector.broadcast %mul3A_1012 : f32 to vector<16xf32>
        %mul3A_1014 = arith.mulf %get3A_1011, %mul3A_1013 : vector<16xf32>
        %add3A_1015 = arith.addf %mul3A_1014, %get3A_501 : vector<16xf32>
        %swap3A_1016 = arith.constant 4 : i32
        %swap3A_1017 = arith.index_cast %swap3A_1016 : i32 to index
        %swap3A_1018 = arith.index_cast %scan3A_971 : i32 to index
        %swap3A_1019 = arith.constant 32 : index
        %swap3A_1020 = tpu.vector_load %arg8[%swap3A_1017, %swap3A_1018, %swap3A_1019] {strides = array<i32>} : memref<10x128x64xf32, #tpu.memory_space<vmem>>, vector<1x1x16xf32>,
        %swap3A_1021 = vector.shape_cast %swap3A_1020 : vector<1x1x16xf32> to vector<16xf32>
        %swap3A_1022 = vector.shape_cast %add3A_1015 : vector<16xf32> to vector<1x1x16xf32>
        tpu.vector_store %arg8[%swap3A_1017, %swap3A_1018, %swap3A_1019], %swap3A_1022 {strides = array<i32>} : memref<10x128x64xf32, #tpu.memory_space<vmem>>, vector<1x1x16xf32>,
        %get3A_1023 = arith.constant 4 : i32
        %get3A_1024 = arith.index_cast %get3A_1023 : i32 to index
        %get3A_1025 = arith.index_cast %scan3A_971 : i32 to index
        %get3A_1026 = arith.constant 48 : index
        %get3A_1027 = tpu.vector_load %arg8[%get3A_1024, %get3A_1025, %get3A_1026] {strides = array<i32>} : memref<10x128x64xf32, #tpu.memory_space<vmem>>, vector<1x1x16xf32>,
        %get3A_1028 = vector.shape_cast %get3A_1027 : vector<1x1x16xf32> to vector<16xf32>
        %mul3A_1029 = arith.constant 8.000000e+00 : f32
        %mul3A_1030 = vector.broadcast %mul3A_1029 : f32 to vector<16xf32>
        %mul3A_1031 = arith.mulf %get3A_1028, %mul3A_1030 : vector<16xf32>
        %add3A_1032 = arith.addf %mul3A_1031, %get3A_505 : vector<16xf32>
        %swap3A_1033 = arith.constant 4 : i32
        %swap3A_1034 = arith.index_cast %swap3A_1033 : i32 to index
        %swap3A_1035 = arith.index_cast %scan3A_971 : i32 to index
        %swap3A_1036 = arith.constant 48 : index
        %swap3A_1037 = tpu.vector_load %arg8[%swap3A_1034, %swap3A_1035, %swap3A_1036] {strides = array<i32>} : memref<10x128x64xf32, #tpu.memory_space<vmem>>, vector<1x1x16xf32>,
        %swap3A_1038 = vector.shape_cast %swap3A_1037 : vector<1x1x16xf32> to vector<16xf32>
        %swap3A_1039 = vector.shape_cast %add3A_1032 : vector<16xf32> to vector<1x1x16xf32>
        tpu.vector_store %arg8[%swap3A_1034, %swap3A_1035, %swap3A_1036], %swap3A_1039 {strides = array<i32>} : memref<10x128x64xf32, #tpu.memory_space<vmem>>, vector<1x1x16xf32>,
        %scan3A_1040 = arith.constant 3 : i32
        %scan3A_1041 = arith.addi %scan3A_832, %scan3A_1040 : i32
        %get3A_1042 = arith.constant 4 : i32
        %get3A_1043 = arith.index_cast %get3A_1042 : i32 to index
        %get3A_1044 = arith.index_cast %scan3A_1041 : i32 to index
        %get3A_1045 = arith.constant 0 : index
        %get3A_1046 = tpu.vector_load %arg8[%get3A_1043, %get3A_1044, %get3A_1045] {strides = array<i32>} : memref<10x128x64xf32, #tpu.memory_space<vmem>>, vector<1x1x16xf32>,
        %get3A_1047 = vector.shape_cast %get3A_1046 : vector<1x1x16xf32> to vector<16xf32>
        %mul3A_1048 = arith.constant 8.000000e+00 : f32
        %mul3A_1049 = vector.broadcast %mul3A_1048 : f32 to vector<16xf32>
        %mul3A_1050 = arith.mulf %get3A_1047, %mul3A_1049 : vector<16xf32>
        %add3A_1051 = arith.addf %mul3A_1050, %get3A_493 : vector<16xf32>
        %swap3A_1052 = arith.constant 4 : i32
        %swap3A_1053 = arith.index_cast %swap3A_1052 : i32 to index
        %swap3A_1054 = arith.index_cast %scan3A_1041 : i32 to index
        %swap3A_1055 = arith.constant 0 : index
        %swap3A_1056 = tpu.vector_load %arg8[%swap3A_1053, %swap3A_1054, %swap3A_1055] {strides = array<i32>} : memref<10x128x64xf32, #tpu.memory_space<vmem>>, vector<1x1x16xf32>,
        %swap3A_1057 = vector.shape_cast %swap3A_1056 : vector<1x1x16xf32> to vector<16xf32>
        %swap3A_1058 = vector.shape_cast %add3A_1051 : vector<16xf32> to vector<1x1x16xf32>
        tpu.vector_store %arg8[%swap3A_1053, %swap3A_1054, %swap3A_1055], %swap3A_1058 {strides = array<i32>} : memref<10x128x64xf32, #tpu.memory_space<vmem>>, vector<1x1x16xf32>,
        %get3A_1059 = arith.constant 4 : i32
        %get3A_1060 = arith.index_cast %get3A_1059 : i32 to index
        %get3A_1061 = arith.index_cast %scan3A_1041 : i32 to index
        %get3A_1062 = arith.constant 16 : index
        %get3A_1063 = tpu.vector_load %arg8[%get3A_1060, %get3A_1061, %get3A_1062] {strides = array<i32>} : memref<10x128x64xf32, #tpu.memory_space<vmem>>, vector<1x1x16xf32>,
        %get3A_1064 = vector.shape_cast %get3A_1063 : vector<1x1x16xf32> to vector<16xf32>
        %mul3A_1065 = arith.constant 8.000000e+00 : f32
        %mul3A_1066 = vector.broadcast %mul3A_1065 : f32 to vector<16xf32>
        %mul3A_1067 = arith.mulf %get3A_1064, %mul3A_1066 : vector<16xf32>
        %add3A_1068 = arith.addf %mul3A_1067, %get3A_497 : vector<16xf32>
        %swap3A_1069 = arith.constant 4 : i32
        %swap3A_1070 = arith.index_cast %swap3A_1069 : i32 to index
        %swap3A_1071 = arith.index_cast %scan3A_1041 : i32 to index
        %swap3A_1072 = arith.constant 16 : index
        %swap3A_1073 = tpu.vector_load %arg8[%swap3A_1070, %swap3A_1071, %swap3A_1072] {strides = array<i32>} : memref<10x128x64xf32, #tpu.memory_space<vmem>>, vector<1x1x16xf32>,
        %swap3A_1074 = vector.shape_cast %swap3A_1073 : vector<1x1x16xf32> to vector<16xf32>
        %swap3A_1075 = vector.shape_cast %add3A_1068 : vector<16xf32> to vector<1x1x16xf32>
        tpu.vector_store %arg8[%swap3A_1070, %swap3A_1071, %swap3A_1072], %swap3A_1075 {strides = array<i32>} : memref<10x128x64xf32, #tpu.memory_space<vmem>>, vector<1x1x16xf32>,
        %get3A_1076 = arith.constant 4 : i32
        %get3A_1077 = arith.index_cast %get3A_1076 : i32 to index
        %get3A_1078 = arith.index_cast %scan3A_1041 : i32 to index
        %get3A_1079 = arith.constant 32 : index
        %get3A_1080 = tpu.vector_load %arg8[%get3A_1077, %get3A_1078, %get3A_1079] {strides = array<i32>} : memref<10x128x64xf32, #tpu.memory_space<vmem>>, vector<1x1x16xf32>,
        %get3A_1081 = vector.shape_cast %get3A_1080 : vector<1x1x16xf32> to vector<16xf32>
        %mul3A_1082 = arith.constant 8.000000e+00 : f32
        %mul3A_1083 = vector.broadcast %mul3A_1082 : f32 to vector<16xf32>
        %mul3A_1084 = arith.mulf %get3A_1081, %mul3A_1083 : vector<16xf32>
        %add3A_1085 = arith.addf %mul3A_1084, %get3A_501 : vector<16xf32>
        %swap3A_1086 = arith.constant 4 : i32
        %swap3A_1087 = arith.index_cast %swap3A_1086 : i32 to index
        %swap3A_1088 = arith.index_cast %scan3A_1041 : i32 to index
        %swap3A_1089 = arith.constant 32 : index
        %swap3A_1090 = tpu.vector_load %arg8[%swap3A_1087, %swap3A_1088, %swap3A_1089] {strides = array<i32>} : memref<10x128x64xf32, #tpu.memory_space<vmem>>, vector<1x1x16xf32>,
        %swap3A_1091 = vector.shape_cast %swap3A_1090 : vector<1x1x16xf32> to vector<16xf32>
        %swap3A_1092 = vector.shape_cast %add3A_1085 : vector<16xf32> to vector<1x1x16xf32>
        tpu.vector_store %arg8[%swap3A_1087, %swap3A_1088, %swap3A_1089], %swap3A_1092 {strides = array<i32>} : memref<10x128x64xf32, #tpu.memory_space<vmem>>, vector<1x1x16xf32>,
        %get3A_1093 = arith.constant 4 : i32
        %get3A_1094 = arith.index_cast %get3A_1093 : i32 to index
        %get3A_1095 = arith.index_cast %scan3A_1041 : i32 to index
        %get3A_1096 = arith.constant 48 : index
        %get3A_1097 = tpu.vector_load %arg8[%get3A_1094, %get3A_1095, %get3A_1096] {strides = array<i32>} : memref<10x128x64xf32, #tpu.memory_space<vmem>>, vector<1x1x16xf32>,
        %get3A_1098 = vector.shape_cast %get3A_1097 : vector<1x1x16xf32> to vector<16xf32>
        %mul3A_1099 = arith.constant 8.000000e+00 : f32
        %mul3A_1100 = vector.broadcast %mul3A_1099 : f32 to vector<16xf32>
        %mul3A_1101 = arith.mulf %get3A_1098, %mul3A_1100 : vector<16xf32>
        %add3A_1102 = arith.addf %mul3A_1101, %get3A_505 : vector<16xf32>
        %swap3A_1103 = arith.constant 4 : i32
        %swap3A_1104 = arith.index_cast %swap3A_1103 : i32 to index
        %swap3A_1105 = arith.index_cast %scan3A_1041 : i32 to index
        %swap3A_1106 = arith.constant 48 : index
        %swap3A_1107 = tpu.vector_load %arg8[%swap3A_1104, %swap3A_1105, %swap3A_1106] {strides = array<i32>} : memref<10x128x64xf32, #tpu.memory_space<vmem>>, vector<1x1x16xf32>,
        %swap3A_1108 = vector.shape_cast %swap3A_1107 : vector<1x1x16xf32> to vector<16xf32>
        %swap3A_1109 = vector.shape_cast %add3A_1102 : vector<16xf32> to vector<1x1x16xf32>
        tpu.vector_store %arg8[%swap3A_1104, %swap3A_1105, %swap3A_1106], %swap3A_1109 {strides = array<i32>} : memref<10x128x64xf32, #tpu.memory_space<vmem>>, vector<1x1x16xf32>,
      }
      %scan3A_511 = arith.constant 128 : i32
      %dma_start3A_512 = arith.constant 4 : i32
      %dma_start3A_513 = arith.constant 0 : i32
      %dma_start3A_514 = arith.constant 0 : i32
      %dma_start3A_515 = tpu.memref_slice %arg8[%dma_start3A_512, %dma_start3A_513, %dma_start3A_514] : memref<10x128x64xf32, #tpu.memory_space<vmem>> -> memref<1x128x64xf32, #tpu.memory_space<vmem>>
      %dma_start3A_516 = tpu.memref_squeeze %dma_start3A_515 : memref<1x128x64xf32, #tpu.memory_space<vmem>> -> memref<128x64xf32, #tpu.memory_space<vmem>>
      %dma_start3A_517 = arith.constant 0 : i32
      %dma_start3A_518 = tpu.memref_slice %arg5[%mul3A_2, %add3A_469, %dma_start3A_517] : memref<4096x200x64xf32, #tpu.memory_space<hbm>> -> memref<128x1x64xf32, #tpu.memory_space<hbm>>
      %dma_start3A_519 = tpu.memref_squeeze %dma_start3A_518 : memref<128x1x64xf32, #tpu.memory_space<hbm>> -> memref<128x64xf32, #tpu.memory_space<hbm>>
      %dma_start3A_520 = arith.constant 0 : i32
      %dma_start3A_521 = tpu.memref_slice %arg5[%mul3A_2, %add3A_469, %dma_start3A_520] : memref<4096x200x64xf32, #tpu.memory_space<hbm>> -> memref<128x1x64xf32, #tpu.memory_space<hbm>>
      %dma_start3A_522 = tpu.memref_squeeze %dma_start3A_521 : memref<128x1x64xf32, #tpu.memory_space<hbm>> -> memref<128x64xf32, #tpu.memory_space<hbm>>
      %dma_start3A_523 = arith.constant 0 : i32
      %dma_start3A_524 = arith.constant 0 : i32
      %dma_start3A_525 = tpu.memref_slice %arg8[%dma_start3A_512, %dma_start3A_523, %dma_start3A_524] : memref<10x128x64xf32, #tpu.memory_space<vmem>> -> memref<1x128x64xf32, #tpu.memory_space<vmem>>
      %dma_start3A_526 = tpu.memref_squeeze %dma_start3A_525 : memref<1x128x64xf32, #tpu.memory_space<vmem>> -> memref<128x64xf32, #tpu.memory_space<vmem>>
      tpu.enqueue_dma source(%dma_start3A_526 : memref<128x64xf32, #tpu.memory_space<vmem>>) target(%dma_start3A_522 : memref<128x64xf32, #tpu.memory_space<hbm>>) target_semaphore(%arg23 : memref<!tpu.dma_semaphore, #tpu.memory_space<semaphore_mem>>)
      %mul3A_527 = arith.constant 10 : i32
      %mul3A_528 = arith.muli %scan3A_226, %mul3A_527 : i32
      %add3A_529 = arith.constant 5 : i32
      %add3A_530 = arith.addi %mul3A_528, %add3A_529 : i32
      %add3A_531 = arith.constant 5 : i32
      %add3A_532 = arith.addi %add3A_530, %add3A_531 : i32
      %sub3A_533 = arith.constant 10 : i32
      %sub3A_534 = arith.subi %add3A_532, %sub3A_533 : i32
      %lt3A_535 = arith.constant 200 : i32
      %lt3A_536 = arith.cmpi slt, %add3A_532, %lt3A_535 : i32
      %convert_element_type3A_537 = arith.extui %lt3A_536 : i1 to i32
      %cond3A_538 = arith.constant 0 : i32
      %cond3A_539 = arith.cmpi ne, %convert_element_type3A_537, %cond3A_538 : i32
      scf.if %cond3A_539 {
        %ge3A = arith.constant 0 : i32
        %ge3A_832 = arith.cmpi sge, %sub3A_534, %ge3A : i32
        %convert_element_type3A_833 = arith.extui %ge3A_832 : i1 to i32
        %cond3A_834 = arith.constant 0 : i32
        %cond3A_835 = arith.cmpi ne, %convert_element_type3A_833, %cond3A_834 : i32
        scf.if %cond3A_835 {
          %dma_wait3A_847 = arith.constant 0 : i32
          %dma_wait3A_848 = arith.constant 0 : i32
          %dma_wait3A_849 = arith.constant 0 : i32
          %dma_wait3A_850 = tpu.memref_slice %arg8[%dma_wait3A_847, %dma_wait3A_848, %dma_wait3A_849] : memref<10x128x64xf32, #tpu.memory_space<vmem>> -> memref<1x128x64xf32, #tpu.memory_space<vmem>>
          %dma_wait3A_851 = tpu.memref_squeeze %dma_wait3A_850 : memref<1x128x64xf32, #tpu.memory_space<vmem>> -> memref<128x64xf32, #tpu.memory_space<vmem>>
          %dma_wait3A_852 = arith.constant 0 : i32
          %dma_wait3A_853 = tpu.memref_slice %arg5[%mul3A_2, %sub3A_534, %dma_wait3A_852] : memref<4096x200x64xf32, #tpu.memory_space<hbm>> -> memref<128x1x64xf32, #tpu.memory_space<hbm>>
          %dma_wait3A_854 = tpu.memref_squeeze %dma_wait3A_853 : memref<128x1x64xf32, #tpu.memory_space<hbm>> -> memref<128x64xf32, #tpu.memory_space<hbm>>
          %dma_wait3A_855 = arith.constant 0 : i32
          %dma_wait3A_856 = tpu.memref_slice %arg5[%mul3A_2, %sub3A_534, %dma_wait3A_855] : memref<4096x200x64xf32, #tpu.memory_space<hbm>> -> memref<128x1x64xf32, #tpu.memory_space<hbm>>
          %dma_wait3A_857 = tpu.memref_squeeze %dma_wait3A_856 : memref<128x1x64xf32, #tpu.memory_space<hbm>> -> memref<128x64xf32, #tpu.memory_space<hbm>>
          %dma_wait3A_858 = arith.constant 0 : i32
          %dma_wait3A_859 = arith.constant 0 : i32
          %dma_wait3A_860 = tpu.memref_slice %arg8[%dma_wait3A_847, %dma_wait3A_858, %dma_wait3A_859] : memref<10x128x64xf32, #tpu.memory_space<vmem>> -> memref<1x128x64xf32, #tpu.memory_space<vmem>>
          %dma_wait3A_861 = tpu.memref_squeeze %dma_wait3A_860 : memref<1x128x64xf32, #tpu.memory_space<vmem>> -> memref<128x64xf32, #tpu.memory_space<vmem>>
          tpu.wait_dma2 semaphore(%arg19 : memref<!tpu.dma_semaphore, #tpu.memory_space<semaphore_mem>>) src(%dma_wait3A_861 : memref<128x64xf32, #tpu.memory_space<vmem>>) dst(%dma_wait3A_857 : memref<128x64xf32, #tpu.memory_space<hbm>>)
        } else {
        }
        %dma_start3A_836 = arith.constant 0 : i32
        %dma_start3A_837 = arith.constant 0 : i32
        %dma_start3A_838 = arith.constant 0 : i32
        %dma_start3A_839 = tpu.memref_slice %arg8[%dma_start3A_836, %dma_start3A_837, %dma_start3A_838] : memref<10x128x64xf32, #tpu.memory_space<vmem>> -> memref<1x128x64xf32, #tpu.memory_space<vmem>>
        %dma_start3A_840 = tpu.memref_squeeze %dma_start3A_839 : memref<1x128x64xf32, #tpu.memory_space<vmem>> -> memref<128x64xf32, #tpu.memory_space<vmem>>
        %dma_start3A_841 = arith.constant 0 : i32
        %dma_start3A_842 = tpu.memref_slice %arg6[%add3A_532, %dma_start3A_841] : memref<200x128xi32, #tpu.memory_space<vmem>> -> memref<1x128xi32, #tpu.memory_space<vmem>>
        %dma_start3A_843 = tpu.memref_squeeze %dma_start3A_842 : memref<1x128xi32, #tpu.memory_space<vmem>> -> memref<128xi32, #tpu.memory_space<vmem>>
        %dma_start3A_844 = arith.constant 0 : i32
        %dma_start3A_845 = arith.constant 0 : i32
        %dma_start3A_846 = tpu.memref_slice %arg3[%dma_start3A_844, %dma_start3A_845] : memref<1000000x64xf32, #tpu.memory_space<hbm>> -> memref<1000000x64xf32, #tpu.memory_space<hbm>>
        tpu.enqueue_indirect_dma source(%dma_start3A_846 : memref<1000000x64xf32, #tpu.memory_space<hbm>>) target(%dma_start3A_840 : memref<128x64xf32, #tpu.memory_space<vmem>>) offsets(%dma_start3A_843 : memref<128xi32, #tpu.memory_space<vmem>>) semaphore(%arg9 : memref<!tpu.dma_semaphore, #tpu.memory_space<semaphore_mem>>)
      } else {
      }
      %dma_wait3A_540 = arith.constant 5 : i32
      %dma_wait3A_541 = arith.constant 0 : i32
      %dma_wait3A_542 = arith.constant 0 : i32
      %dma_wait3A_543 = tpu.memref_slice %arg8[%dma_wait3A_540, %dma_wait3A_541, %dma_wait3A_542] : memref<10x128x64xf32, #tpu.memory_space<vmem>> -> memref<1x128x64xf32, #tpu.memory_space<vmem>>
      %dma_wait3A_544 = tpu.memref_squeeze %dma_wait3A_543 : memref<1x128x64xf32, #tpu.memory_space<vmem>> -> memref<128x64xf32, #tpu.memory_space<vmem>>
      %dma_wait3A_545 = arith.constant 0 : i32
      %dma_wait3A_546 = tpu.memref_slice %arg6[%add3A_530, %dma_wait3A_545] : memref<200x128xi32, #tpu.memory_space<vmem>> -> memref<1x128xi32, #tpu.memory_space<vmem>>
      %dma_wait3A_547 = tpu.memref_squeeze %dma_wait3A_546 : memref<1x128xi32, #tpu.memory_space<vmem>> -> memref<128xi32, #tpu.memory_space<vmem>>
      %dma_wait3A_548 = arith.constant 0 : i32
      %dma_wait3A_549 = arith.constant 0 : i32
      %dma_wait3A_550 = tpu.memref_slice %arg3[%dma_wait3A_548, %dma_wait3A_549] : memref<1000000x64xf32, #tpu.memory_space<hbm>> -> memref<1000000x64xf32, #tpu.memory_space<hbm>>
      tpu.wait_indirect_dma semaphore(%arg14 : memref<!tpu.dma_semaphore, #tpu.memory_space<semaphore_mem>>) src(%dma_wait3A_550 : memref<1000000x64xf32, #tpu.memory_space<hbm>>) dst(%dma_wait3A_544 : memref<128x64xf32, #tpu.memory_space<vmem>>)
      %get3A_551 = arith.index_cast %add3A_530 : i32 to index
      %get3A_552 = arith.constant 0 : index
      %get3A_553 = tpu.vector_load %arg7[%get3A_551, %get3A_552] {strides = array<i32>} : memref<200x64xf32, #tpu.memory_space<vmem>>, vector<1x16xf32>,
      %get3A_554 = vector.shape_cast %get3A_553 : vector<1x16xf32> to vector<16xf32>
      %get3A_555 = arith.index_cast %add3A_530 : i32 to index
      %get3A_556 = arith.constant 16 : index
      %get3A_557 = tpu.vector_load %arg7[%get3A_555, %get3A_556] {strides = array<i32>} : memref<200x64xf32, #tpu.memory_space<vmem>>, vector<1x16xf32>,
      %get3A_558 = vector.shape_cast %get3A_557 : vector<1x16xf32> to vector<16xf32>
      %get3A_559 = arith.index_cast %add3A_530 : i32 to index
      %get3A_560 = arith.constant 32 : index
      %get3A_561 = tpu.vector_load %arg7[%get3A_559, %get3A_560] {strides = array<i32>} : memref<200x64xf32, #tpu.memory_space<vmem>>, vector<1x16xf32>,
      %get3A_562 = vector.shape_cast %get3A_561 : vector<1x16xf32> to vector<16xf32>
      %get3A_563 = arith.index_cast %add3A_530 : i32 to index
      %get3A_564 = arith.constant 48 : index
      %get3A_565 = tpu.vector_load %arg7[%get3A_563, %get3A_564] {strides = array<i32>} : memref<200x64xf32, #tpu.memory_space<vmem>>, vector<1x16xf32>,
      %get3A_566 = vector.shape_cast %get3A_565 : vector<1x16xf32> to vector<16xf32>
      %scan3A_567 = arith.constant 0 : i32
      %scan3A_568 = arith.constant 0 : i32
      %scan3A_569 = arith.constant 128 : i32
      %scan3A_570 = arith.addi %scan3A_568, %scan3A_569 : i32
      %scan3A_571 = arith.constant 4 : i32
      scf.for %scan3A_832 = %scan3A_568 to %scan3A_570 step %scan3A_571  : i32 {
        %get3A_833 = arith.constant 5 : i32
        %get3A_834 = arith.index_cast %get3A_833 : i32 to index
        %get3A_835 = arith.index_cast %scan3A_832 : i32 to index
        %get3A_836 = arith.constant 0 : index
        %get3A_837 = tpu.vector_load %arg8[%get3A_834, %get3A_835, %get3A_836] {strides = array<i32>} : memref<10x128x64xf32, #tpu.memory_space<vmem>>, vector<1x1x16xf32>,
        %get3A_838 = vector.shape_cast %get3A_837 : vector<1x1x16xf32> to vector<16xf32>
        %mul3A_839 = arith.constant 8.000000e+00 : f32
        %mul3A_840 = vector.broadcast %mul3A_839 : f32 to vector<16xf32>
        %mul3A_841 = arith.mulf %get3A_838, %mul3A_840 : vector<16xf32>
        %add3A_842 = arith.addf %mul3A_841, %get3A_554 : vector<16xf32>
        %swap3A = arith.constant 5 : i32
        %swap3A_843 = arith.index_cast %swap3A : i32 to index
        %swap3A_844 = arith.index_cast %scan3A_832 : i32 to index
        %swap3A_845 = arith.constant 0 : index
        %swap3A_846 = tpu.vector_load %arg8[%swap3A_843, %swap3A_844, %swap3A_845] {strides = array<i32>} : memref<10x128x64xf32, #tpu.memory_space<vmem>>, vector<1x1x16xf32>,
        %swap3A_847 = vector.shape_cast %swap3A_846 : vector<1x1x16xf32> to vector<16xf32>
        %swap3A_848 = vector.shape_cast %add3A_842 : vector<16xf32> to vector<1x1x16xf32>
        tpu.vector_store %arg8[%swap3A_843, %swap3A_844, %swap3A_845], %swap3A_848 {strides = array<i32>} : memref<10x128x64xf32, #tpu.memory_space<vmem>>, vector<1x1x16xf32>,
        %get3A_849 = arith.constant 5 : i32
        %get3A_850 = arith.index_cast %get3A_849 : i32 to index
        %get3A_851 = arith.index_cast %scan3A_832 : i32 to index
        %get3A_852 = arith.constant 16 : index
        %get3A_853 = tpu.vector_load %arg8[%get3A_850, %get3A_851, %get3A_852] {strides = array<i32>} : memref<10x128x64xf32, #tpu.memory_space<vmem>>, vector<1x1x16xf32>,
        %get3A_854 = vector.shape_cast %get3A_853 : vector<1x1x16xf32> to vector<16xf32>
        %mul3A_855 = arith.constant 8.000000e+00 : f32
        %mul3A_856 = vector.broadcast %mul3A_855 : f32 to vector<16xf32>
        %mul3A_857 = arith.mulf %get3A_854, %mul3A_856 : vector<16xf32>
        %add3A_858 = arith.addf %mul3A_857, %get3A_558 : vector<16xf32>
        %swap3A_859 = arith.constant 5 : i32
        %swap3A_860 = arith.index_cast %swap3A_859 : i32 to index
        %swap3A_861 = arith.index_cast %scan3A_832 : i32 to index
        %swap3A_862 = arith.constant 16 : index
        %swap3A_863 = tpu.vector_load %arg8[%swap3A_860, %swap3A_861, %swap3A_862] {strides = array<i32>} : memref<10x128x64xf32, #tpu.memory_space<vmem>>, vector<1x1x16xf32>,
        %swap3A_864 = vector.shape_cast %swap3A_863 : vector<1x1x16xf32> to vector<16xf32>
        %swap3A_865 = vector.shape_cast %add3A_858 : vector<16xf32> to vector<1x1x16xf32>
        tpu.vector_store %arg8[%swap3A_860, %swap3A_861, %swap3A_862], %swap3A_865 {strides = array<i32>} : memref<10x128x64xf32, #tpu.memory_space<vmem>>, vector<1x1x16xf32>,
        %get3A_866 = arith.constant 5 : i32
        %get3A_867 = arith.index_cast %get3A_866 : i32 to index
        %get3A_868 = arith.index_cast %scan3A_832 : i32 to index
        %get3A_869 = arith.constant 32 : index
        %get3A_870 = tpu.vector_load %arg8[%get3A_867, %get3A_868, %get3A_869] {strides = array<i32>} : memref<10x128x64xf32, #tpu.memory_space<vmem>>, vector<1x1x16xf32>,
        %get3A_871 = vector.shape_cast %get3A_870 : vector<1x1x16xf32> to vector<16xf32>
        %mul3A_872 = arith.constant 8.000000e+00 : f32
        %mul3A_873 = vector.broadcast %mul3A_872 : f32 to vector<16xf32>
        %mul3A_874 = arith.mulf %get3A_871, %mul3A_873 : vector<16xf32>
        %add3A_875 = arith.addf %mul3A_874, %get3A_562 : vector<16xf32>
        %swap3A_876 = arith.constant 5 : i32
        %swap3A_877 = arith.index_cast %swap3A_876 : i32 to index
        %swap3A_878 = arith.index_cast %scan3A_832 : i32 to index
        %swap3A_879 = arith.constant 32 : index
        %swap3A_880 = tpu.vector_load %arg8[%swap3A_877, %swap3A_878, %swap3A_879] {strides = array<i32>} : memref<10x128x64xf32, #tpu.memory_space<vmem>>, vector<1x1x16xf32>,
        %swap3A_881 = vector.shape_cast %swap3A_880 : vector<1x1x16xf32> to vector<16xf32>
        %swap3A_882 = vector.shape_cast %add3A_875 : vector<16xf32> to vector<1x1x16xf32>
        tpu.vector_store %arg8[%swap3A_877, %swap3A_878, %swap3A_879], %swap3A_882 {strides = array<i32>} : memref<10x128x64xf32, #tpu.memory_space<vmem>>, vector<1x1x16xf32>,
        %get3A_883 = arith.constant 5 : i32
        %get3A_884 = arith.index_cast %get3A_883 : i32 to index
        %get3A_885 = arith.index_cast %scan3A_832 : i32 to index
        %get3A_886 = arith.constant 48 : index
        %get3A_887 = tpu.vector_load %arg8[%get3A_884, %get3A_885, %get3A_886] {strides = array<i32>} : memref<10x128x64xf32, #tpu.memory_space<vmem>>, vector<1x1x16xf32>,
        %get3A_888 = vector.shape_cast %get3A_887 : vector<1x1x16xf32> to vector<16xf32>
        %mul3A_889 = arith.constant 8.000000e+00 : f32
        %mul3A_890 = vector.broadcast %mul3A_889 : f32 to vector<16xf32>
        %mul3A_891 = arith.mulf %get3A_888, %mul3A_890 : vector<16xf32>
        %add3A_892 = arith.addf %mul3A_891, %get3A_566 : vector<16xf32>
        %swap3A_893 = arith.constant 5 : i32
        %swap3A_894 = arith.index_cast %swap3A_893 : i32 to index
        %swap3A_895 = arith.index_cast %scan3A_832 : i32 to index
        %swap3A_896 = arith.constant 48 : index
        %swap3A_897 = tpu.vector_load %arg8[%swap3A_894, %swap3A_895, %swap3A_896] {strides = array<i32>} : memref<10x128x64xf32, #tpu.memory_space<vmem>>, vector<1x1x16xf32>,
        %swap3A_898 = vector.shape_cast %swap3A_897 : vector<1x1x16xf32> to vector<16xf32>
        %swap3A_899 = vector.shape_cast %add3A_892 : vector<16xf32> to vector<1x1x16xf32>
        tpu.vector_store %arg8[%swap3A_894, %swap3A_895, %swap3A_896], %swap3A_899 {strides = array<i32>} : memref<10x128x64xf32, #tpu.memory_space<vmem>>, vector<1x1x16xf32>,
        %scan3A_900 = arith.constant 1 : i32
        %scan3A_901 = arith.addi %scan3A_832, %scan3A_900 : i32
        %get3A_902 = arith.constant 5 : i32
        %get3A_903 = arith.index_cast %get3A_902 : i32 to index
        %get3A_904 = arith.index_cast %scan3A_901 : i32 to index
        %get3A_905 = arith.constant 0 : index
        %get3A_906 = tpu.vector_load %arg8[%get3A_903, %get3A_904, %get3A_905] {strides = array<i32>} : memref<10x128x64xf32, #tpu.memory_space<vmem>>, vector<1x1x16xf32>,
        %get3A_907 = vector.shape_cast %get3A_906 : vector<1x1x16xf32> to vector<16xf32>
        %mul3A_908 = arith.constant 8.000000e+00 : f32
        %mul3A_909 = vector.broadcast %mul3A_908 : f32 to vector<16xf32>
        %mul3A_910 = arith.mulf %get3A_907, %mul3A_909 : vector<16xf32>
        %add3A_911 = arith.addf %mul3A_910, %get3A_554 : vector<16xf32>
        %swap3A_912 = arith.constant 5 : i32
        %swap3A_913 = arith.index_cast %swap3A_912 : i32 to index
        %swap3A_914 = arith.index_cast %scan3A_901 : i32 to index
        %swap3A_915 = arith.constant 0 : index
        %swap3A_916 = tpu.vector_load %arg8[%swap3A_913, %swap3A_914, %swap3A_915] {strides = array<i32>} : memref<10x128x64xf32, #tpu.memory_space<vmem>>, vector<1x1x16xf32>,
        %swap3A_917 = vector.shape_cast %swap3A_916 : vector<1x1x16xf32> to vector<16xf32>
        %swap3A_918 = vector.shape_cast %add3A_911 : vector<16xf32> to vector<1x1x16xf32>
        tpu.vector_store %arg8[%swap3A_913, %swap3A_914, %swap3A_915], %swap3A_918 {strides = array<i32>} : memref<10x128x64xf32, #tpu.memory_space<vmem>>, vector<1x1x16xf32>,
        %get3A_919 = arith.constant 5 : i32
        %get3A_920 = arith.index_cast %get3A_919 : i32 to index
        %get3A_921 = arith.index_cast %scan3A_901 : i32 to index
        %get3A_922 = arith.constant 16 : index
        %get3A_923 = tpu.vector_load %arg8[%get3A_920, %get3A_921, %get3A_922] {strides = array<i32>} : memref<10x128x64xf32, #tpu.memory_space<vmem>>, vector<1x1x16xf32>,
        %get3A_924 = vector.shape_cast %get3A_923 : vector<1x1x16xf32> to vector<16xf32>
        %mul3A_925 = arith.constant 8.000000e+00 : f32
        %mul3A_926 = vector.broadcast %mul3A_925 : f32 to vector<16xf32>
        %mul3A_927 = arith.mulf %get3A_924, %mul3A_926 : vector<16xf32>
        %add3A_928 = arith.addf %mul3A_927, %get3A_558 : vector<16xf32>
        %swap3A_929 = arith.constant 5 : i32
        %swap3A_930 = arith.index_cast %swap3A_929 : i32 to index
        %swap3A_931 = arith.index_cast %scan3A_901 : i32 to index
        %swap3A_932 = arith.constant 16 : index
        %swap3A_933 = tpu.vector_load %arg8[%swap3A_930, %swap3A_931, %swap3A_932] {strides = array<i32>} : memref<10x128x64xf32, #tpu.memory_space<vmem>>, vector<1x1x16xf32>,
        %swap3A_934 = vector.shape_cast %swap3A_933 : vector<1x1x16xf32> to vector<16xf32>
        %swap3A_935 = vector.shape_cast %add3A_928 : vector<16xf32> to vector<1x1x16xf32>
        tpu.vector_store %arg8[%swap3A_930, %swap3A_931, %swap3A_932], %swap3A_935 {strides = array<i32>} : memref<10x128x64xf32, #tpu.memory_space<vmem>>, vector<1x1x16xf32>,
        %get3A_936 = arith.constant 5 : i32
        %get3A_937 = arith.index_cast %get3A_936 : i32 to index
        %get3A_938 = arith.index_cast %scan3A_901 : i32 to index
        %get3A_939 = arith.constant 32 : index
        %get3A_940 = tpu.vector_load %arg8[%get3A_937, %get3A_938, %get3A_939] {strides = array<i32>} : memref<10x128x64xf32, #tpu.memory_space<vmem>>, vector<1x1x16xf32>,
        %get3A_941 = vector.shape_cast %get3A_940 : vector<1x1x16xf32> to vector<16xf32>
        %mul3A_942 = arith.constant 8.000000e+00 : f32
        %mul3A_943 = vector.broadcast %mul3A_942 : f32 to vector<16xf32>
        %mul3A_944 = arith.mulf %get3A_941, %mul3A_943 : vector<16xf32>
        %add3A_945 = arith.addf %mul3A_944, %get3A_562 : vector<16xf32>
        %swap3A_946 = arith.constant 5 : i32
        %swap3A_947 = arith.index_cast %swap3A_946 : i32 to index
        %swap3A_948 = arith.index_cast %scan3A_901 : i32 to index
        %swap3A_949 = arith.constant 32 : index
        %swap3A_950 = tpu.vector_load %arg8[%swap3A_947, %swap3A_948, %swap3A_949] {strides = array<i32>} : memref<10x128x64xf32, #tpu.memory_space<vmem>>, vector<1x1x16xf32>,
        %swap3A_951 = vector.shape_cast %swap3A_950 : vector<1x1x16xf32> to vector<16xf32>
        %swap3A_952 = vector.shape_cast %add3A_945 : vector<16xf32> to vector<1x1x16xf32>
        tpu.vector_store %arg8[%swap3A_947, %swap3A_948, %swap3A_949], %swap3A_952 {strides = array<i32>} : memref<10x128x64xf32, #tpu.memory_space<vmem>>, vector<1x1x16xf32>,
        %get3A_953 = arith.constant 5 : i32
        %get3A_954 = arith.index_cast %get3A_953 : i32 to index
        %get3A_955 = arith.index_cast %scan3A_901 : i32 to index
        %get3A_956 = arith.constant 48 : index
        %get3A_957 = tpu.vector_load %arg8[%get3A_954, %get3A_955, %get3A_956] {strides = array<i32>} : memref<10x128x64xf32, #tpu.memory_space<vmem>>, vector<1x1x16xf32>,
        %get3A_958 = vector.shape_cast %get3A_957 : vector<1x1x16xf32> to vector<16xf32>
        %mul3A_959 = arith.constant 8.000000e+00 : f32
        %mul3A_960 = vector.broadcast %mul3A_959 : f32 to vector<16xf32>
        %mul3A_961 = arith.mulf %get3A_958, %mul3A_960 : vector<16xf32>
        %add3A_962 = arith.addf %mul3A_961, %get3A_566 : vector<16xf32>
        %swap3A_963 = arith.constant 5 : i32
        %swap3A_964 = arith.index_cast %swap3A_963 : i32 to index
        %swap3A_965 = arith.index_cast %scan3A_901 : i32 to index
        %swap3A_966 = arith.constant 48 : index
        %swap3A_967 = tpu.vector_load %arg8[%swap3A_964, %swap3A_965, %swap3A_966] {strides = array<i32>} : memref<10x128x64xf32, #tpu.memory_space<vmem>>, vector<1x1x16xf32>,
        %swap3A_968 = vector.shape_cast %swap3A_967 : vector<1x1x16xf32> to vector<16xf32>
        %swap3A_969 = vector.shape_cast %add3A_962 : vector<16xf32> to vector<1x1x16xf32>
        tpu.vector_store %arg8[%swap3A_964, %swap3A_965, %swap3A_966], %swap3A_969 {strides = array<i32>} : memref<10x128x64xf32, #tpu.memory_space<vmem>>, vector<1x1x16xf32>,
        %scan3A_970 = arith.constant 2 : i32
        %scan3A_971 = arith.addi %scan3A_832, %scan3A_970 : i32
        %get3A_972 = arith.constant 5 : i32
        %get3A_973 = arith.index_cast %get3A_972 : i32 to index
        %get3A_974 = arith.index_cast %scan3A_971 : i32 to index
        %get3A_975 = arith.constant 0 : index
        %get3A_976 = tpu.vector_load %arg8[%get3A_973, %get3A_974, %get3A_975] {strides = array<i32>} : memref<10x128x64xf32, #tpu.memory_space<vmem>>, vector<1x1x16xf32>,
        %get3A_977 = vector.shape_cast %get3A_976 : vector<1x1x16xf32> to vector<16xf32>
        %mul3A_978 = arith.constant 8.000000e+00 : f32
        %mul3A_979 = vector.broadcast %mul3A_978 : f32 to vector<16xf32>
        %mul3A_980 = arith.mulf %get3A_977, %mul3A_979 : vector<16xf32>
        %add3A_981 = arith.addf %mul3A_980, %get3A_554 : vector<16xf32>
        %swap3A_982 = arith.constant 5 : i32
        %swap3A_983 = arith.index_cast %swap3A_982 : i32 to index
        %swap3A_984 = arith.index_cast %scan3A_971 : i32 to index
        %swap3A_985 = arith.constant 0 : index
        %swap3A_986 = tpu.vector_load %arg8[%swap3A_983, %swap3A_984, %swap3A_985] {strides = array<i32>} : memref<10x128x64xf32, #tpu.memory_space<vmem>>, vector<1x1x16xf32>,
        %swap3A_987 = vector.shape_cast %swap3A_986 : vector<1x1x16xf32> to vector<16xf32>
        %swap3A_988 = vector.shape_cast %add3A_981 : vector<16xf32> to vector<1x1x16xf32>
        tpu.vector_store %arg8[%swap3A_983, %swap3A_984, %swap3A_985], %swap3A_988 {strides = array<i32>} : memref<10x128x64xf32, #tpu.memory_space<vmem>>, vector<1x1x16xf32>,
        %get3A_989 = arith.constant 5 : i32
        %get3A_990 = arith.index_cast %get3A_989 : i32 to index
        %get3A_991 = arith.index_cast %scan3A_971 : i32 to index
        %get3A_992 = arith.constant 16 : index
        %get3A_993 = tpu.vector_load %arg8[%get3A_990, %get3A_991, %get3A_992] {strides = array<i32>} : memref<10x128x64xf32, #tpu.memory_space<vmem>>, vector<1x1x16xf32>,
        %get3A_994 = vector.shape_cast %get3A_993 : vector<1x1x16xf32> to vector<16xf32>
        %mul3A_995 = arith.constant 8.000000e+00 : f32
        %mul3A_996 = vector.broadcast %mul3A_995 : f32 to vector<16xf32>
        %mul3A_997 = arith.mulf %get3A_994, %mul3A_996 : vector<16xf32>
        %add3A_998 = arith.addf %mul3A_997, %get3A_558 : vector<16xf32>
        %swap3A_999 = arith.constant 5 : i32
        %swap3A_1000 = arith.index_cast %swap3A_999 : i32 to index
        %swap3A_1001 = arith.index_cast %scan3A_971 : i32 to index
        %swap3A_1002 = arith.constant 16 : index
        %swap3A_1003 = tpu.vector_load %arg8[%swap3A_1000, %swap3A_1001, %swap3A_1002] {strides = array<i32>} : memref<10x128x64xf32, #tpu.memory_space<vmem>>, vector<1x1x16xf32>,
        %swap3A_1004 = vector.shape_cast %swap3A_1003 : vector<1x1x16xf32> to vector<16xf32>
        %swap3A_1005 = vector.shape_cast %add3A_998 : vector<16xf32> to vector<1x1x16xf32>
        tpu.vector_store %arg8[%swap3A_1000, %swap3A_1001, %swap3A_1002], %swap3A_1005 {strides = array<i32>} : memref<10x128x64xf32, #tpu.memory_space<vmem>>, vector<1x1x16xf32>,
        %get3A_1006 = arith.constant 5 : i32
        %get3A_1007 = arith.index_cast %get3A_1006 : i32 to index
        %get3A_1008 = arith.index_cast %scan3A_971 : i32 to index
        %get3A_1009 = arith.constant 32 : index
        %get3A_1010 = tpu.vector_load %arg8[%get3A_1007, %get3A_1008, %get3A_1009] {strides = array<i32>} : memref<10x128x64xf32, #tpu.memory_space<vmem>>, vector<1x1x16xf32>,
        %get3A_1011 = vector.shape_cast %get3A_1010 : vector<1x1x16xf32> to vector<16xf32>
        %mul3A_1012 = arith.constant 8.000000e+00 : f32
        %mul3A_1013 = vector.broadcast %mul3A_1012 : f32 to vector<16xf32>
        %mul3A_1014 = arith.mulf %get3A_1011, %mul3A_1013 : vector<16xf32>
        %add3A_1015 = arith.addf %mul3A_1014, %get3A_562 : vector<16xf32>
        %swap3A_1016 = arith.constant 5 : i32
        %swap3A_1017 = arith.index_cast %swap3A_1016 : i32 to index
        %swap3A_1018 = arith.index_cast %scan3A_971 : i32 to index
        %swap3A_1019 = arith.constant 32 : index
        %swap3A_1020 = tpu.vector_load %arg8[%swap3A_1017, %swap3A_1018, %swap3A_1019] {strides = array<i32>} : memref<10x128x64xf32, #tpu.memory_space<vmem>>, vector<1x1x16xf32>,
        %swap3A_1021 = vector.shape_cast %swap3A_1020 : vector<1x1x16xf32> to vector<16xf32>
        %swap3A_1022 = vector.shape_cast %add3A_1015 : vector<16xf32> to vector<1x1x16xf32>
        tpu.vector_store %arg8[%swap3A_1017, %swap3A_1018, %swap3A_1019], %swap3A_1022 {strides = array<i32>} : memref<10x128x64xf32, #tpu.memory_space<vmem>>, vector<1x1x16xf32>,
        %get3A_1023 = arith.constant 5 : i32
        %get3A_1024 = arith.index_cast %get3A_1023 : i32 to index
        %get3A_1025 = arith.index_cast %scan3A_971 : i32 to index
        %get3A_1026 = arith.constant 48 : index
        %get3A_1027 = tpu.vector_load %arg8[%get3A_1024, %get3A_1025, %get3A_1026] {strides = array<i32>} : memref<10x128x64xf32, #tpu.memory_space<vmem>>, vector<1x1x16xf32>,
        %get3A_1028 = vector.shape_cast %get3A_1027 : vector<1x1x16xf32> to vector<16xf32>
        %mul3A_1029 = arith.constant 8.000000e+00 : f32
        %mul3A_1030 = vector.broadcast %mul3A_1029 : f32 to vector<16xf32>
        %mul3A_1031 = arith.mulf %get3A_1028, %mul3A_1030 : vector<16xf32>
        %add3A_1032 = arith.addf %mul3A_1031, %get3A_566 : vector<16xf32>
        %swap3A_1033 = arith.constant 5 : i32
        %swap3A_1034 = arith.index_cast %swap3A_1033 : i32 to index
        %swap3A_1035 = arith.index_cast %scan3A_971 : i32 to index
        %swap3A_1036 = arith.constant 48 : index
        %swap3A_1037 = tpu.vector_load %arg8[%swap3A_1034, %swap3A_1035, %swap3A_1036] {strides = array<i32>} : memref<10x128x64xf32, #tpu.memory_space<vmem>>, vector<1x1x16xf32>,
        %swap3A_1038 = vector.shape_cast %swap3A_1037 : vector<1x1x16xf32> to vector<16xf32>
        %swap3A_1039 = vector.shape_cast %add3A_1032 : vector<16xf32> to vector<1x1x16xf32>
        tpu.vector_store %arg8[%swap3A_1034, %swap3A_1035, %swap3A_1036], %swap3A_1039 {strides = array<i32>} : memref<10x128x64xf32, #tpu.memory_space<vmem>>, vector<1x1x16xf32>,
        %scan3A_1040 = arith.constant 3 : i32
        %scan3A_1041 = arith.addi %scan3A_832, %scan3A_1040 : i32
        %get3A_1042 = arith.constant 5 : i32
        %get3A_1043 = arith.index_cast %get3A_1042 : i32 to index
        %get3A_1044 = arith.index_cast %scan3A_1041 : i32 to index
        %get3A_1045 = arith.constant 0 : index
        %get3A_1046 = tpu.vector_load %arg8[%get3A_1043, %get3A_1044, %get3A_1045] {strides = array<i32>} : memref<10x128x64xf32, #tpu.memory_space<vmem>>, vector<1x1x16xf32>,
        %get3A_1047 = vector.shape_cast %get3A_1046 : vector<1x1x16xf32> to vector<16xf32>
        %mul3A_1048 = arith.constant 8.000000e+00 : f32
        %mul3A_1049 = vector.broadcast %mul3A_1048 : f32 to vector<16xf32>
        %mul3A_1050 = arith.mulf %get3A_1047, %mul3A_1049 : vector<16xf32>
        %add3A_1051 = arith.addf %mul3A_1050, %get3A_554 : vector<16xf32>
        %swap3A_1052 = arith.constant 5 : i32
        %swap3A_1053 = arith.index_cast %swap3A_1052 : i32 to index
        %swap3A_1054 = arith.index_cast %scan3A_1041 : i32 to index
        %swap3A_1055 = arith.constant 0 : index
        %swap3A_1056 = tpu.vector_load %arg8[%swap3A_1053, %swap3A_1054, %swap3A_1055] {strides = array<i32>} : memref<10x128x64xf32, #tpu.memory_space<vmem>>, vector<1x1x16xf32>,
        %swap3A_1057 = vector.shape_cast %swap3A_1056 : vector<1x1x16xf32> to vector<16xf32>
        %swap3A_1058 = vector.shape_cast %add3A_1051 : vector<16xf32> to vector<1x1x16xf32>
        tpu.vector_store %arg8[%swap3A_1053, %swap3A_1054, %swap3A_1055], %swap3A_1058 {strides = array<i32>} : memref<10x128x64xf32, #tpu.memory_space<vmem>>, vector<1x1x16xf32>,
        %get3A_1059 = arith.constant 5 : i32
        %get3A_1060 = arith.index_cast %get3A_1059 : i32 to index
        %get3A_1061 = arith.index_cast %scan3A_1041 : i32 to index
        %get3A_1062 = arith.constant 16 : index
        %get3A_1063 = tpu.vector_load %arg8[%get3A_1060, %get3A_1061, %get3A_1062] {strides = array<i32>} : memref<10x128x64xf32, #tpu.memory_space<vmem>>, vector<1x1x16xf32>,
        %get3A_1064 = vector.shape_cast %get3A_1063 : vector<1x1x16xf32> to vector<16xf32>
        %mul3A_1065 = arith.constant 8.000000e+00 : f32
        %mul3A_1066 = vector.broadcast %mul3A_1065 : f32 to vector<16xf32>
        %mul3A_1067 = arith.mulf %get3A_1064, %mul3A_1066 : vector<16xf32>
        %add3A_1068 = arith.addf %mul3A_1067, %get3A_558 : vector<16xf32>
        %swap3A_1069 = arith.constant 5 : i32
        %swap3A_1070 = arith.index_cast %swap3A_1069 : i32 to index
        %swap3A_1071 = arith.index_cast %scan3A_1041 : i32 to index
        %swap3A_1072 = arith.constant 16 : index
        %swap3A_1073 = tpu.vector_load %arg8[%swap3A_1070, %swap3A_1071, %swap3A_1072] {strides = array<i32>} : memref<10x128x64xf32, #tpu.memory_space<vmem>>, vector<1x1x16xf32>,
        %swap3A_1074 = vector.shape_cast %swap3A_1073 : vector<1x1x16xf32> to vector<16xf32>
        %swap3A_1075 = vector.shape_cast %add3A_1068 : vector<16xf32> to vector<1x1x16xf32>
        tpu.vector_store %arg8[%swap3A_1070, %swap3A_1071, %swap3A_1072], %swap3A_1075 {strides = array<i32>} : memref<10x128x64xf32, #tpu.memory_space<vmem>>, vector<1x1x16xf32>,
        %get3A_1076 = arith.constant 5 : i32
        %get3A_1077 = arith.index_cast %get3A_1076 : i32 to index
        %get3A_1078 = arith.index_cast %scan3A_1041 : i32 to index
        %get3A_1079 = arith.constant 32 : index
        %get3A_1080 = tpu.vector_load %arg8[%get3A_1077, %get3A_1078, %get3A_1079] {strides = array<i32>} : memref<10x128x64xf32, #tpu.memory_space<vmem>>, vector<1x1x16xf32>,
        %get3A_1081 = vector.shape_cast %get3A_1080 : vector<1x1x16xf32> to vector<16xf32>
        %mul3A_1082 = arith.constant 8.000000e+00 : f32
        %mul3A_1083 = vector.broadcast %mul3A_1082 : f32 to vector<16xf32>
        %mul3A_1084 = arith.mulf %get3A_1081, %mul3A_1083 : vector<16xf32>
        %add3A_1085 = arith.addf %mul3A_1084, %get3A_562 : vector<16xf32>
        %swap3A_1086 = arith.constant 5 : i32
        %swap3A_1087 = arith.index_cast %swap3A_1086 : i32 to index
        %swap3A_1088 = arith.index_cast %scan3A_1041 : i32 to index
        %swap3A_1089 = arith.constant 32 : index
        %swap3A_1090 = tpu.vector_load %arg8[%swap3A_1087, %swap3A_1088, %swap3A_1089] {strides = array<i32>} : memref<10x128x64xf32, #tpu.memory_space<vmem>>, vector<1x1x16xf32>,
        %swap3A_1091 = vector.shape_cast %swap3A_1090 : vector<1x1x16xf32> to vector<16xf32>
        %swap3A_1092 = vector.shape_cast %add3A_1085 : vector<16xf32> to vector<1x1x16xf32>
        tpu.vector_store %arg8[%swap3A_1087, %swap3A_1088, %swap3A_1089], %swap3A_1092 {strides = array<i32>} : memref<10x128x64xf32, #tpu.memory_space<vmem>>, vector<1x1x16xf32>,
        %get3A_1093 = arith.constant 5 : i32
        %get3A_1094 = arith.index_cast %get3A_1093 : i32 to index
        %get3A_1095 = arith.index_cast %scan3A_1041 : i32 to index
        %get3A_1096 = arith.constant 48 : index
        %get3A_1097 = tpu.vector_load %arg8[%get3A_1094, %get3A_1095, %get3A_1096] {strides = array<i32>} : memref<10x128x64xf32, #tpu.memory_space<vmem>>, vector<1x1x16xf32>,
        %get3A_1098 = vector.shape_cast %get3A_1097 : vector<1x1x16xf32> to vector<16xf32>
        %mul3A_1099 = arith.constant 8.000000e+00 : f32
        %mul3A_1100 = vector.broadcast %mul3A_1099 : f32 to vector<16xf32>
        %mul3A_1101 = arith.mulf %get3A_1098, %mul3A_1100 : vector<16xf32>
        %add3A_1102 = arith.addf %mul3A_1101, %get3A_566 : vector<16xf32>
        %swap3A_1103 = arith.constant 5 : i32
        %swap3A_1104 = arith.index_cast %swap3A_1103 : i32 to index
        %swap3A_1105 = arith.index_cast %scan3A_1041 : i32 to index
        %swap3A_1106 = arith.constant 48 : index
        %swap3A_1107 = tpu.vector_load %arg8[%swap3A_1104, %swap3A_1105, %swap3A_1106] {strides = array<i32>} : memref<10x128x64xf32, #tpu.memory_space<vmem>>, vector<1x1x16xf32>,
        %swap3A_1108 = vector.shape_cast %swap3A_1107 : vector<1x1x16xf32> to vector<16xf32>
        %swap3A_1109 = vector.shape_cast %add3A_1102 : vector<16xf32> to vector<1x1x16xf32>
        tpu.vector_store %arg8[%swap3A_1104, %swap3A_1105, %swap3A_1106], %swap3A_1109 {strides = array<i32>} : memref<10x128x64xf32, #tpu.memory_space<vmem>>, vector<1x1x16xf32>,
      }
      %scan3A_572 = arith.constant 128 : i32
      %dma_start3A_573 = arith.constant 5 : i32
      %dma_start3A_574 = arith.constant 0 : i32
      %dma_start3A_575 = arith.constant 0 : i32
      %dma_start3A_576 = tpu.memref_slice %arg8[%dma_start3A_573, %dma_start3A_574, %dma_start3A_575] : memref<10x128x64xf32, #tpu.memory_space<vmem>> -> memref<1x128x64xf32, #tpu.memory_space<vmem>>
      %dma_start3A_577 = tpu.memref_squeeze %dma_start3A_576 : memref<1x128x64xf32, #tpu.memory_space<vmem>> -> memref<128x64xf32, #tpu.memory_space<vmem>>
      %dma_start3A_578 = arith.constant 0 : i32
      %dma_start3A_579 = tpu.memref_slice %arg5[%mul3A_2, %add3A_530, %dma_start3A_578] : memref<4096x200x64xf32, #tpu.memory_space<hbm>> -> memref<128x1x64xf32, #tpu.memory_space<hbm>>
      %dma_start3A_580 = tpu.memref_squeeze %dma_start3A_579 : memref<128x1x64xf32, #tpu.memory_space<hbm>> -> memref<128x64xf32, #tpu.memory_space<hbm>>
      %dma_start3A_581 = arith.constant 0 : i32
      %dma_start3A_582 = tpu.memref_slice %arg5[%mul3A_2, %add3A_530, %dma_start3A_581] : memref<4096x200x64xf32, #tpu.memory_space<hbm>> -> memref<128x1x64xf32, #tpu.memory_space<hbm>>
      %dma_start3A_583 = tpu.memref_squeeze %dma_start3A_582 : memref<128x1x64xf32, #tpu.memory_space<hbm>> -> memref<128x64xf32, #tpu.memory_space<hbm>>
      %dma_start3A_584 = arith.constant 0 : i32
      %dma_start3A_585 = arith.constant 0 : i32
      %dma_start3A_586 = tpu.memref_slice %arg8[%dma_start3A_573, %dma_start3A_584, %dma_start3A_585] : memref<10x128x64xf32, #tpu.memory_space<vmem>> -> memref<1x128x64xf32, #tpu.memory_space<vmem>>
      %dma_start3A_587 = tpu.memref_squeeze %dma_start3A_586 : memref<1x128x64xf32, #tpu.memory_space<vmem>> -> memref<128x64xf32, #tpu.memory_space<vmem>>
      tpu.enqueue_dma source(%dma_start3A_587 : memref<128x64xf32, #tpu.memory_space<vmem>>) target(%dma_start3A_583 : memref<128x64xf32, #tpu.memory_space<hbm>>) target_semaphore(%arg24 : memref<!tpu.dma_semaphore, #tpu.memory_space<semaphore_mem>>)
      %mul3A_588 = arith.constant 10 : i32
      %mul3A_589 = arith.muli %scan3A_226, %mul3A_588 : i32
      %add3A_590 = arith.constant 6 : i32
      %add3A_591 = arith.addi %mul3A_589, %add3A_590 : i32
      %add3A_592 = arith.constant 5 : i32
      %add3A_593 = arith.addi %add3A_591, %add3A_592 : i32
      %sub3A_594 = arith.constant 10 : i32
      %sub3A_595 = arith.subi %add3A_593, %sub3A_594 : i32
      %lt3A_596 = arith.constant 200 : i32
      %lt3A_597 = arith.cmpi slt, %add3A_593, %lt3A_596 : i32
      %convert_element_type3A_598 = arith.extui %lt3A_597 : i1 to i32
      %cond3A_599 = arith.constant 0 : i32
      %cond3A_600 = arith.cmpi ne, %convert_element_type3A_598, %cond3A_599 : i32
      scf.if %cond3A_600 {
        %ge3A = arith.constant 0 : i32
        %ge3A_832 = arith.cmpi sge, %sub3A_595, %ge3A : i32
        %convert_element_type3A_833 = arith.extui %ge3A_832 : i1 to i32
        %cond3A_834 = arith.constant 0 : i32
        %cond3A_835 = arith.cmpi ne, %convert_element_type3A_833, %cond3A_834 : i32
        scf.if %cond3A_835 {
          %dma_wait3A_847 = arith.constant 1 : i32
          %dma_wait3A_848 = arith.constant 0 : i32
          %dma_wait3A_849 = arith.constant 0 : i32
          %dma_wait3A_850 = tpu.memref_slice %arg8[%dma_wait3A_847, %dma_wait3A_848, %dma_wait3A_849] : memref<10x128x64xf32, #tpu.memory_space<vmem>> -> memref<1x128x64xf32, #tpu.memory_space<vmem>>
          %dma_wait3A_851 = tpu.memref_squeeze %dma_wait3A_850 : memref<1x128x64xf32, #tpu.memory_space<vmem>> -> memref<128x64xf32, #tpu.memory_space<vmem>>
          %dma_wait3A_852 = arith.constant 0 : i32
          %dma_wait3A_853 = tpu.memref_slice %arg5[%mul3A_2, %sub3A_595, %dma_wait3A_852] : memref<4096x200x64xf32, #tpu.memory_space<hbm>> -> memref<128x1x64xf32, #tpu.memory_space<hbm>>
          %dma_wait3A_854 = tpu.memref_squeeze %dma_wait3A_853 : memref<128x1x64xf32, #tpu.memory_space<hbm>> -> memref<128x64xf32, #tpu.memory_space<hbm>>
          %dma_wait3A_855 = arith.constant 0 : i32
          %dma_wait3A_856 = tpu.memref_slice %arg5[%mul3A_2, %sub3A_595, %dma_wait3A_855] : memref<4096x200x64xf32, #tpu.memory_space<hbm>> -> memref<128x1x64xf32, #tpu.memory_space<hbm>>
          %dma_wait3A_857 = tpu.memref_squeeze %dma_wait3A_856 : memref<128x1x64xf32, #tpu.memory_space<hbm>> -> memref<128x64xf32, #tpu.memory_space<hbm>>
          %dma_wait3A_858 = arith.constant 0 : i32
          %dma_wait3A_859 = arith.constant 0 : i32
          %dma_wait3A_860 = tpu.memref_slice %arg8[%dma_wait3A_847, %dma_wait3A_858, %dma_wait3A_859] : memref<10x128x64xf32, #tpu.memory_space<vmem>> -> memref<1x128x64xf32, #tpu.memory_space<vmem>>
          %dma_wait3A_861 = tpu.memref_squeeze %dma_wait3A_860 : memref<1x128x64xf32, #tpu.memory_space<vmem>> -> memref<128x64xf32, #tpu.memory_space<vmem>>
          tpu.wait_dma2 semaphore(%arg20 : memref<!tpu.dma_semaphore, #tpu.memory_space<semaphore_mem>>) src(%dma_wait3A_861 : memref<128x64xf32, #tpu.memory_space<vmem>>) dst(%dma_wait3A_857 : memref<128x64xf32, #tpu.memory_space<hbm>>)
        } else {
        }
        %dma_start3A_836 = arith.constant 1 : i32
        %dma_start3A_837 = arith.constant 0 : i32
        %dma_start3A_838 = arith.constant 0 : i32
        %dma_start3A_839 = tpu.memref_slice %arg8[%dma_start3A_836, %dma_start3A_837, %dma_start3A_838] : memref<10x128x64xf32, #tpu.memory_space<vmem>> -> memref<1x128x64xf32, #tpu.memory_space<vmem>>
        %dma_start3A_840 = tpu.memref_squeeze %dma_start3A_839 : memref<1x128x64xf32, #tpu.memory_space<vmem>> -> memref<128x64xf32, #tpu.memory_space<vmem>>
        %dma_start3A_841 = arith.constant 0 : i32
        %dma_start3A_842 = tpu.memref_slice %arg6[%add3A_593, %dma_start3A_841] : memref<200x128xi32, #tpu.memory_space<vmem>> -> memref<1x128xi32, #tpu.memory_space<vmem>>
        %dma_start3A_843 = tpu.memref_squeeze %dma_start3A_842 : memref<1x128xi32, #tpu.memory_space<vmem>> -> memref<128xi32, #tpu.memory_space<vmem>>
        %dma_start3A_844 = arith.constant 0 : i32
        %dma_start3A_845 = arith.constant 0 : i32
        %dma_start3A_846 = tpu.memref_slice %arg3[%dma_start3A_844, %dma_start3A_845] : memref<1000000x64xf32, #tpu.memory_space<hbm>> -> memref<1000000x64xf32, #tpu.memory_space<hbm>>
        tpu.enqueue_indirect_dma source(%dma_start3A_846 : memref<1000000x64xf32, #tpu.memory_space<hbm>>) target(%dma_start3A_840 : memref<128x64xf32, #tpu.memory_space<vmem>>) offsets(%dma_start3A_843 : memref<128xi32, #tpu.memory_space<vmem>>) semaphore(%arg10 : memref<!tpu.dma_semaphore, #tpu.memory_space<semaphore_mem>>)
      } else {
      }
      %dma_wait3A_601 = arith.constant 6 : i32
      %dma_wait3A_602 = arith.constant 0 : i32
      %dma_wait3A_603 = arith.constant 0 : i32
      %dma_wait3A_604 = tpu.memref_slice %arg8[%dma_wait3A_601, %dma_wait3A_602, %dma_wait3A_603] : memref<10x128x64xf32, #tpu.memory_space<vmem>> -> memref<1x128x64xf32, #tpu.memory_space<vmem>>
      %dma_wait3A_605 = tpu.memref_squeeze %dma_wait3A_604 : memref<1x128x64xf32, #tpu.memory_space<vmem>> -> memref<128x64xf32, #tpu.memory_space<vmem>>
      %dma_wait3A_606 = arith.constant 0 : i32
      %dma_wait3A_607 = tpu.memref_slice %arg6[%add3A_591, %dma_wait3A_606] : memref<200x128xi32, #tpu.memory_space<vmem>> -> memref<1x128xi32, #tpu.memory_space<vmem>>
      %dma_wait3A_608 = tpu.memref_squeeze %dma_wait3A_607 : memref<1x128xi32, #tpu.memory_space<vmem>> -> memref<128xi32, #tpu.memory_space<vmem>>
      %dma_wait3A_609 = arith.constant 0 : i32
      %dma_wait3A_610 = arith.constant 0 : i32
      %dma_wait3A_611 = tpu.memref_slice %arg3[%dma_wait3A_609, %dma_wait3A_610] : memref<1000000x64xf32, #tpu.memory_space<hbm>> -> memref<1000000x64xf32, #tpu.memory_space<hbm>>
      tpu.wait_indirect_dma semaphore(%arg15 : memref<!tpu.dma_semaphore, #tpu.memory_space<semaphore_mem>>) src(%dma_wait3A_611 : memref<1000000x64xf32, #tpu.memory_space<hbm>>) dst(%dma_wait3A_605 : memref<128x64xf32, #tpu.memory_space<vmem>>)
      %get3A_612 = arith.index_cast %add3A_591 : i32 to index
      %get3A_613 = arith.constant 0 : index
      %get3A_614 = tpu.vector_load %arg7[%get3A_612, %get3A_613] {strides = array<i32>} : memref<200x64xf32, #tpu.memory_space<vmem>>, vector<1x16xf32>,
      %get3A_615 = vector.shape_cast %get3A_614 : vector<1x16xf32> to vector<16xf32>
      %get3A_616 = arith.index_cast %add3A_591 : i32 to index
      %get3A_617 = arith.constant 16 : index
      %get3A_618 = tpu.vector_load %arg7[%get3A_616, %get3A_617] {strides = array<i32>} : memref<200x64xf32, #tpu.memory_space<vmem>>, vector<1x16xf32>,
      %get3A_619 = vector.shape_cast %get3A_618 : vector<1x16xf32> to vector<16xf32>
      %get3A_620 = arith.index_cast %add3A_591 : i32 to index
      %get3A_621 = arith.constant 32 : index
      %get3A_622 = tpu.vector_load %arg7[%get3A_620, %get3A_621] {strides = array<i32>} : memref<200x64xf32, #tpu.memory_space<vmem>>, vector<1x16xf32>,
      %get3A_623 = vector.shape_cast %get3A_622 : vector<1x16xf32> to vector<16xf32>
      %get3A_624 = arith.index_cast %add3A_591 : i32 to index
      %get3A_625 = arith.constant 48 : index
      %get3A_626 = tpu.vector_load %arg7[%get3A_624, %get3A_625] {strides = array<i32>} : memref<200x64xf32, #tpu.memory_space<vmem>>, vector<1x16xf32>,
      %get3A_627 = vector.shape_cast %get3A_626 : vector<1x16xf32> to vector<16xf32>
      %scan3A_628 = arith.constant 0 : i32
      %scan3A_629 = arith.constant 0 : i32
      %scan3A_630 = arith.constant 128 : i32
      %scan3A_631 = arith.addi %scan3A_629, %scan3A_630 : i32
      %scan3A_632 = arith.constant 4 : i32
      scf.for %scan3A_832 = %scan3A_629 to %scan3A_631 step %scan3A_632  : i32 {
        %get3A_833 = arith.constant 6 : i32
        %get3A_834 = arith.index_cast %get3A_833 : i32 to index
        %get3A_835 = arith.index_cast %scan3A_832 : i32 to index
        %get3A_836 = arith.constant 0 : index
        %get3A_837 = tpu.vector_load %arg8[%get3A_834, %get3A_835, %get3A_836] {strides = array<i32>} : memref<10x128x64xf32, #tpu.memory_space<vmem>>, vector<1x1x16xf32>,
        %get3A_838 = vector.shape_cast %get3A_837 : vector<1x1x16xf32> to vector<16xf32>
        %mul3A_839 = arith.constant 8.000000e+00 : f32
        %mul3A_840 = vector.broadcast %mul3A_839 : f32 to vector<16xf32>
        %mul3A_841 = arith.mulf %get3A_838, %mul3A_840 : vector<16xf32>
        %add3A_842 = arith.addf %mul3A_841, %get3A_615 : vector<16xf32>
        %swap3A = arith.constant 6 : i32
        %swap3A_843 = arith.index_cast %swap3A : i32 to index
        %swap3A_844 = arith.index_cast %scan3A_832 : i32 to index
        %swap3A_845 = arith.constant 0 : index
        %swap3A_846 = tpu.vector_load %arg8[%swap3A_843, %swap3A_844, %swap3A_845] {strides = array<i32>} : memref<10x128x64xf32, #tpu.memory_space<vmem>>, vector<1x1x16xf32>,
        %swap3A_847 = vector.shape_cast %swap3A_846 : vector<1x1x16xf32> to vector<16xf32>
        %swap3A_848 = vector.shape_cast %add3A_842 : vector<16xf32> to vector<1x1x16xf32>
        tpu.vector_store %arg8[%swap3A_843, %swap3A_844, %swap3A_845], %swap3A_848 {strides = array<i32>} : memref<10x128x64xf32, #tpu.memory_space<vmem>>, vector<1x1x16xf32>,
        %get3A_849 = arith.constant 6 : i32
        %get3A_850 = arith.index_cast %get3A_849 : i32 to index
        %get3A_851 = arith.index_cast %scan3A_832 : i32 to index
        %get3A_852 = arith.constant 16 : index
        %get3A_853 = tpu.vector_load %arg8[%get3A_850, %get3A_851, %get3A_852] {strides = array<i32>} : memref<10x128x64xf32, #tpu.memory_space<vmem>>, vector<1x1x16xf32>,
        %get3A_854 = vector.shape_cast %get3A_853 : vector<1x1x16xf32> to vector<16xf32>
        %mul3A_855 = arith.constant 8.000000e+00 : f32
        %mul3A_856 = vector.broadcast %mul3A_855 : f32 to vector<16xf32>
        %mul3A_857 = arith.mulf %get3A_854, %mul3A_856 : vector<16xf32>
        %add3A_858 = arith.addf %mul3A_857, %get3A_619 : vector<16xf32>
        %swap3A_859 = arith.constant 6 : i32
        %swap3A_860 = arith.index_cast %swap3A_859 : i32 to index
        %swap3A_861 = arith.index_cast %scan3A_832 : i32 to index
        %swap3A_862 = arith.constant 16 : index
        %swap3A_863 = tpu.vector_load %arg8[%swap3A_860, %swap3A_861, %swap3A_862] {strides = array<i32>} : memref<10x128x64xf32, #tpu.memory_space<vmem>>, vector<1x1x16xf32>,
        %swap3A_864 = vector.shape_cast %swap3A_863 : vector<1x1x16xf32> to vector<16xf32>
        %swap3A_865 = vector.shape_cast %add3A_858 : vector<16xf32> to vector<1x1x16xf32>
        tpu.vector_store %arg8[%swap3A_860, %swap3A_861, %swap3A_862], %swap3A_865 {strides = array<i32>} : memref<10x128x64xf32, #tpu.memory_space<vmem>>, vector<1x1x16xf32>,
        %get3A_866 = arith.constant 6 : i32
        %get3A_867 = arith.index_cast %get3A_866 : i32 to index
        %get3A_868 = arith.index_cast %scan3A_832 : i32 to index
        %get3A_869 = arith.constant 32 : index
        %get3A_870 = tpu.vector_load %arg8[%get3A_867, %get3A_868, %get3A_869] {strides = array<i32>} : memref<10x128x64xf32, #tpu.memory_space<vmem>>, vector<1x1x16xf32>,
        %get3A_871 = vector.shape_cast %get3A_870 : vector<1x1x16xf32> to vector<16xf32>
        %mul3A_872 = arith.constant 8.000000e+00 : f32
        %mul3A_873 = vector.broadcast %mul3A_872 : f32 to vector<16xf32>
        %mul3A_874 = arith.mulf %get3A_871, %mul3A_873 : vector<16xf32>
        %add3A_875 = arith.addf %mul3A_874, %get3A_623 : vector<16xf32>
        %swap3A_876 = arith.constant 6 : i32
        %swap3A_877 = arith.index_cast %swap3A_876 : i32 to index
        %swap3A_878 = arith.index_cast %scan3A_832 : i32 to index
        %swap3A_879 = arith.constant 32 : index
        %swap3A_880 = tpu.vector_load %arg8[%swap3A_877, %swap3A_878, %swap3A_879] {strides = array<i32>} : memref<10x128x64xf32, #tpu.memory_space<vmem>>, vector<1x1x16xf32>,
        %swap3A_881 = vector.shape_cast %swap3A_880 : vector<1x1x16xf32> to vector<16xf32>
        %swap3A_882 = vector.shape_cast %add3A_875 : vector<16xf32> to vector<1x1x16xf32>
        tpu.vector_store %arg8[%swap3A_877, %swap3A_878, %swap3A_879], %swap3A_882 {strides = array<i32>} : memref<10x128x64xf32, #tpu.memory_space<vmem>>, vector<1x1x16xf32>,
        %get3A_883 = arith.constant 6 : i32
        %get3A_884 = arith.index_cast %get3A_883 : i32 to index
        %get3A_885 = arith.index_cast %scan3A_832 : i32 to index
        %get3A_886 = arith.constant 48 : index
        %get3A_887 = tpu.vector_load %arg8[%get3A_884, %get3A_885, %get3A_886] {strides = array<i32>} : memref<10x128x64xf32, #tpu.memory_space<vmem>>, vector<1x1x16xf32>,
        %get3A_888 = vector.shape_cast %get3A_887 : vector<1x1x16xf32> to vector<16xf32>
        %mul3A_889 = arith.constant 8.000000e+00 : f32
        %mul3A_890 = vector.broadcast %mul3A_889 : f32 to vector<16xf32>
        %mul3A_891 = arith.mulf %get3A_888, %mul3A_890 : vector<16xf32>
        %add3A_892 = arith.addf %mul3A_891, %get3A_627 : vector<16xf32>
        %swap3A_893 = arith.constant 6 : i32
        %swap3A_894 = arith.index_cast %swap3A_893 : i32 to index
        %swap3A_895 = arith.index_cast %scan3A_832 : i32 to index
        %swap3A_896 = arith.constant 48 : index
        %swap3A_897 = tpu.vector_load %arg8[%swap3A_894, %swap3A_895, %swap3A_896] {strides = array<i32>} : memref<10x128x64xf32, #tpu.memory_space<vmem>>, vector<1x1x16xf32>,
        %swap3A_898 = vector.shape_cast %swap3A_897 : vector<1x1x16xf32> to vector<16xf32>
        %swap3A_899 = vector.shape_cast %add3A_892 : vector<16xf32> to vector<1x1x16xf32>
        tpu.vector_store %arg8[%swap3A_894, %swap3A_895, %swap3A_896], %swap3A_899 {strides = array<i32>} : memref<10x128x64xf32, #tpu.memory_space<vmem>>, vector<1x1x16xf32>,
        %scan3A_900 = arith.constant 1 : i32
        %scan3A_901 = arith.addi %scan3A_832, %scan3A_900 : i32
        %get3A_902 = arith.constant 6 : i32
        %get3A_903 = arith.index_cast %get3A_902 : i32 to index
        %get3A_904 = arith.index_cast %scan3A_901 : i32 to index
        %get3A_905 = arith.constant 0 : index
        %get3A_906 = tpu.vector_load %arg8[%get3A_903, %get3A_904, %get3A_905] {strides = array<i32>} : memref<10x128x64xf32, #tpu.memory_space<vmem>>, vector<1x1x16xf32>,
        %get3A_907 = vector.shape_cast %get3A_906 : vector<1x1x16xf32> to vector<16xf32>
        %mul3A_908 = arith.constant 8.000000e+00 : f32
        %mul3A_909 = vector.broadcast %mul3A_908 : f32 to vector<16xf32>
        %mul3A_910 = arith.mulf %get3A_907, %mul3A_909 : vector<16xf32>
        %add3A_911 = arith.addf %mul3A_910, %get3A_615 : vector<16xf32>
        %swap3A_912 = arith.constant 6 : i32
        %swap3A_913 = arith.index_cast %swap3A_912 : i32 to index
        %swap3A_914 = arith.index_cast %scan3A_901 : i32 to index
        %swap3A_915 = arith.constant 0 : index
        %swap3A_916 = tpu.vector_load %arg8[%swap3A_913, %swap3A_914, %swap3A_915] {strides = array<i32>} : memref<10x128x64xf32, #tpu.memory_space<vmem>>, vector<1x1x16xf32>,
        %swap3A_917 = vector.shape_cast %swap3A_916 : vector<1x1x16xf32> to vector<16xf32>
        %swap3A_918 = vector.shape_cast %add3A_911 : vector<16xf32> to vector<1x1x16xf32>
        tpu.vector_store %arg8[%swap3A_913, %swap3A_914, %swap3A_915], %swap3A_918 {strides = array<i32>} : memref<10x128x64xf32, #tpu.memory_space<vmem>>, vector<1x1x16xf32>,
        %get3A_919 = arith.constant 6 : i32
        %get3A_920 = arith.index_cast %get3A_919 : i32 to index
        %get3A_921 = arith.index_cast %scan3A_901 : i32 to index
        %get3A_922 = arith.constant 16 : index
        %get3A_923 = tpu.vector_load %arg8[%get3A_920, %get3A_921, %get3A_922] {strides = array<i32>} : memref<10x128x64xf32, #tpu.memory_space<vmem>>, vector<1x1x16xf32>,
        %get3A_924 = vector.shape_cast %get3A_923 : vector<1x1x16xf32> to vector<16xf32>
        %mul3A_925 = arith.constant 8.000000e+00 : f32
        %mul3A_926 = vector.broadcast %mul3A_925 : f32 to vector<16xf32>
        %mul3A_927 = arith.mulf %get3A_924, %mul3A_926 : vector<16xf32>
        %add3A_928 = arith.addf %mul3A_927, %get3A_619 : vector<16xf32>
        %swap3A_929 = arith.constant 6 : i32
        %swap3A_930 = arith.index_cast %swap3A_929 : i32 to index
        %swap3A_931 = arith.index_cast %scan3A_901 : i32 to index
        %swap3A_932 = arith.constant 16 : index
        %swap3A_933 = tpu.vector_load %arg8[%swap3A_930, %swap3A_931, %swap3A_932] {strides = array<i32>} : memref<10x128x64xf32, #tpu.memory_space<vmem>>, vector<1x1x16xf32>,
        %swap3A_934 = vector.shape_cast %swap3A_933 : vector<1x1x16xf32> to vector<16xf32>
        %swap3A_935 = vector.shape_cast %add3A_928 : vector<16xf32> to vector<1x1x16xf32>
        tpu.vector_store %arg8[%swap3A_930, %swap3A_931, %swap3A_932], %swap3A_935 {strides = array<i32>} : memref<10x128x64xf32, #tpu.memory_space<vmem>>, vector<1x1x16xf32>,
        %get3A_936 = arith.constant 6 : i32
        %get3A_937 = arith.index_cast %get3A_936 : i32 to index
        %get3A_938 = arith.index_cast %scan3A_901 : i32 to index
        %get3A_939 = arith.constant 32 : index
        %get3A_940 = tpu.vector_load %arg8[%get3A_937, %get3A_938, %get3A_939] {strides = array<i32>} : memref<10x128x64xf32, #tpu.memory_space<vmem>>, vector<1x1x16xf32>,
        %get3A_941 = vector.shape_cast %get3A_940 : vector<1x1x16xf32> to vector<16xf32>
        %mul3A_942 = arith.constant 8.000000e+00 : f32
        %mul3A_943 = vector.broadcast %mul3A_942 : f32 to vector<16xf32>
        %mul3A_944 = arith.mulf %get3A_941, %mul3A_943 : vector<16xf32>
        %add3A_945 = arith.addf %mul3A_944, %get3A_623 : vector<16xf32>
        %swap3A_946 = arith.constant 6 : i32
        %swap3A_947 = arith.index_cast %swap3A_946 : i32 to index
        %swap3A_948 = arith.index_cast %scan3A_901 : i32 to index
        %swap3A_949 = arith.constant 32 : index
        %swap3A_950 = tpu.vector_load %arg8[%swap3A_947, %swap3A_948, %swap3A_949] {strides = array<i32>} : memref<10x128x64xf32, #tpu.memory_space<vmem>>, vector<1x1x16xf32>,
        %swap3A_951 = vector.shape_cast %swap3A_950 : vector<1x1x16xf32> to vector<16xf32>
        %swap3A_952 = vector.shape_cast %add3A_945 : vector<16xf32> to vector<1x1x16xf32>
        tpu.vector_store %arg8[%swap3A_947, %swap3A_948, %swap3A_949], %swap3A_952 {strides = array<i32>} : memref<10x128x64xf32, #tpu.memory_space<vmem>>, vector<1x1x16xf32>,
        %get3A_953 = arith.constant 6 : i32
        %get3A_954 = arith.index_cast %get3A_953 : i32 to index
        %get3A_955 = arith.index_cast %scan3A_901 : i32 to index
        %get3A_956 = arith.constant 48 : index
        %get3A_957 = tpu.vector_load %arg8[%get3A_954, %get3A_955, %get3A_956] {strides = array<i32>} : memref<10x128x64xf32, #tpu.memory_space<vmem>>, vector<1x1x16xf32>,
        %get3A_958 = vector.shape_cast %get3A_957 : vector<1x1x16xf32> to vector<16xf32>
        %mul3A_959 = arith.constant 8.000000e+00 : f32
        %mul3A_960 = vector.broadcast %mul3A_959 : f32 to vector<16xf32>
        %mul3A_961 = arith.mulf %get3A_958, %mul3A_960 : vector<16xf32>
        %add3A_962 = arith.addf %mul3A_961, %get3A_627 : vector<16xf32>
        %swap3A_963 = arith.constant 6 : i32
        %swap3A_964 = arith.index_cast %swap3A_963 : i32 to index
        %swap3A_965 = arith.index_cast %scan3A_901 : i32 to index
        %swap3A_966 = arith.constant 48 : index
        %swap3A_967 = tpu.vector_load %arg8[%swap3A_964, %swap3A_965, %swap3A_966] {strides = array<i32>} : memref<10x128x64xf32, #tpu.memory_space<vmem>>, vector<1x1x16xf32>,
        %swap3A_968 = vector.shape_cast %swap3A_967 : vector<1x1x16xf32> to vector<16xf32>
        %swap3A_969 = vector.shape_cast %add3A_962 : vector<16xf32> to vector<1x1x16xf32>
        tpu.vector_store %arg8[%swap3A_964, %swap3A_965, %swap3A_966], %swap3A_969 {strides = array<i32>} : memref<10x128x64xf32, #tpu.memory_space<vmem>>, vector<1x1x16xf32>,
        %scan3A_970 = arith.constant 2 : i32
        %scan3A_971 = arith.addi %scan3A_832, %scan3A_970 : i32
        %get3A_972 = arith.constant 6 : i32
        %get3A_973 = arith.index_cast %get3A_972 : i32 to index
        %get3A_974 = arith.index_cast %scan3A_971 : i32 to index
        %get3A_975 = arith.constant 0 : index
        %get3A_976 = tpu.vector_load %arg8[%get3A_973, %get3A_974, %get3A_975] {strides = array<i32>} : memref<10x128x64xf32, #tpu.memory_space<vmem>>, vector<1x1x16xf32>,
        %get3A_977 = vector.shape_cast %get3A_976 : vector<1x1x16xf32> to vector<16xf32>
        %mul3A_978 = arith.constant 8.000000e+00 : f32
        %mul3A_979 = vector.broadcast %mul3A_978 : f32 to vector<16xf32>
        %mul3A_980 = arith.mulf %get3A_977, %mul3A_979 : vector<16xf32>
        %add3A_981 = arith.addf %mul3A_980, %get3A_615 : vector<16xf32>
        %swap3A_982 = arith.constant 6 : i32
        %swap3A_983 = arith.index_cast %swap3A_982 : i32 to index
        %swap3A_984 = arith.index_cast %scan3A_971 : i32 to index
        %swap3A_985 = arith.constant 0 : index
        %swap3A_986 = tpu.vector_load %arg8[%swap3A_983, %swap3A_984, %swap3A_985] {strides = array<i32>} : memref<10x128x64xf32, #tpu.memory_space<vmem>>, vector<1x1x16xf32>,
        %swap3A_987 = vector.shape_cast %swap3A_986 : vector<1x1x16xf32> to vector<16xf32>
        %swap3A_988 = vector.shape_cast %add3A_981 : vector<16xf32> to vector<1x1x16xf32>
        tpu.vector_store %arg8[%swap3A_983, %swap3A_984, %swap3A_985], %swap3A_988 {strides = array<i32>} : memref<10x128x64xf32, #tpu.memory_space<vmem>>, vector<1x1x16xf32>,
        %get3A_989 = arith.constant 6 : i32
        %get3A_990 = arith.index_cast %get3A_989 : i32 to index
        %get3A_991 = arith.index_cast %scan3A_971 : i32 to index
        %get3A_992 = arith.constant 16 : index
        %get3A_993 = tpu.vector_load %arg8[%get3A_990, %get3A_991, %get3A_992] {strides = array<i32>} : memref<10x128x64xf32, #tpu.memory_space<vmem>>, vector<1x1x16xf32>,
        %get3A_994 = vector.shape_cast %get3A_993 : vector<1x1x16xf32> to vector<16xf32>
        %mul3A_995 = arith.constant 8.000000e+00 : f32
        %mul3A_996 = vector.broadcast %mul3A_995 : f32 to vector<16xf32>
        %mul3A_997 = arith.mulf %get3A_994, %mul3A_996 : vector<16xf32>
        %add3A_998 = arith.addf %mul3A_997, %get3A_619 : vector<16xf32>
        %swap3A_999 = arith.constant 6 : i32
        %swap3A_1000 = arith.index_cast %swap3A_999 : i32 to index
        %swap3A_1001 = arith.index_cast %scan3A_971 : i32 to index
        %swap3A_1002 = arith.constant 16 : index
        %swap3A_1003 = tpu.vector_load %arg8[%swap3A_1000, %swap3A_1001, %swap3A_1002] {strides = array<i32>} : memref<10x128x64xf32, #tpu.memory_space<vmem>>, vector<1x1x16xf32>,
        %swap3A_1004 = vector.shape_cast %swap3A_1003 : vector<1x1x16xf32> to vector<16xf32>
        %swap3A_1005 = vector.shape_cast %add3A_998 : vector<16xf32> to vector<1x1x16xf32>
        tpu.vector_store %arg8[%swap3A_1000, %swap3A_1001, %swap3A_1002], %swap3A_1005 {strides = array<i32>} : memref<10x128x64xf32, #tpu.memory_space<vmem>>, vector<1x1x16xf32>,
        %get3A_1006 = arith.constant 6 : i32
        %get3A_1007 = arith.index_cast %get3A_1006 : i32 to index
        %get3A_1008 = arith.index_cast %scan3A_971 : i32 to index
        %get3A_1009 = arith.constant 32 : index
        %get3A_1010 = tpu.vector_load %arg8[%get3A_1007, %get3A_1008, %get3A_1009] {strides = array<i32>} : memref<10x128x64xf32, #tpu.memory_space<vmem>>, vector<1x1x16xf32>,
        %get3A_1011 = vector.shape_cast %get3A_1010 : vector<1x1x16xf32> to vector<16xf32>
        %mul3A_1012 = arith.constant 8.000000e+00 : f32
        %mul3A_1013 = vector.broadcast %mul3A_1012 : f32 to vector<16xf32>
        %mul3A_1014 = arith.mulf %get3A_1011, %mul3A_1013 : vector<16xf32>
        %add3A_1015 = arith.addf %mul3A_1014, %get3A_623 : vector<16xf32>
        %swap3A_1016 = arith.constant 6 : i32
        %swap3A_1017 = arith.index_cast %swap3A_1016 : i32 to index
        %swap3A_1018 = arith.index_cast %scan3A_971 : i32 to index
        %swap3A_1019 = arith.constant 32 : index
        %swap3A_1020 = tpu.vector_load %arg8[%swap3A_1017, %swap3A_1018, %swap3A_1019] {strides = array<i32>} : memref<10x128x64xf32, #tpu.memory_space<vmem>>, vector<1x1x16xf32>,
        %swap3A_1021 = vector.shape_cast %swap3A_1020 : vector<1x1x16xf32> to vector<16xf32>
        %swap3A_1022 = vector.shape_cast %add3A_1015 : vector<16xf32> to vector<1x1x16xf32>
        tpu.vector_store %arg8[%swap3A_1017, %swap3A_1018, %swap3A_1019], %swap3A_1022 {strides = array<i32>} : memref<10x128x64xf32, #tpu.memory_space<vmem>>, vector<1x1x16xf32>,
        %get3A_1023 = arith.constant 6 : i32
        %get3A_1024 = arith.index_cast %get3A_1023 : i32 to index
        %get3A_1025 = arith.index_cast %scan3A_971 : i32 to index
        %get3A_1026 = arith.constant 48 : index
        %get3A_1027 = tpu.vector_load %arg8[%get3A_1024, %get3A_1025, %get3A_1026] {strides = array<i32>} : memref<10x128x64xf32, #tpu.memory_space<vmem>>, vector<1x1x16xf32>,
        %get3A_1028 = vector.shape_cast %get3A_1027 : vector<1x1x16xf32> to vector<16xf32>
        %mul3A_1029 = arith.constant 8.000000e+00 : f32
        %mul3A_1030 = vector.broadcast %mul3A_1029 : f32 to vector<16xf32>
        %mul3A_1031 = arith.mulf %get3A_1028, %mul3A_1030 : vector<16xf32>
        %add3A_1032 = arith.addf %mul3A_1031, %get3A_627 : vector<16xf32>
        %swap3A_1033 = arith.constant 6 : i32
        %swap3A_1034 = arith.index_cast %swap3A_1033 : i32 to index
        %swap3A_1035 = arith.index_cast %scan3A_971 : i32 to index
        %swap3A_1036 = arith.constant 48 : index
        %swap3A_1037 = tpu.vector_load %arg8[%swap3A_1034, %swap3A_1035, %swap3A_1036] {strides = array<i32>} : memref<10x128x64xf32, #tpu.memory_space<vmem>>, vector<1x1x16xf32>,
        %swap3A_1038 = vector.shape_cast %swap3A_1037 : vector<1x1x16xf32> to vector<16xf32>
        %swap3A_1039 = vector.shape_cast %add3A_1032 : vector<16xf32> to vector<1x1x16xf32>
        tpu.vector_store %arg8[%swap3A_1034, %swap3A_1035, %swap3A_1036], %swap3A_1039 {strides = array<i32>} : memref<10x128x64xf32, #tpu.memory_space<vmem>>, vector<1x1x16xf32>,
        %scan3A_1040 = arith.constant 3 : i32
        %scan3A_1041 = arith.addi %scan3A_832, %scan3A_1040 : i32
        %get3A_1042 = arith.constant 6 : i32
        %get3A_1043 = arith.index_cast %get3A_1042 : i32 to index
        %get3A_1044 = arith.index_cast %scan3A_1041 : i32 to index
        %get3A_1045 = arith.constant 0 : index
        %get3A_1046 = tpu.vector_load %arg8[%get3A_1043, %get3A_1044, %get3A_1045] {strides = array<i32>} : memref<10x128x64xf32, #tpu.memory_space<vmem>>, vector<1x1x16xf32>,
        %get3A_1047 = vector.shape_cast %get3A_1046 : vector<1x1x16xf32> to vector<16xf32>
        %mul3A_1048 = arith.constant 8.000000e+00 : f32
        %mul3A_1049 = vector.broadcast %mul3A_1048 : f32 to vector<16xf32>
        %mul3A_1050 = arith.mulf %get3A_1047, %mul3A_1049 : vector<16xf32>
        %add3A_1051 = arith.addf %mul3A_1050, %get3A_615 : vector<16xf32>
        %swap3A_1052 = arith.constant 6 : i32
        %swap3A_1053 = arith.index_cast %swap3A_1052 : i32 to index
        %swap3A_1054 = arith.index_cast %scan3A_1041 : i32 to index
        %swap3A_1055 = arith.constant 0 : index
        %swap3A_1056 = tpu.vector_load %arg8[%swap3A_1053, %swap3A_1054, %swap3A_1055] {strides = array<i32>} : memref<10x128x64xf32, #tpu.memory_space<vmem>>, vector<1x1x16xf32>,
        %swap3A_1057 = vector.shape_cast %swap3A_1056 : vector<1x1x16xf32> to vector<16xf32>
        %swap3A_1058 = vector.shape_cast %add3A_1051 : vector<16xf32> to vector<1x1x16xf32>
        tpu.vector_store %arg8[%swap3A_1053, %swap3A_1054, %swap3A_1055], %swap3A_1058 {strides = array<i32>} : memref<10x128x64xf32, #tpu.memory_space<vmem>>, vector<1x1x16xf32>,
        %get3A_1059 = arith.constant 6 : i32
        %get3A_1060 = arith.index_cast %get3A_1059 : i32 to index
        %get3A_1061 = arith.index_cast %scan3A_1041 : i32 to index
        %get3A_1062 = arith.constant 16 : index
        %get3A_1063 = tpu.vector_load %arg8[%get3A_1060, %get3A_1061, %get3A_1062] {strides = array<i32>} : memref<10x128x64xf32, #tpu.memory_space<vmem>>, vector<1x1x16xf32>,
        %get3A_1064 = vector.shape_cast %get3A_1063 : vector<1x1x16xf32> to vector<16xf32>
        %mul3A_1065 = arith.constant 8.000000e+00 : f32
        %mul3A_1066 = vector.broadcast %mul3A_1065 : f32 to vector<16xf32>
        %mul3A_1067 = arith.mulf %get3A_1064, %mul3A_1066 : vector<16xf32>
        %add3A_1068 = arith.addf %mul3A_1067, %get3A_619 : vector<16xf32>
        %swap3A_1069 = arith.constant 6 : i32
        %swap3A_1070 = arith.index_cast %swap3A_1069 : i32 to index
        %swap3A_1071 = arith.index_cast %scan3A_1041 : i32 to index
        %swap3A_1072 = arith.constant 16 : index
        %swap3A_1073 = tpu.vector_load %arg8[%swap3A_1070, %swap3A_1071, %swap3A_1072] {strides = array<i32>} : memref<10x128x64xf32, #tpu.memory_space<vmem>>, vector<1x1x16xf32>,
        %swap3A_1074 = vector.shape_cast %swap3A_1073 : vector<1x1x16xf32> to vector<16xf32>
        %swap3A_1075 = vector.shape_cast %add3A_1068 : vector<16xf32> to vector<1x1x16xf32>
        tpu.vector_store %arg8[%swap3A_1070, %swap3A_1071, %swap3A_1072], %swap3A_1075 {strides = array<i32>} : memref<10x128x64xf32, #tpu.memory_space<vmem>>, vector<1x1x16xf32>,
        %get3A_1076 = arith.constant 6 : i32
        %get3A_1077 = arith.index_cast %get3A_1076 : i32 to index
        %get3A_1078 = arith.index_cast %scan3A_1041 : i32 to index
        %get3A_1079 = arith.constant 32 : index
        %get3A_1080 = tpu.vector_load %arg8[%get3A_1077, %get3A_1078, %get3A_1079] {strides = array<i32>} : memref<10x128x64xf32, #tpu.memory_space<vmem>>, vector<1x1x16xf32>,
        %get3A_1081 = vector.shape_cast %get3A_1080 : vector<1x1x16xf32> to vector<16xf32>
        %mul3A_1082 = arith.constant 8.000000e+00 : f32
        %mul3A_1083 = vector.broadcast %mul3A_1082 : f32 to vector<16xf32>
        %mul3A_1084 = arith.mulf %get3A_1081, %mul3A_1083 : vector<16xf32>
        %add3A_1085 = arith.addf %mul3A_1084, %get3A_623 : vector<16xf32>
        %swap3A_1086 = arith.constant 6 : i32
        %swap3A_1087 = arith.index_cast %swap3A_1086 : i32 to index
        %swap3A_1088 = arith.index_cast %scan3A_1041 : i32 to index
        %swap3A_1089 = arith.constant 32 : index
        %swap3A_1090 = tpu.vector_load %arg8[%swap3A_1087, %swap3A_1088, %swap3A_1089] {strides = array<i32>} : memref<10x128x64xf32, #tpu.memory_space<vmem>>, vector<1x1x16xf32>,
        %swap3A_1091 = vector.shape_cast %swap3A_1090 : vector<1x1x16xf32> to vector<16xf32>
        %swap3A_1092 = vector.shape_cast %add3A_1085 : vector<16xf32> to vector<1x1x16xf32>
        tpu.vector_store %arg8[%swap3A_1087, %swap3A_1088, %swap3A_1089], %swap3A_1092 {strides = array<i32>} : memref<10x128x64xf32, #tpu.memory_space<vmem>>, vector<1x1x16xf32>,
        %get3A_1093 = arith.constant 6 : i32
        %get3A_1094 = arith.index_cast %get3A_1093 : i32 to index
        %get3A_1095 = arith.index_cast %scan3A_1041 : i32 to index
        %get3A_1096 = arith.constant 48 : index
        %get3A_1097 = tpu.vector_load %arg8[%get3A_1094, %get3A_1095, %get3A_1096] {strides = array<i32>} : memref<10x128x64xf32, #tpu.memory_space<vmem>>, vector<1x1x16xf32>,
        %get3A_1098 = vector.shape_cast %get3A_1097 : vector<1x1x16xf32> to vector<16xf32>
        %mul3A_1099 = arith.constant 8.000000e+00 : f32
        %mul3A_1100 = vector.broadcast %mul3A_1099 : f32 to vector<16xf32>
        %mul3A_1101 = arith.mulf %get3A_1098, %mul3A_1100 : vector<16xf32>
        %add3A_1102 = arith.addf %mul3A_1101, %get3A_627 : vector<16xf32>
        %swap3A_1103 = arith.constant 6 : i32
        %swap3A_1104 = arith.index_cast %swap3A_1103 : i32 to index
        %swap3A_1105 = arith.index_cast %scan3A_1041 : i32 to index
        %swap3A_1106 = arith.constant 48 : index
        %swap3A_1107 = tpu.vector_load %arg8[%swap3A_1104, %swap3A_1105, %swap3A_1106] {strides = array<i32>} : memref<10x128x64xf32, #tpu.memory_space<vmem>>, vector<1x1x16xf32>,
        %swap3A_1108 = vector.shape_cast %swap3A_1107 : vector<1x1x16xf32> to vector<16xf32>
        %swap3A_1109 = vector.shape_cast %add3A_1102 : vector<16xf32> to vector<1x1x16xf32>
        tpu.vector_store %arg8[%swap3A_1104, %swap3A_1105, %swap3A_1106], %swap3A_1109 {strides = array<i32>} : memref<10x128x64xf32, #tpu.memory_space<vmem>>, vector<1x1x16xf32>,
      }
      %scan3A_633 = arith.constant 128 : i32
      %dma_start3A_634 = arith.constant 6 : i32
      %dma_start3A_635 = arith.constant 0 : i32
      %dma_start3A_636 = arith.constant 0 : i32
      %dma_start3A_637 = tpu.memref_slice %arg8[%dma_start3A_634, %dma_start3A_635, %dma_start3A_636] : memref<10x128x64xf32, #tpu.memory_space<vmem>> -> memref<1x128x64xf32, #tpu.memory_space<vmem>>
      %dma_start3A_638 = tpu.memref_squeeze %dma_start3A_637 : memref<1x128x64xf32, #tpu.memory_space<vmem>> -> memref<128x64xf32, #tpu.memory_space<vmem>>
      %dma_start3A_639 = arith.constant 0 : i32
      %dma_start3A_640 = tpu.memref_slice %arg5[%mul3A_2, %add3A_591, %dma_start3A_639] : memref<4096x200x64xf32, #tpu.memory_space<hbm>> -> memref<128x1x64xf32, #tpu.memory_space<hbm>>
      %dma_start3A_641 = tpu.memref_squeeze %dma_start3A_640 : memref<128x1x64xf32, #tpu.memory_space<hbm>> -> memref<128x64xf32, #tpu.memory_space<hbm>>
      %dma_start3A_642 = arith.constant 0 : i32
      %dma_start3A_643 = tpu.memref_slice %arg5[%mul3A_2, %add3A_591, %dma_start3A_642] : memref<4096x200x64xf32, #tpu.memory_space<hbm>> -> memref<128x1x64xf32, #tpu.memory_space<hbm>>
      %dma_start3A_644 = tpu.memref_squeeze %dma_start3A_643 : memref<128x1x64xf32, #tpu.memory_space<hbm>> -> memref<128x64xf32, #tpu.memory_space<hbm>>
      %dma_start3A_645 = arith.constant 0 : i32
      %dma_start3A_646 = arith.constant 0 : i32
      %dma_start3A_647 = tpu.memref_slice %arg8[%dma_start3A_634, %dma_start3A_645, %dma_start3A_646] : memref<10x128x64xf32, #tpu.memory_space<vmem>> -> memref<1x128x64xf32, #tpu.memory_space<vmem>>
      %dma_start3A_648 = tpu.memref_squeeze %dma_start3A_647 : memref<1x128x64xf32, #tpu.memory_space<vmem>> -> memref<128x64xf32, #tpu.memory_space<vmem>>
      tpu.enqueue_dma source(%dma_start3A_648 : memref<128x64xf32, #tpu.memory_space<vmem>>) target(%dma_start3A_644 : memref<128x64xf32, #tpu.memory_space<hbm>>) target_semaphore(%arg25 : memref<!tpu.dma_semaphore, #tpu.memory_space<semaphore_mem>>)
      %mul3A_649 = arith.constant 10 : i32
      %mul3A_650 = arith.muli %scan3A_226, %mul3A_649 : i32
      %add3A_651 = arith.constant 7 : i32
      %add3A_652 = arith.addi %mul3A_650, %add3A_651 : i32
      %add3A_653 = arith.constant 5 : i32
      %add3A_654 = arith.addi %add3A_652, %add3A_653 : i32
      %sub3A_655 = arith.constant 10 : i32
      %sub3A_656 = arith.subi %add3A_654, %sub3A_655 : i32
      %lt3A_657 = arith.constant 200 : i32
      %lt3A_658 = arith.cmpi slt, %add3A_654, %lt3A_657 : i32
      %convert_element_type3A_659 = arith.extui %lt3A_658 : i1 to i32
      %cond3A_660 = arith.constant 0 : i32
      %cond3A_661 = arith.cmpi ne, %convert_element_type3A_659, %cond3A_660 : i32
      scf.if %cond3A_661 {
        %ge3A = arith.constant 0 : i32
        %ge3A_832 = arith.cmpi sge, %sub3A_656, %ge3A : i32
        %convert_element_type3A_833 = arith.extui %ge3A_832 : i1 to i32
        %cond3A_834 = arith.constant 0 : i32
        %cond3A_835 = arith.cmpi ne, %convert_element_type3A_833, %cond3A_834 : i32
        scf.if %cond3A_835 {
          %dma_wait3A_847 = arith.constant 2 : i32
          %dma_wait3A_848 = arith.constant 0 : i32
          %dma_wait3A_849 = arith.constant 0 : i32
          %dma_wait3A_850 = tpu.memref_slice %arg8[%dma_wait3A_847, %dma_wait3A_848, %dma_wait3A_849] : memref<10x128x64xf32, #tpu.memory_space<vmem>> -> memref<1x128x64xf32, #tpu.memory_space<vmem>>
          %dma_wait3A_851 = tpu.memref_squeeze %dma_wait3A_850 : memref<1x128x64xf32, #tpu.memory_space<vmem>> -> memref<128x64xf32, #tpu.memory_space<vmem>>
          %dma_wait3A_852 = arith.constant 0 : i32
          %dma_wait3A_853 = tpu.memref_slice %arg5[%mul3A_2, %sub3A_656, %dma_wait3A_852] : memref<4096x200x64xf32, #tpu.memory_space<hbm>> -> memref<128x1x64xf32, #tpu.memory_space<hbm>>
          %dma_wait3A_854 = tpu.memref_squeeze %dma_wait3A_853 : memref<128x1x64xf32, #tpu.memory_space<hbm>> -> memref<128x64xf32, #tpu.memory_space<hbm>>
          %dma_wait3A_855 = arith.constant 0 : i32
          %dma_wait3A_856 = tpu.memref_slice %arg5[%mul3A_2, %sub3A_656, %dma_wait3A_855] : memref<4096x200x64xf32, #tpu.memory_space<hbm>> -> memref<128x1x64xf32, #tpu.memory_space<hbm>>
          %dma_wait3A_857 = tpu.memref_squeeze %dma_wait3A_856 : memref<128x1x64xf32, #tpu.memory_space<hbm>> -> memref<128x64xf32, #tpu.memory_space<hbm>>
          %dma_wait3A_858 = arith.constant 0 : i32
          %dma_wait3A_859 = arith.constant 0 : i32
          %dma_wait3A_860 = tpu.memref_slice %arg8[%dma_wait3A_847, %dma_wait3A_858, %dma_wait3A_859] : memref<10x128x64xf32, #tpu.memory_space<vmem>> -> memref<1x128x64xf32, #tpu.memory_space<vmem>>
          %dma_wait3A_861 = tpu.memref_squeeze %dma_wait3A_860 : memref<1x128x64xf32, #tpu.memory_space<vmem>> -> memref<128x64xf32, #tpu.memory_space<vmem>>
          tpu.wait_dma2 semaphore(%arg21 : memref<!tpu.dma_semaphore, #tpu.memory_space<semaphore_mem>>) src(%dma_wait3A_861 : memref<128x64xf32, #tpu.memory_space<vmem>>) dst(%dma_wait3A_857 : memref<128x64xf32, #tpu.memory_space<hbm>>)
        } else {
        }
        %dma_start3A_836 = arith.constant 2 : i32
        %dma_start3A_837 = arith.constant 0 : i32
        %dma_start3A_838 = arith.constant 0 : i32
        %dma_start3A_839 = tpu.memref_slice %arg8[%dma_start3A_836, %dma_start3A_837, %dma_start3A_838] : memref<10x128x64xf32, #tpu.memory_space<vmem>> -> memref<1x128x64xf32, #tpu.memory_space<vmem>>
        %dma_start3A_840 = tpu.memref_squeeze %dma_start3A_839 : memref<1x128x64xf32, #tpu.memory_space<vmem>> -> memref<128x64xf32, #tpu.memory_space<vmem>>
        %dma_start3A_841 = arith.constant 0 : i32
        %dma_start3A_842 = tpu.memref_slice %arg6[%add3A_654, %dma_start3A_841] : memref<200x128xi32, #tpu.memory_space<vmem>> -> memref<1x128xi32, #tpu.memory_space<vmem>>
        %dma_start3A_843 = tpu.memref_squeeze %dma_start3A_842 : memref<1x128xi32, #tpu.memory_space<vmem>> -> memref<128xi32, #tpu.memory_space<vmem>>
        %dma_start3A_844 = arith.constant 0 : i32
        %dma_start3A_845 = arith.constant 0 : i32
        %dma_start3A_846 = tpu.memref_slice %arg3[%dma_start3A_844, %dma_start3A_845] : memref<1000000x64xf32, #tpu.memory_space<hbm>> -> memref<1000000x64xf32, #tpu.memory_space<hbm>>
        tpu.enqueue_indirect_dma source(%dma_start3A_846 : memref<1000000x64xf32, #tpu.memory_space<hbm>>) target(%dma_start3A_840 : memref<128x64xf32, #tpu.memory_space<vmem>>) offsets(%dma_start3A_843 : memref<128xi32, #tpu.memory_space<vmem>>) semaphore(%arg11 : memref<!tpu.dma_semaphore, #tpu.memory_space<semaphore_mem>>)
      } else {
      }
      %dma_wait3A_662 = arith.constant 7 : i32
      %dma_wait3A_663 = arith.constant 0 : i32
      %dma_wait3A_664 = arith.constant 0 : i32
      %dma_wait3A_665 = tpu.memref_slice %arg8[%dma_wait3A_662, %dma_wait3A_663, %dma_wait3A_664] : memref<10x128x64xf32, #tpu.memory_space<vmem>> -> memref<1x128x64xf32, #tpu.memory_space<vmem>>
      %dma_wait3A_666 = tpu.memref_squeeze %dma_wait3A_665 : memref<1x128x64xf32, #tpu.memory_space<vmem>> -> memref<128x64xf32, #tpu.memory_space<vmem>>
      %dma_wait3A_667 = arith.constant 0 : i32
      %dma_wait3A_668 = tpu.memref_slice %arg6[%add3A_652, %dma_wait3A_667] : memref<200x128xi32, #tpu.memory_space<vmem>> -> memref<1x128xi32, #tpu.memory_space<vmem>>
      %dma_wait3A_669 = tpu.memref_squeeze %dma_wait3A_668 : memref<1x128xi32, #tpu.memory_space<vmem>> -> memref<128xi32, #tpu.memory_space<vmem>>
      %dma_wait3A_670 = arith.constant 0 : i32
      %dma_wait3A_671 = arith.constant 0 : i32
      %dma_wait3A_672 = tpu.memref_slice %arg3[%dma_wait3A_670, %dma_wait3A_671] : memref<1000000x64xf32, #tpu.memory_space<hbm>> -> memref<1000000x64xf32, #tpu.memory_space<hbm>>
      tpu.wait_indirect_dma semaphore(%arg16 : memref<!tpu.dma_semaphore, #tpu.memory_space<semaphore_mem>>) src(%dma_wait3A_672 : memref<1000000x64xf32, #tpu.memory_space<hbm>>) dst(%dma_wait3A_666 : memref<128x64xf32, #tpu.memory_space<vmem>>)
      %get3A_673 = arith.index_cast %add3A_652 : i32 to index
      %get3A_674 = arith.constant 0 : index
      %get3A_675 = tpu.vector_load %arg7[%get3A_673, %get3A_674] {strides = array<i32>} : memref<200x64xf32, #tpu.memory_space<vmem>>, vector<1x16xf32>,
      %get3A_676 = vector.shape_cast %get3A_675 : vector<1x16xf32> to vector<16xf32>
      %get3A_677 = arith.index_cast %add3A_652 : i32 to index
      %get3A_678 = arith.constant 16 : index
      %get3A_679 = tpu.vector_load %arg7[%get3A_677, %get3A_678] {strides = array<i32>} : memref<200x64xf32, #tpu.memory_space<vmem>>, vector<1x16xf32>,
      %get3A_680 = vector.shape_cast %get3A_679 : vector<1x16xf32> to vector<16xf32>
      %get3A_681 = arith.index_cast %add3A_652 : i32 to index
      %get3A_682 = arith.constant 32 : index
      %get3A_683 = tpu.vector_load %arg7[%get3A_681, %get3A_682] {strides = array<i32>} : memref<200x64xf32, #tpu.memory_space<vmem>>, vector<1x16xf32>,
      %get3A_684 = vector.shape_cast %get3A_683 : vector<1x16xf32> to vector<16xf32>
      %get3A_685 = arith.index_cast %add3A_652 : i32 to index
      %get3A_686 = arith.constant 48 : index
      %get3A_687 = tpu.vector_load %arg7[%get3A_685, %get3A_686] {strides = array<i32>} : memref<200x64xf32, #tpu.memory_space<vmem>>, vector<1x16xf32>,
      %get3A_688 = vector.shape_cast %get3A_687 : vector<1x16xf32> to vector<16xf32>
      %scan3A_689 = arith.constant 0 : i32
      %scan3A_690 = arith.constant 0 : i32
      %scan3A_691 = arith.constant 128 : i32
      %scan3A_692 = arith.addi %scan3A_690, %scan3A_691 : i32
      %scan3A_693 = arith.constant 4 : i32
      scf.for %scan3A_832 = %scan3A_690 to %scan3A_692 step %scan3A_693  : i32 {
        %get3A_833 = arith.constant 7 : i32
        %get3A_834 = arith.index_cast %get3A_833 : i32 to index
        %get3A_835 = arith.index_cast %scan3A_832 : i32 to index
        %get3A_836 = arith.constant 0 : index
        %get3A_837 = tpu.vector_load %arg8[%get3A_834, %get3A_835, %get3A_836] {strides = array<i32>} : memref<10x128x64xf32, #tpu.memory_space<vmem>>, vector<1x1x16xf32>,
        %get3A_838 = vector.shape_cast %get3A_837 : vector<1x1x16xf32> to vector<16xf32>
        %mul3A_839 = arith.constant 8.000000e+00 : f32
        %mul3A_840 = vector.broadcast %mul3A_839 : f32 to vector<16xf32>
        %mul3A_841 = arith.mulf %get3A_838, %mul3A_840 : vector<16xf32>
        %add3A_842 = arith.addf %mul3A_841, %get3A_676 : vector<16xf32>
        %swap3A = arith.constant 7 : i32
        %swap3A_843 = arith.index_cast %swap3A : i32 to index
        %swap3A_844 = arith.index_cast %scan3A_832 : i32 to index
        %swap3A_845 = arith.constant 0 : index
        %swap3A_846 = tpu.vector_load %arg8[%swap3A_843, %swap3A_844, %swap3A_845] {strides = array<i32>} : memref<10x128x64xf32, #tpu.memory_space<vmem>>, vector<1x1x16xf32>,
        %swap3A_847 = vector.shape_cast %swap3A_846 : vector<1x1x16xf32> to vector<16xf32>
        %swap3A_848 = vector.shape_cast %add3A_842 : vector<16xf32> to vector<1x1x16xf32>
        tpu.vector_store %arg8[%swap3A_843, %swap3A_844, %swap3A_845], %swap3A_848 {strides = array<i32>} : memref<10x128x64xf32, #tpu.memory_space<vmem>>, vector<1x1x16xf32>,
        %get3A_849 = arith.constant 7 : i32
        %get3A_850 = arith.index_cast %get3A_849 : i32 to index
        %get3A_851 = arith.index_cast %scan3A_832 : i32 to index
        %get3A_852 = arith.constant 16 : index
        %get3A_853 = tpu.vector_load %arg8[%get3A_850, %get3A_851, %get3A_852] {strides = array<i32>} : memref<10x128x64xf32, #tpu.memory_space<vmem>>, vector<1x1x16xf32>,
        %get3A_854 = vector.shape_cast %get3A_853 : vector<1x1x16xf32> to vector<16xf32>
        %mul3A_855 = arith.constant 8.000000e+00 : f32
        %mul3A_856 = vector.broadcast %mul3A_855 : f32 to vector<16xf32>
        %mul3A_857 = arith.mulf %get3A_854, %mul3A_856 : vector<16xf32>
        %add3A_858 = arith.addf %mul3A_857, %get3A_680 : vector<16xf32>
        %swap3A_859 = arith.constant 7 : i32
        %swap3A_860 = arith.index_cast %swap3A_859 : i32 to index
        %swap3A_861 = arith.index_cast %scan3A_832 : i32 to index
        %swap3A_862 = arith.constant 16 : index
        %swap3A_863 = tpu.vector_load %arg8[%swap3A_860, %swap3A_861, %swap3A_862] {strides = array<i32>} : memref<10x128x64xf32, #tpu.memory_space<vmem>>, vector<1x1x16xf32>,
        %swap3A_864 = vector.shape_cast %swap3A_863 : vector<1x1x16xf32> to vector<16xf32>
        %swap3A_865 = vector.shape_cast %add3A_858 : vector<16xf32> to vector<1x1x16xf32>
        tpu.vector_store %arg8[%swap3A_860, %swap3A_861, %swap3A_862], %swap3A_865 {strides = array<i32>} : memref<10x128x64xf32, #tpu.memory_space<vmem>>, vector<1x1x16xf32>,
        %get3A_866 = arith.constant 7 : i32
        %get3A_867 = arith.index_cast %get3A_866 : i32 to index
        %get3A_868 = arith.index_cast %scan3A_832 : i32 to index
        %get3A_869 = arith.constant 32 : index
        %get3A_870 = tpu.vector_load %arg8[%get3A_867, %get3A_868, %get3A_869] {strides = array<i32>} : memref<10x128x64xf32, #tpu.memory_space<vmem>>, vector<1x1x16xf32>,
        %get3A_871 = vector.shape_cast %get3A_870 : vector<1x1x16xf32> to vector<16xf32>
        %mul3A_872 = arith.constant 8.000000e+00 : f32
        %mul3A_873 = vector.broadcast %mul3A_872 : f32 to vector<16xf32>
        %mul3A_874 = arith.mulf %get3A_871, %mul3A_873 : vector<16xf32>
        %add3A_875 = arith.addf %mul3A_874, %get3A_684 : vector<16xf32>
        %swap3A_876 = arith.constant 7 : i32
        %swap3A_877 = arith.index_cast %swap3A_876 : i32 to index
        %swap3A_878 = arith.index_cast %scan3A_832 : i32 to index
        %swap3A_879 = arith.constant 32 : index
        %swap3A_880 = tpu.vector_load %arg8[%swap3A_877, %swap3A_878, %swap3A_879] {strides = array<i32>} : memref<10x128x64xf32, #tpu.memory_space<vmem>>, vector<1x1x16xf32>,
        %swap3A_881 = vector.shape_cast %swap3A_880 : vector<1x1x16xf32> to vector<16xf32>
        %swap3A_882 = vector.shape_cast %add3A_875 : vector<16xf32> to vector<1x1x16xf32>
        tpu.vector_store %arg8[%swap3A_877, %swap3A_878, %swap3A_879], %swap3A_882 {strides = array<i32>} : memref<10x128x64xf32, #tpu.memory_space<vmem>>, vector<1x1x16xf32>,
        %get3A_883 = arith.constant 7 : i32
        %get3A_884 = arith.index_cast %get3A_883 : i32 to index
        %get3A_885 = arith.index_cast %scan3A_832 : i32 to index
        %get3A_886 = arith.constant 48 : index
        %get3A_887 = tpu.vector_load %arg8[%get3A_884, %get3A_885, %get3A_886] {strides = array<i32>} : memref<10x128x64xf32, #tpu.memory_space<vmem>>, vector<1x1x16xf32>,
        %get3A_888 = vector.shape_cast %get3A_887 : vector<1x1x16xf32> to vector<16xf32>
        %mul3A_889 = arith.constant 8.000000e+00 : f32
        %mul3A_890 = vector.broadcast %mul3A_889 : f32 to vector<16xf32>
        %mul3A_891 = arith.mulf %get3A_888, %mul3A_890 : vector<16xf32>
        %add3A_892 = arith.addf %mul3A_891, %get3A_688 : vector<16xf32>
        %swap3A_893 = arith.constant 7 : i32
        %swap3A_894 = arith.index_cast %swap3A_893 : i32 to index
        %swap3A_895 = arith.index_cast %scan3A_832 : i32 to index
        %swap3A_896 = arith.constant 48 : index
        %swap3A_897 = tpu.vector_load %arg8[%swap3A_894, %swap3A_895, %swap3A_896] {strides = array<i32>} : memref<10x128x64xf32, #tpu.memory_space<vmem>>, vector<1x1x16xf32>,
        %swap3A_898 = vector.shape_cast %swap3A_897 : vector<1x1x16xf32> to vector<16xf32>
        %swap3A_899 = vector.shape_cast %add3A_892 : vector<16xf32> to vector<1x1x16xf32>
        tpu.vector_store %arg8[%swap3A_894, %swap3A_895, %swap3A_896], %swap3A_899 {strides = array<i32>} : memref<10x128x64xf32, #tpu.memory_space<vmem>>, vector<1x1x16xf32>,
        %scan3A_900 = arith.constant 1 : i32
        %scan3A_901 = arith.addi %scan3A_832, %scan3A_900 : i32
        %get3A_902 = arith.constant 7 : i32
        %get3A_903 = arith.index_cast %get3A_902 : i32 to index
        %get3A_904 = arith.index_cast %scan3A_901 : i32 to index
        %get3A_905 = arith.constant 0 : index
        %get3A_906 = tpu.vector_load %arg8[%get3A_903, %get3A_904, %get3A_905] {strides = array<i32>} : memref<10x128x64xf32, #tpu.memory_space<vmem>>, vector<1x1x16xf32>,
        %get3A_907 = vector.shape_cast %get3A_906 : vector<1x1x16xf32> to vector<16xf32>
        %mul3A_908 = arith.constant 8.000000e+00 : f32
        %mul3A_909 = vector.broadcast %mul3A_908 : f32 to vector<16xf32>
        %mul3A_910 = arith.mulf %get3A_907, %mul3A_909 : vector<16xf32>
        %add3A_911 = arith.addf %mul3A_910, %get3A_676 : vector<16xf32>
        %swap3A_912 = arith.constant 7 : i32
        %swap3A_913 = arith.index_cast %swap3A_912 : i32 to index
        %swap3A_914 = arith.index_cast %scan3A_901 : i32 to index
        %swap3A_915 = arith.constant 0 : index
        %swap3A_916 = tpu.vector_load %arg8[%swap3A_913, %swap3A_914, %swap3A_915] {strides = array<i32>} : memref<10x128x64xf32, #tpu.memory_space<vmem>>, vector<1x1x16xf32>,
        %swap3A_917 = vector.shape_cast %swap3A_916 : vector<1x1x16xf32> to vector<16xf32>
        %swap3A_918 = vector.shape_cast %add3A_911 : vector<16xf32> to vector<1x1x16xf32>
        tpu.vector_store %arg8[%swap3A_913, %swap3A_914, %swap3A_915], %swap3A_918 {strides = array<i32>} : memref<10x128x64xf32, #tpu.memory_space<vmem>>, vector<1x1x16xf32>,
        %get3A_919 = arith.constant 7 : i32
        %get3A_920 = arith.index_cast %get3A_919 : i32 to index
        %get3A_921 = arith.index_cast %scan3A_901 : i32 to index
        %get3A_922 = arith.constant 16 : index
        %get3A_923 = tpu.vector_load %arg8[%get3A_920, %get3A_921, %get3A_922] {strides = array<i32>} : memref<10x128x64xf32, #tpu.memory_space<vmem>>, vector<1x1x16xf32>,
        %get3A_924 = vector.shape_cast %get3A_923 : vector<1x1x16xf32> to vector<16xf32>
        %mul3A_925 = arith.constant 8.000000e+00 : f32
        %mul3A_926 = vector.broadcast %mul3A_925 : f32 to vector<16xf32>
        %mul3A_927 = arith.mulf %get3A_924, %mul3A_926 : vector<16xf32>
        %add3A_928 = arith.addf %mul3A_927, %get3A_680 : vector<16xf32>
        %swap3A_929 = arith.constant 7 : i32
        %swap3A_930 = arith.index_cast %swap3A_929 : i32 to index
        %swap3A_931 = arith.index_cast %scan3A_901 : i32 to index
        %swap3A_932 = arith.constant 16 : index
        %swap3A_933 = tpu.vector_load %arg8[%swap3A_930, %swap3A_931, %swap3A_932] {strides = array<i32>} : memref<10x128x64xf32, #tpu.memory_space<vmem>>, vector<1x1x16xf32>,
        %swap3A_934 = vector.shape_cast %swap3A_933 : vector<1x1x16xf32> to vector<16xf32>
        %swap3A_935 = vector.shape_cast %add3A_928 : vector<16xf32> to vector<1x1x16xf32>
        tpu.vector_store %arg8[%swap3A_930, %swap3A_931, %swap3A_932], %swap3A_935 {strides = array<i32>} : memref<10x128x64xf32, #tpu.memory_space<vmem>>, vector<1x1x16xf32>,
        %get3A_936 = arith.constant 7 : i32
        %get3A_937 = arith.index_cast %get3A_936 : i32 to index
        %get3A_938 = arith.index_cast %scan3A_901 : i32 to index
        %get3A_939 = arith.constant 32 : index
        %get3A_940 = tpu.vector_load %arg8[%get3A_937, %get3A_938, %get3A_939] {strides = array<i32>} : memref<10x128x64xf32, #tpu.memory_space<vmem>>, vector<1x1x16xf32>,
        %get3A_941 = vector.shape_cast %get3A_940 : vector<1x1x16xf32> to vector<16xf32>
        %mul3A_942 = arith.constant 8.000000e+00 : f32
        %mul3A_943 = vector.broadcast %mul3A_942 : f32 to vector<16xf32>
        %mul3A_944 = arith.mulf %get3A_941, %mul3A_943 : vector<16xf32>
        %add3A_945 = arith.addf %mul3A_944, %get3A_684 : vector<16xf32>
        %swap3A_946 = arith.constant 7 : i32
        %swap3A_947 = arith.index_cast %swap3A_946 : i32 to index
        %swap3A_948 = arith.index_cast %scan3A_901 : i32 to index
        %swap3A_949 = arith.constant 32 : index
        %swap3A_950 = tpu.vector_load %arg8[%swap3A_947, %swap3A_948, %swap3A_949] {strides = array<i32>} : memref<10x128x64xf32, #tpu.memory_space<vmem>>, vector<1x1x16xf32>,
        %swap3A_951 = vector.shape_cast %swap3A_950 : vector<1x1x16xf32> to vector<16xf32>
        %swap3A_952 = vector.shape_cast %add3A_945 : vector<16xf32> to vector<1x1x16xf32>
        tpu.vector_store %arg8[%swap3A_947, %swap3A_948, %swap3A_949], %swap3A_952 {strides = array<i32>} : memref<10x128x64xf32, #tpu.memory_space<vmem>>, vector<1x1x16xf32>,
        %get3A_953 = arith.constant 7 : i32
        %get3A_954 = arith.index_cast %get3A_953 : i32 to index
        %get3A_955 = arith.index_cast %scan3A_901 : i32 to index
        %get3A_956 = arith.constant 48 : index
        %get3A_957 = tpu.vector_load %arg8[%get3A_954, %get3A_955, %get3A_956] {strides = array<i32>} : memref<10x128x64xf32, #tpu.memory_space<vmem>>, vector<1x1x16xf32>,
        %get3A_958 = vector.shape_cast %get3A_957 : vector<1x1x16xf32> to vector<16xf32>
        %mul3A_959 = arith.constant 8.000000e+00 : f32
        %mul3A_960 = vector.broadcast %mul3A_959 : f32 to vector<16xf32>
        %mul3A_961 = arith.mulf %get3A_958, %mul3A_960 : vector<16xf32>
        %add3A_962 = arith.addf %mul3A_961, %get3A_688 : vector<16xf32>
        %swap3A_963 = arith.constant 7 : i32
        %swap3A_964 = arith.index_cast %swap3A_963 : i32 to index
        %swap3A_965 = arith.index_cast %scan3A_901 : i32 to index
        %swap3A_966 = arith.constant 48 : index
        %swap3A_967 = tpu.vector_load %arg8[%swap3A_964, %swap3A_965, %swap3A_966] {strides = array<i32>} : memref<10x128x64xf32, #tpu.memory_space<vmem>>, vector<1x1x16xf32>,
        %swap3A_968 = vector.shape_cast %swap3A_967 : vector<1x1x16xf32> to vector<16xf32>
        %swap3A_969 = vector.shape_cast %add3A_962 : vector<16xf32> to vector<1x1x16xf32>
        tpu.vector_store %arg8[%swap3A_964, %swap3A_965, %swap3A_966], %swap3A_969 {strides = array<i32>} : memref<10x128x64xf32, #tpu.memory_space<vmem>>, vector<1x1x16xf32>,
        %scan3A_970 = arith.constant 2 : i32
        %scan3A_971 = arith.addi %scan3A_832, %scan3A_970 : i32
        %get3A_972 = arith.constant 7 : i32
        %get3A_973 = arith.index_cast %get3A_972 : i32 to index
        %get3A_974 = arith.index_cast %scan3A_971 : i32 to index
        %get3A_975 = arith.constant 0 : index
        %get3A_976 = tpu.vector_load %arg8[%get3A_973, %get3A_974, %get3A_975] {strides = array<i32>} : memref<10x128x64xf32, #tpu.memory_space<vmem>>, vector<1x1x16xf32>,
        %get3A_977 = vector.shape_cast %get3A_976 : vector<1x1x16xf32> to vector<16xf32>
        %mul3A_978 = arith.constant 8.000000e+00 : f32
        %mul3A_979 = vector.broadcast %mul3A_978 : f32 to vector<16xf32>
        %mul3A_980 = arith.mulf %get3A_977, %mul3A_979 : vector<16xf32>
        %add3A_981 = arith.addf %mul3A_980, %get3A_676 : vector<16xf32>
        %swap3A_982 = arith.constant 7 : i32
        %swap3A_983 = arith.index_cast %swap3A_982 : i32 to index
        %swap3A_984 = arith.index_cast %scan3A_971 : i32 to index
        %swap3A_985 = arith.constant 0 : index
        %swap3A_986 = tpu.vector_load %arg8[%swap3A_983, %swap3A_984, %swap3A_985] {strides = array<i32>} : memref<10x128x64xf32, #tpu.memory_space<vmem>>, vector<1x1x16xf32>,
        %swap3A_987 = vector.shape_cast %swap3A_986 : vector<1x1x16xf32> to vector<16xf32>
        %swap3A_988 = vector.shape_cast %add3A_981 : vector<16xf32> to vector<1x1x16xf32>
        tpu.vector_store %arg8[%swap3A_983, %swap3A_984, %swap3A_985], %swap3A_988 {strides = array<i32>} : memref<10x128x64xf32, #tpu.memory_space<vmem>>, vector<1x1x16xf32>,
        %get3A_989 = arith.constant 7 : i32
        %get3A_990 = arith.index_cast %get3A_989 : i32 to index
        %get3A_991 = arith.index_cast %scan3A_971 : i32 to index
        %get3A_992 = arith.constant 16 : index
        %get3A_993 = tpu.vector_load %arg8[%get3A_990, %get3A_991, %get3A_992] {strides = array<i32>} : memref<10x128x64xf32, #tpu.memory_space<vmem>>, vector<1x1x16xf32>,
        %get3A_994 = vector.shape_cast %get3A_993 : vector<1x1x16xf32> to vector<16xf32>
        %mul3A_995 = arith.constant 8.000000e+00 : f32
        %mul3A_996 = vector.broadcast %mul3A_995 : f32 to vector<16xf32>
        %mul3A_997 = arith.mulf %get3A_994, %mul3A_996 : vector<16xf32>
        %add3A_998 = arith.addf %mul3A_997, %get3A_680 : vector<16xf32>
        %swap3A_999 = arith.constant 7 : i32
        %swap3A_1000 = arith.index_cast %swap3A_999 : i32 to index
        %swap3A_1001 = arith.index_cast %scan3A_971 : i32 to index
        %swap3A_1002 = arith.constant 16 : index
        %swap3A_1003 = tpu.vector_load %arg8[%swap3A_1000, %swap3A_1001, %swap3A_1002] {strides = array<i32>} : memref<10x128x64xf32, #tpu.memory_space<vmem>>, vector<1x1x16xf32>,
        %swap3A_1004 = vector.shape_cast %swap3A_1003 : vector<1x1x16xf32> to vector<16xf32>
        %swap3A_1005 = vector.shape_cast %add3A_998 : vector<16xf32> to vector<1x1x16xf32>
        tpu.vector_store %arg8[%swap3A_1000, %swap3A_1001, %swap3A_1002], %swap3A_1005 {strides = array<i32>} : memref<10x128x64xf32, #tpu.memory_space<vmem>>, vector<1x1x16xf32>,
        %get3A_1006 = arith.constant 7 : i32
        %get3A_1007 = arith.index_cast %get3A_1006 : i32 to index
        %get3A_1008 = arith.index_cast %scan3A_971 : i32 to index
        %get3A_1009 = arith.constant 32 : index
        %get3A_1010 = tpu.vector_load %arg8[%get3A_1007, %get3A_1008, %get3A_1009] {strides = array<i32>} : memref<10x128x64xf32, #tpu.memory_space<vmem>>, vector<1x1x16xf32>,
        %get3A_1011 = vector.shape_cast %get3A_1010 : vector<1x1x16xf32> to vector<16xf32>
        %mul3A_1012 = arith.constant 8.000000e+00 : f32
        %mul3A_1013 = vector.broadcast %mul3A_1012 : f32 to vector<16xf32>
        %mul3A_1014 = arith.mulf %get3A_1011, %mul3A_1013 : vector<16xf32>
        %add3A_1015 = arith.addf %mul3A_1014, %get3A_684 : vector<16xf32>
        %swap3A_1016 = arith.constant 7 : i32
        %swap3A_1017 = arith.index_cast %swap3A_1016 : i32 to index
        %swap3A_1018 = arith.index_cast %scan3A_971 : i32 to index
        %swap3A_1019 = arith.constant 32 : index
        %swap3A_1020 = tpu.vector_load %arg8[%swap3A_1017, %swap3A_1018, %swap3A_1019] {strides = array<i32>} : memref<10x128x64xf32, #tpu.memory_space<vmem>>, vector<1x1x16xf32>,
        %swap3A_1021 = vector.shape_cast %swap3A_1020 : vector<1x1x16xf32> to vector<16xf32>
        %swap3A_1022 = vector.shape_cast %add3A_1015 : vector<16xf32> to vector<1x1x16xf32>
        tpu.vector_store %arg8[%swap3A_1017, %swap3A_1018, %swap3A_1019], %swap3A_1022 {strides = array<i32>} : memref<10x128x64xf32, #tpu.memory_space<vmem>>, vector<1x1x16xf32>,
        %get3A_1023 = arith.constant 7 : i32
        %get3A_1024 = arith.index_cast %get3A_1023 : i32 to index
        %get3A_1025 = arith.index_cast %scan3A_971 : i32 to index
        %get3A_1026 = arith.constant 48 : index
        %get3A_1027 = tpu.vector_load %arg8[%get3A_1024, %get3A_1025, %get3A_1026] {strides = array<i32>} : memref<10x128x64xf32, #tpu.memory_space<vmem>>, vector<1x1x16xf32>,
        %get3A_1028 = vector.shape_cast %get3A_1027 : vector<1x1x16xf32> to vector<16xf32>
        %mul3A_1029 = arith.constant 8.000000e+00 : f32
        %mul3A_1030 = vector.broadcast %mul3A_1029 : f32 to vector<16xf32>
        %mul3A_1031 = arith.mulf %get3A_1028, %mul3A_1030 : vector<16xf32>
        %add3A_1032 = arith.addf %mul3A_1031, %get3A_688 : vector<16xf32>
        %swap3A_1033 = arith.constant 7 : i32
        %swap3A_1034 = arith.index_cast %swap3A_1033 : i32 to index
        %swap3A_1035 = arith.index_cast %scan3A_971 : i32 to index
        %swap3A_1036 = arith.constant 48 : index
        %swap3A_1037 = tpu.vector_load %arg8[%swap3A_1034, %swap3A_1035, %swap3A_1036] {strides = array<i32>} : memref<10x128x64xf32, #tpu.memory_space<vmem>>, vector<1x1x16xf32>,
        %swap3A_1038 = vector.shape_cast %swap3A_1037 : vector<1x1x16xf32> to vector<16xf32>
        %swap3A_1039 = vector.shape_cast %add3A_1032 : vector<16xf32> to vector<1x1x16xf32>
        tpu.vector_store %arg8[%swap3A_1034, %swap3A_1035, %swap3A_1036], %swap3A_1039 {strides = array<i32>} : memref<10x128x64xf32, #tpu.memory_space<vmem>>, vector<1x1x16xf32>,
        %scan3A_1040 = arith.constant 3 : i32
        %scan3A_1041 = arith.addi %scan3A_832, %scan3A_1040 : i32
        %get3A_1042 = arith.constant 7 : i32
        %get3A_1043 = arith.index_cast %get3A_1042 : i32 to index
        %get3A_1044 = arith.index_cast %scan3A_1041 : i32 to index
        %get3A_1045 = arith.constant 0 : index
        %get3A_1046 = tpu.vector_load %arg8[%get3A_1043, %get3A_1044, %get3A_1045] {strides = array<i32>} : memref<10x128x64xf32, #tpu.memory_space<vmem>>, vector<1x1x16xf32>,
        %get3A_1047 = vector.shape_cast %get3A_1046 : vector<1x1x16xf32> to vector<16xf32>
        %mul3A_1048 = arith.constant 8.000000e+00 : f32
        %mul3A_1049 = vector.broadcast %mul3A_1048 : f32 to vector<16xf32>
        %mul3A_1050 = arith.mulf %get3A_1047, %mul3A_1049 : vector<16xf32>
        %add3A_1051 = arith.addf %mul3A_1050, %get3A_676 : vector<16xf32>
        %swap3A_1052 = arith.constant 7 : i32
        %swap3A_1053 = arith.index_cast %swap3A_1052 : i32 to index
        %swap3A_1054 = arith.index_cast %scan3A_1041 : i32 to index
        %swap3A_1055 = arith.constant 0 : index
        %swap3A_1056 = tpu.vector_load %arg8[%swap3A_1053, %swap3A_1054, %swap3A_1055] {strides = array<i32>} : memref<10x128x64xf32, #tpu.memory_space<vmem>>, vector<1x1x16xf32>,
        %swap3A_1057 = vector.shape_cast %swap3A_1056 : vector<1x1x16xf32> to vector<16xf32>
        %swap3A_1058 = vector.shape_cast %add3A_1051 : vector<16xf32> to vector<1x1x16xf32>
        tpu.vector_store %arg8[%swap3A_1053, %swap3A_1054, %swap3A_1055], %swap3A_1058 {strides = array<i32>} : memref<10x128x64xf32, #tpu.memory_space<vmem>>, vector<1x1x16xf32>,
        %get3A_1059 = arith.constant 7 : i32
        %get3A_1060 = arith.index_cast %get3A_1059 : i32 to index
        %get3A_1061 = arith.index_cast %scan3A_1041 : i32 to index
        %get3A_1062 = arith.constant 16 : index
        %get3A_1063 = tpu.vector_load %arg8[%get3A_1060, %get3A_1061, %get3A_1062] {strides = array<i32>} : memref<10x128x64xf32, #tpu.memory_space<vmem>>, vector<1x1x16xf32>,
        %get3A_1064 = vector.shape_cast %get3A_1063 : vector<1x1x16xf32> to vector<16xf32>
        %mul3A_1065 = arith.constant 8.000000e+00 : f32
        %mul3A_1066 = vector.broadcast %mul3A_1065 : f32 to vector<16xf32>
        %mul3A_1067 = arith.mulf %get3A_1064, %mul3A_1066 : vector<16xf32>
        %add3A_1068 = arith.addf %mul3A_1067, %get3A_680 : vector<16xf32>
        %swap3A_1069 = arith.constant 7 : i32
        %swap3A_1070 = arith.index_cast %swap3A_1069 : i32 to index
        %swap3A_1071 = arith.index_cast %scan3A_1041 : i32 to index
        %swap3A_1072 = arith.constant 16 : index
        %swap3A_1073 = tpu.vector_load %arg8[%swap3A_1070, %swap3A_1071, %swap3A_1072] {strides = array<i32>} : memref<10x128x64xf32, #tpu.memory_space<vmem>>, vector<1x1x16xf32>,
        %swap3A_1074 = vector.shape_cast %swap3A_1073 : vector<1x1x16xf32> to vector<16xf32>
        %swap3A_1075 = vector.shape_cast %add3A_1068 : vector<16xf32> to vector<1x1x16xf32>
        tpu.vector_store %arg8[%swap3A_1070, %swap3A_1071, %swap3A_1072], %swap3A_1075 {strides = array<i32>} : memref<10x128x64xf32, #tpu.memory_space<vmem>>, vector<1x1x16xf32>,
        %get3A_1076 = arith.constant 7 : i32
        %get3A_1077 = arith.index_cast %get3A_1076 : i32 to index
        %get3A_1078 = arith.index_cast %scan3A_1041 : i32 to index
        %get3A_1079 = arith.constant 32 : index
        %get3A_1080 = tpu.vector_load %arg8[%get3A_1077, %get3A_1078, %get3A_1079] {strides = array<i32>} : memref<10x128x64xf32, #tpu.memory_space<vmem>>, vector<1x1x16xf32>,
        %get3A_1081 = vector.shape_cast %get3A_1080 : vector<1x1x16xf32> to vector<16xf32>
        %mul3A_1082 = arith.constant 8.000000e+00 : f32
        %mul3A_1083 = vector.broadcast %mul3A_1082 : f32 to vector<16xf32>
        %mul3A_1084 = arith.mulf %get3A_1081, %mul3A_1083 : vector<16xf32>
        %add3A_1085 = arith.addf %mul3A_1084, %get3A_684 : vector<16xf32>
        %swap3A_1086 = arith.constant 7 : i32
        %swap3A_1087 = arith.index_cast %swap3A_1086 : i32 to index
        %swap3A_1088 = arith.index_cast %scan3A_1041 : i32 to index
        %swap3A_1089 = arith.constant 32 : index
        %swap3A_1090 = tpu.vector_load %arg8[%swap3A_1087, %swap3A_1088, %swap3A_1089] {strides = array<i32>} : memref<10x128x64xf32, #tpu.memory_space<vmem>>, vector<1x1x16xf32>,
        %swap3A_1091 = vector.shape_cast %swap3A_1090 : vector<1x1x16xf32> to vector<16xf32>
        %swap3A_1092 = vector.shape_cast %add3A_1085 : vector<16xf32> to vector<1x1x16xf32>
        tpu.vector_store %arg8[%swap3A_1087, %swap3A_1088, %swap3A_1089], %swap3A_1092 {strides = array<i32>} : memref<10x128x64xf32, #tpu.memory_space<vmem>>, vector<1x1x16xf32>,
        %get3A_1093 = arith.constant 7 : i32
        %get3A_1094 = arith.index_cast %get3A_1093 : i32 to index
        %get3A_1095 = arith.index_cast %scan3A_1041 : i32 to index
        %get3A_1096 = arith.constant 48 : index
        %get3A_1097 = tpu.vector_load %arg8[%get3A_1094, %get3A_1095, %get3A_1096] {strides = array<i32>} : memref<10x128x64xf32, #tpu.memory_space<vmem>>, vector<1x1x16xf32>,
        %get3A_1098 = vector.shape_cast %get3A_1097 : vector<1x1x16xf32> to vector<16xf32>
        %mul3A_1099 = arith.constant 8.000000e+00 : f32
        %mul3A_1100 = vector.broadcast %mul3A_1099 : f32 to vector<16xf32>
        %mul3A_1101 = arith.mulf %get3A_1098, %mul3A_1100 : vector<16xf32>
        %add3A_1102 = arith.addf %mul3A_1101, %get3A_688 : vector<16xf32>
        %swap3A_1103 = arith.constant 7 : i32
        %swap3A_1104 = arith.index_cast %swap3A_1103 : i32 to index
        %swap3A_1105 = arith.index_cast %scan3A_1041 : i32 to index
        %swap3A_1106 = arith.constant 48 : index
        %swap3A_1107 = tpu.vector_load %arg8[%swap3A_1104, %swap3A_1105, %swap3A_1106] {strides = array<i32>} : memref<10x128x64xf32, #tpu.memory_space<vmem>>, vector<1x1x16xf32>,
        %swap3A_1108 = vector.shape_cast %swap3A_1107 : vector<1x1x16xf32> to vector<16xf32>
        %swap3A_1109 = vector.shape_cast %add3A_1102 : vector<16xf32> to vector<1x1x16xf32>
        tpu.vector_store %arg8[%swap3A_1104, %swap3A_1105, %swap3A_1106], %swap3A_1109 {strides = array<i32>} : memref<10x128x64xf32, #tpu.memory_space<vmem>>, vector<1x1x16xf32>,
      }
      %scan3A_694 = arith.constant 128 : i32
      %dma_start3A_695 = arith.constant 7 : i32
      %dma_start3A_696 = arith.constant 0 : i32
      %dma_start3A_697 = arith.constant 0 : i32
      %dma_start3A_698 = tpu.memref_slice %arg8[%dma_start3A_695, %dma_start3A_696, %dma_start3A_697] : memref<10x128x64xf32, #tpu.memory_space<vmem>> -> memref<1x128x64xf32, #tpu.memory_space<vmem>>
      %dma_start3A_699 = tpu.memref_squeeze %dma_start3A_698 : memref<1x128x64xf32, #tpu.memory_space<vmem>> -> memref<128x64xf32, #tpu.memory_space<vmem>>
      %dma_start3A_700 = arith.constant 0 : i32
      %dma_start3A_701 = tpu.memref_slice %arg5[%mul3A_2, %add3A_652, %dma_start3A_700] : memref<4096x200x64xf32, #tpu.memory_space<hbm>> -> memref<128x1x64xf32, #tpu.memory_space<hbm>>
      %dma_start3A_702 = tpu.memref_squeeze %dma_start3A_701 : memref<128x1x64xf32, #tpu.memory_space<hbm>> -> memref<128x64xf32, #tpu.memory_space<hbm>>
      %dma_start3A_703 = arith.constant 0 : i32
      %dma_start3A_704 = tpu.memref_slice %arg5[%mul3A_2, %add3A_652, %dma_start3A_703] : memref<4096x200x64xf32, #tpu.memory_space<hbm>> -> memref<128x1x64xf32, #tpu.memory_space<hbm>>
      %dma_start3A_705 = tpu.memref_squeeze %dma_start3A_704 : memref<128x1x64xf32, #tpu.memory_space<hbm>> -> memref<128x64xf32, #tpu.memory_space<hbm>>
      %dma_start3A_706 = arith.constant 0 : i32
      %dma_start3A_707 = arith.constant 0 : i32
      %dma_start3A_708 = tpu.memref_slice %arg8[%dma_start3A_695, %dma_start3A_706, %dma_start3A_707] : memref<10x128x64xf32, #tpu.memory_space<vmem>> -> memref<1x128x64xf32, #tpu.memory_space<vmem>>
      %dma_start3A_709 = tpu.memref_squeeze %dma_start3A_708 : memref<1x128x64xf32, #tpu.memory_space<vmem>> -> memref<128x64xf32, #tpu.memory_space<vmem>>
      tpu.enqueue_dma source(%dma_start3A_709 : memref<128x64xf32, #tpu.memory_space<vmem>>) target(%dma_start3A_705 : memref<128x64xf32, #tpu.memory_space<hbm>>) target_semaphore(%arg26 : memref<!tpu.dma_semaphore, #tpu.memory_space<semaphore_mem>>)
      %mul3A_710 = arith.constant 10 : i32
      %mul3A_711 = arith.muli %scan3A_226, %mul3A_710 : i32
      %add3A_712 = arith.constant 8 : i32
      %add3A_713 = arith.addi %mul3A_711, %add3A_712 : i32
      %add3A_714 = arith.constant 5 : i32
      %add3A_715 = arith.addi %add3A_713, %add3A_714 : i32
      %sub3A_716 = arith.constant 10 : i32
      %sub3A_717 = arith.subi %add3A_715, %sub3A_716 : i32
      %lt3A_718 = arith.constant 200 : i32
      %lt3A_719 = arith.cmpi slt, %add3A_715, %lt3A_718 : i32
      %convert_element_type3A_720 = arith.extui %lt3A_719 : i1 to i32
      %cond3A_721 = arith.constant 0 : i32
      %cond3A_722 = arith.cmpi ne, %convert_element_type3A_720, %cond3A_721 : i32
      scf.if %cond3A_722 {
        %ge3A = arith.constant 0 : i32
        %ge3A_832 = arith.cmpi sge, %sub3A_717, %ge3A : i32
        %convert_element_type3A_833 = arith.extui %ge3A_832 : i1 to i32
        %cond3A_834 = arith.constant 0 : i32
        %cond3A_835 = arith.cmpi ne, %convert_element_type3A_833, %cond3A_834 : i32
        scf.if %cond3A_835 {
          %dma_wait3A_847 = arith.constant 3 : i32
          %dma_wait3A_848 = arith.constant 0 : i32
          %dma_wait3A_849 = arith.constant 0 : i32
          %dma_wait3A_850 = tpu.memref_slice %arg8[%dma_wait3A_847, %dma_wait3A_848, %dma_wait3A_849] : memref<10x128x64xf32, #tpu.memory_space<vmem>> -> memref<1x128x64xf32, #tpu.memory_space<vmem>>
          %dma_wait3A_851 = tpu.memref_squeeze %dma_wait3A_850 : memref<1x128x64xf32, #tpu.memory_space<vmem>> -> memref<128x64xf32, #tpu.memory_space<vmem>>
          %dma_wait3A_852 = arith.constant 0 : i32
          %dma_wait3A_853 = tpu.memref_slice %arg5[%mul3A_2, %sub3A_717, %dma_wait3A_852] : memref<4096x200x64xf32, #tpu.memory_space<hbm>> -> memref<128x1x64xf32, #tpu.memory_space<hbm>>
          %dma_wait3A_854 = tpu.memref_squeeze %dma_wait3A_853 : memref<128x1x64xf32, #tpu.memory_space<hbm>> -> memref<128x64xf32, #tpu.memory_space<hbm>>
          %dma_wait3A_855 = arith.constant 0 : i32
          %dma_wait3A_856 = tpu.memref_slice %arg5[%mul3A_2, %sub3A_717, %dma_wait3A_855] : memref<4096x200x64xf32, #tpu.memory_space<hbm>> -> memref<128x1x64xf32, #tpu.memory_space<hbm>>
          %dma_wait3A_857 = tpu.memref_squeeze %dma_wait3A_856 : memref<128x1x64xf32, #tpu.memory_space<hbm>> -> memref<128x64xf32, #tpu.memory_space<hbm>>
          %dma_wait3A_858 = arith.constant 0 : i32
          %dma_wait3A_859 = arith.constant 0 : i32
          %dma_wait3A_860 = tpu.memref_slice %arg8[%dma_wait3A_847, %dma_wait3A_858, %dma_wait3A_859] : memref<10x128x64xf32, #tpu.memory_space<vmem>> -> memref<1x128x64xf32, #tpu.memory_space<vmem>>
          %dma_wait3A_861 = tpu.memref_squeeze %dma_wait3A_860 : memref<1x128x64xf32, #tpu.memory_space<vmem>> -> memref<128x64xf32, #tpu.memory_space<vmem>>
          tpu.wait_dma2 semaphore(%arg22 : memref<!tpu.dma_semaphore, #tpu.memory_space<semaphore_mem>>) src(%dma_wait3A_861 : memref<128x64xf32, #tpu.memory_space<vmem>>) dst(%dma_wait3A_857 : memref<128x64xf32, #tpu.memory_space<hbm>>)
        } else {
        }
        %dma_start3A_836 = arith.constant 3 : i32
        %dma_start3A_837 = arith.constant 0 : i32
        %dma_start3A_838 = arith.constant 0 : i32
        %dma_start3A_839 = tpu.memref_slice %arg8[%dma_start3A_836, %dma_start3A_837, %dma_start3A_838] : memref<10x128x64xf32, #tpu.memory_space<vmem>> -> memref<1x128x64xf32, #tpu.memory_space<vmem>>
        %dma_start3A_840 = tpu.memref_squeeze %dma_start3A_839 : memref<1x128x64xf32, #tpu.memory_space<vmem>> -> memref<128x64xf32, #tpu.memory_space<vmem>>
        %dma_start3A_841 = arith.constant 0 : i32
        %dma_start3A_842 = tpu.memref_slice %arg6[%add3A_715, %dma_start3A_841] : memref<200x128xi32, #tpu.memory_space<vmem>> -> memref<1x128xi32, #tpu.memory_space<vmem>>
        %dma_start3A_843 = tpu.memref_squeeze %dma_start3A_842 : memref<1x128xi32, #tpu.memory_space<vmem>> -> memref<128xi32, #tpu.memory_space<vmem>>
        %dma_start3A_844 = arith.constant 0 : i32
        %dma_start3A_845 = arith.constant 0 : i32
        %dma_start3A_846 = tpu.memref_slice %arg3[%dma_start3A_844, %dma_start3A_845] : memref<1000000x64xf32, #tpu.memory_space<hbm>> -> memref<1000000x64xf32, #tpu.memory_space<hbm>>
        tpu.enqueue_indirect_dma source(%dma_start3A_846 : memref<1000000x64xf32, #tpu.memory_space<hbm>>) target(%dma_start3A_840 : memref<128x64xf32, #tpu.memory_space<vmem>>) offsets(%dma_start3A_843 : memref<128xi32, #tpu.memory_space<vmem>>) semaphore(%arg12 : memref<!tpu.dma_semaphore, #tpu.memory_space<semaphore_mem>>)
      } else {
      }
      %dma_wait3A_723 = arith.constant 8 : i32
      %dma_wait3A_724 = arith.constant 0 : i32
      %dma_wait3A_725 = arith.constant 0 : i32
      %dma_wait3A_726 = tpu.memref_slice %arg8[%dma_wait3A_723, %dma_wait3A_724, %dma_wait3A_725] : memref<10x128x64xf32, #tpu.memory_space<vmem>> -> memref<1x128x64xf32, #tpu.memory_space<vmem>>
      %dma_wait3A_727 = tpu.memref_squeeze %dma_wait3A_726 : memref<1x128x64xf32, #tpu.memory_space<vmem>> -> memref<128x64xf32, #tpu.memory_space<vmem>>
      %dma_wait3A_728 = arith.constant 0 : i32
      %dma_wait3A_729 = tpu.memref_slice %arg6[%add3A_713, %dma_wait3A_728] : memref<200x128xi32, #tpu.memory_space<vmem>> -> memref<1x128xi32, #tpu.memory_space<vmem>>
      %dma_wait3A_730 = tpu.memref_squeeze %dma_wait3A_729 : memref<1x128xi32, #tpu.memory_space<vmem>> -> memref<128xi32, #tpu.memory_space<vmem>>
      %dma_wait3A_731 = arith.constant 0 : i32
      %dma_wait3A_732 = arith.constant 0 : i32
      %dma_wait3A_733 = tpu.memref_slice %arg3[%dma_wait3A_731, %dma_wait3A_732] : memref<1000000x64xf32, #tpu.memory_space<hbm>> -> memref<1000000x64xf32, #tpu.memory_space<hbm>>
      tpu.wait_indirect_dma semaphore(%arg17 : memref<!tpu.dma_semaphore, #tpu.memory_space<semaphore_mem>>) src(%dma_wait3A_733 : memref<1000000x64xf32, #tpu.memory_space<hbm>>) dst(%dma_wait3A_727 : memref<128x64xf32, #tpu.memory_space<vmem>>)
      %get3A_734 = arith.index_cast %add3A_713 : i32 to index
      %get3A_735 = arith.constant 0 : index
      %get3A_736 = tpu.vector_load %arg7[%get3A_734, %get3A_735] {strides = array<i32>} : memref<200x64xf32, #tpu.memory_space<vmem>>, vector<1x16xf32>,
      %get3A_737 = vector.shape_cast %get3A_736 : vector<1x16xf32> to vector<16xf32>
      %get3A_738 = arith.index_cast %add3A_713 : i32 to index
      %get3A_739 = arith.constant 16 : index
      %get3A_740 = tpu.vector_load %arg7[%get3A_738, %get3A_739] {strides = array<i32>} : memref<200x64xf32, #tpu.memory_space<vmem>>, vector<1x16xf32>,
      %get3A_741 = vector.shape_cast %get3A_740 : vector<1x16xf32> to vector<16xf32>
      %get3A_742 = arith.index_cast %add3A_713 : i32 to index
      %get3A_743 = arith.constant 32 : index
      %get3A_744 = tpu.vector_load %arg7[%get3A_742, %get3A_743] {strides = array<i32>} : memref<200x64xf32, #tpu.memory_space<vmem>>, vector<1x16xf32>,
      %get3A_745 = vector.shape_cast %get3A_744 : vector<1x16xf32> to vector<16xf32>
      %get3A_746 = arith.index_cast %add3A_713 : i32 to index
      %get3A_747 = arith.constant 48 : index
      %get3A_748 = tpu.vector_load %arg7[%get3A_746, %get3A_747] {strides = array<i32>} : memref<200x64xf32, #tpu.memory_space<vmem>>, vector<1x16xf32>,
      %get3A_749 = vector.shape_cast %get3A_748 : vector<1x16xf32> to vector<16xf32>
      %scan3A_750 = arith.constant 0 : i32
      %scan3A_751 = arith.constant 0 : i32
      %scan3A_752 = arith.constant 128 : i32
      %scan3A_753 = arith.addi %scan3A_751, %scan3A_752 : i32
      %scan3A_754 = arith.constant 4 : i32
      scf.for %scan3A_832 = %scan3A_751 to %scan3A_753 step %scan3A_754  : i32 {
        %get3A_833 = arith.constant 8 : i32
        %get3A_834 = arith.index_cast %get3A_833 : i32 to index
        %get3A_835 = arith.index_cast %scan3A_832 : i32 to index
        %get3A_836 = arith.constant 0 : index
        %get3A_837 = tpu.vector_load %arg8[%get3A_834, %get3A_835, %get3A_836] {strides = array<i32>} : memref<10x128x64xf32, #tpu.memory_space<vmem>>, vector<1x1x16xf32>,
        %get3A_838 = vector.shape_cast %get3A_837 : vector<1x1x16xf32> to vector<16xf32>
        %mul3A_839 = arith.constant 8.000000e+00 : f32
        %mul3A_840 = vector.broadcast %mul3A_839 : f32 to vector<16xf32>
        %mul3A_841 = arith.mulf %get3A_838, %mul3A_840 : vector<16xf32>
        %add3A_842 = arith.addf %mul3A_841, %get3A_737 : vector<16xf32>
        %swap3A = arith.constant 8 : i32
        %swap3A_843 = arith.index_cast %swap3A : i32 to index
        %swap3A_844 = arith.index_cast %scan3A_832 : i32 to index
        %swap3A_845 = arith.constant 0 : index
        %swap3A_846 = tpu.vector_load %arg8[%swap3A_843, %swap3A_844, %swap3A_845] {strides = array<i32>} : memref<10x128x64xf32, #tpu.memory_space<vmem>>, vector<1x1x16xf32>,
        %swap3A_847 = vector.shape_cast %swap3A_846 : vector<1x1x16xf32> to vector<16xf32>
        %swap3A_848 = vector.shape_cast %add3A_842 : vector<16xf32> to vector<1x1x16xf32>
        tpu.vector_store %arg8[%swap3A_843, %swap3A_844, %swap3A_845], %swap3A_848 {strides = array<i32>} : memref<10x128x64xf32, #tpu.memory_space<vmem>>, vector<1x1x16xf32>,
        %get3A_849 = arith.constant 8 : i32
        %get3A_850 = arith.index_cast %get3A_849 : i32 to index
        %get3A_851 = arith.index_cast %scan3A_832 : i32 to index
        %get3A_852 = arith.constant 16 : index
        %get3A_853 = tpu.vector_load %arg8[%get3A_850, %get3A_851, %get3A_852] {strides = array<i32>} : memref<10x128x64xf32, #tpu.memory_space<vmem>>, vector<1x1x16xf32>,
        %get3A_854 = vector.shape_cast %get3A_853 : vector<1x1x16xf32> to vector<16xf32>
        %mul3A_855 = arith.constant 8.000000e+00 : f32
        %mul3A_856 = vector.broadcast %mul3A_855 : f32 to vector<16xf32>
        %mul3A_857 = arith.mulf %get3A_854, %mul3A_856 : vector<16xf32>
        %add3A_858 = arith.addf %mul3A_857, %get3A_741 : vector<16xf32>
        %swap3A_859 = arith.constant 8 : i32
        %swap3A_860 = arith.index_cast %swap3A_859 : i32 to index
        %swap3A_861 = arith.index_cast %scan3A_832 : i32 to index
        %swap3A_862 = arith.constant 16 : index
        %swap3A_863 = tpu.vector_load %arg8[%swap3A_860, %swap3A_861, %swap3A_862] {strides = array<i32>} : memref<10x128x64xf32, #tpu.memory_space<vmem>>, vector<1x1x16xf32>,
        %swap3A_864 = vector.shape_cast %swap3A_863 : vector<1x1x16xf32> to vector<16xf32>
        %swap3A_865 = vector.shape_cast %add3A_858 : vector<16xf32> to vector<1x1x16xf32>
        tpu.vector_store %arg8[%swap3A_860, %swap3A_861, %swap3A_862], %swap3A_865 {strides = array<i32>} : memref<10x128x64xf32, #tpu.memory_space<vmem>>, vector<1x1x16xf32>,
        %get3A_866 = arith.constant 8 : i32
        %get3A_867 = arith.index_cast %get3A_866 : i32 to index
        %get3A_868 = arith.index_cast %scan3A_832 : i32 to index
        %get3A_869 = arith.constant 32 : index
        %get3A_870 = tpu.vector_load %arg8[%get3A_867, %get3A_868, %get3A_869] {strides = array<i32>} : memref<10x128x64xf32, #tpu.memory_space<vmem>>, vector<1x1x16xf32>,
        %get3A_871 = vector.shape_cast %get3A_870 : vector<1x1x16xf32> to vector<16xf32>
        %mul3A_872 = arith.constant 8.000000e+00 : f32
        %mul3A_873 = vector.broadcast %mul3A_872 : f32 to vector<16xf32>
        %mul3A_874 = arith.mulf %get3A_871, %mul3A_873 : vector<16xf32>
        %add3A_875 = arith.addf %mul3A_874, %get3A_745 : vector<16xf32>
        %swap3A_876 = arith.constant 8 : i32
        %swap3A_877 = arith.index_cast %swap3A_876 : i32 to index
        %swap3A_878 = arith.index_cast %scan3A_832 : i32 to index
        %swap3A_879 = arith.constant 32 : index
        %swap3A_880 = tpu.vector_load %arg8[%swap3A_877, %swap3A_878, %swap3A_879] {strides = array<i32>} : memref<10x128x64xf32, #tpu.memory_space<vmem>>, vector<1x1x16xf32>,
        %swap3A_881 = vector.shape_cast %swap3A_880 : vector<1x1x16xf32> to vector<16xf32>
        %swap3A_882 = vector.shape_cast %add3A_875 : vector<16xf32> to vector<1x1x16xf32>
        tpu.vector_store %arg8[%swap3A_877, %swap3A_878, %swap3A_879], %swap3A_882 {strides = array<i32>} : memref<10x128x64xf32, #tpu.memory_space<vmem>>, vector<1x1x16xf32>,
        %get3A_883 = arith.constant 8 : i32
        %get3A_884 = arith.index_cast %get3A_883 : i32 to index
        %get3A_885 = arith.index_cast %scan3A_832 : i32 to index
        %get3A_886 = arith.constant 48 : index
        %get3A_887 = tpu.vector_load %arg8[%get3A_884, %get3A_885, %get3A_886] {strides = array<i32>} : memref<10x128x64xf32, #tpu.memory_space<vmem>>, vector<1x1x16xf32>,
        %get3A_888 = vector.shape_cast %get3A_887 : vector<1x1x16xf32> to vector<16xf32>
        %mul3A_889 = arith.constant 8.000000e+00 : f32
        %mul3A_890 = vector.broadcast %mul3A_889 : f32 to vector<16xf32>
        %mul3A_891 = arith.mulf %get3A_888, %mul3A_890 : vector<16xf32>
        %add3A_892 = arith.addf %mul3A_891, %get3A_749 : vector<16xf32>
        %swap3A_893 = arith.constant 8 : i32
        %swap3A_894 = arith.index_cast %swap3A_893 : i32 to index
        %swap3A_895 = arith.index_cast %scan3A_832 : i32 to index
        %swap3A_896 = arith.constant 48 : index
        %swap3A_897 = tpu.vector_load %arg8[%swap3A_894, %swap3A_895, %swap3A_896] {strides = array<i32>} : memref<10x128x64xf32, #tpu.memory_space<vmem>>, vector<1x1x16xf32>,
        %swap3A_898 = vector.shape_cast %swap3A_897 : vector<1x1x16xf32> to vector<16xf32>
        %swap3A_899 = vector.shape_cast %add3A_892 : vector<16xf32> to vector<1x1x16xf32>
        tpu.vector_store %arg8[%swap3A_894, %swap3A_895, %swap3A_896], %swap3A_899 {strides = array<i32>} : memref<10x128x64xf32, #tpu.memory_space<vmem>>, vector<1x1x16xf32>,
        %scan3A_900 = arith.constant 1 : i32
        %scan3A_901 = arith.addi %scan3A_832, %scan3A_900 : i32
        %get3A_902 = arith.constant 8 : i32
        %get3A_903 = arith.index_cast %get3A_902 : i32 to index
        %get3A_904 = arith.index_cast %scan3A_901 : i32 to index
        %get3A_905 = arith.constant 0 : index
        %get3A_906 = tpu.vector_load %arg8[%get3A_903, %get3A_904, %get3A_905] {strides = array<i32>} : memref<10x128x64xf32, #tpu.memory_space<vmem>>, vector<1x1x16xf32>,
        %get3A_907 = vector.shape_cast %get3A_906 : vector<1x1x16xf32> to vector<16xf32>
        %mul3A_908 = arith.constant 8.000000e+00 : f32
        %mul3A_909 = vector.broadcast %mul3A_908 : f32 to vector<16xf32>
        %mul3A_910 = arith.mulf %get3A_907, %mul3A_909 : vector<16xf32>
        %add3A_911 = arith.addf %mul3A_910, %get3A_737 : vector<16xf32>
        %swap3A_912 = arith.constant 8 : i32
        %swap3A_913 = arith.index_cast %swap3A_912 : i32 to index
        %swap3A_914 = arith.index_cast %scan3A_901 : i32 to index
        %swap3A_915 = arith.constant 0 : index
        %swap3A_916 = tpu.vector_load %arg8[%swap3A_913, %swap3A_914, %swap3A_915] {strides = array<i32>} : memref<10x128x64xf32, #tpu.memory_space<vmem>>, vector<1x1x16xf32>,
        %swap3A_917 = vector.shape_cast %swap3A_916 : vector<1x1x16xf32> to vector<16xf32>
        %swap3A_918 = vector.shape_cast %add3A_911 : vector<16xf32> to vector<1x1x16xf32>
        tpu.vector_store %arg8[%swap3A_913, %swap3A_914, %swap3A_915], %swap3A_918 {strides = array<i32>} : memref<10x128x64xf32, #tpu.memory_space<vmem>>, vector<1x1x16xf32>,
        %get3A_919 = arith.constant 8 : i32
        %get3A_920 = arith.index_cast %get3A_919 : i32 to index
        %get3A_921 = arith.index_cast %scan3A_901 : i32 to index
        %get3A_922 = arith.constant 16 : index
        %get3A_923 = tpu.vector_load %arg8[%get3A_920, %get3A_921, %get3A_922] {strides = array<i32>} : memref<10x128x64xf32, #tpu.memory_space<vmem>>, vector<1x1x16xf32>,
        %get3A_924 = vector.shape_cast %get3A_923 : vector<1x1x16xf32> to vector<16xf32>
        %mul3A_925 = arith.constant 8.000000e+00 : f32
        %mul3A_926 = vector.broadcast %mul3A_925 : f32 to vector<16xf32>
        %mul3A_927 = arith.mulf %get3A_924, %mul3A_926 : vector<16xf32>
        %add3A_928 = arith.addf %mul3A_927, %get3A_741 : vector<16xf32>
        %swap3A_929 = arith.constant 8 : i32
        %swap3A_930 = arith.index_cast %swap3A_929 : i32 to index
        %swap3A_931 = arith.index_cast %scan3A_901 : i32 to index
        %swap3A_932 = arith.constant 16 : index
        %swap3A_933 = tpu.vector_load %arg8[%swap3A_930, %swap3A_931, %swap3A_932] {strides = array<i32>} : memref<10x128x64xf32, #tpu.memory_space<vmem>>, vector<1x1x16xf32>,
        %swap3A_934 = vector.shape_cast %swap3A_933 : vector<1x1x16xf32> to vector<16xf32>
        %swap3A_935 = vector.shape_cast %add3A_928 : vector<16xf32> to vector<1x1x16xf32>
        tpu.vector_store %arg8[%swap3A_930, %swap3A_931, %swap3A_932], %swap3A_935 {strides = array<i32>} : memref<10x128x64xf32, #tpu.memory_space<vmem>>, vector<1x1x16xf32>,
        %get3A_936 = arith.constant 8 : i32
        %get3A_937 = arith.index_cast %get3A_936 : i32 to index
        %get3A_938 = arith.index_cast %scan3A_901 : i32 to index
        %get3A_939 = arith.constant 32 : index
        %get3A_940 = tpu.vector_load %arg8[%get3A_937, %get3A_938, %get3A_939] {strides = array<i32>} : memref<10x128x64xf32, #tpu.memory_space<vmem>>, vector<1x1x16xf32>,
        %get3A_941 = vector.shape_cast %get3A_940 : vector<1x1x16xf32> to vector<16xf32>
        %mul3A_942 = arith.constant 8.000000e+00 : f32
        %mul3A_943 = vector.broadcast %mul3A_942 : f32 to vector<16xf32>
        %mul3A_944 = arith.mulf %get3A_941, %mul3A_943 : vector<16xf32>
        %add3A_945 = arith.addf %mul3A_944, %get3A_745 : vector<16xf32>
        %swap3A_946 = arith.constant 8 : i32
        %swap3A_947 = arith.index_cast %swap3A_946 : i32 to index
        %swap3A_948 = arith.index_cast %scan3A_901 : i32 to index
        %swap3A_949 = arith.constant 32 : index
        %swap3A_950 = tpu.vector_load %arg8[%swap3A_947, %swap3A_948, %swap3A_949] {strides = array<i32>} : memref<10x128x64xf32, #tpu.memory_space<vmem>>, vector<1x1x16xf32>,
        %swap3A_951 = vector.shape_cast %swap3A_950 : vector<1x1x16xf32> to vector<16xf32>
        %swap3A_952 = vector.shape_cast %add3A_945 : vector<16xf32> to vector<1x1x16xf32>
        tpu.vector_store %arg8[%swap3A_947, %swap3A_948, %swap3A_949], %swap3A_952 {strides = array<i32>} : memref<10x128x64xf32, #tpu.memory_space<vmem>>, vector<1x1x16xf32>,
        %get3A_953 = arith.constant 8 : i32
        %get3A_954 = arith.index_cast %get3A_953 : i32 to index
        %get3A_955 = arith.index_cast %scan3A_901 : i32 to index
        %get3A_956 = arith.constant 48 : index
        %get3A_957 = tpu.vector_load %arg8[%get3A_954, %get3A_955, %get3A_956] {strides = array<i32>} : memref<10x128x64xf32, #tpu.memory_space<vmem>>, vector<1x1x16xf32>,
        %get3A_958 = vector.shape_cast %get3A_957 : vector<1x1x16xf32> to vector<16xf32>
        %mul3A_959 = arith.constant 8.000000e+00 : f32
        %mul3A_960 = vector.broadcast %mul3A_959 : f32 to vector<16xf32>
        %mul3A_961 = arith.mulf %get3A_958, %mul3A_960 : vector<16xf32>
        %add3A_962 = arith.addf %mul3A_961, %get3A_749 : vector<16xf32>
        %swap3A_963 = arith.constant 8 : i32
        %swap3A_964 = arith.index_cast %swap3A_963 : i32 to index
        %swap3A_965 = arith.index_cast %scan3A_901 : i32 to index
        %swap3A_966 = arith.constant 48 : index
        %swap3A_967 = tpu.vector_load %arg8[%swap3A_964, %swap3A_965, %swap3A_966] {strides = array<i32>} : memref<10x128x64xf32, #tpu.memory_space<vmem>>, vector<1x1x16xf32>,
        %swap3A_968 = vector.shape_cast %swap3A_967 : vector<1x1x16xf32> to vector<16xf32>
        %swap3A_969 = vector.shape_cast %add3A_962 : vector<16xf32> to vector<1x1x16xf32>
        tpu.vector_store %arg8[%swap3A_964, %swap3A_965, %swap3A_966], %swap3A_969 {strides = array<i32>} : memref<10x128x64xf32, #tpu.memory_space<vmem>>, vector<1x1x16xf32>,
        %scan3A_970 = arith.constant 2 : i32
        %scan3A_971 = arith.addi %scan3A_832, %scan3A_970 : i32
        %get3A_972 = arith.constant 8 : i32
        %get3A_973 = arith.index_cast %get3A_972 : i32 to index
        %get3A_974 = arith.index_cast %scan3A_971 : i32 to index
        %get3A_975 = arith.constant 0 : index
        %get3A_976 = tpu.vector_load %arg8[%get3A_973, %get3A_974, %get3A_975] {strides = array<i32>} : memref<10x128x64xf32, #tpu.memory_space<vmem>>, vector<1x1x16xf32>,
        %get3A_977 = vector.shape_cast %get3A_976 : vector<1x1x16xf32> to vector<16xf32>
        %mul3A_978 = arith.constant 8.000000e+00 : f32
        %mul3A_979 = vector.broadcast %mul3A_978 : f32 to vector<16xf32>
        %mul3A_980 = arith.mulf %get3A_977, %mul3A_979 : vector<16xf32>
        %add3A_981 = arith.addf %mul3A_980, %get3A_737 : vector<16xf32>
        %swap3A_982 = arith.constant 8 : i32
        %swap3A_983 = arith.index_cast %swap3A_982 : i32 to index
        %swap3A_984 = arith.index_cast %scan3A_971 : i32 to index
        %swap3A_985 = arith.constant 0 : index
        %swap3A_986 = tpu.vector_load %arg8[%swap3A_983, %swap3A_984, %swap3A_985] {strides = array<i32>} : memref<10x128x64xf32, #tpu.memory_space<vmem>>, vector<1x1x16xf32>,
        %swap3A_987 = vector.shape_cast %swap3A_986 : vector<1x1x16xf32> to vector<16xf32>
        %swap3A_988 = vector.shape_cast %add3A_981 : vector<16xf32> to vector<1x1x16xf32>
        tpu.vector_store %arg8[%swap3A_983, %swap3A_984, %swap3A_985], %swap3A_988 {strides = array<i32>} : memref<10x128x64xf32, #tpu.memory_space<vmem>>, vector<1x1x16xf32>,
        %get3A_989 = arith.constant 8 : i32
        %get3A_990 = arith.index_cast %get3A_989 : i32 to index
        %get3A_991 = arith.index_cast %scan3A_971 : i32 to index
        %get3A_992 = arith.constant 16 : index
        %get3A_993 = tpu.vector_load %arg8[%get3A_990, %get3A_991, %get3A_992] {strides = array<i32>} : memref<10x128x64xf32, #tpu.memory_space<vmem>>, vector<1x1x16xf32>,
        %get3A_994 = vector.shape_cast %get3A_993 : vector<1x1x16xf32> to vector<16xf32>
        %mul3A_995 = arith.constant 8.000000e+00 : f32
        %mul3A_996 = vector.broadcast %mul3A_995 : f32 to vector<16xf32>
        %mul3A_997 = arith.mulf %get3A_994, %mul3A_996 : vector<16xf32>
        %add3A_998 = arith.addf %mul3A_997, %get3A_741 : vector<16xf32>
        %swap3A_999 = arith.constant 8 : i32
        %swap3A_1000 = arith.index_cast %swap3A_999 : i32 to index
        %swap3A_1001 = arith.index_cast %scan3A_971 : i32 to index
        %swap3A_1002 = arith.constant 16 : index
        %swap3A_1003 = tpu.vector_load %arg8[%swap3A_1000, %swap3A_1001, %swap3A_1002] {strides = array<i32>} : memref<10x128x64xf32, #tpu.memory_space<vmem>>, vector<1x1x16xf32>,
        %swap3A_1004 = vector.shape_cast %swap3A_1003 : vector<1x1x16xf32> to vector<16xf32>
        %swap3A_1005 = vector.shape_cast %add3A_998 : vector<16xf32> to vector<1x1x16xf32>
        tpu.vector_store %arg8[%swap3A_1000, %swap3A_1001, %swap3A_1002], %swap3A_1005 {strides = array<i32>} : memref<10x128x64xf32, #tpu.memory_space<vmem>>, vector<1x1x16xf32>,
        %get3A_1006 = arith.constant 8 : i32
        %get3A_1007 = arith.index_cast %get3A_1006 : i32 to index
        %get3A_1008 = arith.index_cast %scan3A_971 : i32 to index
        %get3A_1009 = arith.constant 32 : index
        %get3A_1010 = tpu.vector_load %arg8[%get3A_1007, %get3A_1008, %get3A_1009] {strides = array<i32>} : memref<10x128x64xf32, #tpu.memory_space<vmem>>, vector<1x1x16xf32>,
        %get3A_1011 = vector.shape_cast %get3A_1010 : vector<1x1x16xf32> to vector<16xf32>
        %mul3A_1012 = arith.constant 8.000000e+00 : f32
        %mul3A_1013 = vector.broadcast %mul3A_1012 : f32 to vector<16xf32>
        %mul3A_1014 = arith.mulf %get3A_1011, %mul3A_1013 : vector<16xf32>
        %add3A_1015 = arith.addf %mul3A_1014, %get3A_745 : vector<16xf32>
        %swap3A_1016 = arith.constant 8 : i32
        %swap3A_1017 = arith.index_cast %swap3A_1016 : i32 to index
        %swap3A_1018 = arith.index_cast %scan3A_971 : i32 to index
        %swap3A_1019 = arith.constant 32 : index
        %swap3A_1020 = tpu.vector_load %arg8[%swap3A_1017, %swap3A_1018, %swap3A_1019] {strides = array<i32>} : memref<10x128x64xf32, #tpu.memory_space<vmem>>, vector<1x1x16xf32>,
        %swap3A_1021 = vector.shape_cast %swap3A_1020 : vector<1x1x16xf32> to vector<16xf32>
        %swap3A_1022 = vector.shape_cast %add3A_1015 : vector<16xf32> to vector<1x1x16xf32>
        tpu.vector_store %arg8[%swap3A_1017, %swap3A_1018, %swap3A_1019], %swap3A_1022 {strides = array<i32>} : memref<10x128x64xf32, #tpu.memory_space<vmem>>, vector<1x1x16xf32>,
        %get3A_1023 = arith.constant 8 : i32
        %get3A_1024 = arith.index_cast %get3A_1023 : i32 to index
        %get3A_1025 = arith.index_cast %scan3A_971 : i32 to index
        %get3A_1026 = arith.constant 48 : index
        %get3A_1027 = tpu.vector_load %arg8[%get3A_1024, %get3A_1025, %get3A_1026] {strides = array<i32>} : memref<10x128x64xf32, #tpu.memory_space<vmem>>, vector<1x1x16xf32>,
        %get3A_1028 = vector.shape_cast %get3A_1027 : vector<1x1x16xf32> to vector<16xf32>
        %mul3A_1029 = arith.constant 8.000000e+00 : f32
        %mul3A_1030 = vector.broadcast %mul3A_1029 : f32 to vector<16xf32>
        %mul3A_1031 = arith.mulf %get3A_1028, %mul3A_1030 : vector<16xf32>
        %add3A_1032 = arith.addf %mul3A_1031, %get3A_749 : vector<16xf32>
        %swap3A_1033 = arith.constant 8 : i32
        %swap3A_1034 = arith.index_cast %swap3A_1033 : i32 to index
        %swap3A_1035 = arith.index_cast %scan3A_971 : i32 to index
        %swap3A_1036 = arith.constant 48 : index
        %swap3A_1037 = tpu.vector_load %arg8[%swap3A_1034, %swap3A_1035, %swap3A_1036] {strides = array<i32>} : memref<10x128x64xf32, #tpu.memory_space<vmem>>, vector<1x1x16xf32>,
        %swap3A_1038 = vector.shape_cast %swap3A_1037 : vector<1x1x16xf32> to vector<16xf32>
        %swap3A_1039 = vector.shape_cast %add3A_1032 : vector<16xf32> to vector<1x1x16xf32>
        tpu.vector_store %arg8[%swap3A_1034, %swap3A_1035, %swap3A_1036], %swap3A_1039 {strides = array<i32>} : memref<10x128x64xf32, #tpu.memory_space<vmem>>, vector<1x1x16xf32>,
        %scan3A_1040 = arith.constant 3 : i32
        %scan3A_1041 = arith.addi %scan3A_832, %scan3A_1040 : i32
        %get3A_1042 = arith.constant 8 : i32
        %get3A_1043 = arith.index_cast %get3A_1042 : i32 to index
        %get3A_1044 = arith.index_cast %scan3A_1041 : i32 to index
        %get3A_1045 = arith.constant 0 : index
        %get3A_1046 = tpu.vector_load %arg8[%get3A_1043, %get3A_1044, %get3A_1045] {strides = array<i32>} : memref<10x128x64xf32, #tpu.memory_space<vmem>>, vector<1x1x16xf32>,
        %get3A_1047 = vector.shape_cast %get3A_1046 : vector<1x1x16xf32> to vector<16xf32>
        %mul3A_1048 = arith.constant 8.000000e+00 : f32
        %mul3A_1049 = vector.broadcast %mul3A_1048 : f32 to vector<16xf32>
        %mul3A_1050 = arith.mulf %get3A_1047, %mul3A_1049 : vector<16xf32>
        %add3A_1051 = arith.addf %mul3A_1050, %get3A_737 : vector<16xf32>
        %swap3A_1052 = arith.constant 8 : i32
        %swap3A_1053 = arith.index_cast %swap3A_1052 : i32 to index
        %swap3A_1054 = arith.index_cast %scan3A_1041 : i32 to index
        %swap3A_1055 = arith.constant 0 : index
        %swap3A_1056 = tpu.vector_load %arg8[%swap3A_1053, %swap3A_1054, %swap3A_1055] {strides = array<i32>} : memref<10x128x64xf32, #tpu.memory_space<vmem>>, vector<1x1x16xf32>,
        %swap3A_1057 = vector.shape_cast %swap3A_1056 : vector<1x1x16xf32> to vector<16xf32>
        %swap3A_1058 = vector.shape_cast %add3A_1051 : vector<16xf32> to vector<1x1x16xf32>
        tpu.vector_store %arg8[%swap3A_1053, %swap3A_1054, %swap3A_1055], %swap3A_1058 {strides = array<i32>} : memref<10x128x64xf32, #tpu.memory_space<vmem>>, vector<1x1x16xf32>,
        %get3A_1059 = arith.constant 8 : i32
        %get3A_1060 = arith.index_cast %get3A_1059 : i32 to index
        %get3A_1061 = arith.index_cast %scan3A_1041 : i32 to index
        %get3A_1062 = arith.constant 16 : index
        %get3A_1063 = tpu.vector_load %arg8[%get3A_1060, %get3A_1061, %get3A_1062] {strides = array<i32>} : memref<10x128x64xf32, #tpu.memory_space<vmem>>, vector<1x1x16xf32>,
        %get3A_1064 = vector.shape_cast %get3A_1063 : vector<1x1x16xf32> to vector<16xf32>
        %mul3A_1065 = arith.constant 8.000000e+00 : f32
        %mul3A_1066 = vector.broadcast %mul3A_1065 : f32 to vector<16xf32>
        %mul3A_1067 = arith.mulf %get3A_1064, %mul3A_1066 : vector<16xf32>
        %add3A_1068 = arith.addf %mul3A_1067, %get3A_741 : vector<16xf32>
        %swap3A_1069 = arith.constant 8 : i32
        %swap3A_1070 = arith.index_cast %swap3A_1069 : i32 to index
        %swap3A_1071 = arith.index_cast %scan3A_1041 : i32 to index
        %swap3A_1072 = arith.constant 16 : index
        %swap3A_1073 = tpu.vector_load %arg8[%swap3A_1070, %swap3A_1071, %swap3A_1072] {strides = array<i32>} : memref<10x128x64xf32, #tpu.memory_space<vmem>>, vector<1x1x16xf32>,
        %swap3A_1074 = vector.shape_cast %swap3A_1073 : vector<1x1x16xf32> to vector<16xf32>
        %swap3A_1075 = vector.shape_cast %add3A_1068 : vector<16xf32> to vector<1x1x16xf32>
        tpu.vector_store %arg8[%swap3A_1070, %swap3A_1071, %swap3A_1072], %swap3A_1075 {strides = array<i32>} : memref<10x128x64xf32, #tpu.memory_space<vmem>>, vector<1x1x16xf32>,
        %get3A_1076 = arith.constant 8 : i32
        %get3A_1077 = arith.index_cast %get3A_1076 : i32 to index
        %get3A_1078 = arith.index_cast %scan3A_1041 : i32 to index
        %get3A_1079 = arith.constant 32 : index
        %get3A_1080 = tpu.vector_load %arg8[%get3A_1077, %get3A_1078, %get3A_1079] {strides = array<i32>} : memref<10x128x64xf32, #tpu.memory_space<vmem>>, vector<1x1x16xf32>,
        %get3A_1081 = vector.shape_cast %get3A_1080 : vector<1x1x16xf32> to vector<16xf32>
        %mul3A_1082 = arith.constant 8.000000e+00 : f32
        %mul3A_1083 = vector.broadcast %mul3A_1082 : f32 to vector<16xf32>
        %mul3A_1084 = arith.mulf %get3A_1081, %mul3A_1083 : vector<16xf32>
        %add3A_1085 = arith.addf %mul3A_1084, %get3A_745 : vector<16xf32>
        %swap3A_1086 = arith.constant 8 : i32
        %swap3A_1087 = arith.index_cast %swap3A_1086 : i32 to index
        %swap3A_1088 = arith.index_cast %scan3A_1041 : i32 to index
        %swap3A_1089 = arith.constant 32 : index
        %swap3A_1090 = tpu.vector_load %arg8[%swap3A_1087, %swap3A_1088, %swap3A_1089] {strides = array<i32>} : memref<10x128x64xf32, #tpu.memory_space<vmem>>, vector<1x1x16xf32>,
        %swap3A_1091 = vector.shape_cast %swap3A_1090 : vector<1x1x16xf32> to vector<16xf32>
        %swap3A_1092 = vector.shape_cast %add3A_1085 : vector<16xf32> to vector<1x1x16xf32>
        tpu.vector_store %arg8[%swap3A_1087, %swap3A_1088, %swap3A_1089], %swap3A_1092 {strides = array<i32>} : memref<10x128x64xf32, #tpu.memory_space<vmem>>, vector<1x1x16xf32>,
        %get3A_1093 = arith.constant 8 : i32
        %get3A_1094 = arith.index_cast %get3A_1093 : i32 to index
        %get3A_1095 = arith.index_cast %scan3A_1041 : i32 to index
        %get3A_1096 = arith.constant 48 : index
        %get3A_1097 = tpu.vector_load %arg8[%get3A_1094, %get3A_1095, %get3A_1096] {strides = array<i32>} : memref<10x128x64xf32, #tpu.memory_space<vmem>>, vector<1x1x16xf32>,
        %get3A_1098 = vector.shape_cast %get3A_1097 : vector<1x1x16xf32> to vector<16xf32>
        %mul3A_1099 = arith.constant 8.000000e+00 : f32
        %mul3A_1100 = vector.broadcast %mul3A_1099 : f32 to vector<16xf32>
        %mul3A_1101 = arith.mulf %get3A_1098, %mul3A_1100 : vector<16xf32>
        %add3A_1102 = arith.addf %mul3A_1101, %get3A_749 : vector<16xf32>
        %swap3A_1103 = arith.constant 8 : i32
        %swap3A_1104 = arith.index_cast %swap3A_1103 : i32 to index
        %swap3A_1105 = arith.index_cast %scan3A_1041 : i32 to index
        %swap3A_1106 = arith.constant 48 : index
        %swap3A_1107 = tpu.vector_load %arg8[%swap3A_1104, %swap3A_1105, %swap3A_1106] {strides = array<i32>} : memref<10x128x64xf32, #tpu.memory_space<vmem>>, vector<1x1x16xf32>,
        %swap3A_1108 = vector.shape_cast %swap3A_1107 : vector<1x1x16xf32> to vector<16xf32>
        %swap3A_1109 = vector.shape_cast %add3A_1102 : vector<16xf32> to vector<1x1x16xf32>
        tpu.vector_store %arg8[%swap3A_1104, %swap3A_1105, %swap3A_1106], %swap3A_1109 {strides = array<i32>} : memref<10x128x64xf32, #tpu.memory_space<vmem>>, vector<1x1x16xf32>,
      }
      %scan3A_755 = arith.constant 128 : i32
      %dma_start3A_756 = arith.constant 8 : i32
      %dma_start3A_757 = arith.constant 0 : i32
      %dma_start3A_758 = arith.constant 0 : i32
      %dma_start3A_759 = tpu.memref_slice %arg8[%dma_start3A_756, %dma_start3A_757, %dma_start3A_758] : memref<10x128x64xf32, #tpu.memory_space<vmem>> -> memref<1x128x64xf32, #tpu.memory_space<vmem>>
      %dma_start3A_760 = tpu.memref_squeeze %dma_start3A_759 : memref<1x128x64xf32, #tpu.memory_space<vmem>> -> memref<128x64xf32, #tpu.memory_space<vmem>>
      %dma_start3A_761 = arith.constant 0 : i32
      %dma_start3A_762 = tpu.memref_slice %arg5[%mul3A_2, %add3A_713, %dma_start3A_761] : memref<4096x200x64xf32, #tpu.memory_space<hbm>> -> memref<128x1x64xf32, #tpu.memory_space<hbm>>
      %dma_start3A_763 = tpu.memref_squeeze %dma_start3A_762 : memref<128x1x64xf32, #tpu.memory_space<hbm>> -> memref<128x64xf32, #tpu.memory_space<hbm>>
      %dma_start3A_764 = arith.constant 0 : i32
      %dma_start3A_765 = tpu.memref_slice %arg5[%mul3A_2, %add3A_713, %dma_start3A_764] : memref<4096x200x64xf32, #tpu.memory_space<hbm>> -> memref<128x1x64xf32, #tpu.memory_space<hbm>>
      %dma_start3A_766 = tpu.memref_squeeze %dma_start3A_765 : memref<128x1x64xf32, #tpu.memory_space<hbm>> -> memref<128x64xf32, #tpu.memory_space<hbm>>
      %dma_start3A_767 = arith.constant 0 : i32
      %dma_start3A_768 = arith.constant 0 : i32
      %dma_start3A_769 = tpu.memref_slice %arg8[%dma_start3A_756, %dma_start3A_767, %dma_start3A_768] : memref<10x128x64xf32, #tpu.memory_space<vmem>> -> memref<1x128x64xf32, #tpu.memory_space<vmem>>
      %dma_start3A_770 = tpu.memref_squeeze %dma_start3A_769 : memref<1x128x64xf32, #tpu.memory_space<vmem>> -> memref<128x64xf32, #tpu.memory_space<vmem>>
      tpu.enqueue_dma source(%dma_start3A_770 : memref<128x64xf32, #tpu.memory_space<vmem>>) target(%dma_start3A_766 : memref<128x64xf32, #tpu.memory_space<hbm>>) target_semaphore(%arg27 : memref<!tpu.dma_semaphore, #tpu.memory_space<semaphore_mem>>)
      %mul3A_771 = arith.constant 10 : i32
      %mul3A_772 = arith.muli %scan3A_226, %mul3A_771 : i32
      %add3A_773 = arith.constant 9 : i32
      %add3A_774 = arith.addi %mul3A_772, %add3A_773 : i32
      %add3A_775 = arith.constant 5 : i32
      %add3A_776 = arith.addi %add3A_774, %add3A_775 : i32
      %sub3A_777 = arith.constant 10 : i32
      %sub3A_778 = arith.subi %add3A_776, %sub3A_777 : i32
      %lt3A_779 = arith.constant 200 : i32
      %lt3A_780 = arith.cmpi slt, %add3A_776, %lt3A_779 : i32
      %convert_element_type3A_781 = arith.extui %lt3A_780 : i1 to i32
      %cond3A_782 = arith.constant 0 : i32
      %cond3A_783 = arith.cmpi ne, %convert_element_type3A_781, %cond3A_782 : i32
      scf.if %cond3A_783 {
        %ge3A = arith.constant 0 : i32
        %ge3A_832 = arith.cmpi sge, %sub3A_778, %ge3A : i32
        %convert_element_type3A_833 = arith.extui %ge3A_832 : i1 to i32
        %cond3A_834 = arith.constant 0 : i32
        %cond3A_835 = arith.cmpi ne, %convert_element_type3A_833, %cond3A_834 : i32
        scf.if %cond3A_835 {
          %dma_wait3A_847 = arith.constant 4 : i32
          %dma_wait3A_848 = arith.constant 0 : i32
          %dma_wait3A_849 = arith.constant 0 : i32
          %dma_wait3A_850 = tpu.memref_slice %arg8[%dma_wait3A_847, %dma_wait3A_848, %dma_wait3A_849] : memref<10x128x64xf32, #tpu.memory_space<vmem>> -> memref<1x128x64xf32, #tpu.memory_space<vmem>>
          %dma_wait3A_851 = tpu.memref_squeeze %dma_wait3A_850 : memref<1x128x64xf32, #tpu.memory_space<vmem>> -> memref<128x64xf32, #tpu.memory_space<vmem>>
          %dma_wait3A_852 = arith.constant 0 : i32
          %dma_wait3A_853 = tpu.memref_slice %arg5[%mul3A_2, %sub3A_778, %dma_wait3A_852] : memref<4096x200x64xf32, #tpu.memory_space<hbm>> -> memref<128x1x64xf32, #tpu.memory_space<hbm>>
          %dma_wait3A_854 = tpu.memref_squeeze %dma_wait3A_853 : memref<128x1x64xf32, #tpu.memory_space<hbm>> -> memref<128x64xf32, #tpu.memory_space<hbm>>
          %dma_wait3A_855 = arith.constant 0 : i32
          %dma_wait3A_856 = tpu.memref_slice %arg5[%mul3A_2, %sub3A_778, %dma_wait3A_855] : memref<4096x200x64xf32, #tpu.memory_space<hbm>> -> memref<128x1x64xf32, #tpu.memory_space<hbm>>
          %dma_wait3A_857 = tpu.memref_squeeze %dma_wait3A_856 : memref<128x1x64xf32, #tpu.memory_space<hbm>> -> memref<128x64xf32, #tpu.memory_space<hbm>>
          %dma_wait3A_858 = arith.constant 0 : i32
          %dma_wait3A_859 = arith.constant 0 : i32
          %dma_wait3A_860 = tpu.memref_slice %arg8[%dma_wait3A_847, %dma_wait3A_858, %dma_wait3A_859] : memref<10x128x64xf32, #tpu.memory_space<vmem>> -> memref<1x128x64xf32, #tpu.memory_space<vmem>>
          %dma_wait3A_861 = tpu.memref_squeeze %dma_wait3A_860 : memref<1x128x64xf32, #tpu.memory_space<vmem>> -> memref<128x64xf32, #tpu.memory_space<vmem>>
          tpu.wait_dma2 semaphore(%arg23 : memref<!tpu.dma_semaphore, #tpu.memory_space<semaphore_mem>>) src(%dma_wait3A_861 : memref<128x64xf32, #tpu.memory_space<vmem>>) dst(%dma_wait3A_857 : memref<128x64xf32, #tpu.memory_space<hbm>>)
        } else {
        }
        %dma_start3A_836 = arith.constant 4 : i32
        %dma_start3A_837 = arith.constant 0 : i32
        %dma_start3A_838 = arith.constant 0 : i32
        %dma_start3A_839 = tpu.memref_slice %arg8[%dma_start3A_836, %dma_start3A_837, %dma_start3A_838] : memref<10x128x64xf32, #tpu.memory_space<vmem>> -> memref<1x128x64xf32, #tpu.memory_space<vmem>>
        %dma_start3A_840 = tpu.memref_squeeze %dma_start3A_839 : memref<1x128x64xf32, #tpu.memory_space<vmem>> -> memref<128x64xf32, #tpu.memory_space<vmem>>
        %dma_start3A_841 = arith.constant 0 : i32
        %dma_start3A_842 = tpu.memref_slice %arg6[%add3A_776, %dma_start3A_841] : memref<200x128xi32, #tpu.memory_space<vmem>> -> memref<1x128xi32, #tpu.memory_space<vmem>>
        %dma_start3A_843 = tpu.memref_squeeze %dma_start3A_842 : memref<1x128xi32, #tpu.memory_space<vmem>> -> memref<128xi32, #tpu.memory_space<vmem>>
        %dma_start3A_844 = arith.constant 0 : i32
        %dma_start3A_845 = arith.constant 0 : i32
        %dma_start3A_846 = tpu.memref_slice %arg3[%dma_start3A_844, %dma_start3A_845] : memref<1000000x64xf32, #tpu.memory_space<hbm>> -> memref<1000000x64xf32, #tpu.memory_space<hbm>>
        tpu.enqueue_indirect_dma source(%dma_start3A_846 : memref<1000000x64xf32, #tpu.memory_space<hbm>>) target(%dma_start3A_840 : memref<128x64xf32, #tpu.memory_space<vmem>>) offsets(%dma_start3A_843 : memref<128xi32, #tpu.memory_space<vmem>>) semaphore(%arg13 : memref<!tpu.dma_semaphore, #tpu.memory_space<semaphore_mem>>)
      } else {
      }
      %dma_wait3A_784 = arith.constant 9 : i32
      %dma_wait3A_785 = arith.constant 0 : i32
      %dma_wait3A_786 = arith.constant 0 : i32
      %dma_wait3A_787 = tpu.memref_slice %arg8[%dma_wait3A_784, %dma_wait3A_785, %dma_wait3A_786] : memref<10x128x64xf32, #tpu.memory_space<vmem>> -> memref<1x128x64xf32, #tpu.memory_space<vmem>>
      %dma_wait3A_788 = tpu.memref_squeeze %dma_wait3A_787 : memref<1x128x64xf32, #tpu.memory_space<vmem>> -> memref<128x64xf32, #tpu.memory_space<vmem>>
      %dma_wait3A_789 = arith.constant 0 : i32
      %dma_wait3A_790 = tpu.memref_slice %arg6[%add3A_774, %dma_wait3A_789] : memref<200x128xi32, #tpu.memory_space<vmem>> -> memref<1x128xi32, #tpu.memory_space<vmem>>
      %dma_wait3A_791 = tpu.memref_squeeze %dma_wait3A_790 : memref<1x128xi32, #tpu.memory_space<vmem>> -> memref<128xi32, #tpu.memory_space<vmem>>
      %dma_wait3A_792 = arith.constant 0 : i32
      %dma_wait3A_793 = arith.constant 0 : i32
      %dma_wait3A_794 = tpu.memref_slice %arg3[%dma_wait3A_792, %dma_wait3A_793] : memref<1000000x64xf32, #tpu.memory_space<hbm>> -> memref<1000000x64xf32, #tpu.memory_space<hbm>>
      tpu.wait_indirect_dma semaphore(%arg18 : memref<!tpu.dma_semaphore, #tpu.memory_space<semaphore_mem>>) src(%dma_wait3A_794 : memref<1000000x64xf32, #tpu.memory_space<hbm>>) dst(%dma_wait3A_788 : memref<128x64xf32, #tpu.memory_space<vmem>>)
      %get3A_795 = arith.index_cast %add3A_774 : i32 to index
      %get3A_796 = arith.constant 0 : index
      %get3A_797 = tpu.vector_load %arg7[%get3A_795, %get3A_796] {strides = array<i32>} : memref<200x64xf32, #tpu.memory_space<vmem>>, vector<1x16xf32>,
      %get3A_798 = vector.shape_cast %get3A_797 : vector<1x16xf32> to vector<16xf32>
      %get3A_799 = arith.index_cast %add3A_774 : i32 to index
      %get3A_800 = arith.constant 16 : index
      %get3A_801 = tpu.vector_load %arg7[%get3A_799, %get3A_800] {strides = array<i32>} : memref<200x64xf32, #tpu.memory_space<vmem>>, vector<1x16xf32>,
      %get3A_802 = vector.shape_cast %get3A_801 : vector<1x16xf32> to vector<16xf32>
      %get3A_803 = arith.index_cast %add3A_774 : i32 to index
      %get3A_804 = arith.constant 32 : index
      %get3A_805 = tpu.vector_load %arg7[%get3A_803, %get3A_804] {strides = array<i32>} : memref<200x64xf32, #tpu.memory_space<vmem>>, vector<1x16xf32>,
      %get3A_806 = vector.shape_cast %get3A_805 : vector<1x16xf32> to vector<16xf32>
      %get3A_807 = arith.index_cast %add3A_774 : i32 to index
      %get3A_808 = arith.constant 48 : index
      %get3A_809 = tpu.vector_load %arg7[%get3A_807, %get3A_808] {strides = array<i32>} : memref<200x64xf32, #tpu.memory_space<vmem>>, vector<1x16xf32>,
      %get3A_810 = vector.shape_cast %get3A_809 : vector<1x16xf32> to vector<16xf32>
      %scan3A_811 = arith.constant 0 : i32
      %scan3A_812 = arith.constant 0 : i32
      %scan3A_813 = arith.constant 128 : i32
      %scan3A_814 = arith.addi %scan3A_812, %scan3A_813 : i32
      %scan3A_815 = arith.constant 4 : i32
      scf.for %scan3A_832 = %scan3A_812 to %scan3A_814 step %scan3A_815  : i32 {
        %get3A_833 = arith.constant 9 : i32
        %get3A_834 = arith.index_cast %get3A_833 : i32 to index
        %get3A_835 = arith.index_cast %scan3A_832 : i32 to index
        %get3A_836 = arith.constant 0 : index
        %get3A_837 = tpu.vector_load %arg8[%get3A_834, %get3A_835, %get3A_836] {strides = array<i32>} : memref<10x128x64xf32, #tpu.memory_space<vmem>>, vector<1x1x16xf32>,
        %get3A_838 = vector.shape_cast %get3A_837 : vector<1x1x16xf32> to vector<16xf32>
        %mul3A_839 = arith.constant 8.000000e+00 : f32
        %mul3A_840 = vector.broadcast %mul3A_839 : f32 to vector<16xf32>
        %mul3A_841 = arith.mulf %get3A_838, %mul3A_840 : vector<16xf32>
        %add3A_842 = arith.addf %mul3A_841, %get3A_798 : vector<16xf32>
        %swap3A = arith.constant 9 : i32
        %swap3A_843 = arith.index_cast %swap3A : i32 to index
        %swap3A_844 = arith.index_cast %scan3A_832 : i32 to index
        %swap3A_845 = arith.constant 0 : index
        %swap3A_846 = tpu.vector_load %arg8[%swap3A_843, %swap3A_844, %swap3A_845] {strides = array<i32>} : memref<10x128x64xf32, #tpu.memory_space<vmem>>, vector<1x1x16xf32>,
        %swap3A_847 = vector.shape_cast %swap3A_846 : vector<1x1x16xf32> to vector<16xf32>
        %swap3A_848 = vector.shape_cast %add3A_842 : vector<16xf32> to vector<1x1x16xf32>
        tpu.vector_store %arg8[%swap3A_843, %swap3A_844, %swap3A_845], %swap3A_848 {strides = array<i32>} : memref<10x128x64xf32, #tpu.memory_space<vmem>>, vector<1x1x16xf32>,
        %get3A_849 = arith.constant 9 : i32
        %get3A_850 = arith.index_cast %get3A_849 : i32 to index
        %get3A_851 = arith.index_cast %scan3A_832 : i32 to index
        %get3A_852 = arith.constant 16 : index
        %get3A_853 = tpu.vector_load %arg8[%get3A_850, %get3A_851, %get3A_852] {strides = array<i32>} : memref<10x128x64xf32, #tpu.memory_space<vmem>>, vector<1x1x16xf32>,
        %get3A_854 = vector.shape_cast %get3A_853 : vector<1x1x16xf32> to vector<16xf32>
        %mul3A_855 = arith.constant 8.000000e+00 : f32
        %mul3A_856 = vector.broadcast %mul3A_855 : f32 to vector<16xf32>
        %mul3A_857 = arith.mulf %get3A_854, %mul3A_856 : vector<16xf32>
        %add3A_858 = arith.addf %mul3A_857, %get3A_802 : vector<16xf32>
        %swap3A_859 = arith.constant 9 : i32
        %swap3A_860 = arith.index_cast %swap3A_859 : i32 to index
        %swap3A_861 = arith.index_cast %scan3A_832 : i32 to index
        %swap3A_862 = arith.constant 16 : index
        %swap3A_863 = tpu.vector_load %arg8[%swap3A_860, %swap3A_861, %swap3A_862] {strides = array<i32>} : memref<10x128x64xf32, #tpu.memory_space<vmem>>, vector<1x1x16xf32>,
        %swap3A_864 = vector.shape_cast %swap3A_863 : vector<1x1x16xf32> to vector<16xf32>
        %swap3A_865 = vector.shape_cast %add3A_858 : vector<16xf32> to vector<1x1x16xf32>
        tpu.vector_store %arg8[%swap3A_860, %swap3A_861, %swap3A_862], %swap3A_865 {strides = array<i32>} : memref<10x128x64xf32, #tpu.memory_space<vmem>>, vector<1x1x16xf32>,
        %get3A_866 = arith.constant 9 : i32
        %get3A_867 = arith.index_cast %get3A_866 : i32 to index
        %get3A_868 = arith.index_cast %scan3A_832 : i32 to index
        %get3A_869 = arith.constant 32 : index
        %get3A_870 = tpu.vector_load %arg8[%get3A_867, %get3A_868, %get3A_869] {strides = array<i32>} : memref<10x128x64xf32, #tpu.memory_space<vmem>>, vector<1x1x16xf32>,
        %get3A_871 = vector.shape_cast %get3A_870 : vector<1x1x16xf32> to vector<16xf32>
        %mul3A_872 = arith.constant 8.000000e+00 : f32
        %mul3A_873 = vector.broadcast %mul3A_872 : f32 to vector<16xf32>
        %mul3A_874 = arith.mulf %get3A_871, %mul3A_873 : vector<16xf32>
        %add3A_875 = arith.addf %mul3A_874, %get3A_806 : vector<16xf32>
        %swap3A_876 = arith.constant 9 : i32
        %swap3A_877 = arith.index_cast %swap3A_876 : i32 to index
        %swap3A_878 = arith.index_cast %scan3A_832 : i32 to index
        %swap3A_879 = arith.constant 32 : index
        %swap3A_880 = tpu.vector_load %arg8[%swap3A_877, %swap3A_878, %swap3A_879] {strides = array<i32>} : memref<10x128x64xf32, #tpu.memory_space<vmem>>, vector<1x1x16xf32>,
        %swap3A_881 = vector.shape_cast %swap3A_880 : vector<1x1x16xf32> to vector<16xf32>
        %swap3A_882 = vector.shape_cast %add3A_875 : vector<16xf32> to vector<1x1x16xf32>
        tpu.vector_store %arg8[%swap3A_877, %swap3A_878, %swap3A_879], %swap3A_882 {strides = array<i32>} : memref<10x128x64xf32, #tpu.memory_space<vmem>>, vector<1x1x16xf32>,
        %get3A_883 = arith.constant 9 : i32
        %get3A_884 = arith.index_cast %get3A_883 : i32 to index
        %get3A_885 = arith.index_cast %scan3A_832 : i32 to index
        %get3A_886 = arith.constant 48 : index
        %get3A_887 = tpu.vector_load %arg8[%get3A_884, %get3A_885, %get3A_886] {strides = array<i32>} : memref<10x128x64xf32, #tpu.memory_space<vmem>>, vector<1x1x16xf32>,
        %get3A_888 = vector.shape_cast %get3A_887 : vector<1x1x16xf32> to vector<16xf32>
        %mul3A_889 = arith.constant 8.000000e+00 : f32
        %mul3A_890 = vector.broadcast %mul3A_889 : f32 to vector<16xf32>
        %mul3A_891 = arith.mulf %get3A_888, %mul3A_890 : vector<16xf32>
        %add3A_892 = arith.addf %mul3A_891, %get3A_810 : vector<16xf32>
        %swap3A_893 = arith.constant 9 : i32
        %swap3A_894 = arith.index_cast %swap3A_893 : i32 to index
        %swap3A_895 = arith.index_cast %scan3A_832 : i32 to index
        %swap3A_896 = arith.constant 48 : index
        %swap3A_897 = tpu.vector_load %arg8[%swap3A_894, %swap3A_895, %swap3A_896] {strides = array<i32>} : memref<10x128x64xf32, #tpu.memory_space<vmem>>, vector<1x1x16xf32>,
        %swap3A_898 = vector.shape_cast %swap3A_897 : vector<1x1x16xf32> to vector<16xf32>
        %swap3A_899 = vector.shape_cast %add3A_892 : vector<16xf32> to vector<1x1x16xf32>
        tpu.vector_store %arg8[%swap3A_894, %swap3A_895, %swap3A_896], %swap3A_899 {strides = array<i32>} : memref<10x128x64xf32, #tpu.memory_space<vmem>>, vector<1x1x16xf32>,
        %scan3A_900 = arith.constant 1 : i32
        %scan3A_901 = arith.addi %scan3A_832, %scan3A_900 : i32
        %get3A_902 = arith.constant 9 : i32
        %get3A_903 = arith.index_cast %get3A_902 : i32 to index
        %get3A_904 = arith.index_cast %scan3A_901 : i32 to index
        %get3A_905 = arith.constant 0 : index
        %get3A_906 = tpu.vector_load %arg8[%get3A_903, %get3A_904, %get3A_905] {strides = array<i32>} : memref<10x128x64xf32, #tpu.memory_space<vmem>>, vector<1x1x16xf32>,
        %get3A_907 = vector.shape_cast %get3A_906 : vector<1x1x16xf32> to vector<16xf32>
        %mul3A_908 = arith.constant 8.000000e+00 : f32
        %mul3A_909 = vector.broadcast %mul3A_908 : f32 to vector<16xf32>
        %mul3A_910 = arith.mulf %get3A_907, %mul3A_909 : vector<16xf32>
        %add3A_911 = arith.addf %mul3A_910, %get3A_798 : vector<16xf32>
        %swap3A_912 = arith.constant 9 : i32
        %swap3A_913 = arith.index_cast %swap3A_912 : i32 to index
        %swap3A_914 = arith.index_cast %scan3A_901 : i32 to index
        %swap3A_915 = arith.constant 0 : index
        %swap3A_916 = tpu.vector_load %arg8[%swap3A_913, %swap3A_914, %swap3A_915] {strides = array<i32>} : memref<10x128x64xf32, #tpu.memory_space<vmem>>, vector<1x1x16xf32>,
        %swap3A_917 = vector.shape_cast %swap3A_916 : vector<1x1x16xf32> to vector<16xf32>
        %swap3A_918 = vector.shape_cast %add3A_911 : vector<16xf32> to vector<1x1x16xf32>
        tpu.vector_store %arg8[%swap3A_913, %swap3A_914, %swap3A_915], %swap3A_918 {strides = array<i32>} : memref<10x128x64xf32, #tpu.memory_space<vmem>>, vector<1x1x16xf32>,
        %get3A_919 = arith.constant 9 : i32
        %get3A_920 = arith.index_cast %get3A_919 : i32 to index
        %get3A_921 = arith.index_cast %scan3A_901 : i32 to index
        %get3A_922 = arith.constant 16 : index
        %get3A_923 = tpu.vector_load %arg8[%get3A_920, %get3A_921, %get3A_922] {strides = array<i32>} : memref<10x128x64xf32, #tpu.memory_space<vmem>>, vector<1x1x16xf32>,
        %get3A_924 = vector.shape_cast %get3A_923 : vector<1x1x16xf32> to vector<16xf32>
        %mul3A_925 = arith.constant 8.000000e+00 : f32
        %mul3A_926 = vector.broadcast %mul3A_925 : f32 to vector<16xf32>
        %mul3A_927 = arith.mulf %get3A_924, %mul3A_926 : vector<16xf32>
        %add3A_928 = arith.addf %mul3A_927, %get3A_802 : vector<16xf32>
        %swap3A_929 = arith.constant 9 : i32
        %swap3A_930 = arith.index_cast %swap3A_929 : i32 to index
        %swap3A_931 = arith.index_cast %scan3A_901 : i32 to index
        %swap3A_932 = arith.constant 16 : index
        %swap3A_933 = tpu.vector_load %arg8[%swap3A_930, %swap3A_931, %swap3A_932] {strides = array<i32>} : memref<10x128x64xf32, #tpu.memory_space<vmem>>, vector<1x1x16xf32>,
        %swap3A_934 = vector.shape_cast %swap3A_933 : vector<1x1x16xf32> to vector<16xf32>
        %swap3A_935 = vector.shape_cast %add3A_928 : vector<16xf32> to vector<1x1x16xf32>
        tpu.vector_store %arg8[%swap3A_930, %swap3A_931, %swap3A_932], %swap3A_935 {strides = array<i32>} : memref<10x128x64xf32, #tpu.memory_space<vmem>>, vector<1x1x16xf32>,
        %get3A_936 = arith.constant 9 : i32
        %get3A_937 = arith.index_cast %get3A_936 : i32 to index
        %get3A_938 = arith.index_cast %scan3A_901 : i32 to index
        %get3A_939 = arith.constant 32 : index
        %get3A_940 = tpu.vector_load %arg8[%get3A_937, %get3A_938, %get3A_939] {strides = array<i32>} : memref<10x128x64xf32, #tpu.memory_space<vmem>>, vector<1x1x16xf32>,
        %get3A_941 = vector.shape_cast %get3A_940 : vector<1x1x16xf32> to vector<16xf32>
        %mul3A_942 = arith.constant 8.000000e+00 : f32
        %mul3A_943 = vector.broadcast %mul3A_942 : f32 to vector<16xf32>
        %mul3A_944 = arith.mulf %get3A_941, %mul3A_943 : vector<16xf32>
        %add3A_945 = arith.addf %mul3A_944, %get3A_806 : vector<16xf32>
        %swap3A_946 = arith.constant 9 : i32
        %swap3A_947 = arith.index_cast %swap3A_946 : i32 to index
        %swap3A_948 = arith.index_cast %scan3A_901 : i32 to index
        %swap3A_949 = arith.constant 32 : index
        %swap3A_950 = tpu.vector_load %arg8[%swap3A_947, %swap3A_948, %swap3A_949] {strides = array<i32>} : memref<10x128x64xf32, #tpu.memory_space<vmem>>, vector<1x1x16xf32>,
        %swap3A_951 = vector.shape_cast %swap3A_950 : vector<1x1x16xf32> to vector<16xf32>
        %swap3A_952 = vector.shape_cast %add3A_945 : vector<16xf32> to vector<1x1x16xf32>
        tpu.vector_store %arg8[%swap3A_947, %swap3A_948, %swap3A_949], %swap3A_952 {strides = array<i32>} : memref<10x128x64xf32, #tpu.memory_space<vmem>>, vector<1x1x16xf32>,
        %get3A_953 = arith.constant 9 : i32
        %get3A_954 = arith.index_cast %get3A_953 : i32 to index
        %get3A_955 = arith.index_cast %scan3A_901 : i32 to index
        %get3A_956 = arith.constant 48 : index
        %get3A_957 = tpu.vector_load %arg8[%get3A_954, %get3A_955, %get3A_956] {strides = array<i32>} : memref<10x128x64xf32, #tpu.memory_space<vmem>>, vector<1x1x16xf32>,
        %get3A_958 = vector.shape_cast %get3A_957 : vector<1x1x16xf32> to vector<16xf32>
        %mul3A_959 = arith.constant 8.000000e+00 : f32
        %mul3A_960 = vector.broadcast %mul3A_959 : f32 to vector<16xf32>
        %mul3A_961 = arith.mulf %get3A_958, %mul3A_960 : vector<16xf32>
        %add3A_962 = arith.addf %mul3A_961, %get3A_810 : vector<16xf32>
        %swap3A_963 = arith.constant 9 : i32
        %swap3A_964 = arith.index_cast %swap3A_963 : i32 to index
        %swap3A_965 = arith.index_cast %scan3A_901 : i32 to index
        %swap3A_966 = arith.constant 48 : index
        %swap3A_967 = tpu.vector_load %arg8[%swap3A_964, %swap3A_965, %swap3A_966] {strides = array<i32>} : memref<10x128x64xf32, #tpu.memory_space<vmem>>, vector<1x1x16xf32>,
        %swap3A_968 = vector.shape_cast %swap3A_967 : vector<1x1x16xf32> to vector<16xf32>
        %swap3A_969 = vector.shape_cast %add3A_962 : vector<16xf32> to vector<1x1x16xf32>
        tpu.vector_store %arg8[%swap3A_964, %swap3A_965, %swap3A_966], %swap3A_969 {strides = array<i32>} : memref<10x128x64xf32, #tpu.memory_space<vmem>>, vector<1x1x16xf32>,
        %scan3A_970 = arith.constant 2 : i32
        %scan3A_971 = arith.addi %scan3A_832, %scan3A_970 : i32
        %get3A_972 = arith.constant 9 : i32
        %get3A_973 = arith.index_cast %get3A_972 : i32 to index
        %get3A_974 = arith.index_cast %scan3A_971 : i32 to index
        %get3A_975 = arith.constant 0 : index
        %get3A_976 = tpu.vector_load %arg8[%get3A_973, %get3A_974, %get3A_975] {strides = array<i32>} : memref<10x128x64xf32, #tpu.memory_space<vmem>>, vector<1x1x16xf32>,
        %get3A_977 = vector.shape_cast %get3A_976 : vector<1x1x16xf32> to vector<16xf32>
        %mul3A_978 = arith.constant 8.000000e+00 : f32
        %mul3A_979 = vector.broadcast %mul3A_978 : f32 to vector<16xf32>
        %mul3A_980 = arith.mulf %get3A_977, %mul3A_979 : vector<16xf32>
        %add3A_981 = arith.addf %mul3A_980, %get3A_798 : vector<16xf32>
        %swap3A_982 = arith.constant 9 : i32
        %swap3A_983 = arith.index_cast %swap3A_982 : i32 to index
        %swap3A_984 = arith.index_cast %scan3A_971 : i32 to index
        %swap3A_985 = arith.constant 0 : index
        %swap3A_986 = tpu.vector_load %arg8[%swap3A_983, %swap3A_984, %swap3A_985] {strides = array<i32>} : memref<10x128x64xf32, #tpu.memory_space<vmem>>, vector<1x1x16xf32>,
        %swap3A_987 = vector.shape_cast %swap3A_986 : vector<1x1x16xf32> to vector<16xf32>
        %swap3A_988 = vector.shape_cast %add3A_981 : vector<16xf32> to vector<1x1x16xf32>
        tpu.vector_store %arg8[%swap3A_983, %swap3A_984, %swap3A_985], %swap3A_988 {strides = array<i32>} : memref<10x128x64xf32, #tpu.memory_space<vmem>>, vector<1x1x16xf32>,
        %get3A_989 = arith.constant 9 : i32
        %get3A_990 = arith.index_cast %get3A_989 : i32 to index
        %get3A_991 = arith.index_cast %scan3A_971 : i32 to index
        %get3A_992 = arith.constant 16 : index
        %get3A_993 = tpu.vector_load %arg8[%get3A_990, %get3A_991, %get3A_992] {strides = array<i32>} : memref<10x128x64xf32, #tpu.memory_space<vmem>>, vector<1x1x16xf32>,
        %get3A_994 = vector.shape_cast %get3A_993 : vector<1x1x16xf32> to vector<16xf32>
        %mul3A_995 = arith.constant 8.000000e+00 : f32
        %mul3A_996 = vector.broadcast %mul3A_995 : f32 to vector<16xf32>
        %mul3A_997 = arith.mulf %get3A_994, %mul3A_996 : vector<16xf32>
        %add3A_998 = arith.addf %mul3A_997, %get3A_802 : vector<16xf32>
        %swap3A_999 = arith.constant 9 : i32
        %swap3A_1000 = arith.index_cast %swap3A_999 : i32 to index
        %swap3A_1001 = arith.index_cast %scan3A_971 : i32 to index
        %swap3A_1002 = arith.constant 16 : index
        %swap3A_1003 = tpu.vector_load %arg8[%swap3A_1000, %swap3A_1001, %swap3A_1002] {strides = array<i32>} : memref<10x128x64xf32, #tpu.memory_space<vmem>>, vector<1x1x16xf32>,
        %swap3A_1004 = vector.shape_cast %swap3A_1003 : vector<1x1x16xf32> to vector<16xf32>
        %swap3A_1005 = vector.shape_cast %add3A_998 : vector<16xf32> to vector<1x1x16xf32>
        tpu.vector_store %arg8[%swap3A_1000, %swap3A_1001, %swap3A_1002], %swap3A_1005 {strides = array<i32>} : memref<10x128x64xf32, #tpu.memory_space<vmem>>, vector<1x1x16xf32>,
        %get3A_1006 = arith.constant 9 : i32
        %get3A_1007 = arith.index_cast %get3A_1006 : i32 to index
        %get3A_1008 = arith.index_cast %scan3A_971 : i32 to index
        %get3A_1009 = arith.constant 32 : index
        %get3A_1010 = tpu.vector_load %arg8[%get3A_1007, %get3A_1008, %get3A_1009] {strides = array<i32>} : memref<10x128x64xf32, #tpu.memory_space<vmem>>, vector<1x1x16xf32>,
        %get3A_1011 = vector.shape_cast %get3A_1010 : vector<1x1x16xf32> to vector<16xf32>
        %mul3A_1012 = arith.constant 8.000000e+00 : f32
        %mul3A_1013 = vector.broadcast %mul3A_1012 : f32 to vector<16xf32>
        %mul3A_1014 = arith.mulf %get3A_1011, %mul3A_1013 : vector<16xf32>
        %add3A_1015 = arith.addf %mul3A_1014, %get3A_806 : vector<16xf32>
        %swap3A_1016 = arith.constant 9 : i32
        %swap3A_1017 = arith.index_cast %swap3A_1016 : i32 to index
        %swap3A_1018 = arith.index_cast %scan3A_971 : i32 to index
        %swap3A_1019 = arith.constant 32 : index
        %swap3A_1020 = tpu.vector_load %arg8[%swap3A_1017, %swap3A_1018, %swap3A_1019] {strides = array<i32>} : memref<10x128x64xf32, #tpu.memory_space<vmem>>, vector<1x1x16xf32>,
        %swap3A_1021 = vector.shape_cast %swap3A_1020 : vector<1x1x16xf32> to vector<16xf32>
        %swap3A_1022 = vector.shape_cast %add3A_1015 : vector<16xf32> to vector<1x1x16xf32>
        tpu.vector_store %arg8[%swap3A_1017, %swap3A_1018, %swap3A_1019], %swap3A_1022 {strides = array<i32>} : memref<10x128x64xf32, #tpu.memory_space<vmem>>, vector<1x1x16xf32>,
        %get3A_1023 = arith.constant 9 : i32
        %get3A_1024 = arith.index_cast %get3A_1023 : i32 to index
        %get3A_1025 = arith.index_cast %scan3A_971 : i32 to index
        %get3A_1026 = arith.constant 48 : index
        %get3A_1027 = tpu.vector_load %arg8[%get3A_1024, %get3A_1025, %get3A_1026] {strides = array<i32>} : memref<10x128x64xf32, #tpu.memory_space<vmem>>, vector<1x1x16xf32>,
        %get3A_1028 = vector.shape_cast %get3A_1027 : vector<1x1x16xf32> to vector<16xf32>
        %mul3A_1029 = arith.constant 8.000000e+00 : f32
        %mul3A_1030 = vector.broadcast %mul3A_1029 : f32 to vector<16xf32>
        %mul3A_1031 = arith.mulf %get3A_1028, %mul3A_1030 : vector<16xf32>
        %add3A_1032 = arith.addf %mul3A_1031, %get3A_810 : vector<16xf32>
        %swap3A_1033 = arith.constant 9 : i32
        %swap3A_1034 = arith.index_cast %swap3A_1033 : i32 to index
        %swap3A_1035 = arith.index_cast %scan3A_971 : i32 to index
        %swap3A_1036 = arith.constant 48 : index
        %swap3A_1037 = tpu.vector_load %arg8[%swap3A_1034, %swap3A_1035, %swap3A_1036] {strides = array<i32>} : memref<10x128x64xf32, #tpu.memory_space<vmem>>, vector<1x1x16xf32>,
        %swap3A_1038 = vector.shape_cast %swap3A_1037 : vector<1x1x16xf32> to vector<16xf32>
        %swap3A_1039 = vector.shape_cast %add3A_1032 : vector<16xf32> to vector<1x1x16xf32>
        tpu.vector_store %arg8[%swap3A_1034, %swap3A_1035, %swap3A_1036], %swap3A_1039 {strides = array<i32>} : memref<10x128x64xf32, #tpu.memory_space<vmem>>, vector<1x1x16xf32>,
        %scan3A_1040 = arith.constant 3 : i32
        %scan3A_1041 = arith.addi %scan3A_832, %scan3A_1040 : i32
        %get3A_1042 = arith.constant 9 : i32
        %get3A_1043 = arith.index_cast %get3A_1042 : i32 to index
        %get3A_1044 = arith.index_cast %scan3A_1041 : i32 to index
        %get3A_1045 = arith.constant 0 : index
        %get3A_1046 = tpu.vector_load %arg8[%get3A_1043, %get3A_1044, %get3A_1045] {strides = array<i32>} : memref<10x128x64xf32, #tpu.memory_space<vmem>>, vector<1x1x16xf32>,
        %get3A_1047 = vector.shape_cast %get3A_1046 : vector<1x1x16xf32> to vector<16xf32>
        %mul3A_1048 = arith.constant 8.000000e+00 : f32
        %mul3A_1049 = vector.broadcast %mul3A_1048 : f32 to vector<16xf32>
        %mul3A_1050 = arith.mulf %get3A_1047, %mul3A_1049 : vector<16xf32>
        %add3A_1051 = arith.addf %mul3A_1050, %get3A_798 : vector<16xf32>
        %swap3A_1052 = arith.constant 9 : i32
        %swap3A_1053 = arith.index_cast %swap3A_1052 : i32 to index
        %swap3A_1054 = arith.index_cast %scan3A_1041 : i32 to index
        %swap3A_1055 = arith.constant 0 : index
        %swap3A_1056 = tpu.vector_load %arg8[%swap3A_1053, %swap3A_1054, %swap3A_1055] {strides = array<i32>} : memref<10x128x64xf32, #tpu.memory_space<vmem>>, vector<1x1x16xf32>,
        %swap3A_1057 = vector.shape_cast %swap3A_1056 : vector<1x1x16xf32> to vector<16xf32>
        %swap3A_1058 = vector.shape_cast %add3A_1051 : vector<16xf32> to vector<1x1x16xf32>
        tpu.vector_store %arg8[%swap3A_1053, %swap3A_1054, %swap3A_1055], %swap3A_1058 {strides = array<i32>} : memref<10x128x64xf32, #tpu.memory_space<vmem>>, vector<1x1x16xf32>,
        %get3A_1059 = arith.constant 9 : i32
        %get3A_1060 = arith.index_cast %get3A_1059 : i32 to index
        %get3A_1061 = arith.index_cast %scan3A_1041 : i32 to index
        %get3A_1062 = arith.constant 16 : index
        %get3A_1063 = tpu.vector_load %arg8[%get3A_1060, %get3A_1061, %get3A_1062] {strides = array<i32>} : memref<10x128x64xf32, #tpu.memory_space<vmem>>, vector<1x1x16xf32>,
        %get3A_1064 = vector.shape_cast %get3A_1063 : vector<1x1x16xf32> to vector<16xf32>
        %mul3A_1065 = arith.constant 8.000000e+00 : f32
        %mul3A_1066 = vector.broadcast %mul3A_1065 : f32 to vector<16xf32>
        %mul3A_1067 = arith.mulf %get3A_1064, %mul3A_1066 : vector<16xf32>
        %add3A_1068 = arith.addf %mul3A_1067, %get3A_802 : vector<16xf32>
        %swap3A_1069 = arith.constant 9 : i32
        %swap3A_1070 = arith.index_cast %swap3A_1069 : i32 to index
        %swap3A_1071 = arith.index_cast %scan3A_1041 : i32 to index
        %swap3A_1072 = arith.constant 16 : index
        %swap3A_1073 = tpu.vector_load %arg8[%swap3A_1070, %swap3A_1071, %swap3A_1072] {strides = array<i32>} : memref<10x128x64xf32, #tpu.memory_space<vmem>>, vector<1x1x16xf32>,
        %swap3A_1074 = vector.shape_cast %swap3A_1073 : vector<1x1x16xf32> to vector<16xf32>
        %swap3A_1075 = vector.shape_cast %add3A_1068 : vector<16xf32> to vector<1x1x16xf32>
        tpu.vector_store %arg8[%swap3A_1070, %swap3A_1071, %swap3A_1072], %swap3A_1075 {strides = array<i32>} : memref<10x128x64xf32, #tpu.memory_space<vmem>>, vector<1x1x16xf32>,
        %get3A_1076 = arith.constant 9 : i32
        %get3A_1077 = arith.index_cast %get3A_1076 : i32 to index
        %get3A_1078 = arith.index_cast %scan3A_1041 : i32 to index
        %get3A_1079 = arith.constant 32 : index
        %get3A_1080 = tpu.vector_load %arg8[%get3A_1077, %get3A_1078, %get3A_1079] {strides = array<i32>} : memref<10x128x64xf32, #tpu.memory_space<vmem>>, vector<1x1x16xf32>,
        %get3A_1081 = vector.shape_cast %get3A_1080 : vector<1x1x16xf32> to vector<16xf32>
        %mul3A_1082 = arith.constant 8.000000e+00 : f32
        %mul3A_1083 = vector.broadcast %mul3A_1082 : f32 to vector<16xf32>
        %mul3A_1084 = arith.mulf %get3A_1081, %mul3A_1083 : vector<16xf32>
        %add3A_1085 = arith.addf %mul3A_1084, %get3A_806 : vector<16xf32>
        %swap3A_1086 = arith.constant 9 : i32
        %swap3A_1087 = arith.index_cast %swap3A_1086 : i32 to index
        %swap3A_1088 = arith.index_cast %scan3A_1041 : i32 to index
        %swap3A_1089 = arith.constant 32 : index
        %swap3A_1090 = tpu.vector_load %arg8[%swap3A_1087, %swap3A_1088, %swap3A_1089] {strides = array<i32>} : memref<10x128x64xf32, #tpu.memory_space<vmem>>, vector<1x1x16xf32>,
        %swap3A_1091 = vector.shape_cast %swap3A_1090 : vector<1x1x16xf32> to vector<16xf32>
        %swap3A_1092 = vector.shape_cast %add3A_1085 : vector<16xf32> to vector<1x1x16xf32>
        tpu.vector_store %arg8[%swap3A_1087, %swap3A_1088, %swap3A_1089], %swap3A_1092 {strides = array<i32>} : memref<10x128x64xf32, #tpu.memory_space<vmem>>, vector<1x1x16xf32>,
        %get3A_1093 = arith.constant 9 : i32
        %get3A_1094 = arith.index_cast %get3A_1093 : i32 to index
        %get3A_1095 = arith.index_cast %scan3A_1041 : i32 to index
        %get3A_1096 = arith.constant 48 : index
        %get3A_1097 = tpu.vector_load %arg8[%get3A_1094, %get3A_1095, %get3A_1096] {strides = array<i32>} : memref<10x128x64xf32, #tpu.memory_space<vmem>>, vector<1x1x16xf32>,
        %get3A_1098 = vector.shape_cast %get3A_1097 : vector<1x1x16xf32> to vector<16xf32>
        %mul3A_1099 = arith.constant 8.000000e+00 : f32
        %mul3A_1100 = vector.broadcast %mul3A_1099 : f32 to vector<16xf32>
        %mul3A_1101 = arith.mulf %get3A_1098, %mul3A_1100 : vector<16xf32>
        %add3A_1102 = arith.addf %mul3A_1101, %get3A_810 : vector<16xf32>
        %swap3A_1103 = arith.constant 9 : i32
        %swap3A_1104 = arith.index_cast %swap3A_1103 : i32 to index
        %swap3A_1105 = arith.index_cast %scan3A_1041 : i32 to index
        %swap3A_1106 = arith.constant 48 : index
        %swap3A_1107 = tpu.vector_load %arg8[%swap3A_1104, %swap3A_1105, %swap3A_1106] {strides = array<i32>} : memref<10x128x64xf32, #tpu.memory_space<vmem>>, vector<1x1x16xf32>,
        %swap3A_1108 = vector.shape_cast %swap3A_1107 : vector<1x1x16xf32> to vector<16xf32>
        %swap3A_1109 = vector.shape_cast %add3A_1102 : vector<16xf32> to vector<1x1x16xf32>
        tpu.vector_store %arg8[%swap3A_1104, %swap3A_1105, %swap3A_1106], %swap3A_1109 {strides = array<i32>} : memref<10x128x64xf32, #tpu.memory_space<vmem>>, vector<1x1x16xf32>,
      }
      %scan3A_816 = arith.constant 128 : i32
      %dma_start3A_817 = arith.constant 9 : i32
      %dma_start3A_818 = arith.constant 0 : i32
      %dma_start3A_819 = arith.constant 0 : i32
      %dma_start3A_820 = tpu.memref_slice %arg8[%dma_start3A_817, %dma_start3A_818, %dma_start3A_819] : memref<10x128x64xf32, #tpu.memory_space<vmem>> -> memref<1x128x64xf32, #tpu.memory_space<vmem>>
      %dma_start3A_821 = tpu.memref_squeeze %dma_start3A_820 : memref<1x128x64xf32, #tpu.memory_space<vmem>> -> memref<128x64xf32, #tpu.memory_space<vmem>>
      %dma_start3A_822 = arith.constant 0 : i32
      %dma_start3A_823 = tpu.memref_slice %arg5[%mul3A_2, %add3A_774, %dma_start3A_822] : memref<4096x200x64xf32, #tpu.memory_space<hbm>> -> memref<128x1x64xf32, #tpu.memory_space<hbm>>
      %dma_start3A_824 = tpu.memref_squeeze %dma_start3A_823 : memref<128x1x64xf32, #tpu.memory_space<hbm>> -> memref<128x64xf32, #tpu.memory_space<hbm>>
      %dma_start3A_825 = arith.constant 0 : i32
      %dma_start3A_826 = tpu.memref_slice %arg5[%mul3A_2, %add3A_774, %dma_start3A_825] : memref<4096x200x64xf32, #tpu.memory_space<hbm>> -> memref<128x1x64xf32, #tpu.memory_space<hbm>>
      %dma_start3A_827 = tpu.memref_squeeze %dma_start3A_826 : memref<128x1x64xf32, #tpu.memory_space<hbm>> -> memref<128x64xf32, #tpu.memory_space<hbm>>
      %dma_start3A_828 = arith.constant 0 : i32
      %dma_start3A_829 = arith.constant 0 : i32
      %dma_start3A_830 = tpu.memref_slice %arg8[%dma_start3A_817, %dma_start3A_828, %dma_start3A_829] : memref<10x128x64xf32, #tpu.memory_space<vmem>> -> memref<1x128x64xf32, #tpu.memory_space<vmem>>
      %dma_start3A_831 = tpu.memref_squeeze %dma_start3A_830 : memref<1x128x64xf32, #tpu.memory_space<vmem>> -> memref<128x64xf32, #tpu.memory_space<vmem>>
      tpu.enqueue_dma source(%dma_start3A_831 : memref<128x64xf32, #tpu.memory_space<vmem>>) target(%dma_start3A_827 : memref<128x64xf32, #tpu.memory_space<hbm>>) target_semaphore(%arg28 : memref<!tpu.dma_semaphore, #tpu.memory_space<semaphore_mem>>)
    }
    %scan3A_66 = arith.constant 20 : i32
    %dma_wait3A = arith.constant 0 : i32
    %dma_wait3A_67 = arith.constant 190 : i32
    %dma_wait3A_68 = arith.constant 0 : i32
    %dma_wait3A_69 = arith.constant 0 : i32
    %dma_wait3A_70 = tpu.memref_slice %arg8[%dma_wait3A, %dma_wait3A_68, %dma_wait3A_69] : memref<10x128x64xf32, #tpu.memory_space<vmem>> -> memref<1x128x64xf32, #tpu.memory_space<vmem>>
    %dma_wait3A_71 = tpu.memref_squeeze %dma_wait3A_70 : memref<1x128x64xf32, #tpu.memory_space<vmem>> -> memref<128x64xf32, #tpu.memory_space<vmem>>
    %dma_wait3A_72 = arith.constant 0 : i32
    %dma_wait3A_73 = tpu.memref_slice %arg5[%mul3A_2, %dma_wait3A_67, %dma_wait3A_72] : memref<4096x200x64xf32, #tpu.memory_space<hbm>> -> memref<128x1x64xf32, #tpu.memory_space<hbm>>
    %dma_wait3A_74 = tpu.memref_squeeze %dma_wait3A_73 : memref<128x1x64xf32, #tpu.memory_space<hbm>> -> memref<128x64xf32, #tpu.memory_space<hbm>>
    %dma_wait3A_75 = arith.constant 0 : i32
    %dma_wait3A_76 = tpu.memref_slice %arg5[%mul3A_2, %dma_wait3A_67, %dma_wait3A_75] : memref<4096x200x64xf32, #tpu.memory_space<hbm>> -> memref<128x1x64xf32, #tpu.memory_space<hbm>>
    %dma_wait3A_77 = tpu.memref_squeeze %dma_wait3A_76 : memref<128x1x64xf32, #tpu.memory_space<hbm>> -> memref<128x64xf32, #tpu.memory_space<hbm>>
    %dma_wait3A_78 = arith.constant 0 : i32
    %dma_wait3A_79 = arith.constant 0 : i32
    %dma_wait3A_80 = tpu.memref_slice %arg8[%dma_wait3A, %dma_wait3A_78, %dma_wait3A_79] : memref<10x128x64xf32, #tpu.memory_space<vmem>> -> memref<1x128x64xf32, #tpu.memory_space<vmem>>
    %dma_wait3A_81 = tpu.memref_squeeze %dma_wait3A_80 : memref<1x128x64xf32, #tpu.memory_space<vmem>> -> memref<128x64xf32, #tpu.memory_space<vmem>>
    tpu.wait_dma2 semaphore(%arg19 : memref<!tpu.dma_semaphore, #tpu.memory_space<semaphore_mem>>) src(%dma_wait3A_81 : memref<128x64xf32, #tpu.memory_space<vmem>>) dst(%dma_wait3A_77 : memref<128x64xf32, #tpu.memory_space<hbm>>)
    %dma_wait3A_82 = arith.constant 1 : i32
    %dma_wait3A_83 = arith.constant 191 : i32
    %dma_wait3A_84 = arith.constant 0 : i32
    %dma_wait3A_85 = arith.constant 0 : i32
    %dma_wait3A_86 = tpu.memref_slice %arg8[%dma_wait3A_82, %dma_wait3A_84, %dma_wait3A_85] : memref<10x128x64xf32, #tpu.memory_space<vmem>> -> memref<1x128x64xf32, #tpu.memory_space<vmem>>
    %dma_wait3A_87 = tpu.memref_squeeze %dma_wait3A_86 : memref<1x128x64xf32, #tpu.memory_space<vmem>> -> memref<128x64xf32, #tpu.memory_space<vmem>>
    %dma_wait3A_88 = arith.constant 0 : i32
    %dma_wait3A_89 = tpu.memref_slice %arg5[%mul3A_2, %dma_wait3A_83, %dma_wait3A_88] : memref<4096x200x64xf32, #tpu.memory_space<hbm>> -> memref<128x1x64xf32, #tpu.memory_space<hbm>>
    %dma_wait3A_90 = tpu.memref_squeeze %dma_wait3A_89 : memref<128x1x64xf32, #tpu.memory_space<hbm>> -> memref<128x64xf32, #tpu.memory_space<hbm>>
    %dma_wait3A_91 = arith.constant 0 : i32
    %dma_wait3A_92 = tpu.memref_slice %arg5[%mul3A_2, %dma_wait3A_83, %dma_wait3A_91] : memref<4096x200x64xf32, #tpu.memory_space<hbm>> -> memref<128x1x64xf32, #tpu.memory_space<hbm>>
    %dma_wait3A_93 = tpu.memref_squeeze %dma_wait3A_92 : memref<128x1x64xf32, #tpu.memory_space<hbm>> -> memref<128x64xf32, #tpu.memory_space<hbm>>
    %dma_wait3A_94 = arith.constant 0 : i32
    %dma_wait3A_95 = arith.constant 0 : i32
    %dma_wait3A_96 = tpu.memref_slice %arg8[%dma_wait3A_82, %dma_wait3A_94, %dma_wait3A_95] : memref<10x128x64xf32, #tpu.memory_space<vmem>> -> memref<1x128x64xf32, #tpu.memory_space<vmem>>
    %dma_wait3A_97 = tpu.memref_squeeze %dma_wait3A_96 : memref<1x128x64xf32, #tpu.memory_space<vmem>> -> memref<128x64xf32, #tpu.memory_space<vmem>>
    tpu.wait_dma2 semaphore(%arg20 : memref<!tpu.dma_semaphore, #tpu.memory_space<semaphore_mem>>) src(%dma_wait3A_97 : memref<128x64xf32, #tpu.memory_space<vmem>>) dst(%dma_wait3A_93 : memref<128x64xf32, #tpu.memory_space<hbm>>)
    %dma_wait3A_98 = arith.constant 2 : i32
    %dma_wait3A_99 = arith.constant 192 : i32
    %dma_wait3A_100 = arith.constant 0 : i32
    %dma_wait3A_101 = arith.constant 0 : i32
    %dma_wait3A_102 = tpu.memref_slice %arg8[%dma_wait3A_98, %dma_wait3A_100, %dma_wait3A_101] : memref<10x128x64xf32, #tpu.memory_space<vmem>> -> memref<1x128x64xf32, #tpu.memory_space<vmem>>
    %dma_wait3A_103 = tpu.memref_squeeze %dma_wait3A_102 : memref<1x128x64xf32, #tpu.memory_space<vmem>> -> memref<128x64xf32, #tpu.memory_space<vmem>>
    %dma_wait3A_104 = arith.constant 0 : i32
    %dma_wait3A_105 = tpu.memref_slice %arg5[%mul3A_2, %dma_wait3A_99, %dma_wait3A_104] : memref<4096x200x64xf32, #tpu.memory_space<hbm>> -> memref<128x1x64xf32, #tpu.memory_space<hbm>>
    %dma_wait3A_106 = tpu.memref_squeeze %dma_wait3A_105 : memref<128x1x64xf32, #tpu.memory_space<hbm>> -> memref<128x64xf32, #tpu.memory_space<hbm>>
    %dma_wait3A_107 = arith.constant 0 : i32
    %dma_wait3A_108 = tpu.memref_slice %arg5[%mul3A_2, %dma_wait3A_99, %dma_wait3A_107] : memref<4096x200x64xf32, #tpu.memory_space<hbm>> -> memref<128x1x64xf32, #tpu.memory_space<hbm>>
    %dma_wait3A_109 = tpu.memref_squeeze %dma_wait3A_108 : memref<128x1x64xf32, #tpu.memory_space<hbm>> -> memref<128x64xf32, #tpu.memory_space<hbm>>
    %dma_wait3A_110 = arith.constant 0 : i32
    %dma_wait3A_111 = arith.constant 0 : i32
    %dma_wait3A_112 = tpu.memref_slice %arg8[%dma_wait3A_98, %dma_wait3A_110, %dma_wait3A_111] : memref<10x128x64xf32, #tpu.memory_space<vmem>> -> memref<1x128x64xf32, #tpu.memory_space<vmem>>
    %dma_wait3A_113 = tpu.memref_squeeze %dma_wait3A_112 : memref<1x128x64xf32, #tpu.memory_space<vmem>> -> memref<128x64xf32, #tpu.memory_space<vmem>>
    tpu.wait_dma2 semaphore(%arg21 : memref<!tpu.dma_semaphore, #tpu.memory_space<semaphore_mem>>) src(%dma_wait3A_113 : memref<128x64xf32, #tpu.memory_space<vmem>>) dst(%dma_wait3A_109 : memref<128x64xf32, #tpu.memory_space<hbm>>)
    %dma_wait3A_114 = arith.constant 3 : i32
    %dma_wait3A_115 = arith.constant 193 : i32
    %dma_wait3A_116 = arith.constant 0 : i32
    %dma_wait3A_117 = arith.constant 0 : i32
    %dma_wait3A_118 = tpu.memref_slice %arg8[%dma_wait3A_114, %dma_wait3A_116, %dma_wait3A_117] : memref<10x128x64xf32, #tpu.memory_space<vmem>> -> memref<1x128x64xf32, #tpu.memory_space<vmem>>
    %dma_wait3A_119 = tpu.memref_squeeze %dma_wait3A_118 : memref<1x128x64xf32, #tpu.memory_space<vmem>> -> memref<128x64xf32, #tpu.memory_space<vmem>>
    %dma_wait3A_120 = arith.constant 0 : i32
    %dma_wait3A_121 = tpu.memref_slice %arg5[%mul3A_2, %dma_wait3A_115, %dma_wait3A_120] : memref<4096x200x64xf32, #tpu.memory_space<hbm>> -> memref<128x1x64xf32, #tpu.memory_space<hbm>>
    %dma_wait3A_122 = tpu.memref_squeeze %dma_wait3A_121 : memref<128x1x64xf32, #tpu.memory_space<hbm>> -> memref<128x64xf32, #tpu.memory_space<hbm>>
    %dma_wait3A_123 = arith.constant 0 : i32
    %dma_wait3A_124 = tpu.memref_slice %arg5[%mul3A_2, %dma_wait3A_115, %dma_wait3A_123] : memref<4096x200x64xf32, #tpu.memory_space<hbm>> -> memref<128x1x64xf32, #tpu.memory_space<hbm>>
    %dma_wait3A_125 = tpu.memref_squeeze %dma_wait3A_124 : memref<128x1x64xf32, #tpu.memory_space<hbm>> -> memref<128x64xf32, #tpu.memory_space<hbm>>
    %dma_wait3A_126 = arith.constant 0 : i32
    %dma_wait3A_127 = arith.constant 0 : i32
    %dma_wait3A_128 = tpu.memref_slice %arg8[%dma_wait3A_114, %dma_wait3A_126, %dma_wait3A_127] : memref<10x128x64xf32, #tpu.memory_space<vmem>> -> memref<1x128x64xf32, #tpu.memory_space<vmem>>
    %dma_wait3A_129 = tpu.memref_squeeze %dma_wait3A_128 : memref<1x128x64xf32, #tpu.memory_space<vmem>> -> memref<128x64xf32, #tpu.memory_space<vmem>>
    tpu.wait_dma2 semaphore(%arg22 : memref<!tpu.dma_semaphore, #tpu.memory_space<semaphore_mem>>) src(%dma_wait3A_129 : memref<128x64xf32, #tpu.memory_space<vmem>>) dst(%dma_wait3A_125 : memref<128x64xf32, #tpu.memory_space<hbm>>)
    %dma_wait3A_130 = arith.constant 4 : i32
    %dma_wait3A_131 = arith.constant 194 : i32
    %dma_wait3A_132 = arith.constant 0 : i32
    %dma_wait3A_133 = arith.constant 0 : i32
    %dma_wait3A_134 = tpu.memref_slice %arg8[%dma_wait3A_130, %dma_wait3A_132, %dma_wait3A_133] : memref<10x128x64xf32, #tpu.memory_space<vmem>> -> memref<1x128x64xf32, #tpu.memory_space<vmem>>
    %dma_wait3A_135 = tpu.memref_squeeze %dma_wait3A_134 : memref<1x128x64xf32, #tpu.memory_space<vmem>> -> memref<128x64xf32, #tpu.memory_space<vmem>>
    %dma_wait3A_136 = arith.constant 0 : i32
    %dma_wait3A_137 = tpu.memref_slice %arg5[%mul3A_2, %dma_wait3A_131, %dma_wait3A_136] : memref<4096x200x64xf32, #tpu.memory_space<hbm>> -> memref<128x1x64xf32, #tpu.memory_space<hbm>>
    %dma_wait3A_138 = tpu.memref_squeeze %dma_wait3A_137 : memref<128x1x64xf32, #tpu.memory_space<hbm>> -> memref<128x64xf32, #tpu.memory_space<hbm>>
    %dma_wait3A_139 = arith.constant 0 : i32
    %dma_wait3A_140 = tpu.memref_slice %arg5[%mul3A_2, %dma_wait3A_131, %dma_wait3A_139] : memref<4096x200x64xf32, #tpu.memory_space<hbm>> -> memref<128x1x64xf32, #tpu.memory_space<hbm>>
    %dma_wait3A_141 = tpu.memref_squeeze %dma_wait3A_140 : memref<128x1x64xf32, #tpu.memory_space<hbm>> -> memref<128x64xf32, #tpu.memory_space<hbm>>
    %dma_wait3A_142 = arith.constant 0 : i32
    %dma_wait3A_143 = arith.constant 0 : i32
    %dma_wait3A_144 = tpu.memref_slice %arg8[%dma_wait3A_130, %dma_wait3A_142, %dma_wait3A_143] : memref<10x128x64xf32, #tpu.memory_space<vmem>> -> memref<1x128x64xf32, #tpu.memory_space<vmem>>
    %dma_wait3A_145 = tpu.memref_squeeze %dma_wait3A_144 : memref<1x128x64xf32, #tpu.memory_space<vmem>> -> memref<128x64xf32, #tpu.memory_space<vmem>>
    tpu.wait_dma2 semaphore(%arg23 : memref<!tpu.dma_semaphore, #tpu.memory_space<semaphore_mem>>) src(%dma_wait3A_145 : memref<128x64xf32, #tpu.memory_space<vmem>>) dst(%dma_wait3A_141 : memref<128x64xf32, #tpu.memory_space<hbm>>)
    %dma_wait3A_146 = arith.constant 5 : i32
    %dma_wait3A_147 = arith.constant 195 : i32
    %dma_wait3A_148 = arith.constant 0 : i32
    %dma_wait3A_149 = arith.constant 0 : i32
    %dma_wait3A_150 = tpu.memref_slice %arg8[%dma_wait3A_146, %dma_wait3A_148, %dma_wait3A_149] : memref<10x128x64xf32, #tpu.memory_space<vmem>> -> memref<1x128x64xf32, #tpu.memory_space<vmem>>
    %dma_wait3A_151 = tpu.memref_squeeze %dma_wait3A_150 : memref<1x128x64xf32, #tpu.memory_space<vmem>> -> memref<128x64xf32, #tpu.memory_space<vmem>>
    %dma_wait3A_152 = arith.constant 0 : i32
    %dma_wait3A_153 = tpu.memref_slice %arg5[%mul3A_2, %dma_wait3A_147, %dma_wait3A_152] : memref<4096x200x64xf32, #tpu.memory_space<hbm>> -> memref<128x1x64xf32, #tpu.memory_space<hbm>>
    %dma_wait3A_154 = tpu.memref_squeeze %dma_wait3A_153 : memref<128x1x64xf32, #tpu.memory_space<hbm>> -> memref<128x64xf32, #tpu.memory_space<hbm>>
    %dma_wait3A_155 = arith.constant 0 : i32
    %dma_wait3A_156 = tpu.memref_slice %arg5[%mul3A_2, %dma_wait3A_147, %dma_wait3A_155] : memref<4096x200x64xf32, #tpu.memory_space<hbm>> -> memref<128x1x64xf32, #tpu.memory_space<hbm>>
    %dma_wait3A_157 = tpu.memref_squeeze %dma_wait3A_156 : memref<128x1x64xf32, #tpu.memory_space<hbm>> -> memref<128x64xf32, #tpu.memory_space<hbm>>
    %dma_wait3A_158 = arith.constant 0 : i32
    %dma_wait3A_159 = arith.constant 0 : i32
    %dma_wait3A_160 = tpu.memref_slice %arg8[%dma_wait3A_146, %dma_wait3A_158, %dma_wait3A_159] : memref<10x128x64xf32, #tpu.memory_space<vmem>> -> memref<1x128x64xf32, #tpu.memory_space<vmem>>
    %dma_wait3A_161 = tpu.memref_squeeze %dma_wait3A_160 : memref<1x128x64xf32, #tpu.memory_space<vmem>> -> memref<128x64xf32, #tpu.memory_space<vmem>>
    tpu.wait_dma2 semaphore(%arg24 : memref<!tpu.dma_semaphore, #tpu.memory_space<semaphore_mem>>) src(%dma_wait3A_161 : memref<128x64xf32, #tpu.memory_space<vmem>>) dst(%dma_wait3A_157 : memref<128x64xf32, #tpu.memory_space<hbm>>)
    %dma_wait3A_162 = arith.constant 6 : i32
    %dma_wait3A_163 = arith.constant 196 : i32
    %dma_wait3A_164 = arith.constant 0 : i32
    %dma_wait3A_165 = arith.constant 0 : i32
    %dma_wait3A_166 = tpu.memref_slice %arg8[%dma_wait3A_162, %dma_wait3A_164, %dma_wait3A_165] : memref<10x128x64xf32, #tpu.memory_space<vmem>> -> memref<1x128x64xf32, #tpu.memory_space<vmem>>
    %dma_wait3A_167 = tpu.memref_squeeze %dma_wait3A_166 : memref<1x128x64xf32, #tpu.memory_space<vmem>> -> memref<128x64xf32, #tpu.memory_space<vmem>>
    %dma_wait3A_168 = arith.constant 0 : i32
    %dma_wait3A_169 = tpu.memref_slice %arg5[%mul3A_2, %dma_wait3A_163, %dma_wait3A_168] : memref<4096x200x64xf32, #tpu.memory_space<hbm>> -> memref<128x1x64xf32, #tpu.memory_space<hbm>>
    %dma_wait3A_170 = tpu.memref_squeeze %dma_wait3A_169 : memref<128x1x64xf32, #tpu.memory_space<hbm>> -> memref<128x64xf32, #tpu.memory_space<hbm>>
    %dma_wait3A_171 = arith.constant 0 : i32
    %dma_wait3A_172 = tpu.memref_slice %arg5[%mul3A_2, %dma_wait3A_163, %dma_wait3A_171] : memref<4096x200x64xf32, #tpu.memory_space<hbm>> -> memref<128x1x64xf32, #tpu.memory_space<hbm>>
    %dma_wait3A_173 = tpu.memref_squeeze %dma_wait3A_172 : memref<128x1x64xf32, #tpu.memory_space<hbm>> -> memref<128x64xf32, #tpu.memory_space<hbm>>
    %dma_wait3A_174 = arith.constant 0 : i32
    %dma_wait3A_175 = arith.constant 0 : i32
    %dma_wait3A_176 = tpu.memref_slice %arg8[%dma_wait3A_162, %dma_wait3A_174, %dma_wait3A_175] : memref<10x128x64xf32, #tpu.memory_space<vmem>> -> memref<1x128x64xf32, #tpu.memory_space<vmem>>
    %dma_wait3A_177 = tpu.memref_squeeze %dma_wait3A_176 : memref<1x128x64xf32, #tpu.memory_space<vmem>> -> memref<128x64xf32, #tpu.memory_space<vmem>>
    tpu.wait_dma2 semaphore(%arg25 : memref<!tpu.dma_semaphore, #tpu.memory_space<semaphore_mem>>) src(%dma_wait3A_177 : memref<128x64xf32, #tpu.memory_space<vmem>>) dst(%dma_wait3A_173 : memref<128x64xf32, #tpu.memory_space<hbm>>)
    %dma_wait3A_178 = arith.constant 7 : i32
    %dma_wait3A_179 = arith.constant 197 : i32
    %dma_wait3A_180 = arith.constant 0 : i32
    %dma_wait3A_181 = arith.constant 0 : i32
    %dma_wait3A_182 = tpu.memref_slice %arg8[%dma_wait3A_178, %dma_wait3A_180, %dma_wait3A_181] : memref<10x128x64xf32, #tpu.memory_space<vmem>> -> memref<1x128x64xf32, #tpu.memory_space<vmem>>
    %dma_wait3A_183 = tpu.memref_squeeze %dma_wait3A_182 : memref<1x128x64xf32, #tpu.memory_space<vmem>> -> memref<128x64xf32, #tpu.memory_space<vmem>>
    %dma_wait3A_184 = arith.constant 0 : i32
    %dma_wait3A_185 = tpu.memref_slice %arg5[%mul3A_2, %dma_wait3A_179, %dma_wait3A_184] : memref<4096x200x64xf32, #tpu.memory_space<hbm>> -> memref<128x1x64xf32, #tpu.memory_space<hbm>>
    %dma_wait3A_186 = tpu.memref_squeeze %dma_wait3A_185 : memref<128x1x64xf32, #tpu.memory_space<hbm>> -> memref<128x64xf32, #tpu.memory_space<hbm>>
    %dma_wait3A_187 = arith.constant 0 : i32
    %dma_wait3A_188 = tpu.memref_slice %arg5[%mul3A_2, %dma_wait3A_179, %dma_wait3A_187] : memref<4096x200x64xf32, #tpu.memory_space<hbm>> -> memref<128x1x64xf32, #tpu.memory_space<hbm>>
    %dma_wait3A_189 = tpu.memref_squeeze %dma_wait3A_188 : memref<128x1x64xf32, #tpu.memory_space<hbm>> -> memref<128x64xf32, #tpu.memory_space<hbm>>
    %dma_wait3A_190 = arith.constant 0 : i32
    %dma_wait3A_191 = arith.constant 0 : i32
    %dma_wait3A_192 = tpu.memref_slice %arg8[%dma_wait3A_178, %dma_wait3A_190, %dma_wait3A_191] : memref<10x128x64xf32, #tpu.memory_space<vmem>> -> memref<1x128x64xf32, #tpu.memory_space<vmem>>
    %dma_wait3A_193 = tpu.memref_squeeze %dma_wait3A_192 : memref<1x128x64xf32, #tpu.memory_space<vmem>> -> memref<128x64xf32, #tpu.memory_space<vmem>>
    tpu.wait_dma2 semaphore(%arg26 : memref<!tpu.dma_semaphore, #tpu.memory_space<semaphore_mem>>) src(%dma_wait3A_193 : memref<128x64xf32, #tpu.memory_space<vmem>>) dst(%dma_wait3A_189 : memref<128x64xf32, #tpu.memory_space<hbm>>)
    %dma_wait3A_194 = arith.constant 8 : i32
    %dma_wait3A_195 = arith.constant 198 : i32
    %dma_wait3A_196 = arith.constant 0 : i32
    %dma_wait3A_197 = arith.constant 0 : i32
    %dma_wait3A_198 = tpu.memref_slice %arg8[%dma_wait3A_194, %dma_wait3A_196, %dma_wait3A_197] : memref<10x128x64xf32, #tpu.memory_space<vmem>> -> memref<1x128x64xf32, #tpu.memory_space<vmem>>
    %dma_wait3A_199 = tpu.memref_squeeze %dma_wait3A_198 : memref<1x128x64xf32, #tpu.memory_space<vmem>> -> memref<128x64xf32, #tpu.memory_space<vmem>>
    %dma_wait3A_200 = arith.constant 0 : i32
    %dma_wait3A_201 = tpu.memref_slice %arg5[%mul3A_2, %dma_wait3A_195, %dma_wait3A_200] : memref<4096x200x64xf32, #tpu.memory_space<hbm>> -> memref<128x1x64xf32, #tpu.memory_space<hbm>>
    %dma_wait3A_202 = tpu.memref_squeeze %dma_wait3A_201 : memref<128x1x64xf32, #tpu.memory_space<hbm>> -> memref<128x64xf32, #tpu.memory_space<hbm>>
    %dma_wait3A_203 = arith.constant 0 : i32
    %dma_wait3A_204 = tpu.memref_slice %arg5[%mul3A_2, %dma_wait3A_195, %dma_wait3A_203] : memref<4096x200x64xf32, #tpu.memory_space<hbm>> -> memref<128x1x64xf32, #tpu.memory_space<hbm>>
    %dma_wait3A_205 = tpu.memref_squeeze %dma_wait3A_204 : memref<128x1x64xf32, #tpu.memory_space<hbm>> -> memref<128x64xf32, #tpu.memory_space<hbm>>
    %dma_wait3A_206 = arith.constant 0 : i32
    %dma_wait3A_207 = arith.constant 0 : i32
    %dma_wait3A_208 = tpu.memref_slice %arg8[%dma_wait3A_194, %dma_wait3A_206, %dma_wait3A_207] : memref<10x128x64xf32, #tpu.memory_space<vmem>> -> memref<1x128x64xf32, #tpu.memory_space<vmem>>
    %dma_wait3A_209 = tpu.memref_squeeze %dma_wait3A_208 : memref<1x128x64xf32, #tpu.memory_space<vmem>> -> memref<128x64xf32, #tpu.memory_space<vmem>>
    tpu.wait_dma2 semaphore(%arg27 : memref<!tpu.dma_semaphore, #tpu.memory_space<semaphore_mem>>) src(%dma_wait3A_209 : memref<128x64xf32, #tpu.memory_space<vmem>>) dst(%dma_wait3A_205 : memref<128x64xf32, #tpu.memory_space<hbm>>)
    %dma_wait3A_210 = arith.constant 9 : i32
    %dma_wait3A_211 = arith.constant 199 : i32
    %dma_wait3A_212 = arith.constant 0 : i32
    %dma_wait3A_213 = arith.constant 0 : i32
    %dma_wait3A_214 = tpu.memref_slice %arg8[%dma_wait3A_210, %dma_wait3A_212, %dma_wait3A_213] : memref<10x128x64xf32, #tpu.memory_space<vmem>> -> memref<1x128x64xf32, #tpu.memory_space<vmem>>
    %dma_wait3A_215 = tpu.memref_squeeze %dma_wait3A_214 : memref<1x128x64xf32, #tpu.memory_space<vmem>> -> memref<128x64xf32, #tpu.memory_space<vmem>>
    %dma_wait3A_216 = arith.constant 0 : i32
    %dma_wait3A_217 = tpu.memref_slice %arg5[%mul3A_2, %dma_wait3A_211, %dma_wait3A_216] : memref<4096x200x64xf32, #tpu.memory_space<hbm>> -> memref<128x1x64xf32, #tpu.memory_space<hbm>>
    %dma_wait3A_218 = tpu.memref_squeeze %dma_wait3A_217 : memref<128x1x64xf32, #tpu.memory_space<hbm>> -> memref<128x64xf32, #tpu.memory_space<hbm>>
    %dma_wait3A_219 = arith.constant 0 : i32
    %dma_wait3A_220 = tpu.memref_slice %arg5[%mul3A_2, %dma_wait3A_211, %dma_wait3A_219] : memref<4096x200x64xf32, #tpu.memory_space<hbm>> -> memref<128x1x64xf32, #tpu.memory_space<hbm>>
    %dma_wait3A_221 = tpu.memref_squeeze %dma_wait3A_220 : memref<128x1x64xf32, #tpu.memory_space<hbm>> -> memref<128x64xf32, #tpu.memory_space<hbm>>
    %dma_wait3A_222 = arith.constant 0 : i32
    %dma_wait3A_223 = arith.constant 0 : i32
    %dma_wait3A_224 = tpu.memref_slice %arg8[%dma_wait3A_210, %dma_wait3A_222, %dma_wait3A_223] : memref<10x128x64xf32, #tpu.memory_space<vmem>> -> memref<1x128x64xf32, #tpu.memory_space<vmem>>
    %dma_wait3A_225 = tpu.memref_squeeze %dma_wait3A_224 : memref<1x128x64xf32, #tpu.memory_space<vmem>> -> memref<128x64xf32, #tpu.memory_space<vmem>>
    tpu.wait_dma2 semaphore(%arg28 : memref<!tpu.dma_semaphore, #tpu.memory_space<semaphore_mem>>) src(%dma_wait3A_225 : memref<128x64xf32, #tpu.memory_space<vmem>>) dst(%dma_wait3A_221 : memref<128x64xf32, #tpu.memory_space<hbm>>)
    return
  }
}

</mosaic_0001>

<sc_bundles>
// kernel: _embed_sc.3.cloned.1.call-start
scs
__scs_entry_jumppad:
0x0: {  	(pc) =	sbr.rel $0x88, $3  }
0x1: {  	(tag) =	ssettag $0x0;
	lr =	simm.s32 $0x1  }
0x2: {  	[smem:$0x3F9F] =	sst lr;
	_ =	strace $0xD0000000  }
0x3: {  	_ = 	snop  }
0x4: {  	_ = 	snop  }
0x5: {  	_ = 	snop  }
0x6: {  	_ = 	snop  }
0x7: {  	_ = 	snop  }
__scs_overlays_trampoline_lowered:
0x8: {  	[smem:$0x3FAE] =	sst s0  }
0x9: {  	[smem:$0x3FAF] =	sst s1  }
0xa: {  	[smem:$0x3FB0] =	sst s2  }
0xb: {  	[smem:$0x3FB1] =	sst s3  }
0xc: {  	[smem:$0x3FB2] =	sst s4  }
0xd: {  	[smem:$0x3FB3] =	sst s5  }
0xe: {  	[smem:$0x3FB4] =	sst s6  }
0xf: {  	[smem:$0x3FB5] =	sst s7  }
0x10: {  	[smem:$0x3FB6] =	sst s8  }
0x11: {  	[smem:$0x3FB7] =	sst s9;
	s0 =	simm.s32 @!p0 $0x0  }
0x12: {  	s1 =	sld [smem:$0x3F9D];
	s0 =	simm.s32 @p0 $0x1  }
0x13: {  	[smem:$0x3FB8] =	sst s0;
	s0 =	simm.s32 @!p1 $0x0  }
0x14: {  	s2 =	sld [smem:$0x3F9C];
	s0 =	simm.s32 @p1 $0x1  }
0x15: {  	[smem:$0x3FB9] =	sst s0;
	s0 =	simm.s32 @!p2 $0x0  }
0x16: {  	s3 =	sld [smem:$0x3FDB];
	s0 =	simm.s32 @p2 $0x1  }
0x17: {  	s4 =	simm.s32 $0x1BF5;
	[smem:$0x3FBB] =	sst s0  }
0x18: {  	s0 =	sld [smem:$0x3F9E];
	_ =	swait.ge [sflag:s4], $0x0  }
0x19: {  	s7 =	sld [smem:$0x3F9F]  }
0x1a: {  	s8 =	sadd.s32 $0xFFFFE003, lr  }
0x1b: {  	s9 =	sadd.s32 $0xFFFFFEF7, lr;
	s5 =	simm.s32 $0xFFFFFFFF;
	p2 =	slt.u32 s8, $0xFFFFF086  }
0x1c: {  	p1 =	slt.u32 s9, $0xF7A;
	s5 =	simm.s32 @!p2 $0x0  }
0x1d: {  	s5 =	simm.s32 @p1 $0x1;
	p0 =	seq.s32 s7, s2  }
0x1e: {  	s7 =	smul.u32 @!p0 $0xF7A, s2;
	p2 =	seq.s32 @!p0 s5, $0x0  }
0x1f: {  	s9 =	smul.u32 $0xF7A, s1;
	s8 =	simm.s32 @!p0 $0x1BF5;
	p2 =	por !p2, p0  }
0x20: {  	[sflag:s8] =	ssyncset.s32 @!p0 $0xFFFFF086;
	s6 =	sadd.s32 @!p0 s3, s7;
	s7 =	simm.s32 @!p0 $0x108  }
0x21: {  	s3 =	sadd.s32 s3, s9;
	s6 =	sadd.s32 @!p0 $0x88, s6;
	s7 =	simm.s32 @p2 $0x1082  }
0x22: {  	[simem:s7], [sflag:s8] =	dma.local @!p0 [hbm:s6], $0xF7A  }
0x23: {  	s9 =	sor.u32 $0xD0000000, s2;
	s6 =	simm.s32 $0x108;
	_ =	swait.ge @!p0 [sflag:s8], $0x0  }
0x24: {  	s3 =	sadd.s32 $0x88, s3;
	s6 =	simm.s32 @!p1 $0x1082;
	[sflag:s4] =	ssyncset.s32 $0xFFFFF086  }
0x25: {  	[simem:s6], [sflag:s4] =	dma.local [hbm:s3], $0xF7A  }
0x26: {  	[smem:$0x3F9F] =	sst s1;
	(tag) =	ssettag s2;
	_ =	strace s9  }
0x27: {  	s1 =	sld [smem:$0x3FAF]  }
0x28: {  	s2 =	sld [smem:$0x3FB0]  }
0x29: {  	s4 =	sld [smem:$0x3FB2]  }
0x2a: {  	p0 =	seq.s32 s5, $0x0;
	s5 =	sld [smem:$0x3FB3]  }
0x2b: {  	s6 =	sld [smem:$0x3FB4]  }
0x2c: {  	s7 =	sld [smem:$0x3FB5]  }
0x2d: {  	s3 =	simm.s32 $0x108;
	s8 =	sld [smem:$0x3FB6]  }
0x2e: {  	s3 =	simm.s32 @!p0 $0x1082;
	s9 =	sld [smem:$0x3FB7]  }
0x2f: {  	lr =	sadd.s32 s0, s3;
	s0 =	sld [smem:$0x3FAE]  }
0x30: {  	s3 =	sld [smem:$0x3FB1]  }
0x31: {  	[smem:$0x3FBA] =	sst s10  }
0x32: {  	s10 =	sld [smem:$0x3FB8];
	_ =	sdelay $0x3  }
0x33: {  	p0 =	seq.s32 s10, $0x1;
	s10 =	sld [smem:$0x3FBA];
	_ =	sdelay $0x3  }
0x34: {  	[smem:$0x3FBA] =	sst s10  }
0x35: {  	s10 =	sld [smem:$0x3FB9];
	_ =	sdelay $0x3  }
0x36: {  	p1 =	seq.s32 s10, $0x1;
	s10 =	sld [smem:$0x3FBA];
	_ =	sdelay $0x3  }
0x37: {  	[smem:$0x3FBA] =	sst s10  }
0x38: {  	s10 =	sld [smem:$0x3FBB]  }
0x39: {  	_ = 	snop;
	(pc) =	sbr.ind lr, $3  }
0x3a: {  	_ = 	snop  }
0x3b: {  	_ = 	snop  }
0x3c: {  	p2 =	seq.s32 s10, $0x1;
	s10 =	sld [smem:$0x3FBA]  }
0x3d: {  	_ =	shalt  }
0x3e: {  	_ =	shalt  }
0x3f: {  	_ =	shalt  }
0x40: {  	_ =	shalt  }
0x41: {  	_ =	shalt  }
0x42: {  	_ =	shalt  }
0x43: {  	_ =	shalt  }
0x44: {  	_ =	shalt  }
0x45: {  	_ =	shalt  }
0x46: {  	_ =	shalt  }
0x47: {  	_ =	shalt  }
0x48: {  	_ =	shalt  }
0x49: {  	_ =	shalt  }
0x4a: {  	_ =	shalt  }
0x4b: {  	_ =	shalt  }
0x4c: {  	_ =	shalt  }
0x4d: {  	_ =	shalt  }
0x4e: {  	_ =	shalt  }
0x4f: {  	_ =	shalt  }
0x50: {  	_ =	shalt  }
0x51: {  	_ =	shalt  }
0x52: {  	_ =	shalt  }
0x53: {  	_ =	shalt  }
0x54: {  	_ =	shalt  }
0x55: {  	_ =	shalt  }
0x56: {  	_ =	shalt  }
0x57: {  	_ =	shalt  }
0x58: {  	_ =	shalt  }
0x59: {  	_ =	shalt  }
0x5a: {  	_ =	shalt  }
0x5b: {  	_ =	shalt  }
0x5c: {  	_ =	shalt  }
0x5d: {  	_ =	shalt  }
0x5e: {  	_ =	shalt  }
0x5f: {  	_ =	shalt  }
0x60: {  	_ =	shalt  }
0x61: {  	_ =	shalt  }
0x62: {  	_ =	shalt  }
0x63: {  	_ =	shalt  }
0x64: {  	_ =	shalt  }
0x65: {  	_ =	shalt  }
0x66: {  	_ =	shalt  }
0x67: {  	_ =	shalt  }
0x68: {  	_ =	shalt  }
0x69: {  	_ =	shalt  }
0x6a: {  	_ =	shalt  }
0x6b: {  	_ =	shalt  }
0x6c: {  	_ =	shalt  }
0x6d: {  	_ =	shalt  }
0x6e: {  	_ =	shalt  }
0x6f: {  	_ =	shalt  }
0x70: {  	_ =	shalt  }
0x71: {  	_ =	shalt  }
0x72: {  	_ =	shalt  }
0x73: {  	_ =	shalt  }
0x74: {  	_ =	shalt  }
0x75: {  	_ =	shalt  }
0x76: {  	_ =	shalt  }
0x77: {  	_ =	shalt  }
0x78: {  	_ =	shalt  }
0x79: {  	_ =	shalt  }
0x7a: {  	_ =	shalt  }
0x7b: {  	_ =	shalt  }
0x7c: {  	_ =	shalt  }
0x7d: {  	_ =	shalt  }
0x7e: {  	_ =	shalt  }
0x7f: {  	_ =	shalt  }
0x80: {  	_ =	shalt  }
0x81: {  	_ =	shalt  }
0x82: {  	_ =	shalt  }
0x83: {  	_ =	shalt  }
0x84: {  	_ =	shalt  }
0x85: {  	_ =	shalt  }
0x86: {  	_ =	shalt  }
0x87: {  	_ =	shalt  }
.Lfunc_end0:
.L_simem_size_0:
called_computation.1_lowered:
.L_overlay_start_0:
0x88: {  	s2 =	sld [smem:$0x3FD9]  }
0x89: {  	s3 =	sld [smem:$0x3FFE];
	_ =	sdelay $0x1  }
0x8a: {  	s1 =	srdreg.scid  }
0x8b: {  	s0 =	sand.u32 $0x1, s1  }
0x8c: {  	s17 =	sshll.u32 s0, $0xA;
	s2 =	sadd.s32 s3, s2  }
0x8d: {  	s2 =	sadd.s32 s2, s17  }
0x8e: {  	[smem:$0x3FC6] =	sst s2  }
0x8f: {  	_ = 	snop  }
0x90: {  	s2 =	sld [smem:$0x3FD0];
	(tm) =	ssettm $0x1  }
0x91: {  	s18 =	sld [smem:$0x3FFB];
	_ =	sdelay $0x3  }
0x92: {  	_ =	strace s18  }
0x93: {  	s3 =	sld [smem:$0x3FFC];
	_ =	sdelay $0x3  }
0x94: {  	_ =	strace s3  }
0x95: {  	s3 =	sld [smem:$0x3FFD];
	_ =	sdelay $0x3  }
0x96: {  	_ =	strace s3  }
0x97: {  	_ =	strace $0x8FFFFFFF  }
0x98: {  	s19 =	sld [smem:$0x3FDB];
	_ =	sdelay $0x1  }
0x99: {  	s4 =	simm.s32 $_scs_section_size  }
0x9a: {  	s5 =	simm.s32 $_size__tile_overlayer_lowered;
	s6 =	simm.s32 $_tile_overlayer_lowered  }
0x9b: {  	s22 =	simm.s32 $0x1BFF;
	s21 =	sshll.u32 s6, $0x1;
	s3 =	sadd.s32 s4, s19  }
0x9c: {  	s7 =	simm.s32 $0x0;
	s20 =	sshll.u32 s5, $0x1;
	s5 =	sadd.s32 s21, s3  }
0x9d: {  	[timem:s7], [sflag:s22] =	dma.local [hbm:s5], s20  }
0x9e: {  	_ =	swait.ge [sflag:s22], s20  }
0x9f: {  	s4 =	ssub.s32 $0x0, s20;
	[sflag:s22] =	ssyncset.done $0x0  }
0xa0: {  	[sflag:s22] =	ssyncadd.s32 s4;
	_ =	sdelay $0x1  }
0xa1: {  	s23 =	simm.s32 $0x1B8B  }
0xa2: {  	_ =	swait.ge [sflag:s23], $0x1  }
0xa3: {  	[sflag:s23] =	ssyncset.done $0x0  }
0xa4: {  	s25 =	simm.s32 $0x1B8E;
	s24 =	sld [smem:$0x3FFE];
	[sflag:s23] =	ssyncadd.s32 $0xFFFFFFFF  }
0xa5: {  	s26 =	simm.s32 $execute0_lowered;
	[smem:$0x3FD2] =	sst s25  }
0xa6: {  	s5 =	sshll.u32 s26, $0x1;
	_ =	strace $0x80000046;
	[dreg:$0x1] =	wrdreg $0xFFFFFFFF  }
0xa7: {  	s28 =	simm.s32 $_size_execute0_lowered;
	s3 =	sadd.s32 s3, s5;
	[dreg:$0x0] =	wrdreg $0x0  }
0xa8: {  	s5 =	sshll.u32 s28, $0x1;
	[dreg:$0x2] =	wrdreg s3  }
0xa9: {  	[dreg:$0x3] =	wrdreg s5  }
0xaa: {  	[dreg:$0x4] =	wrdreg $0xC0  }
0xab: {  	_ =	task [dreg:s7], $0x5FFFF  }
0xac: {  	[dreg:$0x1] =	wrdreg $0xFFFFFFFF  }
0xad: {  	[dreg:$0x0] =	wrdreg $0x60  }
0xae: {  	[dreg:$0x2] =	wrdreg s24  }
0xaf: {  	[dreg:$0x3] =	wrdreg s2  }
0xb0: {  	[dreg:$0x4] =	wrdreg $0x9  }
0xb1: {  	_ =	task.clear_ibuf [dreg:s7], $0x5FFFF;
	_ =	strace $0x90000046  }
0xb2: {  	s29 =	simm.s32 $0x9;
	_ =	strace $0x80000048  }
0xb3: {  	_ =	swait.ge [sflag:s29], $0x1  }
0xb4: {  	[sflag:s29] =	ssyncadd.s32 $0xFFFFFFFF  }
0xb5: {  	_ =	strace $0x90000048  }
0xb6: {  	_ =	sfence  }
0xb7: {  	s30 =	sld [smem:$0x0];
	_ =	sdelay $0x2  }
0xb8: {  	s31 =	sshll.u32 s1, $0xD;
	s1 =	sshrl.u32 s1, $0x2  }
0xb9: {  	s3 =	sand.u32 $0x4000, s31;
	s1 =	sadd.s32 s1, s30  }
0xba: {  	s0 =	sor.u32 s3, s0;
	s1 =	sshll.u32 s1, $0x11  }
0xbb: {  	s0 =	sor.u32 s1, s0  }
0xbc: {  	s0 =	sadd.s32 $0x8F2B, s0  }
0xbd: {  	[sflag:s0] =	ssyncadd.remote.s32 $0x1  }
0xbe: {  	_ =	sfence.sel $0xFFFF  }
0xbf: {  	[dreg:$0x0] =	wrdreg $0xFFFFFFFF;
	(pc) =	sbr.abs _section_cstart, $3  }
0xc0: {  	[dreg:$0x1] =	wrdreg $0xFFFFFFFF  }
0xc1: {  	_ =	task.clear_ibuf [dreg:s7], $0x2FFFF;
	_ =	strace $0x9FFFFFFF  }
0xc2: {  	(tm) =	ssettm $0x7FFFFFFF  }
0xc3: {  	_ =	shalt  }
tec
execute0_lowered:
.L_overlay_start_1:
0x0: {  	(tag) =	ssettag $0x1  }
0x1: {  	s0 =	rddreg [dreg:$0x0]  }
0x2: {  	s2 =	rddreg [dreg:$0x1]  }
0x3: {  	s1 =	srdreg.scid;
	s3 =	stileid.u32  }
0x4: {  	s5 =	simm.s32 $0x0;
	s9 =	simm.s32 $0x80;
	s20 =	simm.s32 $0x13600  }
0x5: {  	s22 =	simm.s32 $0x1;
	s23 =	simm.s32 $0x40;
	s28 =	simm.s32 $0x17600  }
0x6: {  	s29 =	simm.s32 $0x3;
	s30 =	simm.s32 $0x19600;
	s31 =	simm.s32 $0x4  }
0x7: {  	s10 =	simm.s32 $0x6;
	s12 =	simm.s32 $0x7;
	s15 =	simm.s32 $0x8  }
0x8: {  	s17 =	simm.s32 $0x9;
	s19 =	simm.s32 $0xA;
	s1 =	sand.u32 $0x1, s1  }
0x9: {  	s3 =	sshll.u32 s3, $0x8;
	s4 =	sshll.u32 s1, $0x7;
	s1 =	ssub.s32 $0x2, s1  }
0xa: {  	[smem:$0x7FF] =	sst s5;
	s3 =	sor.u32 s4, s3;
	s6 =	sshrl.u32 s1, $0x1  }
0xb: {  	_ =	strace $0x80000047;
	s4 =	sshrl.u32 s3, $0x3;
	s25 =	ssub.s32 s1, s6  }
0xc: {  	s7 =	smul.u32 $0x3200, s3;
	s1 =	simm.s32 $0x5;
	s6 =	simm.s32 $0x0  }
0xd: {  	s24 =	sadd.s32 s4, s0;
	s4 =	sadd.s32 $0xF43000, s0;
	s0 =	sadd.s32 $0x400, s0  }
0xe: {  	[dreg:$0x3] =	wrdreg s0;
	s26 =	sadd.s32 $0xC00, s24;
	s0 =	smax.u32 s25, $0x1  }
0xf: {  	s24 =	simm.s32 $0x3200;
	s25 =	simm.s32 $0x15600;
	[dreg:$0x4] =	wrdreg s26  }
0x10: {  	[dreg:$0x5] =	wrdreg s0;
	s26 =	simm.s32 $0x2;
	s0 =	simm.s32 $0x1B600  }
.LBB2_1:
0x11: {  	[dreg:$0x6] =	wrdreg s6;
	s3 =	simm.s32 $0x0  }
0x12: {  	s5 =	rddreg [dreg:$0x4];
	s16 =	simm.s32 $0x1000;
	s18 =	simm.s32 $0x15  }
0x13: {  	[tilespmem:s3], [sflag:$0x15] =	stream.strided.gather [hbm4b:s5+s9], $0x6400, s16, s9, $0x38;
	[tilespmem:$0x1D600] =	vst v63  }
0x14: {  	_ =	swait.ge [sflag:s18], $0x6400  }
0x15: {  	[sflag:s18] =	ssyncset.done $0x0  }
0x16: {  	s8 =	simm.s32 $0x6400;
	s21 =	rddreg [dreg:$0x3];
	[sflag:s18] =	ssyncadd.s32 $0xFFFF9C00  }
0x17: {  	[tilespmem:s8], [sflag:$0x15] =	stream.linear.gather [hbm4b:s21+s3], $0x3200, $0x38;
	[tilespmem:$0x1D600] =	vst v63  }
0x18: {  	_ =	swait.ge [sflag:s18], $0x3200  }
0x19: {  	[sflag:s18] =	ssyncset.done $0x0  }
0x1a: {  	s6 =	simm.s32 $0x9600;
	[sflag:s18] =	ssyncadd.s32 $0xFFFFCE00  }
0x1b: {  	[tilespmem:s6], [sflag:$0x1] =	stream.indirect.gather [hbm4b:s4+s9], $0x40, s3, s9, $0xb8;
	[tilespmem:$0x1D600] =	vst v63  }
0x1c: {  	s8 =	simm.s32 $0xB600  }
0x1d: {  	[tilespmem:s8], [sflag:$0x2] =	stream.indirect.gather [hbm4b:s4+s9], $0x40, s9, s9, $0xb8;
	[tilespmem:$0x1D600] =	vst v63  }
0x1e: {  	s11 =	simm.s32 $0x100;
	s13 =	simm.s32 $0xD600  }
0x1f: {  	[tilespmem:s13], [sflag:$0x3] =	stream.indirect.gather [hbm4b:s4+s9], $0x40, s11, s9, $0xb8;
	[tilespmem:$0x1D600] =	vst v63  }
0x20: {  	s14 =	simm.s32 $0x180;
	s16 =	simm.s32 $0xF600  }
0x21: {  	[tilespmem:s16], [sflag:$0x4] =	stream.indirect.gather [hbm4b:s4+s9], $0x40, s14, s9, $0xb8;
	[tilespmem:$0x1D600] =	vst v63  }
0x22: {  	s21 =	simm.s32 $0x11600;
	s18 =	simm.s32 $0x200;
	s3 =	simm.s32 $0x0  }
0x23: {  	[tilespmem:s21], [sflag:$0x5] =	stream.indirect.gather [hbm4b:s4+s9], $0x40, s18, s9, $0xb8;
	[tilespmem:$0x1D600] =	vst v63  }
.LBB2_2:
0x24: {  	s13 =	smul.u32 $0xA, s3;
	p0 =	seq.s32 s3, $0x0  }
0x25: {  	s6 =	simm.s32 @!p0 $0x10  }
0x26: {  	s5 =	sadd.s32 $0x5, s13;
	_ =	swait.ge @!p0 [sflag:s6], $0x2000  }
0x27: {  	[sflag:s6] =	ssyncset.done @!p0 $0x0;
	s8 =	sshll.u32 s5, $0x7  }
0x28: {  	[sflag:s6] =	ssyncadd.s32 @!p0 $0xFFFFE000;
	s21 =	sand.u32 $0x3FFFFF80, s8  }
0x29: {  	[tilespmem:s20], [sflag:$0x6] =	stream.indirect.gather [hbm4b:s4+s9], $0x40, s21, s9, $0xb8;
	[tilespmem:$0x1D600] =	vst v63  }
0x2a: {  	_ =	swait.ge [sflag:s22], $0x2000  }
0x2b: {  	s14 =	smul.u32 $0x280, s3;
	[sflag:s22] =	ssyncset.done $0x0  }
0x2c: {  	[sflag:s22] =	ssyncadd.s32 $0xFFFFE000  }
0x2d: {  	v3 =	vld [tilespmem:s14+$0x6400]  }
0x2e: {  	v2 =	vld [tilespmem:s14+$0x6410]  }
0x2f: {  	v1 =	vld [tilespmem:s14+$0x6420]  }
0x30: {  	s6 =	simm.s32 $0x9680;
	v0 =	vld [tilespmem:s14+$0x6430]  }
0x31: {  	v4 =	vld [tilespmem:s6+$0xFFFFFF80]  }
0x32: {  	v5 =	vld [tilespmem:s6+$0xFFFFFF90]  }
0x33: {  	v6 =	vld [tilespmem:s6+$0xFFFFFFA0]  }
0x34: {  	v7 =	vld [tilespmem:s6+$0xFFFFFFB0]  }
0x35: {  	v8 =	vld [tilespmem:s6+$0xFFFFFFC0]  }
0x36: {  	v9 =	vld [tilespmem:s6+$0xFFFFFFD0];
	v4 =	vmul.f32 $8.000000000e+00, v4  }
0x37: {  	v10 =	vld [tilespmem:s6+$0xFFFFFFE0];
	v5 =	vmul.f32 $8.000000000e+00, v5  }
0x38: {  	v11 =	vld [tilespmem:s6+$0x0];
	v6 =	vmul.f32 $8.000000000e+00, v6;
	v4 =	vadd.f32 v4, v3  }
0x39: {  	v12 =	vld [tilespmem:s6+$0x10];
	v7 =	vmul.f32 $8.000000000e+00, v7;
	v5 =	vadd.f32 v5, v2  }
0x3a: {  	[tilespmem:s6+$0xFFFFFF80] =	vst v4;
	v4 =	vadd.f32 v6, v1;
	v6 =	vmul.f32 $8.000000000e+00, v8;
	v8 =	vld [tilespmem:s6+$0x20]  }
0x3b: {  	v13 =	vld [tilespmem:s6+$0x30];
	[tilespmem:s6+$0xFFFFFF90] =	vst v5;
	v5 =	vadd.f32 v7, v0;
	v7 =	vmul.f32 $8.000000000e+00, v9  }
0x3c: {  	v9 =	vmul.f32 $8.000000000e+00, v10;
	[tilespmem:s6+$0xFFFFFFA0] =	vst v4;
	v6 =	vadd.f32 v6, v3;
	v4 =	vld [tilespmem:s6+$0x40]  }
0x3d: {  	v10 =	vmul.f32 $8.000000000e+00, v11;
	[tilespmem:s6+$0xFFFFFFB0] =	vst v5;
	v7 =	vadd.f32 v7, v2;
	v5 =	vld [tilespmem:s6+$0x50]  }
0x3e: {  	v12 =	vmul.f32 $8.000000000e+00, v12;
	v11 =	vadd.f32 v9, v1;
	[tilespmem:s6+$0xFFFFFFC0] =	vst v6;
	v6 =	vld [tilespmem:s6+$0x60]  }
0x3f: {  	v9 =	vadd.f32 v10, v3;
	[tilespmem:s6+$0xFFFFFFD0] =	vst v7;
	v7 =	vld [tilespmem:s6+$0x70];
	v10 =	vmul.f32 $8.000000000e+00, v8  }
0x40: {  	s11 =	simm.s32 $0x9780;
	s8 =	simm.s32 $0x0;
	[tilespmem:s6+$0xFFFFFFE0] =	vst v11;
	v11 =	vadd.f32 v12, v2;
	v12 =	vmul.f32 $8.000000000e+00, v13;
	v8 =	vld [tilespmem:s6+$0xFFFFFFF0]  }
.LBB2_3:
0x41: {  	v13 =	vld [tilespmem:s11+$0xFFFFFF80];
	[tilespmem:s6+$0x0] =	vst v9;
	v9 =	vadd.f32 v10, v1;
	v4 =	vmul.f32 $8.000000000e+00, v4  }
0x42: {  	v10 =	vld [tilespmem:s11+$0xFFFFFF90];
	[tilespmem:s6+$0x10] =	vst v11;
	v11 =	vadd.f32 v12, v0;
	v5 =	vmul.f32 $8.000000000e+00, v5  }
0x43: {  	v12 =	vld [tilespmem:s11+$0xFFFFFFA0];
	[tilespmem:s6+$0x20] =	vst v9;
	v4 =	vadd.f32 v4, v3;
	v6 =	vmul.f32 $8.000000000e+00, v6  }
0x44: {  	v9 =	vld [tilespmem:s11+$0xFFFFFFB0];
	[tilespmem:s6+$0x30] =	vst v11;
	v5 =	vadd.f32 v5, v2;
	v7 =	vmul.f32 $8.000000000e+00, v7  }
0x45: {  	v11 =	vld [tilespmem:s11+$0xFFFFFFC0];
	v8 =	vmul.f32 $8.000000000e+00, v8;
	[tilespmem:s6+$0x40] =	vst v4;
	v4 =	vadd.f32 v6, v1  }
0x46: {  	v6 =	vmul.f32 $8.000000000e+00, v13;
	v13 =	vld [tilespmem:s11+$0xFFFFFFD0];
	[tilespmem:s6+$0x50] =	vst v5;
	v5 =	vadd.f32 v7, v0  }
0x47: {  	v7 =	vmul.f32 $8.000000000e+00, v10;
	v10 =	vld [tilespmem:s11+$0xFFFFFFE0];
	v8 =	vadd.f32 v8, v0;
	[tilespmem:s6+$0x60] =	vst v4  }
0x48: {  	v4 =	vadd.f32 v6, v3;
	v6 =	vmul.f32 $8.000000000e+00, v12;
	v12 =	vld [tilespmem:s11+$0x0];
	[tilespmem:s6+$0x70] =	vst v5  }
0x49: {  	v5 =	vadd.f32 v7, v2;
	v7 =	vmul.f32 $8.000000000e+00, v9;
	v9 =	vld [tilespmem:s11+$0x10];
	[tilespmem:s6+$0xFFFFFFF0] =	vst v8;
	s6 =	smov.u32 s11  }
0x4a: {  	s8 =	sadd.s32 $0x4, s8;
	[tilespmem:s11+$0xFFFFFF80] =	vst v4;
	v4 =	vadd.f32 v6, v1;
	v6 =	vmul.f32 $8.000000000e+00, v11;
	v8 =	vld [tilespmem:s11+$0x20]  }
0x4b: {  	p1 =	slt.u32 s8, $0x7C;
	[tilespmem:s11+$0xFFFFFF90] =	vst v5;
	v5 =	vadd.f32 v7, v0;
	v7 =	vmul.f32 $8.000000000e+00, v13;
	v13 =	vld [tilespmem:s11+$0x30]  }
.Ltmp0:
0x4c: {  	[tilespmem:s11+$0xFFFFFFA0] =	vst v4;
	v6 =	vadd.f32 v6, v3;
	v10 =	vmul.f32 $8.000000000e+00, v10;
	v4 =	vld [tilespmem:s11+$0x40];
	(pc) =	sbr.rel @p1 .LBB2_3-.Ltmp0, $4  }
0x4d: {  	[tilespmem:s11+$0xFFFFFFB0] =	vst v5;
	v7 =	vadd.f32 v7, v2;
	v11 =	vmul.f32 $8.000000000e+00, v12;
	v5 =	vld [tilespmem:s11+$0x50]  }
0x4e: {  	[tilespmem:s11+$0xFFFFFFC0] =	vst v6;
	v12 =	vadd.f32 v10, v1;
	v14 =	vmul.f32 $8.000000000e+00, v9;
	v6 =	vld [tilespmem:s11+$0x60]  }
0x4f: {  	[tilespmem:s11+$0xFFFFFFD0] =	vst v7;
	v9 =	vadd.f32 v11, v3;
	v10 =	vmul.f32 $8.000000000e+00, v8;
	v7 =	vld [tilespmem:s11+$0x70]  }
0x50: {  	s11 =	sadd.s32 $0x100, s11;
	[tilespmem:s6+$0xFFFFFFE0] =	vst v12;
	v8 =	vld [tilespmem:s6+$0xFFFFFFF0];
	v11 =	vadd.f32 v14, v2;
	v12 =	vmul.f32 $8.000000000e+00, v13  }
0x51: {  	[tilespmem:s6+$0x0] =	vst v9;
	v9 =	vadd.f32 v10, v1;
	v4 =	vmul.f32 $8.000000000e+00, v4  }
0x52: {  	[tilespmem:s6+$0x10] =	vst v11;
	v10 =	vadd.f32 v12, v0;
	v5 =	vmul.f32 $8.000000000e+00, v5  }
0x53: {  	[tilespmem:s6+$0x20] =	vst v9;
	v3 =	vadd.f32 v4, v3;
	v4 =	vmul.f32 $8.000000000e+00, v6  }
0x54: {  	[tilespmem:s6+$0x30] =	vst v10;
	v2 =	vadd.f32 v5, v2;
	v5 =	vmul.f32 $8.000000000e+00, v7  }
0x55: {  	v6 =	vmul.f32 $8.000000000e+00, v8;
	[tilespmem:s6+$0x40] =	vst v3;
	v1 =	vadd.f32 v4, v1  }
0x56: {  	[tilespmem:s6+$0x50] =	vst v2;
	v2 =	vadd.f32 v5, v0  }
0x57: {  	s8 =	sor.u32 s7, s14;
	v0 =	vadd.f32 v6, v0;
	[tilespmem:s6+$0x60] =	vst v1  }
0x58: {  	s8 =	sshrl.u32 s8, $0x3;
	[tilespmem:s6+$0x70] =	vst v2  }
0x59: {  	s20 =	simm.s32 $0x9600;
	s18 =	sadd.s32 s2, s8;
	s8 =	simm.s32 @!p0 $0x11;
	[tilespmem:s6+$0xFFFFFFF0] =	vst v0  }
0x5a: {  	[hbm4b:s18+s23] =	stream.strided.scatter [tilespmem:s20], [sflag:$0xB], $0x2000, s24, s23, $0x38;
	[tilespmem:$0x1D600] =	vst v63  }
0x5b: {  	s6 =	sadd.s32 $0x6, s13;
	_ =	swait.ge @!p0 [sflag:s8], $0x2000  }
0x5c: {  	s11 =	sshll.u32 s6, $0x7;
	[sflag:s8] =	ssyncset.done @!p0 $0x0  }
0x5d: {  	s21 =	sand.u32 $0x3FFFFF80, s11;
	[sflag:s8] =	ssyncadd.s32 @!p0 $0xFFFFE000  }
0x5e: {  	[tilespmem:s25], [sflag:$0x7] =	stream.indirect.gather [hbm4b:s4+s9], $0x40, s21, s9, $0xb8;
	[tilespmem:$0x1D600] =	vst v63  }
0x5f: {  	_ =	swait.ge [sflag:s26], $0x2000  }
0x60: {  	[sflag:s26] =	ssyncset.done $0x0  }
0x61: {  	[sflag:s26] =	ssyncadd.s32 $0xFFFFE000  }
0x62: {  	v3 =	vld [tilespmem:s14+$0x6440]  }
0x63: {  	v2 =	vld [tilespmem:s14+$0x6450]  }
0x64: {  	v0 =	vld [tilespmem:s14+$0x6460]  }
0x65: {  	s8 =	simm.s32 $0xB6F0;
	v1 =	vld [tilespmem:s14+$0x6470]  }
0x66: {  	v4 =	vld [tilespmem:s8+$0xFFFFFF10]  }
0x67: {  	v5 =	vld [tilespmem:s8+$0xFFFFFF20]  }
0x68: {  	v6 =	vld [tilespmem:s8+$0xFFFFFF30]  }
0x69: {  	v7 =	vld [tilespmem:s8+$0xFFFFFF40]  }
0x6a: {  	v8 =	vld [tilespmem:s8+$0xFFFFFF50]  }
0x6b: {  	v9 =	vld [tilespmem:s8+$0xFFFFFF60];
	v4 =	vmul.f32 $8.000000000e+00, v4  }
0x6c: {  	v10 =	vld [tilespmem:s8+$0xFFFFFF70];
	v5 =	vmul.f32 $8.000000000e+00, v5  }
0x6d: {  	v11 =	vld [tilespmem:s8+$0xFFFFFF80];
	v6 =	vmul.f32 $8.000000000e+00, v6;
	v4 =	vadd.f32 v4, v3  }
0x6e: {  	v12 =	vld [tilespmem:s8+$0xFFFFFF90];
	v7 =	vmul.f32 $8.000000000e+00, v7;
	v5 =	vadd.f32 v5, v2  }
0x6f: {  	[tilespmem:s8+$0xFFFFFF10] =	vst v4;
	v4 =	vadd.f32 v6, v0;
	v6 =	vmul.f32 $8.000000000e+00, v8;
	v8 =	vld [tilespmem:s8+$0xFFFFFFA0]  }
0x70: {  	v13 =	vld [tilespmem:s8+$0xFFFFFFB0];
	[tilespmem:s8+$0xFFFFFF20] =	vst v5;
	v5 =	vadd.f32 v7, v1;
	v7 =	vmul.f32 $8.000000000e+00, v9  }
0x71: {  	v9 =	vmul.f32 $8.000000000e+00, v10;
	[tilespmem:s8+$0xFFFFFF30] =	vst v4;
	v6 =	vadd.f32 v6, v3;
	v4 =	vld [tilespmem:s8+$0xFFFFFFC0]  }
0x72: {  	v10 =	vmul.f32 $8.000000000e+00, v11;
	[tilespmem:s8+$0xFFFFFF40] =	vst v5;
	v7 =	vadd.f32 v7, v2;
	v5 =	vld [tilespmem:s8+$0xFFFFFFD0]  }
0x73: {  	v12 =	vmul.f32 $8.000000000e+00, v12;
	v11 =	vadd.f32 v9, v0;
	[tilespmem:s8+$0xFFFFFF50] =	vst v6;
	v6 =	vld [tilespmem:s8+$0xFFFFFFE0]  }
0x74: {  	v9 =	vadd.f32 v10, v1;
	[tilespmem:s8+$0xFFFFFF60] =	vst v7;
	v7 =	vld [tilespmem:s8+$0x0];
	v10 =	vmul.f32 $8.000000000e+00, v8  }
0x75: {  	s16 =	simm.s32 $0x0;
	s18 =	simm.s32 $0xB7F0;
	s11 =	sor.u32 $0x40, s14;
	[tilespmem:s8+$0xFFFFFF70] =	vst v11;
	v11 =	vadd.f32 v12, v3;
	v12 =	vmul.f32 $8.000000000e+00, v13;
	v8 =	vld [tilespmem:s8+$0xFFFFFFF0]  }
.LBB2_5:
0x76: {  	v13 =	vld [tilespmem:s18+$0xFFFFFF10];
	[tilespmem:s8+$0xFFFFFF80] =	vst v9;
	v9 =	vadd.f32 v10, v2;
	v4 =	vmul.f32 $8.000000000e+00, v4  }
0x77: {  	v10 =	vld [tilespmem:s18+$0xFFFFFF20];
	[tilespmem:s8+$0xFFFFFF90] =	vst v11;
	v11 =	vadd.f32 v12, v0;
	v5 =	vmul.f32 $8.000000000e+00, v5  }
0x78: {  	v12 =	vld [tilespmem:s18+$0xFFFFFF30];
	[tilespmem:s8+$0xFFFFFFA0] =	vst v9;
	v4 =	vadd.f32 v4, v1;
	v6 =	vmul.f32 $8.000000000e+00, v6  }
0x79: {  	v9 =	vld [tilespmem:s18+$0xFFFFFF40];
	[tilespmem:s8+$0xFFFFFFB0] =	vst v11;
	v5 =	vadd.f32 v5, v3;
	v7 =	vmul.f32 $8.000000000e+00, v7  }
0x7a: {  	v11 =	vld [tilespmem:s18+$0xFFFFFF50];
	[tilespmem:s8+$0xFFFFFFC0] =	vst v4;
	v4 =	vadd.f32 v6, v2;
	v6 =	vmul.f32 $8.000000000e+00, v8  }
0x7b: {  	v8 =	vmul.f32 $8.000000000e+00, v13;
	v13 =	vld [tilespmem:s18+$0xFFFFFF60];
	[tilespmem:s8+$0xFFFFFFD0] =	vst v5;
	v5 =	vadd.f32 v7, v1  }
0x7c: {  	v7 =	vmul.f32 $8.000000000e+00, v10;
	v10 =	vld [tilespmem:s18+$0xFFFFFF70];
	[tilespmem:s8+$0xFFFFFFE0] =	vst v4;
	v4 =	vadd.f32 v6, v0  }
0x7d: {  	v6 =	vadd.f32 v8, v3;
	v8 =	vmul.f32 $8.000000000e+00, v12;
	v12 =	vld [tilespmem:s18+$0xFFFFFF80];
	[tilespmem:s8+$0x0] =	vst v5  }
0x7e: {  	v5 =	vadd.f32 v7, v2;
	v7 =	vmul.f32 $8.000000000e+00, v9;
	v9 =	vld [tilespmem:s18+$0xFFFFFF90];
	[tilespmem:s8+$0xFFFFFFF0] =	vst v4;
	s8 =	smov.u32 s18  }
0x7f: {  	s16 =	sadd.s32 $0x4, s16;
	[tilespmem:s18+$0xFFFFFF10] =	vst v6;
	v4 =	vadd.f32 v8, v0;
	v6 =	vmul.f32 $8.000000000e+00, v11;
	v8 =	vld [tilespmem:s18+$0xFFFFFFA0]  }
0x80: {  	p1 =	slt.u32 s16, $0x7C;
	[tilespmem:s18+$0xFFFFFF20] =	vst v5;
	v5 =	vadd.f32 v7, v1;
	v7 =	vmul.f32 $8.000000000e+00, v13;
	v13 =	vld [tilespmem:s18+$0xFFFFFFB0]  }
.Ltmp1:
0x81: {  	[tilespmem:s18+$0xFFFFFF30] =	vst v4;
	v6 =	vadd.f32 v6, v3;
	v10 =	vmul.f32 $8.000000000e+00, v10;
	v4 =	vld [tilespmem:s18+$0xFFFFFFC0];
	(pc) =	sbr.rel @p1 .LBB2_5-.Ltmp1, $4  }
0x82: {  	[tilespmem:s18+$0xFFFFFF40] =	vst v5;
	v7 =	vadd.f32 v7, v2;
	v11 =	vmul.f32 $8.000000000e+00, v12;
	v5 =	vld [tilespmem:s18+$0xFFFFFFD0]  }
0x83: {  	[tilespmem:s18+$0xFFFFFF50] =	vst v6;
	v12 =	vadd.f32 v10, v0;
	v14 =	vmul.f32 $8.000000000e+00, v9;
	v6 =	vld [tilespmem:s18+$0xFFFFFFE0]  }
0x84: {  	[tilespmem:s18+$0xFFFFFF60] =	vst v7;
	v9 =	vadd.f32 v11, v1;
	v10 =	vmul.f32 $8.000000000e+00, v8;
	v7 =	vld [tilespmem:s18+$0x0]  }
0x85: {  	s18 =	sadd.s32 $0x100, s18;
	[tilespmem:s8+$0xFFFFFF70] =	vst v12;
	v11 =	vadd.f32 v14, v3;
	v12 =	vmul.f32 $8.000000000e+00, v13;
	v8 =	vld [tilespmem:s8+$0xFFFFFFF0]  }
0x86: {  	[tilespmem:s8+$0xFFFFFF80] =	vst v9;
	v9 =	vadd.f32 v10, v2;
	v4 =	vmul.f32 $8.000000000e+00, v4  }
0x87: {  	[tilespmem:s8+$0xFFFFFF90] =	vst v11;
	v10 =	vadd.f32 v12, v0;
	v5 =	vmul.f32 $8.000000000e+00, v5  }
0x88: {  	[tilespmem:s8+$0xFFFFFFA0] =	vst v9;
	v4 =	vadd.f32 v4, v1;
	v6 =	vmul.f32 $8.000000000e+00, v6  }
0x89: {  	[tilespmem:s8+$0xFFFFFFB0] =	vst v10;
	v3 =	vadd.f32 v5, v3;
	v5 =	vmul.f32 $8.000000000e+00, v7  }
0x8a: {  	[tilespmem:s8+$0xFFFFFFC0] =	vst v4;
	v2 =	vadd.f32 v6, v2;
	v4 =	vmul.f32 $8.000000000e+00, v8  }
0x8b: {  	[tilespmem:s8+$0xFFFFFFD0] =	vst v3;
	v1 =	vadd.f32 v5, v1  }
0x8c: {  	s11 =	sor.u32 s7, s11;
	[tilespmem:s8+$0xFFFFFFE0] =	vst v2;
	v0 =	vadd.f32 v4, v0  }
0x8d: {  	s11 =	sshrl.u32 s11, $0x3;
	[tilespmem:s8+$0x0] =	vst v1  }
0x8e: {  	s20 =	simm.s32 $0xB600;
	s18 =	sadd.s32 s2, s11;
	[tilespmem:s8+$0xFFFFFFF0] =	vst v0;
	s8 =	simm.s32 @!p0 $0x12  }
0x8f: {  	[hbm4b:s18+s23] =	stream.strided.scatter [tilespmem:s20], [sflag:$0xC], $0x2000, s24, s23, $0x38;
	[tilespmem:$0x1D600] =	vst v63  }
0x90: {  	s11 =	sadd.s32 $0x7, s13;
	_ =	swait.ge @!p0 [sflag:s8], $0x2000  }
0x91: {  	s16 =	sshll.u32 s11, $0x7;
	[sflag:s8] =	ssyncset.done @!p0 $0x0  }
0x92: {  	s21 =	sand.u32 $0x3FFFFF80, s16;
	[sflag:s8] =	ssyncadd.s32 @!p0 $0xFFFFE000  }
0x93: {  	[tilespmem:s28], [sflag:$0x8] =	stream.indirect.gather [hbm4b:s4+s9], $0x40, s21, s9, $0xb8;
	[tilespmem:$0x1D600] =	vst v63  }
0x94: {  	_ =	swait.ge [sflag:s29], $0x2000  }
0x95: {  	[sflag:s29] =	ssyncset.done $0x0  }
0x96: {  	[sflag:s29] =	ssyncadd.s32 $0xFFFFE000  }
0x97: {  	v2 =	vld [tilespmem:s14+$0x6480]  }
0x98: {  	v1 =	vld [tilespmem:s14+$0x6490]  }
0x99: {  	v0 =	vld [tilespmem:s14+$0x64A0]  }
0x9a: {  	s8 =	simm.s32 $0xD600;
	v3 =	vld [tilespmem:s14+$0x64B0]  }
0x9b: {  	v4 =	vld [tilespmem:s8+$0x80]  }
0x9c: {  	v7 =	vld [tilespmem:s8+$0x20]  }
0x9d: {  	v8 =	vld [tilespmem:s8+$0x30]  }
0x9e: {  	v6 =	vld [tilespmem:s8+$0xE0]  }
0x9f: {  	v9 =	vld [tilespmem:s8+$0xC0]  }
0xa0: {  	v15 =	vld [tilespmem:s8+$0xA0]  }
0xa1: {  	v10 =	vld [tilespmem:s8+$0x0]  }
0xa2: {  	v11 =	vld [tilespmem:s8+$0xB0]  }
0xa3: {  	v12 =	vld [tilespmem:s8+$0x70];
	v4 =	vmul.f32 $8.000000000e+00, v4  }
0xa4: {  	v5 =	vld [tilespmem:s8+$0xF0];
	v13 =	vmul.f32 $8.000000000e+00, v6  }
0xa5: {  	v16 =	vld [tilespmem:s8+$0x50];
	v9 =	vmul.f32 $8.000000000e+00, v9;
	v14 =	vadd.f32 v4, v2  }
0xa6: {  	v6 =	vld [tilespmem:s8+$0xD0];
	v7 =	vmul.f32 $8.000000000e+00, v7;
	v13 =	vadd.f32 v13, v0  }
0xa7: {  	v18 =	vmul.f32 $8.000000000e+00, v11;
	v4 =	vld [tilespmem:s8+$0x60];
	v17 =	vadd.f32 v9, v2;
	[tilespmem:s8+$0x80] =	vst v14  }
0xa8: {  	v8 =	vmul.f32 $8.000000000e+00, v8;
	v10 =	vmul.f32 $8.000000000e+00, v10;
	v9 =	vld [tilespmem:s8+$0x40];
	v19 =	vadd.f32 v7, v0;
	[tilespmem:s8+$0xE0] =	vst v13  }
0xa9: {  	v12 =	vmul.f32 $8.000000000e+00, v12;
	v15 =	vmul.f32 $8.000000000e+00, v15;
	v7 =	vld [tilespmem:s8+$0x90];
	v14 =	vadd.f32 v18, v3;
	[tilespmem:s8+$0xC0] =	vst v17  }
0xaa: {  	s16 =	sadd.s32 $0x80, s14;
	s18 =	simm.s32 $0x0;
	s20 =	simm.s32 $0xD700;
	v11 =	vadd.f32 v8, v3;
	v8 =	vld [tilespmem:s8+$0x10];
	v13 =	vadd.f32 v10, v2;
	[tilespmem:s8+$0x20] =	vst v19;
	v10 =	vmul.f32 $8.000000000e+00, v16  }
.LBB2_7:
0xab: {  	v16 =	vld [tilespmem:s20+$0x80];
	s18 =	sadd.s32 $0x4, s18;
	[tilespmem:s8+$0xB0] =	vst v14;
	v5 =	vmul.f32 $8.000000000e+00, v5  }
0xac: {  	v6 =	vmul.f32 $8.000000000e+00, v6;
	v14 =	vld [tilespmem:s20+$0x20];
	p1 =	slt.u32 s18, $0x7C;
	[tilespmem:s8+$0x30] =	vst v11;
	v11 =	vadd.f32 v12, v3;
	v12 =	vadd.f32 v15, v0  }
0xad: {  	v4 =	vmul.f32 $8.000000000e+00, v4;
	v15 =	vld [tilespmem:s20+$0x30];
	[tilespmem:s8+$0x0] =	vst v13;
	v9 =	vmul.f32 $8.000000000e+00, v9  }
0xae: {  	v6 =	vadd.f32 v6, v1;
	v5 =	vadd.f32 v5, v3;
	v13 =	vld [tilespmem:s20+$0xE0];
	[tilespmem:s8+$0x70] =	vst v11;
	v7 =	vmul.f32 $8.000000000e+00, v7  }
0xaf: {  	v10 =	vadd.f32 v10, v1;
	v11 =	vld [tilespmem:s20+$0xC0];
	v8 =	vmul.f32 $8.000000000e+00, v8;
	v9 =	vadd.f32 v9, v2;
	[tilespmem:s8+$0xA0] =	vst v12  }
0xb0: {  	v12 =	vmul.f32 $8.000000000e+00, v16;
	v16 =	vld [tilespmem:s20+$0xA0];
	v7 =	vadd.f32 v7, v1;
	[tilespmem:s8+$0xF0] =	vst v5  }
0xb1: {  	v17 =	vld [tilespmem:s20+$0x0];
	v8 =	vadd.f32 v8, v1;
	[tilespmem:s8+$0x50] =	vst v10  }
0xb2: {  	v10 =	vadd.f32 v12, v2;
	v12 =	vld [tilespmem:s20+$0xB0];
	[tilespmem:s8+$0x40] =	vst v9  }
0xb3: {  	v18 =	vld [tilespmem:s20+$0x70];
	v9 =	vmul.f32 $8.000000000e+00, v13;
	[tilespmem:s8+$0xD0] =	vst v6  }
0xb4: {  	v4 =	vadd.f32 v4, v0;
	v6 =	vmul.f32 $8.000000000e+00, v11;
	v5 =	vld [tilespmem:s20+$0xF0];
	[tilespmem:s8+$0x90] =	vst v7  }
0xb5: {  	v7 =	vmul.f32 $8.000000000e+00, v15;
	v15 =	vld [tilespmem:s20+$0x50];
	v9 =	vadd.f32 v9, v0;
	[tilespmem:s8+$0x10] =	vst v8  }
.Ltmp2:
0xb6: {  	v13 =	vmul.f32 $8.000000000e+00, v14;
	v8 =	vmul.f32 $8.000000000e+00, v17;
	v17 =	vadd.f32 v6, v2;
	v6 =	vld [tilespmem:s20+$0xD0];
	[tilespmem:s8+$0x60] =	vst v4;
	s8 =	smov.u32 s20;
	(pc) =	sbr.rel @p1 .LBB2_7-.Ltmp2, $4  }
0xb7: {  	v11 =	vadd.f32 v7, v3;
	v4 =	vld [tilespmem:s20+$0x60];
	v14 =	vmul.f32 $8.000000000e+00, v12;
	[tilespmem:s20+$0xE0] =	vst v9  }
0xb8: {  	v19 =	vadd.f32 v13, v0;
	v9 =	vld [tilespmem:s20+$0x40];
	v12 =	vmul.f32 $8.000000000e+00, v18;
	[tilespmem:s20+$0x80] =	vst v10  }
0xb9: {  	v7 =	vld [tilespmem:s20+$0x90];
	v14 =	vadd.f32 v14, v3;
	[tilespmem:s20+$0xC0] =	vst v17  }
0xba: {  	v13 =	vadd.f32 v8, v2;
	s20 =	sadd.s32 $0x100, s20;
	v8 =	vld [tilespmem:s8+$0x10];
	[tilespmem:s8+$0x20] =	vst v19;
	v10 =	vmul.f32 $8.000000000e+00, v15;
	v15 =	vmul.f32 $8.000000000e+00, v16  }
0xbb: {  	[tilespmem:s8+$0xB0] =	vst v14  }
0xbc: {  	v5 =	vmul.f32 $8.000000000e+00, v5;
	[tilespmem:s8+$0x30] =	vst v11;
	v11 =	vadd.f32 v12, v3  }
0xbd: {  	v12 =	vadd.f32 v15, v0;
	[tilespmem:s8+$0x0] =	vst v13  }
0xbe: {  	v4 =	vmul.f32 $8.000000000e+00, v4;
	[tilespmem:s8+$0x70] =	vst v11;
	v3 =	vadd.f32 v5, v3  }
0xbf: {  	v9 =	vmul.f32 $8.000000000e+00, v9;
	v5 =	vmul.f32 $8.000000000e+00, v6;
	v6 =	vadd.f32 v10, v1;
	[tilespmem:s8+$0xA0] =	vst v12  }
0xc0: {  	v0 =	vadd.f32 v4, v0;
	[tilespmem:s8+$0xF0] =	vst v3  }
0xc1: {  	v7 =	vmul.f32 $8.000000000e+00, v7;
	v2 =	vadd.f32 v9, v2;
	[tilespmem:s8+$0x50] =	vst v6  }
0xc2: {  	v3 =	vadd.f32 v5, v1;
	v5 =	vmul.f32 $8.000000000e+00, v8;
	[tilespmem:s8+$0x60] =	vst v0  }
0xc3: {  	v6 =	vadd.f32 v7, v1;
	[tilespmem:s8+$0x40] =	vst v2  }
0xc4: {  	s16 =	sor.u32 s7, s16;
	v1 =	vadd.f32 v5, v1;
	[tilespmem:s8+$0xD0] =	vst v3  }
0xc5: {  	s16 =	sshrl.u32 s16, $0x3;
	[tilespmem:s8+$0x90] =	vst v6  }
0xc6: {  	s20 =	simm.s32 $0xD600;
	s18 =	sadd.s32 s2, s16;
	s16 =	simm.s32 @!p0 $0x13;
	[tilespmem:s8+$0x10] =	vst v1  }
0xc7: {  	[hbm4b:s18+s23] =	stream.strided.scatter [tilespmem:s20], [sflag:$0xD], $0x2000, s24, s23, $0x38;
	[tilespmem:$0x1D600] =	vst v63  }
0xc8: {  	s8 =	sadd.s32 $0x8, s13;
	_ =	swait.ge @!p0 [sflag:s16], $0x2000  }
0xc9: {  	s18 =	sshll.u32 s8, $0x7;
	[sflag:s16] =	ssyncset.done @!p0 $0x0  }
0xca: {  	s21 =	sand.u32 $0x3FFFFF80, s18;
	[sflag:s16] =	ssyncadd.s32 @!p0 $0xFFFFE000  }
0xcb: {  	[tilespmem:s30], [sflag:$0x9] =	stream.indirect.gather [hbm4b:s4+s9], $0x40, s21, s9, $0xb8;
	[tilespmem:$0x1D600] =	vst v63  }
0xcc: {  	_ =	swait.ge [sflag:s31], $0x2000  }
0xcd: {  	[sflag:s31] =	ssyncset.done $0x0  }
0xce: {  	[sflag:s31] =	ssyncadd.s32 $0xFFFFE000  }
0xcf: {  	v2 =	vld [tilespmem:s14+$0x64C0]  }
0xd0: {  	v1 =	vld [tilespmem:s14+$0x64D0]  }
0xd1: {  	v0 =	vld [tilespmem:s14+$0x64E0]  }
0xd2: {  	s16 =	simm.s32 $0xF600;
	v3 =	vld [tilespmem:s14+$0x64F0]  }
0xd3: {  	v4 =	vld [tilespmem:s16+$0x80]  }
0xd4: {  	v7 =	vld [tilespmem:s16+$0x20]  }
0xd5: {  	v8 =	vld [tilespmem:s16+$0x30]  }
0xd6: {  	v6 =	vld [tilespmem:s16+$0xE0]  }
0xd7: {  	v9 =	vld [tilespmem:s16+$0xC0]  }
0xd8: {  	v15 =	vld [tilespmem:s16+$0xA0]  }
0xd9: {  	v10 =	vld [tilespmem:s16+$0x0]  }
0xda: {  	v11 =	vld [tilespmem:s16+$0xB0]  }
0xdb: {  	v12 =	vld [tilespmem:s16+$0x70];
	v4 =	vmul.f32 $8.000000000e+00, v4  }
0xdc: {  	v5 =	vld [tilespmem:s16+$0xF0];
	v13 =	vmul.f32 $8.000000000e+00, v6  }
0xdd: {  	v16 =	vld [tilespmem:s16+$0x50];
	v9 =	vmul.f32 $8.000000000e+00, v9;
	v14 =	vadd.f32 v4, v2  }
0xde: {  	v6 =	vld [tilespmem:s16+$0xD0];
	v7 =	vmul.f32 $8.000000000e+00, v7;
	v13 =	vadd.f32 v13, v0  }
0xdf: {  	v18 =	vmul.f32 $8.000000000e+00, v11;
	v4 =	vld [tilespmem:s16+$0x60];
	v17 =	vadd.f32 v9, v2;
	[tilespmem:s16+$0x80] =	vst v14  }
0xe0: {  	v8 =	vmul.f32 $8.000000000e+00, v8;
	v10 =	vmul.f32 $8.000000000e+00, v10;
	v9 =	vld [tilespmem:s16+$0x40];
	v19 =	vadd.f32 v7, v0;
	[tilespmem:s16+$0xE0] =	vst v13  }
0xe1: {  	v12 =	vmul.f32 $8.000000000e+00, v12;
	v15 =	vmul.f32 $8.000000000e+00, v15;
	v7 =	vld [tilespmem:s16+$0x90];
	v14 =	vadd.f32 v18, v3;
	[tilespmem:s16+$0xC0] =	vst v17  }
0xe2: {  	s20 =	simm.s32 $0x0;
	s18 =	sadd.s32 $0xC0, s14;
	s21 =	simm.s32 $0xF700;
	v11 =	vadd.f32 v8, v3;
	v8 =	vld [tilespmem:s16+$0x10];
	v13 =	vadd.f32 v10, v2;
	[tilespmem:s16+$0x20] =	vst v19;
	v10 =	vmul.f32 $8.000000000e+00, v16  }
.LBB2_9:
0xe3: {  	v16 =	vld [tilespmem:s21+$0x80];
	s20 =	sadd.s32 $0x4, s20;
	[tilespmem:s16+$0xB0] =	vst v14;
	v5 =	vmul.f32 $8.000000000e+00, v5  }
0xe4: {  	v6 =	vmul.f32 $8.000000000e+00, v6;
	v14 =	vld [tilespmem:s21+$0x20];
	p1 =	slt.u32 s20, $0x7C;
	[tilespmem:s16+$0x30] =	vst v11;
	v11 =	vadd.f32 v12, v3;
	v12 =	vadd.f32 v15, v0  }
0xe5: {  	v4 =	vmul.f32 $8.000000000e+00, v4;
	v15 =	vld [tilespmem:s21+$0x30];
	[tilespmem:s16+$0x0] =	vst v13;
	v9 =	vmul.f32 $8.000000000e+00, v9  }
0xe6: {  	v6 =	vadd.f32 v6, v1;
	v5 =	vadd.f32 v5, v3;
	v13 =	vld [tilespmem:s21+$0xE0];
	[tilespmem:s16+$0x70] =	vst v11;
	v7 =	vmul.f32 $8.000000000e+00, v7  }
0xe7: {  	v10 =	vadd.f32 v10, v1;
	v11 =	vld [tilespmem:s21+$0xC0];
	v8 =	vmul.f32 $8.000000000e+00, v8;
	v9 =	vadd.f32 v9, v2;
	[tilespmem:s16+$0xA0] =	vst v12  }
0xe8: {  	v12 =	vmul.f32 $8.000000000e+00, v16;
	v16 =	vld [tilespmem:s21+$0xA0];
	v7 =	vadd.f32 v7, v1;
	[tilespmem:s16+$0xF0] =	vst v5  }
0xe9: {  	v17 =	vld [tilespmem:s21+$0x0];
	v8 =	vadd.f32 v8, v1;
	[tilespmem:s16+$0x50] =	vst v10  }
0xea: {  	v10 =	vadd.f32 v12, v2;
	v12 =	vld [tilespmem:s21+$0xB0];
	[tilespmem:s16+$0x40] =	vst v9  }
0xeb: {  	v18 =	vld [tilespmem:s21+$0x70];
	v9 =	vmul.f32 $8.000000000e+00, v13;
	[tilespmem:s16+$0xD0] =	vst v6  }
0xec: {  	v4 =	vadd.f32 v4, v0;
	v6 =	vmul.f32 $8.000000000e+00, v11;
	v5 =	vld [tilespmem:s21+$0xF0];
	[tilespmem:s16+$0x90] =	vst v7  }
0xed: {  	v7 =	vmul.f32 $8.000000000e+00, v15;
	v15 =	vld [tilespmem:s21+$0x50];
	v9 =	vadd.f32 v9, v0;
	[tilespmem:s16+$0x10] =	vst v8  }
.Ltmp3:
0xee: {  	v13 =	vmul.f32 $8.000000000e+00, v14;
	v8 =	vmul.f32 $8.000000000e+00, v17;
	v17 =	vadd.f32 v6, v2;
	v6 =	vld [tilespmem:s21+$0xD0];
	[tilespmem:s16+$0x60] =	vst v4;
	s16 =	smov.u32 s21;
	(pc) =	sbr.rel @p1 .LBB2_9-.Ltmp3, $4  }
0xef: {  	v11 =	vadd.f32 v7, v3;
	v4 =	vld [tilespmem:s21+$0x60];
	v14 =	vmul.f32 $8.000000000e+00, v12;
	[tilespmem:s21+$0xE0] =	vst v9  }
0xf0: {  	v19 =	vadd.f32 v13, v0;
	v9 =	vld [tilespmem:s21+$0x40];
	v12 =	vmul.f32 $8.000000000e+00, v18;
	[tilespmem:s21+$0x80] =	vst v10  }
0xf1: {  	v7 =	vld [tilespmem:s21+$0x90];
	v14 =	vadd.f32 v14, v3;
	[tilespmem:s21+$0xC0] =	vst v17  }
0xf2: {  	v13 =	vadd.f32 v8, v2;
	s21 =	sadd.s32 $0x100, s21;
	v8 =	vld [tilespmem:s16+$0x10];
	[tilespmem:s16+$0x20] =	vst v19;
	v10 =	vmul.f32 $8.000000000e+00, v15;
	v15 =	vmul.f32 $8.000000000e+00, v16  }
0xf3: {  	[tilespmem:s16+$0xB0] =	vst v14  }
0xf4: {  	v5 =	vmul.f32 $8.000000000e+00, v5;
	[tilespmem:s16+$0x30] =	vst v11;
	v11 =	vadd.f32 v12, v3  }
0xf5: {  	v12 =	vadd.f32 v15, v0;
	[tilespmem:s16+$0x0] =	vst v13  }
0xf6: {  	v4 =	vmul.f32 $8.000000000e+00, v4;
	[tilespmem:s16+$0x70] =	vst v11;
	v3 =	vadd.f32 v5, v3  }
0xf7: {  	v9 =	vmul.f32 $8.000000000e+00, v9;
	v5 =	vmul.f32 $8.000000000e+00, v6;
	v6 =	vadd.f32 v10, v1;
	[tilespmem:s16+$0xA0] =	vst v12  }
0xf8: {  	v0 =	vadd.f32 v4, v0;
	[tilespmem:s16+$0xF0] =	vst v3  }
0xf9: {  	v7 =	vmul.f32 $8.000000000e+00, v7;
	v2 =	vadd.f32 v9, v2;
	[tilespmem:s16+$0x50] =	vst v6  }
0xfa: {  	v3 =	vadd.f32 v5, v1;
	v5 =	vmul.f32 $8.000000000e+00, v8;
	[tilespmem:s16+$0x60] =	vst v0  }
0xfb: {  	v6 =	vadd.f32 v7, v1;
	[tilespmem:s16+$0x40] =	vst v2  }
0xfc: {  	s18 =	sor.u32 s7, s18;
	v1 =	vadd.f32 v5, v1;
	[tilespmem:s16+$0xD0] =	vst v3  }
0xfd: {  	s18 =	sshrl.u32 s18, $0x3;
	[tilespmem:s16+$0x90] =	vst v6  }
0xfe: {  	s21 =	simm.s32 $0xF600;
	s20 =	sadd.s32 s2, s18;
	[tilespmem:s16+$0x10] =	vst v1;
	s16 =	simm.s32 @!p0 $0x14  }
0xff: {  	[hbm4b:s20+s23] =	stream.strided.scatter [tilespmem:s21], [sflag:$0xE], $0x2000, s24, s23, $0x38;
	[tilespmem:$0x1D600] =	vst v63  }
0x100: {  	s13 =	sadd.s32 $0x9, s13;
	_ =	swait.ge @!p0 [sflag:s16], $0x2000  }
0x101: {  	s20 =	sshll.u32 s13, $0x7;
	[sflag:s16] =	ssyncset.done @!p0 $0x0  }
0x102: {  	s21 =	sand.u32 $0x3FFFFF80, s20;
	[sflag:s16] =	ssyncadd.s32 @!p0 $0xFFFFE000  }
0x103: {  	[tilespmem:s0], [sflag:$0xA] =	stream.indirect.gather [hbm4b:s4+s9], $0x40, s21, s9, $0xb8;
	[tilespmem:$0x1D600] =	vst v63  }
0x104: {  	_ =	swait.ge [sflag:s1], $0x2000  }
0x105: {  	[sflag:s1] =	ssyncset.done $0x0  }
0x106: {  	[sflag:s1] =	ssyncadd.s32 $0xFFFFE000  }
0x107: {  	v2 =	vld [tilespmem:s14+$0x6500]  }
0x108: {  	v1 =	vld [tilespmem:s14+$0x6510]  }
0x109: {  	v0 =	vld [tilespmem:s14+$0x6520]  }
0x10a: {  	s16 =	simm.s32 $0x11600;
	v3 =	vld [tilespmem:s14+$0x6530]  }
0x10b: {  	v4 =	vld [tilespmem:s16+$0x80]  }
0x10c: {  	v7 =	vld [tilespmem:s16+$0x20]  }
0x10d: {  	v8 =	vld [tilespmem:s16+$0x30]  }
0x10e: {  	v6 =	vld [tilespmem:s16+$0xE0]  }
0x10f: {  	v9 =	vld [tilespmem:s16+$0xC0]  }
0x110: {  	v15 =	vld [tilespmem:s16+$0xA0]  }
0x111: {  	v10 =	vld [tilespmem:s16+$0x0]  }
0x112: {  	v11 =	vld [tilespmem:s16+$0xB0]  }
0x113: {  	v12 =	vld [tilespmem:s16+$0x70];
	v4 =	vmul.f32 $8.000000000e+00, v4  }
0x114: {  	v5 =	vld [tilespmem:s16+$0xF0];
	v13 =	vmul.f32 $8.000000000e+00, v6  }
0x115: {  	v16 =	vld [tilespmem:s16+$0x50];
	v9 =	vmul.f32 $8.000000000e+00, v9;
	v14 =	vadd.f32 v4, v2  }
0x116: {  	v6 =	vld [tilespmem:s16+$0xD0];
	v7 =	vmul.f32 $8.000000000e+00, v7;
	v13 =	vadd.f32 v13, v0  }
0x117: {  	v18 =	vmul.f32 $8.000000000e+00, v11;
	v4 =	vld [tilespmem:s16+$0x60];
	v17 =	vadd.f32 v9, v2;
	[tilespmem:s16+$0x80] =	vst v14  }
0x118: {  	v8 =	vmul.f32 $8.000000000e+00, v8;
	v10 =	vmul.f32 $8.000000000e+00, v10;
	v9 =	vld [tilespmem:s16+$0x40];
	v19 =	vadd.f32 v7, v0;
	[tilespmem:s16+$0xE0] =	vst v13  }
0x119: {  	v12 =	vmul.f32 $8.000000000e+00, v12;
	v15 =	vmul.f32 $8.000000000e+00, v15;
	v7 =	vld [tilespmem:s16+$0x90];
	v14 =	vadd.f32 v18, v3;
	[tilespmem:s16+$0xC0] =	vst v17  }
0x11a: {  	s18 =	simm.s32 $0x0;
	s20 =	simm.s32 $0x11700;
	s14 =	sadd.s32 $0x100, s14;
	v11 =	vadd.f32 v8, v3;
	v8 =	vld [tilespmem:s16+$0x10];
	v13 =	vadd.f32 v10, v2;
	[tilespmem:s16+$0x20] =	vst v19;
	v10 =	vmul.f32 $8.000000000e+00, v16  }
.LBB2_11:
0x11b: {  	v16 =	vld [tilespmem:s20+$0x80];
	s18 =	sadd.s32 $0x4, s18;
	[tilespmem:s16+$0xB0] =	vst v14;
	v5 =	vmul.f32 $8.000000000e+00, v5  }
0x11c: {  	v6 =	vmul.f32 $8.000000000e+00, v6;
	v14 =	vld [tilespmem:s20+$0x20];
	p0 =	slt.u32 s18, $0x7C;
	[tilespmem:s16+$0x30] =	vst v11;
	v11 =	vadd.f32 v12, v3;
	v12 =	vadd.f32 v15, v0  }
0x11d: {  	v4 =	vmul.f32 $8.000000000e+00, v4;
	v15 =	vld [tilespmem:s20+$0x30];
	[tilespmem:s16+$0x0] =	vst v13;
	v9 =	vmul.f32 $8.000000000e+00, v9  }
0x11e: {  	v6 =	vadd.f32 v6, v1;
	v5 =	vadd.f32 v5, v3;
	v13 =	vld [tilespmem:s20+$0xE0];
	[tilespmem:s16+$0x70] =	vst v11;
	v7 =	vmul.f32 $8.000000000e+00, v7  }
0x11f: {  	v10 =	vadd.f32 v10, v1;
	v11 =	vld [tilespmem:s20+$0xC0];
	v8 =	vmul.f32 $8.000000000e+00, v8;
	v9 =	vadd.f32 v9, v2;
	[tilespmem:s16+$0xA0] =	vst v12  }
0x120: {  	v12 =	vmul.f32 $8.000000000e+00, v16;
	v16 =	vld [tilespmem:s20+$0xA0];
	v7 =	vadd.f32 v7, v1;
	[tilespmem:s16+$0xF0] =	vst v5  }
0x121: {  	v17 =	vld [tilespmem:s20+$0x0];
	v8 =	vadd.f32 v8, v1;
	[tilespmem:s16+$0x50] =	vst v10  }
0x122: {  	v10 =	vadd.f32 v12, v2;
	v12 =	vld [tilespmem:s20+$0xB0];
	[tilespmem:s16+$0x40] =	vst v9  }
0x123: {  	v18 =	vld [tilespmem:s20+$0x70];
	v9 =	vmul.f32 $8.000000000e+00, v13;
	[tilespmem:s16+$0xD0] =	vst v6  }
0x124: {  	v4 =	vadd.f32 v4, v0;
	v6 =	vmul.f32 $8.000000000e+00, v11;
	v5 =	vld [tilespmem:s20+$0xF0];
	[tilespmem:s16+$0x90] =	vst v7  }
0x125: {  	v7 =	vmul.f32 $8.000000000e+00, v15;
	v15 =	vld [tilespmem:s20+$0x50];
	v9 =	vadd.f32 v9, v0;
	[tilespmem:s16+$0x10] =	vst v8  }
.Ltmp4:
0x126: {  	v13 =	vmul.f32 $8.000000000e+00, v14;
	v8 =	vmul.f32 $8.000000000e+00, v17;
	v17 =	vadd.f32 v6, v2;
	v6 =	vld [tilespmem:s20+$0xD0];
	[tilespmem:s16+$0x60] =	vst v4;
	s16 =	smov.u32 s20;
	(pc) =	sbr.rel @p0 .LBB2_11-.Ltmp4, $4  }
0x127: {  	v11 =	vadd.f32 v7, v3;
	v4 =	vld [tilespmem:s20+$0x60];
	v14 =	vmul.f32 $8.000000000e+00, v12;
	[tilespmem:s20+$0xE0] =	vst v9  }
0x128: {  	v19 =	vadd.f32 v13, v0;
	v9 =	vld [tilespmem:s20+$0x40];
	v12 =	vmul.f32 $8.000000000e+00, v18;
	[tilespmem:s20+$0x80] =	vst v10  }
0x129: {  	v7 =	vld [tilespmem:s20+$0x90];
	v14 =	vadd.f32 v14, v3;
	[tilespmem:s20+$0xC0] =	vst v17  }
0x12a: {  	v13 =	vadd.f32 v8, v2;
	s20 =	sadd.s32 $0x100, s20;
	v8 =	vld [tilespmem:s16+$0x10];
	[tilespmem:s16+$0x20] =	vst v19;
	v10 =	vmul.f32 $8.000000000e+00, v15;
	v15 =	vmul.f32 $8.000000000e+00, v16  }
0x12b: {  	[tilespmem:s16+$0xB0] =	vst v14  }
0x12c: {  	v5 =	vmul.f32 $8.000000000e+00, v5;
	[tilespmem:s16+$0x30] =	vst v11;
	v11 =	vadd.f32 v12, v3  }
0x12d: {  	v12 =	vadd.f32 v15, v0;
	[tilespmem:s16+$0x0] =	vst v13  }
0x12e: {  	v4 =	vmul.f32 $8.000000000e+00, v4;
	[tilespmem:s16+$0x70] =	vst v11;
	v3 =	vadd.f32 v5, v3  }
0x12f: {  	v9 =	vmul.f32 $8.000000000e+00, v9;
	v5 =	vmul.f32 $8.000000000e+00, v6;
	v6 =	vadd.f32 v10, v1;
	[tilespmem:s16+$0xA0] =	vst v12  }
0x130: {  	v0 =	vadd.f32 v4, v0;
	[tilespmem:s16+$0xF0] =	vst v3  }
0x131: {  	v7 =	vmul.f32 $8.000000000e+00, v7;
	v2 =	vadd.f32 v9, v2;
	[tilespmem:s16+$0x50] =	vst v6  }
0x132: {  	v3 =	vadd.f32 v5, v1;
	v5 =	vmul.f32 $8.000000000e+00, v8;
	[tilespmem:s16+$0x60] =	vst v0  }
0x133: {  	v6 =	vadd.f32 v7, v1;
	[tilespmem:s16+$0x40] =	vst v2  }
0x134: {  	s14 =	sor.u32 s7, s14;
	v1 =	vadd.f32 v5, v1;
	[tilespmem:s16+$0xD0] =	vst v3  }
0x135: {  	s14 =	sshrl.u32 s14, $0x3;
	[tilespmem:s16+$0x90] =	vst v6  }
0x136: {  	s21 =	simm.s32 $0x11600;
	p0 =	seq.s32 s3, $0x13;
	s14 =	sadd.s32 s2, s14;
	[tilespmem:s16+$0x10] =	vst v1  }
0x137: {  	[hbm4b:s14+s23] =	stream.strided.scatter [tilespmem:s21], [sflag:$0xF], $0x2000, s24, s23, $0x38;
	[tilespmem:$0x1D600] =	vst v63  }
0x138: {  	s14 =	simm.s32 @!p0 $0xB  }
0x139: {  	s16 =	smul.u32 @!p0 $0x1400, s3;
	_ =	swait.ge @!p0 [sflag:s14], $0x2000  }
0x13a: {  	[sflag:s14] =	ssyncset.done @!p0 $0x0  }
0x13b: {  	[sflag:s14] =	ssyncadd.s32 @!p0 $0xFFFFE000;
	s14 =	sshra.s32 @!p0 s16, $0x2  }
0x13c: {  	s18 =	simm.s32 @!p0 $0x80;
	s20 =	simm.s32 @!p0 $0x9600;
	s16 =	sadd.s32 @!p0 $0x500, s14  }
0x13d: {  	[tilespmem:s20], [sflag:$0x1] =	stream.indirect.gather @!p0 [hbm4b:s4+s18], $0x40, s16, s18, $0xb8;
	[tilespmem:$0x1D600] =	vst v63  }
0x13e: {  	_ =	swait.ge [sflag:s10], $0x2000  }
0x13f: {  	[sflag:s10] =	ssyncset.done $0x0  }
0x140: {  	s5 =	sshll.u32 s5, $0x6;
	[sflag:s10] =	ssyncadd.s32 $0xFFFFE000  }
0x141: {  	v2 =	vld [tilespmem:s5+$0x6400]  }
0x142: {  	v1 =	vld [tilespmem:s5+$0x6410]  }
0x143: {  	v0 =	vld [tilespmem:s5+$0x6420]  }
0x144: {  	s16 =	simm.s32 $0x13600;
	v3 =	vld [tilespmem:s5+$0x6430]  }
0x145: {  	v4 =	vld [tilespmem:s16+$0x80]  }
0x146: {  	v7 =	vld [tilespmem:s16+$0x20]  }
0x147: {  	v8 =	vld [tilespmem:s16+$0x30]  }
0x148: {  	v6 =	vld [tilespmem:s16+$0xE0]  }
0x149: {  	v9 =	vld [tilespmem:s16+$0xC0]  }
0x14a: {  	v15 =	vld [tilespmem:s16+$0xA0]  }
0x14b: {  	v10 =	vld [tilespmem:s16+$0x0]  }
0x14c: {  	v11 =	vld [tilespmem:s16+$0xB0]  }
0x14d: {  	v12 =	vld [tilespmem:s16+$0x70];
	v4 =	vmul.f32 $8.000000000e+00, v4  }
0x14e: {  	v5 =	vld [tilespmem:s16+$0xF0];
	v13 =	vmul.f32 $8.000000000e+00, v6  }
0x14f: {  	v16 =	vld [tilespmem:s16+$0x50];
	v9 =	vmul.f32 $8.000000000e+00, v9;
	v14 =	vadd.f32 v4, v2  }
0x150: {  	v6 =	vld [tilespmem:s16+$0xD0];
	v7 =	vmul.f32 $8.000000000e+00, v7;
	v13 =	vadd.f32 v13, v0  }
0x151: {  	v18 =	vmul.f32 $8.000000000e+00, v11;
	v4 =	vld [tilespmem:s16+$0x60];
	v17 =	vadd.f32 v9, v2;
	[tilespmem:s16+$0x80] =	vst v14  }
0x152: {  	v8 =	vmul.f32 $8.000000000e+00, v8;
	v10 =	vmul.f32 $8.000000000e+00, v10;
	v9 =	vld [tilespmem:s16+$0x40];
	v19 =	vadd.f32 v7, v0;
	[tilespmem:s16+$0xE0] =	vst v13  }
0x153: {  	v12 =	vmul.f32 $8.000000000e+00, v12;
	v15 =	vmul.f32 $8.000000000e+00, v15;
	v7 =	vld [tilespmem:s16+$0x90];
	v14 =	vadd.f32 v18, v3;
	[tilespmem:s16+$0xC0] =	vst v17  }
0x154: {  	s18 =	simm.s32 $0x0;
	s20 =	simm.s32 $0x13700;
	v11 =	vadd.f32 v8, v3;
	v8 =	vld [tilespmem:s16+$0x10];
	v13 =	vadd.f32 v10, v2;
	[tilespmem:s16+$0x20] =	vst v19;
	v10 =	vmul.f32 $8.000000000e+00, v16  }
.LBB2_13:
0x155: {  	v16 =	vld [tilespmem:s20+$0x80];
	s18 =	sadd.s32 $0x4, s18;
	[tilespmem:s16+$0xB0] =	vst v14;
	v5 =	vmul.f32 $8.000000000e+00, v5  }
0x156: {  	v6 =	vmul.f32 $8.000000000e+00, v6;
	v14 =	vld [tilespmem:s20+$0x20];
	p1 =	slt.u32 s18, $0x7C;
	[tilespmem:s16+$0x30] =	vst v11;
	v11 =	vadd.f32 v12, v3;
	v12 =	vadd.f32 v15, v0  }
0x157: {  	v4 =	vmul.f32 $8.000000000e+00, v4;
	v15 =	vld [tilespmem:s20+$0x30];
	[tilespmem:s16+$0x0] =	vst v13;
	v9 =	vmul.f32 $8.000000000e+00, v9  }
0x158: {  	v6 =	vadd.f32 v6, v1;
	v5 =	vadd.f32 v5, v3;
	v13 =	vld [tilespmem:s20+$0xE0];
	[tilespmem:s16+$0x70] =	vst v11;
	v7 =	vmul.f32 $8.000000000e+00, v7  }
0x159: {  	v10 =	vadd.f32 v10, v1;
	v11 =	vld [tilespmem:s20+$0xC0];
	v8 =	vmul.f32 $8.000000000e+00, v8;
	v9 =	vadd.f32 v9, v2;
	[tilespmem:s16+$0xA0] =	vst v12  }
0x15a: {  	v12 =	vmul.f32 $8.000000000e+00, v16;
	v16 =	vld [tilespmem:s20+$0xA0];
	v7 =	vadd.f32 v7, v1;
	[tilespmem:s16+$0xF0] =	vst v5  }
0x15b: {  	v17 =	vld [tilespmem:s20+$0x0];
	v8 =	vadd.f32 v8, v1;
	[tilespmem:s16+$0x50] =	vst v10  }
0x15c: {  	v10 =	vadd.f32 v12, v2;
	v12 =	vld [tilespmem:s20+$0xB0];
	[tilespmem:s16+$0x40] =	vst v9  }
0x15d: {  	v18 =	vld [tilespmem:s20+$0x70];
	v9 =	vmul.f32 $8.000000000e+00, v13;
	[tilespmem:s16+$0xD0] =	vst v6  }
0x15e: {  	v4 =	vadd.f32 v4, v0;
	v6 =	vmul.f32 $8.000000000e+00, v11;
	v5 =	vld [tilespmem:s20+$0xF0];
	[tilespmem:s16+$0x90] =	vst v7  }
0x15f: {  	v7 =	vmul.f32 $8.000000000e+00, v15;
	v15 =	vld [tilespmem:s20+$0x50];
	v9 =	vadd.f32 v9, v0;
	[tilespmem:s16+$0x10] =	vst v8  }
.Ltmp5:
0x160: {  	v13 =	vmul.f32 $8.000000000e+00, v14;
	v8 =	vmul.f32 $8.000000000e+00, v17;
	v17 =	vadd.f32 v6, v2;
	v6 =	vld [tilespmem:s20+$0xD0];
	[tilespmem:s16+$0x60] =	vst v4;
	s16 =	smov.u32 s20;
	(pc) =	sbr.rel @p1 .LBB2_13-.Ltmp5, $4  }
0x161: {  	v11 =	vadd.f32 v7, v3;
	v4 =	vld [tilespmem:s20+$0x60];
	v14 =	vmul.f32 $8.000000000e+00, v12;
	[tilespmem:s20+$0xE0] =	vst v9  }
0x162: {  	v19 =	vadd.f32 v13, v0;
	v9 =	vld [tilespmem:s20+$0x40];
	v12 =	vmul.f32 $8.000000000e+00, v18;
	[tilespmem:s20+$0x80] =	vst v10  }
0x163: {  	v7 =	vld [tilespmem:s20+$0x90];
	v14 =	vadd.f32 v14, v3;
	[tilespmem:s20+$0xC0] =	vst v17  }
0x164: {  	v13 =	vadd.f32 v8, v2;
	s20 =	sadd.s32 $0x100, s20;
	v8 =	vld [tilespmem:s16+$0x10];
	[tilespmem:s16+$0x20] =	vst v19;
	v10 =	vmul.f32 $8.000000000e+00, v15;
	v15 =	vmul.f32 $8.000000000e+00, v16  }
0x165: {  	[tilespmem:s16+$0xB0] =	vst v14  }
0x166: {  	v5 =	vmul.f32 $8.000000000e+00, v5;
	[tilespmem:s16+$0x30] =	vst v11;
	v11 =	vadd.f32 v12, v3  }
0x167: {  	v12 =	vadd.f32 v15, v0;
	[tilespmem:s16+$0x0] =	vst v13  }
0x168: {  	v4 =	vmul.f32 $8.000000000e+00, v4;
	[tilespmem:s16+$0x70] =	vst v11;
	v3 =	vadd.f32 v5, v3  }
0x169: {  	v9 =	vmul.f32 $8.000000000e+00, v9;
	v5 =	vmul.f32 $8.000000000e+00, v6;
	v6 =	vadd.f32 v10, v1;
	[tilespmem:s16+$0xA0] =	vst v12  }
0x16a: {  	v0 =	vadd.f32 v4, v0;
	[tilespmem:s16+$0xF0] =	vst v3  }
0x16b: {  	v7 =	vmul.f32 $8.000000000e+00, v7;
	v2 =	vadd.f32 v9, v2;
	[tilespmem:s16+$0x50] =	vst v6  }
0x16c: {  	v3 =	vadd.f32 v5, v1;
	v5 =	vmul.f32 $8.000000000e+00, v8;
	[tilespmem:s16+$0x60] =	vst v0  }
0x16d: {  	v6 =	vadd.f32 v7, v1;
	[tilespmem:s16+$0x40] =	vst v2  }
0x16e: {  	s5 =	sor.u32 s7, s5;
	v1 =	vadd.f32 v5, v1;
	[tilespmem:s16+$0xD0] =	vst v3  }
0x16f: {  	s5 =	sshrl.u32 s5, $0x3;
	[tilespmem:s16+$0x90] =	vst v6  }
0x170: {  	s20 =	simm.s32 $0x13600;
	s5 =	sadd.s32 s2, s5;
	[tilespmem:s16+$0x10] =	vst v1  }
0x171: {  	[hbm4b:s5+s23] =	stream.strided.scatter [tilespmem:s20], [sflag:$0x10], $0x2000, s24, s23, $0x38;
	[tilespmem:$0x1D600] =	vst v63  }
0x172: {  	s5 =	simm.s32 @!p0 $0xC  }
0x173: {  	_ =	swait.ge @!p0 [sflag:s5], $0x2000  }
0x174: {  	s18 =	simm.s32 @!p0 $0xB600;
	[sflag:s5] =	ssyncset.done @!p0 $0x0  }
0x175: {  	s16 =	simm.s32 @!p0 $0x80;
	[sflag:s5] =	ssyncadd.s32 @!p0 $0xFFFFE000;
	s5 =	sadd.s32 @!p0 $0x580, s14  }
0x176: {  	[tilespmem:s18], [sflag:$0x2] =	stream.indirect.gather @!p0 [hbm4b:s4+s16], $0x40, s5, s16, $0xb8;
	[tilespmem:$0x1D600] =	vst v63  }
0x177: {  	_ =	swait.ge [sflag:s12], $0x2000  }
0x178: {  	[sflag:s12] =	ssyncset.done $0x0  }
0x179: {  	s5 =	sshll.u32 s6, $0x6;
	[sflag:s12] =	ssyncadd.s32 $0xFFFFE000  }
0x17a: {  	v2 =	vld [tilespmem:s5+$0x6400]  }
0x17b: {  	v1 =	vld [tilespmem:s5+$0x6410]  }
0x17c: {  	v0 =	vld [tilespmem:s5+$0x6420]  }
0x17d: {  	s6 =	simm.s32 $0x15600;
	v3 =	vld [tilespmem:s5+$0x6430]  }
0x17e: {  	v4 =	vld [tilespmem:s6+$0x80]  }
0x17f: {  	v7 =	vld [tilespmem:s6+$0x20]  }
0x180: {  	v8 =	vld [tilespmem:s6+$0x30]  }
0x181: {  	v6 =	vld [tilespmem:s6+$0xE0]  }
0x182: {  	v9 =	vld [tilespmem:s6+$0xC0]  }
0x183: {  	v15 =	vld [tilespmem:s6+$0xA0]  }
0x184: {  	v10 =	vld [tilespmem:s6+$0x0]  }
0x185: {  	v11 =	vld [tilespmem:s6+$0xB0]  }
0x186: {  	v12 =	vld [tilespmem:s6+$0x70];
	v4 =	vmul.f32 $8.000000000e+00, v4  }
0x187: {  	v5 =	vld [tilespmem:s6+$0xF0];
	v13 =	vmul.f32 $8.000000000e+00, v6  }
0x188: {  	v16 =	vld [tilespmem:s6+$0x50];
	v9 =	vmul.f32 $8.000000000e+00, v9;
	v14 =	vadd.f32 v4, v2  }
0x189: {  	v6 =	vld [tilespmem:s6+$0xD0];
	v7 =	vmul.f32 $8.000000000e+00, v7;
	v13 =	vadd.f32 v13, v0  }
0x18a: {  	v18 =	vmul.f32 $8.000000000e+00, v11;
	v4 =	vld [tilespmem:s6+$0x60];
	v17 =	vadd.f32 v9, v2;
	[tilespmem:s6+$0x80] =	vst v14  }
0x18b: {  	v8 =	vmul.f32 $8.000000000e+00, v8;
	v10 =	vmul.f32 $8.000000000e+00, v10;
	v9 =	vld [tilespmem:s6+$0x40];
	v19 =	vadd.f32 v7, v0;
	[tilespmem:s6+$0xE0] =	vst v13  }
0x18c: {  	v12 =	vmul.f32 $8.000000000e+00, v12;
	v15 =	vmul.f32 $8.000000000e+00, v15;
	v7 =	vld [tilespmem:s6+$0x90];
	v14 =	vadd.f32 v18, v3;
	[tilespmem:s6+$0xC0] =	vst v17  }
0x18d: {  	s16 =	simm.s32 $0x0;
	s18 =	simm.s32 $0x15700;
	v11 =	vadd.f32 v8, v3;
	v8 =	vld [tilespmem:s6+$0x10];
	v13 =	vadd.f32 v10, v2;
	[tilespmem:s6+$0x20] =	vst v19;
	v10 =	vmul.f32 $8.000000000e+00, v16  }
.LBB2_15:
0x18e: {  	v16 =	vld [tilespmem:s18+$0x80];
	s16 =	sadd.s32 $0x4, s16;
	[tilespmem:s6+$0xB0] =	vst v14;
	v5 =	vmul.f32 $8.000000000e+00, v5  }
0x18f: {  	v6 =	vmul.f32 $8.000000000e+00, v6;
	v14 =	vld [tilespmem:s18+$0x20];
	p1 =	slt.u32 s16, $0x7C;
	[tilespmem:s6+$0x30] =	vst v11;
	v11 =	vadd.f32 v12, v3;
	v12 =	vadd.f32 v15, v0  }
0x190: {  	v4 =	vmul.f32 $8.000000000e+00, v4;
	v15 =	vld [tilespmem:s18+$0x30];
	[tilespmem:s6+$0x0] =	vst v13;
	v9 =	vmul.f32 $8.000000000e+00, v9  }
0x191: {  	v6 =	vadd.f32 v6, v1;
	v5 =	vadd.f32 v5, v3;
	v13 =	vld [tilespmem:s18+$0xE0];
	[tilespmem:s6+$0x70] =	vst v11;
	v7 =	vmul.f32 $8.000000000e+00, v7  }
0x192: {  	v10 =	vadd.f32 v10, v1;
	v11 =	vld [tilespmem:s18+$0xC0];
	v8 =	vmul.f32 $8.000000000e+00, v8;
	v9 =	vadd.f32 v9, v2;
	[tilespmem:s6+$0xA0] =	vst v12  }
0x193: {  	v12 =	vmul.f32 $8.000000000e+00, v16;
	v16 =	vld [tilespmem:s18+$0xA0];
	v7 =	vadd.f32 v7, v1;
	[tilespmem:s6+$0xF0] =	vst v5  }
0x194: {  	v17 =	vld [tilespmem:s18+$0x0];
	v8 =	vadd.f32 v8, v1;
	[tilespmem:s6+$0x50] =	vst v10  }
0x195: {  	v10 =	vadd.f32 v12, v2;
	v12 =	vld [tilespmem:s18+$0xB0];
	[tilespmem:s6+$0x40] =	vst v9  }
0x196: {  	v18 =	vld [tilespmem:s18+$0x70];
	v9 =	vmul.f32 $8.000000000e+00, v13;
	[tilespmem:s6+$0xD0] =	vst v6  }
0x197: {  	v4 =	vadd.f32 v4, v0;
	v6 =	vmul.f32 $8.000000000e+00, v11;
	v5 =	vld [tilespmem:s18+$0xF0];
	[tilespmem:s6+$0x90] =	vst v7  }
0x198: {  	v7 =	vmul.f32 $8.000000000e+00, v15;
	v15 =	vld [tilespmem:s18+$0x50];
	v9 =	vadd.f32 v9, v0;
	[tilespmem:s6+$0x10] =	vst v8  }
.Ltmp6:
0x199: {  	v13 =	vmul.f32 $8.000000000e+00, v14;
	v8 =	vmul.f32 $8.000000000e+00, v17;
	v17 =	vadd.f32 v6, v2;
	v6 =	vld [tilespmem:s18+$0xD0];
	[tilespmem:s6+$0x60] =	vst v4;
	s6 =	smov.u32 s18;
	(pc) =	sbr.rel @p1 .LBB2_15-.Ltmp6, $4  }
0x19a: {  	v11 =	vadd.f32 v7, v3;
	v4 =	vld [tilespmem:s18+$0x60];
	v14 =	vmul.f32 $8.000000000e+00, v12;
	[tilespmem:s18+$0xE0] =	vst v9  }
0x19b: {  	v19 =	vadd.f32 v13, v0;
	v9 =	vld [tilespmem:s18+$0x40];
	v12 =	vmul.f32 $8.000000000e+00, v18;
	[tilespmem:s18+$0x80] =	vst v10  }
0x19c: {  	v7 =	vld [tilespmem:s18+$0x90];
	v14 =	vadd.f32 v14, v3;
	[tilespmem:s18+$0xC0] =	vst v17  }
0x19d: {  	v13 =	vadd.f32 v8, v2;
	s18 =	sadd.s32 $0x100, s18;
	v8 =	vld [tilespmem:s6+$0x10];
	[tilespmem:s6+$0x20] =	vst v19;
	v10 =	vmul.f32 $8.000000000e+00, v15;
	v15 =	vmul.f32 $8.000000000e+00, v16  }
0x19e: {  	[tilespmem:s6+$0xB0] =	vst v14  }
0x19f: {  	v5 =	vmul.f32 $8.000000000e+00, v5;
	[tilespmem:s6+$0x30] =	vst v11;
	v11 =	vadd.f32 v12, v3  }
0x1a0: {  	v12 =	vadd.f32 v15, v0;
	[tilespmem:s6+$0x0] =	vst v13  }
0x1a1: {  	v4 =	vmul.f32 $8.000000000e+00, v4;
	[tilespmem:s6+$0x70] =	vst v11;
	v3 =	vadd.f32 v5, v3  }
0x1a2: {  	v9 =	vmul.f32 $8.000000000e+00, v9;
	v5 =	vmul.f32 $8.000000000e+00, v6;
	v6 =	vadd.f32 v10, v1;
	[tilespmem:s6+$0xA0] =	vst v12  }
0x1a3: {  	v0 =	vadd.f32 v4, v0;
	[tilespmem:s6+$0xF0] =	vst v3  }
0x1a4: {  	v7 =	vmul.f32 $8.000000000e+00, v7;
	v2 =	vadd.f32 v9, v2;
	[tilespmem:s6+$0x50] =	vst v6  }
0x1a5: {  	v3 =	vadd.f32 v5, v1;
	v5 =	vmul.f32 $8.000000000e+00, v8;
	[tilespmem:s6+$0x60] =	vst v0  }
0x1a6: {  	v6 =	vadd.f32 v7, v1;
	[tilespmem:s6+$0x40] =	vst v2  }
0x1a7: {  	s5 =	sor.u32 s7, s5;
	v1 =	vadd.f32 v5, v1;
	[tilespmem:s6+$0xD0] =	vst v3  }
0x1a8: {  	s5 =	sshrl.u32 s5, $0x3;
	[tilespmem:s6+$0x90] =	vst v6  }
0x1a9: {  	s5 =	sadd.s32 s2, s5;
	[tilespmem:s6+$0x10] =	vst v1  }
0x1aa: {  	[hbm4b:s5+s23] =	stream.strided.scatter [tilespmem:s25], [sflag:$0x11], $0x2000, s24, s23, $0x38;
	[tilespmem:$0x1D600] =	vst v63  }
0x1ab: {  	s5 =	simm.s32 @!p0 $0xD  }
0x1ac: {  	_ =	swait.ge @!p0 [sflag:s5], $0x2000  }
0x1ad: {  	s16 =	simm.s32 @!p0 $0xD600;
	[sflag:s5] =	ssyncset.done @!p0 $0x0  }
0x1ae: {  	s6 =	simm.s32 @!p0 $0x80;
	[sflag:s5] =	ssyncadd.s32 @!p0 $0xFFFFE000;
	s5 =	sadd.s32 @!p0 $0x600, s14  }
0x1af: {  	[tilespmem:s16], [sflag:$0x3] =	stream.indirect.gather @!p0 [hbm4b:s4+s6], $0x40, s5, s6, $0xb8;
	[tilespmem:$0x1D600] =	vst v63  }
0x1b0: {  	_ =	swait.ge [sflag:s15], $0x2000  }
0x1b1: {  	[sflag:s15] =	ssyncset.done $0x0  }
0x1b2: {  	s5 =	sshll.u32 s11, $0x6;
	[sflag:s15] =	ssyncadd.s32 $0xFFFFE000  }
0x1b3: {  	v2 =	vld [tilespmem:s5+$0x6400]  }
0x1b4: {  	v1 =	vld [tilespmem:s5+$0x6410]  }
0x1b5: {  	v0 =	vld [tilespmem:s5+$0x6420]  }
0x1b6: {  	s6 =	simm.s32 $0x17600;
	v3 =	vld [tilespmem:s5+$0x6430]  }
0x1b7: {  	v4 =	vld [tilespmem:s6+$0x80]  }
0x1b8: {  	v7 =	vld [tilespmem:s6+$0x20]  }
0x1b9: {  	v8 =	vld [tilespmem:s6+$0x30]  }
0x1ba: {  	v6 =	vld [tilespmem:s6+$0xE0]  }
0x1bb: {  	v9 =	vld [tilespmem:s6+$0xC0]  }
0x1bc: {  	v15 =	vld [tilespmem:s6+$0xA0]  }
0x1bd: {  	v10 =	vld [tilespmem:s6+$0x0]  }
0x1be: {  	v11 =	vld [tilespmem:s6+$0xB0]  }
0x1bf: {  	v12 =	vld [tilespmem:s6+$0x70];
	v4 =	vmul.f32 $8.000000000e+00, v4  }
0x1c0: {  	v5 =	vld [tilespmem:s6+$0xF0];
	v13 =	vmul.f32 $8.000000000e+00, v6  }
0x1c1: {  	v16 =	vld [tilespmem:s6+$0x50];
	v9 =	vmul.f32 $8.000000000e+00, v9;
	v14 =	vadd.f32 v4, v2  }
0x1c2: {  	v6 =	vld [tilespmem:s6+$0xD0];
	v7 =	vmul.f32 $8.000000000e+00, v7;
	v13 =	vadd.f32 v13, v0  }
0x1c3: {  	v18 =	vmul.f32 $8.000000000e+00, v11;
	v4 =	vld [tilespmem:s6+$0x60];
	v17 =	vadd.f32 v9, v2;
	[tilespmem:s6+$0x80] =	vst v14  }
0x1c4: {  	v8 =	vmul.f32 $8.000000000e+00, v8;
	v10 =	vmul.f32 $8.000000000e+00, v10;
	v9 =	vld [tilespmem:s6+$0x40];
	v19 =	vadd.f32 v7, v0;
	[tilespmem:s6+$0xE0] =	vst v13  }
0x1c5: {  	v12 =	vmul.f32 $8.000000000e+00, v12;
	v15 =	vmul.f32 $8.000000000e+00, v15;
	v7 =	vld [tilespmem:s6+$0x90];
	v14 =	vadd.f32 v18, v3;
	[tilespmem:s6+$0xC0] =	vst v17  }
0x1c6: {  	s11 =	simm.s32 $0x0;
	s16 =	simm.s32 $0x17700;
	v11 =	vadd.f32 v8, v3;
	v8 =	vld [tilespmem:s6+$0x10];
	v13 =	vadd.f32 v10, v2;
	[tilespmem:s6+$0x20] =	vst v19;
	v10 =	vmul.f32 $8.000000000e+00, v16  }
.LBB2_17:
0x1c7: {  	v16 =	vld [tilespmem:s16+$0x80];
	s11 =	sadd.s32 $0x4, s11;
	[tilespmem:s6+$0xB0] =	vst v14;
	v5 =	vmul.f32 $8.000000000e+00, v5  }
0x1c8: {  	v6 =	vmul.f32 $8.000000000e+00, v6;
	v14 =	vld [tilespmem:s16+$0x20];
	p1 =	slt.u32 s11, $0x7C;
	[tilespmem:s6+$0x30] =	vst v11;
	v11 =	vadd.f32 v12, v3;
	v12 =	vadd.f32 v15, v0  }
0x1c9: {  	v4 =	vmul.f32 $8.000000000e+00, v4;
	v15 =	vld [tilespmem:s16+$0x30];
	[tilespmem:s6+$0x0] =	vst v13;
	v9 =	vmul.f32 $8.000000000e+00, v9  }
0x1ca: {  	v6 =	vadd.f32 v6, v1;
	v5 =	vadd.f32 v5, v3;
	v13 =	vld [tilespmem:s16+$0xE0];
	[tilespmem:s6+$0x70] =	vst v11;
	v7 =	vmul.f32 $8.000000000e+00, v7  }
0x1cb: {  	v10 =	vadd.f32 v10, v1;
	v11 =	vld [tilespmem:s16+$0xC0];
	v8 =	vmul.f32 $8.000000000e+00, v8;
	v9 =	vadd.f32 v9, v2;
	[tilespmem:s6+$0xA0] =	vst v12  }
0x1cc: {  	v12 =	vmul.f32 $8.000000000e+00, v16;
	v16 =	vld [tilespmem:s16+$0xA0];
	v7 =	vadd.f32 v7, v1;
	[tilespmem:s6+$0xF0] =	vst v5  }
0x1cd: {  	v17 =	vld [tilespmem:s16+$0x0];
	v8 =	vadd.f32 v8, v1;
	[tilespmem:s6+$0x50] =	vst v10  }
0x1ce: {  	v10 =	vadd.f32 v12, v2;
	v12 =	vld [tilespmem:s16+$0xB0];
	[tilespmem:s6+$0x40] =	vst v9  }
0x1cf: {  	v18 =	vld [tilespmem:s16+$0x70];
	v9 =	vmul.f32 $8.000000000e+00, v13;
	[tilespmem:s6+$0xD0] =	vst v6  }
0x1d0: {  	v4 =	vadd.f32 v4, v0;
	v6 =	vmul.f32 $8.000000000e+00, v11;
	v5 =	vld [tilespmem:s16+$0xF0];
	[tilespmem:s6+$0x90] =	vst v7  }
0x1d1: {  	v7 =	vmul.f32 $8.000000000e+00, v15;
	v15 =	vld [tilespmem:s16+$0x50];
	v9 =	vadd.f32 v9, v0;
	[tilespmem:s6+$0x10] =	vst v8  }
.Ltmp7:
0x1d2: {  	v13 =	vmul.f32 $8.000000000e+00, v14;
	v8 =	vmul.f32 $8.000000000e+00, v17;
	v17 =	vadd.f32 v6, v2;
	v6 =	vld [tilespmem:s16+$0xD0];
	[tilespmem:s6+$0x60] =	vst v4;
	s6 =	smov.u32 s16;
	(pc) =	sbr.rel @p1 .LBB2_17-.Ltmp7, $4  }
0x1d3: {  	v11 =	vadd.f32 v7, v3;
	v4 =	vld [tilespmem:s16+$0x60];
	v14 =	vmul.f32 $8.000000000e+00, v12;
	[tilespmem:s16+$0xE0] =	vst v9  }
0x1d4: {  	v19 =	vadd.f32 v13, v0;
	v9 =	vld [tilespmem:s16+$0x40];
	v12 =	vmul.f32 $8.000000000e+00, v18;
	[tilespmem:s16+$0x80] =	vst v10  }
0x1d5: {  	v7 =	vld [tilespmem:s16+$0x90];
	v14 =	vadd.f32 v14, v3;
	[tilespmem:s16+$0xC0] =	vst v17  }
0x1d6: {  	v13 =	vadd.f32 v8, v2;
	s16 =	sadd.s32 $0x100, s16;
	v8 =	vld [tilespmem:s6+$0x10];
	[tilespmem:s6+$0x20] =	vst v19;
	v10 =	vmul.f32 $8.000000000e+00, v15;
	v15 =	vmul.f32 $8.000000000e+00, v16  }
0x1d7: {  	[tilespmem:s6+$0xB0] =	vst v14  }
0x1d8: {  	v5 =	vmul.f32 $8.000000000e+00, v5;
	[tilespmem:s6+$0x30] =	vst v11;
	v11 =	vadd.f32 v12, v3  }
0x1d9: {  	v12 =	vadd.f32 v15, v0;
	[tilespmem:s6+$0x0] =	vst v13  }
0x1da: {  	v4 =	vmul.f32 $8.000000000e+00, v4;
	[tilespmem:s6+$0x70] =	vst v11;
	v3 =	vadd.f32 v5, v3  }
0x1db: {  	v9 =	vmul.f32 $8.000000000e+00, v9;
	v5 =	vmul.f32 $8.000000000e+00, v6;
	v6 =	vadd.f32 v10, v1;
	[tilespmem:s6+$0xA0] =	vst v12  }
0x1dc: {  	v0 =	vadd.f32 v4, v0;
	[tilespmem:s6+$0xF0] =	vst v3  }
0x1dd: {  	v7 =	vmul.f32 $8.000000000e+00, v7;
	v2 =	vadd.f32 v9, v2;
	[tilespmem:s6+$0x50] =	vst v6  }
0x1de: {  	v3 =	vadd.f32 v5, v1;
	v5 =	vmul.f32 $8.000000000e+00, v8;
	[tilespmem:s6+$0x60] =	vst v0  }
0x1df: {  	v6 =	vadd.f32 v7, v1;
	[tilespmem:s6+$0x40] =	vst v2  }
0x1e0: {  	s5 =	sor.u32 s7, s5;
	v1 =	vadd.f32 v5, v1;
	[tilespmem:s6+$0xD0] =	vst v3  }
0x1e1: {  	s5 =	sshrl.u32 s5, $0x3;
	[tilespmem:s6+$0x90] =	vst v6  }
0x1e2: {  	s5 =	sadd.s32 s2, s5;
	[tilespmem:s6+$0x10] =	vst v1  }
0x1e3: {  	[hbm4b:s5+s23] =	stream.strided.scatter [tilespmem:s28], [sflag:$0x12], $0x2000, s24, s23, $0x38;
	[tilespmem:$0x1D600] =	vst v63  }
0x1e4: {  	s5 =	simm.s32 @!p0 $0xE  }
0x1e5: {  	_ =	swait.ge @!p0 [sflag:s5], $0x2000  }
0x1e6: {  	s11 =	simm.s32 @!p0 $0xF600;
	[sflag:s5] =	ssyncset.done @!p0 $0x0  }
0x1e7: {  	s6 =	simm.s32 @!p0 $0x80;
	[sflag:s5] =	ssyncadd.s32 @!p0 $0xFFFFE000;
	s5 =	sadd.s32 @!p0 $0x680, s14  }
0x1e8: {  	[tilespmem:s11], [sflag:$0x4] =	stream.indirect.gather @!p0 [hbm4b:s4+s6], $0x40, s5, s6, $0xb8;
	[tilespmem:$0x1D600] =	vst v63  }
0x1e9: {  	_ =	swait.ge [sflag:s17], $0x2000  }
0x1ea: {  	[sflag:s17] =	ssyncset.done $0x0  }
0x1eb: {  	s5 =	sshll.u32 s8, $0x6;
	[sflag:s17] =	ssyncadd.s32 $0xFFFFE000  }
0x1ec: {  	v2 =	vld [tilespmem:s5+$0x6400]  }
0x1ed: {  	v1 =	vld [tilespmem:s5+$0x6410]  }
0x1ee: {  	v0 =	vld [tilespmem:s5+$0x6420]  }
0x1ef: {  	s6 =	simm.s32 $0x19600;
	v3 =	vld [tilespmem:s5+$0x6430]  }
0x1f0: {  	v4 =	vld [tilespmem:s6+$0x80]  }
0x1f1: {  	v7 =	vld [tilespmem:s6+$0x20]  }
0x1f2: {  	v8 =	vld [tilespmem:s6+$0x30]  }
0x1f3: {  	v6 =	vld [tilespmem:s6+$0xE0]  }
0x1f4: {  	v9 =	vld [tilespmem:s6+$0xC0]  }
0x1f5: {  	v15 =	vld [tilespmem:s6+$0xA0]  }
0x1f6: {  	v10 =	vld [tilespmem:s6+$0x0]  }
0x1f7: {  	v11 =	vld [tilespmem:s6+$0xB0]  }
0x1f8: {  	v12 =	vld [tilespmem:s6+$0x70];
	v4 =	vmul.f32 $8.000000000e+00, v4  }
0x1f9: {  	v5 =	vld [tilespmem:s6+$0xF0];
	v13 =	vmul.f32 $8.000000000e+00, v6  }
0x1fa: {  	v16 =	vld [tilespmem:s6+$0x50];
	v9 =	vmul.f32 $8.000000000e+00, v9;
	v14 =	vadd.f32 v4, v2  }
0x1fb: {  	v6 =	vld [tilespmem:s6+$0xD0];
	v7 =	vmul.f32 $8.000000000e+00, v7;
	v13 =	vadd.f32 v13, v0  }
0x1fc: {  	v18 =	vmul.f32 $8.000000000e+00, v11;
	v4 =	vld [tilespmem:s6+$0x60];
	v17 =	vadd.f32 v9, v2;
	[tilespmem:s6+$0x80] =	vst v14  }
0x1fd: {  	v8 =	vmul.f32 $8.000000000e+00, v8;
	v10 =	vmul.f32 $8.000000000e+00, v10;
	v9 =	vld [tilespmem:s6+$0x40];
	v19 =	vadd.f32 v7, v0;
	[tilespmem:s6+$0xE0] =	vst v13  }
0x1fe: {  	v12 =	vmul.f32 $8.000000000e+00, v12;
	v15 =	vmul.f32 $8.000000000e+00, v15;
	v7 =	vld [tilespmem:s6+$0x90];
	v14 =	vadd.f32 v18, v3;
	[tilespmem:s6+$0xC0] =	vst v17  }
0x1ff: {  	s8 =	simm.s32 $0x0;
	s11 =	simm.s32 $0x19700;
	v11 =	vadd.f32 v8, v3;
	v8 =	vld [tilespmem:s6+$0x10];
	v13 =	vadd.f32 v10, v2;
	[tilespmem:s6+$0x20] =	vst v19;
	v10 =	vmul.f32 $8.000000000e+00, v16  }
.LBB2_19:
0x200: {  	v16 =	vld [tilespmem:s11+$0x80];
	s8 =	sadd.s32 $0x4, s8;
	[tilespmem:s6+$0xB0] =	vst v14;
	v5 =	vmul.f32 $8.000000000e+00, v5  }
0x201: {  	v6 =	vmul.f32 $8.000000000e+00, v6;
	v14 =	vld [tilespmem:s11+$0x20];
	p1 =	slt.u32 s8, $0x7C;
	[tilespmem:s6+$0x30] =	vst v11;
	v11 =	vadd.f32 v12, v3;
	v12 =	vadd.f32 v15, v0  }
0x202: {  	v4 =	vmul.f32 $8.000000000e+00, v4;
	v15 =	vld [tilespmem:s11+$0x30];
	[tilespmem:s6+$0x0] =	vst v13;
	v9 =	vmul.f32 $8.000000000e+00, v9  }
0x203: {  	v6 =	vadd.f32 v6, v1;
	v5 =	vadd.f32 v5, v3;
	v13 =	vld [tilespmem:s11+$0xE0];
	[tilespmem:s6+$0x70] =	vst v11;
	v7 =	vmul.f32 $8.000000000e+00, v7  }
0x204: {  	v10 =	vadd.f32 v10, v1;
	v11 =	vld [tilespmem:s11+$0xC0];
	v8 =	vmul.f32 $8.000000000e+00, v8;
	v9 =	vadd.f32 v9, v2;
	[tilespmem:s6+$0xA0] =	vst v12  }
0x205: {  	v12 =	vmul.f32 $8.000000000e+00, v16;
	v16 =	vld [tilespmem:s11+$0xA0];
	v7 =	vadd.f32 v7, v1;
	[tilespmem:s6+$0xF0] =	vst v5  }
0x206: {  	v17 =	vld [tilespmem:s11+$0x0];
	v8 =	vadd.f32 v8, v1;
	[tilespmem:s6+$0x50] =	vst v10  }
0x207: {  	v10 =	vadd.f32 v12, v2;
	v12 =	vld [tilespmem:s11+$0xB0];
	[tilespmem:s6+$0x40] =	vst v9  }
0x208: {  	v18 =	vld [tilespmem:s11+$0x70];
	v9 =	vmul.f32 $8.000000000e+00, v13;
	[tilespmem:s6+$0xD0] =	vst v6  }
0x209: {  	v4 =	vadd.f32 v4, v0;
	v6 =	vmul.f32 $8.000000000e+00, v11;
	v5 =	vld [tilespmem:s11+$0xF0];
	[tilespmem:s6+$0x90] =	vst v7  }
0x20a: {  	v7 =	vmul.f32 $8.000000000e+00, v15;
	v15 =	vld [tilespmem:s11+$0x50];
	v9 =	vadd.f32 v9, v0;
	[tilespmem:s6+$0x10] =	vst v8  }
.Ltmp8:
0x20b: {  	v13 =	vmul.f32 $8.000000000e+00, v14;
	v8 =	vmul.f32 $8.000000000e+00, v17;
	v17 =	vadd.f32 v6, v2;
	v6 =	vld [tilespmem:s11+$0xD0];
	[tilespmem:s6+$0x60] =	vst v4;
	s6 =	smov.u32 s11;
	(pc) =	sbr.rel @p1 .LBB2_19-.Ltmp8, $4  }
0x20c: {  	v11 =	vadd.f32 v7, v3;
	v4 =	vld [tilespmem:s11+$0x60];
	v14 =	vmul.f32 $8.000000000e+00, v12;
	[tilespmem:s11+$0xE0] =	vst v9  }
0x20d: {  	v19 =	vadd.f32 v13, v0;
	v9 =	vld [tilespmem:s11+$0x40];
	v12 =	vmul.f32 $8.000000000e+00, v18;
	[tilespmem:s11+$0x80] =	vst v10  }
0x20e: {  	v7 =	vld [tilespmem:s11+$0x90];
	v14 =	vadd.f32 v14, v3;
	[tilespmem:s11+$0xC0] =	vst v17  }
0x20f: {  	v13 =	vadd.f32 v8, v2;
	s11 =	sadd.s32 $0x100, s11;
	v8 =	vld [tilespmem:s6+$0x10];
	[tilespmem:s6+$0x20] =	vst v19;
	v10 =	vmul.f32 $8.000000000e+00, v15;
	v15 =	vmul.f32 $8.000000000e+00, v16  }
0x210: {  	[tilespmem:s6+$0xB0] =	vst v14  }
0x211: {  	v5 =	vmul.f32 $8.000000000e+00, v5;
	[tilespmem:s6+$0x30] =	vst v11;
	v11 =	vadd.f32 v12, v3  }
0x212: {  	v12 =	vadd.f32 v15, v0;
	[tilespmem:s6+$0x0] =	vst v13  }
0x213: {  	v4 =	vmul.f32 $8.000000000e+00, v4;
	[tilespmem:s6+$0x70] =	vst v11;
	v3 =	vadd.f32 v5, v3  }
0x214: {  	v9 =	vmul.f32 $8.000000000e+00, v9;
	v5 =	vmul.f32 $8.000000000e+00, v6;
	v6 =	vadd.f32 v10, v1;
	[tilespmem:s6+$0xA0] =	vst v12  }
0x215: {  	v0 =	vadd.f32 v4, v0;
	[tilespmem:s6+$0xF0] =	vst v3  }
0x216: {  	v7 =	vmul.f32 $8.000000000e+00, v7;
	v2 =	vadd.f32 v9, v2;
	[tilespmem:s6+$0x50] =	vst v6  }
0x217: {  	v3 =	vadd.f32 v5, v1;
	v5 =	vmul.f32 $8.000000000e+00, v8;
	[tilespmem:s6+$0x60] =	vst v0  }
0x218: {  	v6 =	vadd.f32 v7, v1;
	[tilespmem:s6+$0x40] =	vst v2  }
0x219: {  	s5 =	sor.u32 s7, s5;
	v1 =	vadd.f32 v5, v1;
	[tilespmem:s6+$0xD0] =	vst v3  }
0x21a: {  	s5 =	sshrl.u32 s5, $0x3;
	[tilespmem:s6+$0x90] =	vst v6  }
0x21b: {  	s5 =	sadd.s32 s2, s5;
	[tilespmem:s6+$0x10] =	vst v1  }
0x21c: {  	[hbm4b:s5+s23] =	stream.strided.scatter [tilespmem:s30], [sflag:$0x13], $0x2000, s24, s23, $0x38;
	[tilespmem:$0x1D600] =	vst v63  }
0x21d: {  	s5 =	simm.s32 @!p0 $0xF  }
0x21e: {  	_ =	swait.ge @!p0 [sflag:s5], $0x2000  }
0x21f: {  	s8 =	simm.s32 @!p0 $0x11600;
	[sflag:s5] =	ssyncset.done @!p0 $0x0  }
0x220: {  	s6 =	simm.s32 @!p0 $0x80;
	[sflag:s5] =	ssyncadd.s32 @!p0 $0xFFFFE000;
	s5 =	sadd.s32 @!p0 $0x700, s14  }
0x221: {  	[tilespmem:s8], [sflag:$0x5] =	stream.indirect.gather @!p0 [hbm4b:s4+s6], $0x40, s5, s6, $0xb8;
	[tilespmem:$0x1D600] =	vst v63  }
0x222: {  	_ =	swait.ge [sflag:s19], $0x2000  }
0x223: {  	[sflag:s19] =	ssyncset.done $0x0  }
0x224: {  	s5 =	sshll.u32 s13, $0x6;
	[sflag:s19] =	ssyncadd.s32 $0xFFFFE000  }
0x225: {  	v2 =	vld [tilespmem:s5+$0x6400]  }
0x226: {  	v1 =	vld [tilespmem:s5+$0x6410]  }
0x227: {  	v0 =	vld [tilespmem:s5+$0x6420]  }
0x228: {  	s6 =	simm.s32 $0x1B600;
	v3 =	vld [tilespmem:s5+$0x6430]  }
0x229: {  	v4 =	vld [tilespmem:s6+$0x80]  }
0x22a: {  	v7 =	vld [tilespmem:s6+$0x20]  }
0x22b: {  	v8 =	vld [tilespmem:s6+$0x30]  }
0x22c: {  	v6 =	vld [tilespmem:s6+$0xE0]  }
0x22d: {  	v9 =	vld [tilespmem:s6+$0xC0]  }
0x22e: {  	v15 =	vld [tilespmem:s6+$0xA0]  }
0x22f: {  	v10 =	vld [tilespmem:s6+$0x0]  }
0x230: {  	v11 =	vld [tilespmem:s6+$0xB0]  }
0x231: {  	v12 =	vld [tilespmem:s6+$0x70];
	v4 =	vmul.f32 $8.000000000e+00, v4  }
0x232: {  	v5 =	vld [tilespmem:s6+$0xF0];
	v13 =	vmul.f32 $8.000000000e+00, v6  }
0x233: {  	v16 =	vld [tilespmem:s6+$0x50];
	v9 =	vmul.f32 $8.000000000e+00, v9;
	v14 =	vadd.f32 v4, v2  }
0x234: {  	v6 =	vld [tilespmem:s6+$0xD0];
	v7 =	vmul.f32 $8.000000000e+00, v7;
	v13 =	vadd.f32 v13, v0  }
0x235: {  	v18 =	vmul.f32 $8.000000000e+00, v11;
	v4 =	vld [tilespmem:s6+$0x60];
	v17 =	vadd.f32 v9, v2;
	[tilespmem:s6+$0x80] =	vst v14  }
0x236: {  	v8 =	vmul.f32 $8.000000000e+00, v8;
	v10 =	vmul.f32 $8.000000000e+00, v10;
	v9 =	vld [tilespmem:s6+$0x40];
	v19 =	vadd.f32 v7, v0;
	[tilespmem:s6+$0xE0] =	vst v13  }
0x237: {  	v12 =	vmul.f32 $8.000000000e+00, v12;
	v15 =	vmul.f32 $8.000000000e+00, v15;
	v7 =	vld [tilespmem:s6+$0x90];
	v14 =	vadd.f32 v18, v3;
	[tilespmem:s6+$0xC0] =	vst v17  }
0x238: {  	s11 =	simm.s32 $0x1B700;
	s8 =	simm.s32 $0x0;
	v11 =	vadd.f32 v8, v3;
	v8 =	vld [tilespmem:s6+$0x10];
	v13 =	vadd.f32 v10, v2;
	[tilespmem:s6+$0x20] =	vst v19;
	v10 =	vmul.f32 $8.000000000e+00, v16  }
.LBB2_21:
0x239: {  	v16 =	vld [tilespmem:s11+$0x80];
	s8 =	sadd.s32 $0x4, s8;
	[tilespmem:s6+$0xB0] =	vst v14;
	v5 =	vmul.f32 $8.000000000e+00, v5  }
0x23a: {  	v6 =	vmul.f32 $8.000000000e+00, v6;
	v14 =	vld [tilespmem:s11+$0x20];
	p0 =	slt.u32 s8, $0x7C;
	[tilespmem:s6+$0x30] =	vst v11;
	v11 =	vadd.f32 v12, v3;
	v12 =	vadd.f32 v15, v0  }
0x23b: {  	v4 =	vmul.f32 $8.000000000e+00, v4;
	v15 =	vld [tilespmem:s11+$0x30];
	[tilespmem:s6+$0x0] =	vst v13;
	v9 =	vmul.f32 $8.000000000e+00, v9  }
0x23c: {  	v6 =	vadd.f32 v6, v1;
	v5 =	vadd.f32 v5, v3;
	v13 =	vld [tilespmem:s11+$0xE0];
	[tilespmem:s6+$0x70] =	vst v11;
	v7 =	vmul.f32 $8.000000000e+00, v7  }
0x23d: {  	v10 =	vadd.f32 v10, v1;
	v11 =	vld [tilespmem:s11+$0xC0];
	v8 =	vmul.f32 $8.000000000e+00, v8;
	v9 =	vadd.f32 v9, v2;
	[tilespmem:s6+$0xA0] =	vst v12  }
0x23e: {  	v12 =	vmul.f32 $8.000000000e+00, v16;
	v16 =	vld [tilespmem:s11+$0xA0];
	v7 =	vadd.f32 v7, v1;
	[tilespmem:s6+$0xF0] =	vst v5  }
0x23f: {  	v17 =	vld [tilespmem:s11+$0x0];
	v8 =	vadd.f32 v8, v1;
	[tilespmem:s6+$0x50] =	vst v10  }
0x240: {  	v10 =	vadd.f32 v12, v2;
	v12 =	vld [tilespmem:s11+$0xB0];
	[tilespmem:s6+$0x40] =	vst v9  }
0x241: {  	v18 =	vld [tilespmem:s11+$0x70];
	v9 =	vmul.f32 $8.000000000e+00, v13;
	[tilespmem:s6+$0xD0] =	vst v6  }
0x242: {  	v4 =	vadd.f32 v4, v0;
	v6 =	vmul.f32 $8.000000000e+00, v11;
	v5 =	vld [tilespmem:s11+$0xF0];
	[tilespmem:s6+$0x90] =	vst v7  }
0x243: {  	v7 =	vmul.f32 $8.000000000e+00, v15;
	v15 =	vld [tilespmem:s11+$0x50];
	v9 =	vadd.f32 v9, v0;
	[tilespmem:s6+$0x10] =	vst v8  }
.Ltmp9:
0x244: {  	v13 =	vmul.f32 $8.000000000e+00, v14;
	v8 =	vmul.f32 $8.000000000e+00, v17;
	v17 =	vadd.f32 v6, v2;
	v6 =	vld [tilespmem:s11+$0xD0];
	[tilespmem:s6+$0x60] =	vst v4;
	s6 =	smov.u32 s11;
	(pc) =	sbr.rel @p0 .LBB2_21-.Ltmp9, $4  }
0x245: {  	v11 =	vadd.f32 v7, v3;
	v4 =	vld [tilespmem:s11+$0x60];
	v14 =	vmul.f32 $8.000000000e+00, v12;
	[tilespmem:s11+$0xE0] =	vst v9  }
0x246: {  	v19 =	vadd.f32 v13, v0;
	v9 =	vld [tilespmem:s11+$0x40];
	v12 =	vmul.f32 $8.000000000e+00, v18;
	[tilespmem:s11+$0x80] =	vst v10  }
0x247: {  	v7 =	vld [tilespmem:s11+$0x90];
	v14 =	vadd.f32 v14, v3;
	[tilespmem:s11+$0xC0] =	vst v17  }
0x248: {  	v13 =	vadd.f32 v8, v2;
	s11 =	sadd.s32 $0x100, s11;
	v8 =	vld [tilespmem:s6+$0x10];
	[tilespmem:s6+$0x20] =	vst v19;
	v10 =	vmul.f32 $8.000000000e+00, v15;
	v15 =	vmul.f32 $8.000000000e+00, v16  }
0x249: {  	[tilespmem:s6+$0xB0] =	vst v14  }
0x24a: {  	[tilespmem:s6+$0x30] =	vst v11;
	v54 =	vadd.f32 v12, v3  }
0x24b: {  	v5 =	vmul.f32 $8.000000000e+00, v5;
	v55 =	vadd.f32 v15, v0;
	[tilespmem:s6+$0x0] =	vst v13  }
0x24c: {  	v57 =	vmul.f32 $8.000000000e+00, v6;
	v58 =	vadd.f32 v10, v1;
	[tilespmem:s6+$0x70] =	vst v54  }
0x24d: {  	v4 =	vmul.f32 $8.000000000e+00, v4;
	v56 =	vadd.f32 v5, v3;
	[tilespmem:s6+$0xA0] =	vst v55  }
0x24e: {  	v9 =	vmul.f32 $8.000000000e+00, v9;
	v59 =	vadd.f32 v57, v1;
	[tilespmem:s6+$0x50] =	vst v58  }
0x24f: {  	s3 =	sadd.s32 $0x1, s3;
	v7 =	vmul.f32 $8.000000000e+00, v7;
	v63 =	vadd.f32 v4, v0;
	[tilespmem:s6+$0xF0] =	vst v56  }
0x250: {  	p0 =	sne.s32 s3, $0x14;
	v2 =	vadd.f32 v9, v2;
	v60 =	vmul.f32 $8.000000000e+00, v8;
	[tilespmem:s6+$0xD0] =	vst v59  }
.Ltmp10:
0x251: {  	v61 =	vadd.f32 v7, v1;
	[tilespmem:s6+$0x60] =	vst v63;
	(pc) =	sbr.rel @p0 .LBB2_2-.Ltmp10, $4  }
0x252: {  	s5 =	sor.u32 s7, s5;
	[tilespmem:s6+$0x40] =	vst v2;
	v62 =	vadd.f32 v60, v1  }
0x253: {  	s5 =	sshrl.u32 s5, $0x3;
	[tilespmem:s6+$0x90] =	vst v61  }
0x254: {  	s5 =	sadd.s32 s2, s5;
	[tilespmem:s6+$0x10] =	vst v62  }
0x255: {  	[hbm4b:s5+s23] =	stream.strided.scatter [tilespmem:s0], [sflag:$0x14], $0x2000, s24, s23, $0x38;
	[tilespmem:$0x1D600] =	vst v63  }
0x256: {  	s3 =	simm.s32 $0xB  }
0x257: {  	_ =	swait.ge [sflag:s3], $0x2000  }
0x258: {  	[sflag:s3] =	ssyncset.done $0x0  }
0x259: {  	s5 =	simm.s32 $0xC;
	[sflag:s3] =	ssyncadd.s32 $0xFFFFE000  }
0x25a: {  	_ =	swait.ge [sflag:s5], $0x2000  }
0x25b: {  	[sflag:s5] =	ssyncset.done $0x0  }
0x25c: {  	s6 =	simm.s32 $0xD;
	[sflag:s5] =	ssyncadd.s32 $0xFFFFE000  }
0x25d: {  	_ =	swait.ge [sflag:s6], $0x2000  }
0x25e: {  	[sflag:s6] =	ssyncset.done $0x0  }
0x25f: {  	s8 =	simm.s32 $0xE;
	[sflag:s6] =	ssyncadd.s32 $0xFFFFE000  }
0x260: {  	_ =	swait.ge [sflag:s8], $0x2000  }
0x261: {  	[sflag:s8] =	ssyncset.done $0x0  }
0x262: {  	s11 =	simm.s32 $0xF;
	[sflag:s8] =	ssyncadd.s32 $0xFFFFE000  }
0x263: {  	_ =	swait.ge [sflag:s11], $0x2000  }
0x264: {  	[sflag:s11] =	ssyncset.done $0x0  }
0x265: {  	s13 =	simm.s32 $0x10;
	[sflag:s11] =	ssyncadd.s32 $0xFFFFE000  }
0x266: {  	_ =	swait.ge [sflag:s13], $0x2000  }
0x267: {  	[sflag:s13] =	ssyncset.done $0x0  }
0x268: {  	s14 =	simm.s32 $0x11;
	[sflag:s13] =	ssyncadd.s32 $0xFFFFE000  }
0x269: {  	_ =	swait.ge [sflag:s14], $0x2000  }
0x26a: {  	[sflag:s14] =	ssyncset.done $0x0  }
0x26b: {  	s16 =	simm.s32 $0x12;
	[sflag:s14] =	ssyncadd.s32 $0xFFFFE000  }
0x26c: {  	_ =	swait.ge [sflag:s16], $0x2000  }
0x26d: {  	[sflag:s16] =	ssyncset.done $0x0  }
0x26e: {  	s18 =	simm.s32 $0x13;
	[sflag:s16] =	ssyncadd.s32 $0xFFFFE000  }
0x26f: {  	_ =	swait.ge [sflag:s18], $0x2000  }
0x270: {  	[sflag:s18] =	ssyncset.done $0x0  }
0x271: {  	s5 =	simm.s32 $0x14;
	[sflag:s18] =	ssyncadd.s32 $0xFFFFE000  }
0x272: {  	_ =	swait.ge [sflag:s5], $0x2000  }
0x273: {  	s6 =	rddreg [dreg:$0x6]  }
0x274: {  	s21 =	rddreg [dreg:$0x5];
	s6 =	sadd.s32 $0x1, s6  }
0x275: {  	p0 =	sne.s32 s6, s21  }
.Ltmp11:
0x276: {  	_ = 	snop;
	(pc) =	sbr.rel @p0 .LBB2_1-.Ltmp11, $3  }
0x277: {  	_ =	sdelay $0x1  }
0x278: {  	[sflag:s5] =	ssyncset.done $0x0  }
0x279: {  	[sflag:s5] =	ssyncadd.s32 $0xFFFFE000  }
0x27a: {  	_ =	sfence.sel $0x180000  }
0x27b: {  	[bflag:$0x0] =	sbarrier.arrive $0xFFFF  }
0x27c: {  	_ =	strace $0x90000047  }
0x27d: {  	s0 =	stileid.u32;
	[bflag:$0x2] =	sbarrier.arrive $0xFFFF  }
0x27e: {  	p0 =	sne.s32 s0, $0x0;
	s0 =	rddreg [dreg:$0x2]  }
0x27f: {  	s0 =	sadd.s32 @!p0 $0x100000, s0  }
0x280: {  	[sflag:s0] =	ssyncadd.tile.s32 @!p0 $0x1;
	_ =	shalt  }
.Lfunc_end2:
_tile_overlayer_lowered:
.L_overlay_start_2:
0x281: {  	(tag) =	ssettag $0x2  }
0x282: {  	s0 =	rddreg [dreg:$0x0];
	s2 =	stileid.u32  }
0x283: {  	s1 =	rddreg [dreg:$0x1];
	p0 =	sne.s32 s2, $0x0  }
0x284: {  	s3 =	rddreg [dreg:$0x2];
	[bflag:$0x3] =	sbarrier.arrive $0xFFFF;
	s2 =	simm.s32 @!p0 $0x1C15  }
0x285: {  	[timem:s3], [sflag:s2] =	dma.local @!p0 [hbm:s0], s1  }
0x286: {  	s0 =	simm.s32 @!p0 $0x15  }
0x287: {  	_ =	swait.ge @!p0 [sflag:s0], s1  }
0x288: {  	s1 =	ssub.s32 @!p0 $0x0, s1;
	[sflag:s0] =	ssyncset.done @!p0 $0x0  }
0x289: {  	[sflag:s0] =	ssyncadd.s32 @!p0 s1  }
0x28a: {  	[bflag:$0x3] =	sbarrier.arrive $0xFFFF  }
0x28b: {  	_ =	shalt  }

// kernel: sparse-core-data-format-call.cloned.1.call-start
scs
called_computation_lowered:
.L_overlay_start_0:
0x0: {  	s2 =	sld [smem:$0x3FD9]  }
0x1: {  	s3 =	sld [smem:$0x3FFE];
	_ =	sdelay $0x1  }
0x2: {  	s1 =	srdreg.scid  }
0x3: {  	s0 =	sand.u32 $0x1, s1  }
0x4: {  	s18 =	sshll.u32 s0, $0xA;
	s2 =	sadd.s32 s3, s2  }
0x5: {  	s2 =	sadd.s32 s2, s18  }
0x6: {  	[smem:$0x3FC6] =	sst s2  }
0x7: {  	_ = 	snop  }
0x8: {  	s2 =	sld [smem:$0x3FD0];
	(tm) =	ssettm $0x1  }
0x9: {  	s19 =	sld [smem:$0x3FFB];
	_ =	sdelay $0x3  }
0xa: {  	_ =	strace s19  }
0xb: {  	s3 =	sld [smem:$0x3FFC];
	_ =	sdelay $0x3  }
0xc: {  	_ =	strace s3  }
0xd: {  	s3 =	sld [smem:$0x3FFD];
	_ =	sdelay $0x3  }
0xe: {  	_ =	strace s3  }
0xf: {  	_ =	strace $0x8FFFFFFF  }
0x10: {  	s20 =	sld [smem:$0x3FDB];
	_ =	sdelay $0x1  }
0x11: {  	s4 =	simm.s32 $_scs_section_size  }
0x12: {  	s5 =	simm.s32 $_size__tile_overlayer_lowered;
	s6 =	simm.s32 $_tile_overlayer_lowered  }
0x13: {  	s23 =	simm.s32 $0x1BFF;
	s22 =	sshll.u32 s6, $0x1;
	s3 =	sadd.s32 s4, s20  }
0x14: {  	s7 =	simm.s32 $0x0;
	s21 =	sshll.u32 s5, $0x1;
	s5 =	sadd.s32 s22, s3  }
0x15: {  	[timem:s7], [sflag:s23] =	dma.local [hbm:s5], s21  }
0x16: {  	_ =	swait.ge [sflag:s23], s21  }
0x17: {  	s4 =	ssub.s32 $0x0, s21;
	[sflag:s23] =	ssyncset.done $0x0  }
0x18: {  	[sflag:s23] =	ssyncadd.s32 s4;
	_ =	sdelay $0x1  }
0x19: {  	s24 =	simm.s32 $0x1B8B  }
0x1a: {  	_ =	swait.ge [sflag:s24], $0x1  }
0x1b: {  	[sflag:s24] =	ssyncset.done $0x0  }
0x1c: {  	s26 =	simm.s32 $0x1B8E;
	s25 =	sld [smem:$0x3FFE];
	[sflag:s24] =	ssyncadd.s32 $0xFFFFFFFF  }
0x1d: {  	s27 =	simm.s32 $execute0_lowered;
	[smem:$0x3FD2] =	sst s26  }
0x1e: {  	s5 =	sshll.u32 s27, $0x1;
	_ =	strace $0x80000049;
	[dreg:$0x1] =	wrdreg $0xFFFFFFFF  }
0x1f: {  	s28 =	simm.s32 $_size_execute0_lowered;
	s3 =	sadd.s32 s3, s5;
	[dreg:$0x0] =	wrdreg $0x0  }
0x20: {  	s5 =	sshll.u32 s28, $0x1;
	[dreg:$0x2] =	wrdreg s3  }
0x21: {  	[dreg:$0x3] =	wrdreg s5  }
0x22: {  	[dreg:$0x4] =	wrdreg $0xC0  }
0x23: {  	_ =	task [dreg:s7], $0x5FFFF  }
0x24: {  	[dreg:$0x1] =	wrdreg $0xFFFFFFFF  }
0x25: {  	[dreg:$0x0] =	wrdreg $0x60  }
0x26: {  	[dreg:$0x2] =	wrdreg s25  }
0x27: {  	[dreg:$0x3] =	wrdreg s2  }
0x28: {  	[dreg:$0x4] =	wrdreg $0x9  }
0x29: {  	_ =	task.clear_ibuf [dreg:s7], $0x5FFFF;
	_ =	strace $0x90000049  }
0x2a: {  	s29 =	simm.s32 $0x9;
	_ =	strace $0x8000004B  }
0x2b: {  	_ =	swait.ge [sflag:s29], $0x1  }
0x2c: {  	[sflag:s29] =	ssyncadd.s32 $0xFFFFFFFF  }
0x2d: {  	_ =	strace $0x9000004B  }
0x2e: {  	_ =	sfence  }
0x2f: {  	s30 =	sld [smem:$0x0];
	_ =	sdelay $0x2  }
0x30: {  	s31 =	sshll.u32 s1, $0xD;
	s1 =	sshrl.u32 s1, $0x2  }
0x31: {  	s3 =	sand.u32 $0x4000, s31;
	s1 =	sadd.s32 s1, s30  }
0x32: {  	s0 =	sor.u32 s3, s0;
	s1 =	sshll.u32 s1, $0x11  }
0x33: {  	s0 =	sor.u32 s1, s0  }
0x34: {  	s0 =	sadd.s32 $0x8F2B, s0  }
0x35: {  	[sflag:s0] =	ssyncadd.remote.s32 $0x1  }
0x36: {  	_ =	sfence.sel $0xFFFF  }
0x37: {  	[dreg:$0x0] =	wrdreg $0xFFFFFFFF;
	(pc) =	sbr.abs _section_cstart, $3  }
0x38: {  	[dreg:$0x1] =	wrdreg $0xFFFFFFFF  }
0x39: {  	_ =	task.clear_ibuf [dreg:s7], $0x2FFFF;
	_ =	strace $0x9FFFFFFF  }
0x3a: {  	(tm) =	ssettm $0x7FFFFFFF  }
0x3b: {  	_ =	shalt  }
tec
execute0_lowered:
.L_overlay_start_1:
0x0: {  	(tag) =	ssettag $0x1  }
0x1: {  	s0 =	srdreg.scid  }
0x2: {  	s1 =	sshll.u32 s0, $0x4  }
0x3: {  	s0 =	stileid.u32;
	s1 =	sand.u32 $0x10, s1  }
0x4: {  	s1 =	sor.u32 s0, s1  }
0x5: {  	s6 =	rddreg [dreg:$0x0];
	s4 =	simm.s32 $0x1;
	s2 =	sshll.u32 s1, $0x7  }
0x6: {  	s7 =	simm.s32 $0x2;
	s12 =	simm.s32 $0x0;
	s1 =	ssub.s32 $0x1000, s2  }
0x7: {  	s8 =	simm.s32 $0x8000;
	s13 =	simm.s32 $0x0;
	s3 =	sand.u32 $0xF80, s1  }
0x8: {  	s9 =	simm.s32 $0x0;
	s5 =	sshrl.u32 s1, $0xC;
	p0 =	sne.s32 s3, $0x0  }
.Ltmp0:
0x9: {  	s1 =	rddreg [dreg:$0x2];
	s4 =	simm.s32 @!p0 $0x0;
	(pc) =	sbr.rel .LBB1_1-.Ltmp0, $4  }
0xa: {  	s11 =	simm.s32 $0x0;
	s3 =	rddreg [dreg:$0x1];
	s5 =	sadd.s32 s4, s5  }
0xb: {  	_ =	strace $0x8000004A;
	s4 =	simm.s32 $0x1;
	s5 =	smul.u32 $0xC8, s5  }
0xc: {  	s6 =	sadd.s32 $0x400, s6;
	s10 =	smov.u32 s2;
	[sflag:s4] =	ssyncpa.u1 $0x0  }
0xd: {  	p0 =	por $0x0, $0x0;
	[sflag:s7] =	ssyncpa.u1 $0x0;
	s7 =	sor.u32 $0x1, s5  }
.LBB1_4:
0xe: {  	s16 =	sshll.u32 s13, $0x3;
	s17 =	sand.u32 $0x78, s13  }
0xf: {  	s30 =	sand.u32 $0x7E00, s13;
	s12 =	sshll.u32 s12, $0xF;
	s16 =	sand.u32 $0xC00, s16  }
0x10: {  	[tilespmem:s15+$0x810 ss:$0x81] =	vst.msk $0xffff, v2;
	s31 =	sand.u32 $0x7, s13;
	s16 =	sor.u32 s17, s16;
	s17 =	sadd.s32 s3, s30  }
0x11: {  	[tilespmem:s15+$0x1020 ss:$0x81] =	vst.msk $0xffff, v0;
	s13 =	sshll.u32 s31, $0x12;
	s12 =	sadd.s32 s12, s17;
	s16 =	sshrl.u32 s16, $0x3  }
0x12: {  	[tilespmem:s15+$0x0 ss:$0x81] =	vst.msk $0xffff, v1;
	s13 =	sor.u32 $0x400, s13;
	s12 =	sadd.s32 s16, s12  }
0x13: {  	[hbm4b:s12+s13] =	stream.strided.scatter [tilespmem:s14], [sflag:$0x2], $0x2000, s8, s13, $0x20;
	[tilespmem:$0x8080] =	vst v63  }
.LBB1_5:
0x14: {  	s14 =	sadd.s32 $0x1, s9  }
0x15: {  	s12 =	sadd.s32 $0x1000, s10;
	s16 =	smov.u32 s10;
	p2 =	sgt.s32 s14, $0xC7  }
0x16: {  	s16 =	smov.u32 @p2 s12  }
0x17: {  	s14 =	simm.s32 @p2 $0x0;
	p2 =	sgt.s32 s16, $0xFFF  }
0x18: {  	s16 =	smov.u32 @p2 s2;
	p2 =	sne.s32 s11, s7  }
.Ltmp1:
0x19: {  	p1 =	slt.u32 s11, $0x2;
	(pc) =	sbr.rel @!p2 .LBB1_6-.Ltmp1, $4  }
0x1a: {  	s15 =	simm.s32 @!p1 $0x2  }
0x1b: {  	s13 =	smov.u32 s10;
	p0 =	por !p0, !p0;
	_ =	swait.ge @!p1 [sflag:s15], $0x2000  }
0x1c: {  	s12 =	smov.u32 s9;
	[sflag:s15] =	ssyncset.done @!p1 $0x0;
	s9 =	smov.u32 s14  }
0x1d: {  	s11 =	sadd.s32 $0x1, s11;
	[sflag:s15] =	ssyncadd.s32 @!p1 $0xFFFFE000;
	s10 =	smov.u32 s16  }
.LBB1_1:
0x1e: {  	p1 =	sge.u32 s11, s5  }
0x1f: {  	s14 =	sand.u32 @!p1 $0x1FFFFFF, s9  }
0x20: {  	s15 =	smulhi.u32 @!p1 $0x147AE15, s14;
	_ =	sdelay $0x1  }
0x21: {  	s15 =	smul.u32 @!p1 $0xC8, s15  }
0x22: {  	s16 =	sxor.u32 @!p1 $0xFFFFFFFF, s11;
	s17 =	smul.u32 @!p1 $0xC80, s10  }
0x23: {  	s31 =	sadd.s32 $0xFFFFFFFF, s11;
	s16 =	sshll.u32 @!p1 s16, $0xD;
	s14 =	ssub.s32 @!p1 s14, s15  }
0x24: {  	s15 =	sand.u32 @!p1 $0x2000, s16;
	s16 =	sadd.s32 @!p1 s6, s17;
	s14 =	sshll.u32 @!p1 s14, $0x4  }
0x25: {  	s17 =	simm.s32 @!p1 $0x6400;
	s14 =	sadd.s32 @!p1 s14, s16;
	s16 =	simm.s32 @!p1 $0x40  }
0x26: {  	[tilespmem:s15], [sflag:$0x1] =	stream.strided.gather @!p1 [hbm4b:s14+s16], $0x2000, s17, s16, $0x38;
	[tilespmem:$0x8080] =	vst v63  }
0x27: {  	p1 =	sge.u32 s31, s5  }
.Ltmp2:
0x28: {  	_ = 	snop;
	(pc) =	sbr.rel @p1 .LBB1_5-.Ltmp2, $1  }
0x29: {  	_ =	sdelay $0x3  }
0x2a: {  	s14 =	simm.s32 $0x1  }
0x2b: {  	_ =	swait.ge [sflag:s4], $0x2000;
	s14 =	simm.s32 @!p0 $0x0  }
0x2c: {  	[sflag:s4] =	ssyncset.done $0x0;
	s15 =	sshll.u32 s14, $0xD  }
0x2d: {  	[sflag:s4] =	ssyncadd.s32 $0xFFFFE000;
	s18 =	sor.u32 $0x20, s15  }
0x2e: {  	s14 =	smul.u32 $0x8100, s14;
	v3 =	vld [tilespmem:s18+$0x10]  }
0x2f: {  	s30 =	sand.u32 $0x1, s11;
	v2 =	vld [tilespmem:s18+$0xFFFFFFF0]  }
0x30: {  	s15 =	smul.u32 $0x8100, s30;
	s14 =	sshrl.u32 s14, $0x2;
	v0 =	vld [tilespmem:s18+$0x0]  }
0x31: {  	v1 =	vld [tilespmem:s18+$0xFFFFFFE0];
	s16 =	sor.u32 $0x4000, s14  }
0x32: {  	s31 =	sshrl.u32 s15, $0x2;
	s15 =	sadd.s32 $0x0, s16  }
0x33: {  	s17 =	simm.s32 $0x4;
	s18 =	sadd.s32 $0x40, s18;
	s14 =	sor.u32 $0x4000, s31;
	[tilespmem:s15+$0x1830 ss:$0x81] =	vst.msk $0xffff, v3  }
.LBB1_3:
0x34: {  	v3 =	vld [tilespmem:s18+$0x10];
	p1 =	sne.s32 s17, $0x1FC;
	[tilespmem:s15+$0x810 ss:$0x81] =	vst.msk $0xffff, v2;
	s19 =	smov.u32 s17;
	s17 =	sadd.s32 $0x4, s17  }
.Ltmp3:
0x35: {  	v2 =	vld [tilespmem:s18+$0xFFFFFFF0];
	[tilespmem:s15+$0x1020 ss:$0x81] =	vst.msk $0xffff, v0;
	(pc) =	sbr.rel @p1 .LBB1_3-.Ltmp3, $4  }
0x36: {  	v0 =	vld [tilespmem:s18+$0x0];
	[tilespmem:s15+$0x0 ss:$0x81] =	vst.msk $0xffff, v1  }
0x37: {  	s15 =	sshra.s32 s19, $0x2;
	v1 =	vld [tilespmem:s18+$0xFFFFFFE0]  }
0x38: {  	s15 =	sadd.s32 s15, s16  }
0x39: {  	s18 =	sadd.s32 $0x40, s18;
	[tilespmem:s15+$0x1830 ss:$0x81] =	vst.msk $0xffff, v3  }
.Ltmp4:
0x3a: {  	_ = 	snop;
	(pc) =	sbr.rel .LBB1_4-.Ltmp4, $1  }
0x3b: {  	_ =	sdelay $0x3  }
.LBB1_6:
0x3c: {  	_ =	sfence.sel $0x180000  }
0x3d: {  	s2 =	simm.s32 $0x1;
	[bflag:$0x0] =	sbarrier.arrive $0xFFFF  }
0x3e: {  	s31 =	simm.s32 $0x2;
	[sflag:s2] =	ssyncpa.u1 $0x1  }
0x3f: {  	[sflag:s31] =	ssyncpa.u1 $0x1  }
0x40: {  	p0 =	sne.s32 s0, $0x0;
	_ =	strace $0x9000004A  }
0x41: {  	s0 =	sadd.s32 @!p0 $0x100000, s1;
	[bflag:$0x2] =	sbarrier.arrive $0xFFFF  }
0x42: {  	[sflag:s0] =	ssyncadd.tile.s32 @!p0 $0x1;
	_ =	shalt  }
.Lfunc_end1:
_tile_overlayer_lowered:
.L_overlay_start_2:
0x43: {  	(tag) =	ssettag $0x2  }
0x44: {  	s0 =	rddreg [dreg:$0x0];
	s2 =	stileid.u32  }
0x45: {  	s1 =	rddreg [dreg:$0x1];
	p0 =	sne.s32 s2, $0x0  }
0x46: {  	s3 =	rddreg [dreg:$0x2];
	[bflag:$0x3] =	sbarrier.arrive $0xFFFF;
	s2 =	simm.s32 @!p0 $0x1C01  }
0x47: {  	[timem:s3], [sflag:s2] =	dma.local @!p0 [hbm:s0], s1  }
0x48: {  	s0 =	simm.s32 @!p0 $0x1  }
0x49: {  	_ =	swait.ge @!p0 [sflag:s0], s1  }
0x4a: {  	s1 =	ssub.s32 @!p0 $0x0, s1;
	[sflag:s0] =	ssyncset.done @!p0 $0x0  }
0x4b: {  	[sflag:s0] =	ssyncadd.s32 @!p0 s1  }
0x4c: {  	[bflag:$0x3] =	sbarrier.arrive $0xFFFF  }
0x4d: {  	_ =	shalt  }

</sc_bundles>
